<compile_context>
chip_gen: v7x
topology: tpu7x:2x2x1
jax: 0.10.2.dev20260603
libtpu: 0.0.44.dev20260713+nightly
codegen_flags: <defaults>
</compile_context>

<pallas_src>
import functools

import jax
import jax.numpy as jnp
from jax import lax
from jax.experimental import pallas as pl
from jax.experimental.pallas import tpu as pltpu
from jax.experimental.pallas import tpu_sc as plsc

N = 50000
E = 1600000
D = 32
DE = 38

NC = 2
NS = 16
L = 16

NP = 50176
ROWS_PER_TILE = NP // NS
ZCH = 56

CH = 100
NCHUNK = E // CH
TILE_CH = NCHUNK // (NC * NS)
NB = 3
NBO = 4
ND = 2 * NBO

_mesh = plsc.VectorSubcoreMesh(core_axis_name="c", subcore_axis_name="s")
_sc_params = pltpu.CompilerParams(use_tc_tiling_on_sc=False)


def _zero_rows(zb, width):

    def zrow(i, _):
        for h in range(width // L):
            zb[i, pl.ds(h * L, L)] = jnp.zeros((L,), jnp.float32)
        return 0

    lax.fori_loop(0, CH, zrow, 0)


def _zero_shared(zb, shared):
    s = lax.axis_index("s")
    r0 = s * ROWS_PER_TILE

    def zcp(k, _):
        pltpu.sync_copy(zb, shared.at[pl.ds(r0 + k * ZCH, ZCH), :])
        return 0

    lax.fori_loop(0, ROWS_PER_TILE // ZCH, zcp, 0)


def _make_sc_edge(off):
  @functools.partial(
    pl.kernel,
    out_type=jax.ShapeDtypeStruct((NC, NP, D), jnp.float32),
    mesh=_mesh,
    compiler_params=_sc_params,
    scratch_types=[
        pltpu.VMEM((NB, CH), jnp.int32),
        pltpu.VMEM((ND, CH), jnp.int32),
        pltpu.VMEM((NB, CH, D), jnp.float32),
        pltpu.VMEM((NB, CH, L), jnp.uint32),
        pltpu.VMEM((NBO, CH, D), jnp.float32),
        pltpu.VMEM_SHARED((NP, D), jnp.float32),
        pltpu.SemaphoreType.DMA((NB,)),
        pltpu.SemaphoreType.DMA((NB,)),
        pltpu.SemaphoreType.DMA((NBO,)),
    ],
  )
  def _sc_edge_pass(t_hbm, eaw_hbm, src_hbm, dst_hbm, out_hbm,
                    sidx, didx, rin, eav, rout, s_sh, xsem, isem, osem):
      c = lax.axis_index("c")
      s = lax.axis_index("s")
      _zero_rows(rout.at[0], D)
      _zero_shared(rout.at[0, pl.ds(0, ZCH), :], s_sh)
      plsc.subcore_barrier()

      base = (c * NS + s) * TILE_CH

      def issue_idx(k):
          b = lax.rem(k, NB)
          bd = lax.rem(k, ND)
          pltpu.async_copy(src_hbm.at[base + k], sidx.at[b], xsem.at[b])
          pltpu.async_copy(dst_hbm.at[base + k], didx.at[bd], xsem.at[b])

      def wait_idx(k):
          b = lax.rem(k, NB)
          bd = lax.rem(k, ND)
          pltpu.make_async_copy(src_hbm.at[base + k], sidx.at[b],
                                xsem.at[b]).wait()
          pltpu.make_async_copy(dst_hbm.at[base + k], didx.at[bd],
                                xsem.at[b]).wait()

      def issue_in(k):
          b = lax.rem(k, NB)
          e0 = (base + k) * CH
          pltpu.async_copy(t_hbm.at[sidx.at[b]], rin.at[b], isem.at[b])
          pltpu.async_copy(eaw_hbm.at[pl.ds(e0, CH), pl.ds(off, L)],
                         eav.at[b], isem.at[b])

      def wait_in(k):
          b = lax.rem(k, NB)
          e0 = (base + k) * CH
          pltpu.make_async_copy(t_hbm.at[sidx.at[b]], rin.at[b],
                                isem.at[b]).wait()
          pltpu.make_async_copy(eaw_hbm.at[pl.ds(e0, CH), pl.ds(off, L)],
                                eav.at[b], isem.at[b]).wait()

      def wait_out(b):
          pltpu.make_async_copy(rout.at[b], s_sh.at[didx.at[0]],
                                osem.at[b]).wait()

      issue_idx(0)
      issue_idx(1)
      issue_idx(2)
      wait_idx(0)
      issue_in(0)
      wait_idx(1)
      issue_in(1)

      def step(k, _):
          b = lax.rem(k, NB)
          bo = lax.rem(k, NBO)

          @pl.when(k >= NBO)
          def _():
              wait_out(bo)

          @pl.when(k + NB < TILE_CH)
          def _():
              issue_idx(k + NB)

          @pl.when(k + 2 < TILE_CH)
          def _():
              wait_idx(k + 2)
              issue_in(k + 2)

          wait_in(k)

          def inner(j, _):
              w = eav[b, j, :]
              e0v = lax.bitcast_convert_type(w << jnp.uint32(16),
                                             jnp.float32)
              e1v = lax.bitcast_convert_type(w & jnp.uint32(0xFFFF0000),
                                             jnp.float32)
              v0 = rin[b, j, pl.ds(0, L)] + e0v
              v1 = rin[b, j, pl.ds(L, L)] + e1v
              rout[bo, j, pl.ds(0, L)] = jnp.maximum(v0, 0.0)
              rout[bo, j, pl.ds(L, L)] = jnp.maximum(v1, 0.0)
              return 0

          lax.fori_loop(0, CH, inner, 0, unroll=10)
          pltpu.async_copy(rout.at[bo], s_sh.at[didx.at[lax.rem(k, ND)]],
                           osem.at[bo], add=True)
          return 0

      lax.fori_loop(0, TILE_CH, step, 0)
      for b in range(NBO):
          wait_out(b)
      plsc.subcore_barrier()
      r0 = s * ROWS_PER_TILE
      pltpu.sync_copy(s_sh.at[pl.ds(r0, ROWS_PER_TILE), :],
                      out_hbm.at[c, pl.ds(r0, ROWS_PER_TILE), :])
  return _sc_edge_pass


_sc_edge_layers = [_make_sc_edge(l * L) for l in range(3)]


CW = 16


@functools.partial(
    pl.kernel,
    out_type=jax.ShapeDtypeStruct((NC, NP, CW), jnp.float32),
    mesh=_mesh,
    compiler_params=_sc_params,
    scratch_types=[
        pltpu.VMEM((ND, CH), jnp.int32),
        pltpu.VMEM((CH, CW), jnp.float32),
        pltpu.VMEM((CH, CW), jnp.float32),
        pltpu.VMEM_SHARED((NP, CW), jnp.float32),
        pltpu.SemaphoreType.DMA((NB,)),
        pltpu.SemaphoreType.DMA((NB,)),
    ],
)
def _sc_count(dst_hbm, out_hbm, didx, ones, zb, c_sh, xsem, osem):
    c = lax.axis_index("c")
    s = lax.axis_index("s")

    def orow(i, _):
        ones[i, pl.ds(0, L)] = jnp.ones((L,), jnp.float32)
        return 0

    lax.fori_loop(0, CH, orow, 0)
    _zero_rows(zb, CW)
    _zero_shared(zb.at[pl.ds(0, ZCH), :], c_sh)
    plsc.subcore_barrier()

    base = (c * NS + s) * TILE_CH

    def issue_idx(k):
        b = lax.rem(k, NB)
        bd = lax.rem(k, ND)
        pltpu.async_copy(dst_hbm.at[base + k], didx.at[bd], xsem.at[b])

    def wait_idx(k):
        b = lax.rem(k, NB)
        bd = lax.rem(k, ND)
        pltpu.make_async_copy(dst_hbm.at[base + k], didx.at[bd],
                              xsem.at[b]).wait()

    def wait_out(b):
        pltpu.make_async_copy(ones, c_sh.at[didx.at[0]], osem.at[b]).wait()

    issue_idx(0)
    issue_idx(1)
    issue_idx(2)

    def step(k, _):
        b = lax.rem(k, NB)

        @pl.when(k >= NB)
        def _():
            wait_out(b)

        wait_idx(k)
        pltpu.async_copy(ones, c_sh.at[didx.at[lax.rem(k, ND)]],
                         osem.at[b], add=True)

        @pl.when(k + NB < TILE_CH)
        def _():
            issue_idx(k + NB)
        return 0

    lax.fori_loop(0, TILE_CH, step, 0)
    for b in range(NB):
        wait_out(b)
    plsc.subcore_barrier()
    r0 = s * ROWS_PER_TILE
    pltpu.sync_copy(c_sh.at[pl.ds(r0, ROWS_PER_TILE), :],
                    out_hbm.at[c, pl.ds(r0, ROWS_PER_TILE), :])


BE = 8000


def _edge_mlp(ea, wb, bb):

    def body(ea_ref, w_ref, b_ref, o_ref):
        m = jnp.dot(ea_ref[...], w_ref[...],
                    preferred_element_type=jnp.float32) + b_ref[...]
        lo = jnp.concatenate([m[:, 32 * l:32 * l + L] for l in range(3)],
                             axis=1)
        hi = jnp.concatenate([m[:, 32 * l + L:32 * l + 2 * L]
                              for l in range(3)], axis=1)
        lo16 = lax.bitcast_convert_type(lo.astype(jnp.bfloat16), jnp.uint16)
        hi16 = lax.bitcast_convert_type(hi.astype(jnp.bfloat16), jnp.uint16)
        o_ref[...] = (lo16.astype(jnp.uint32)
                      | (hi16.astype(jnp.uint32) << jnp.uint32(16)))

    return pl.pallas_call(
        body,
        grid=(E // BE,),
        in_specs=[
            pl.BlockSpec((BE, DE), lambda i: (i, 0)),
            pl.BlockSpec((DE, 3 * D), lambda i: (0, 0)),
            pl.BlockSpec((1, 3 * D), lambda i: (0, 0)),
        ],
        out_specs=pl.BlockSpec((BE, 3 * D // 2), lambda i: (i, 0)),
        out_shape=jax.ShapeDtypeStruct((E, 3 * D // 2), jnp.uint32),
    )(ea, wb, bb)


BN = 2000


def _node_matmul(xx, w):

    def body(x_ref, w_ref, o_ref):
        o_ref[...] = jnp.dot(x_ref[...], w_ref[...],
                             preferred_element_type=jnp.float32)

    return pl.pallas_call(
        body,
        grid=(N // BN,),
        in_specs=[
            pl.BlockSpec((BN, D), lambda i: (i, 0)),
            pl.BlockSpec((D, D), lambda i: (0, 0)),
        ],
        out_specs=pl.BlockSpec((BN, D), lambda i: (i, 0)),
        out_shape=jax.ShapeDtypeStruct((N, D), jnp.float32),
    )(xx, w)


def _post(s_parts, cnt, w2, b2, w_next):

    def body(s_ref, c_ref, w2_ref, b2_ref, *rest):
        if w_next is not None:
            wn_ref, o_ref = rest
        else:
            (o_ref,) = rest
        ss = s_ref[0] + s_ref[1]
        cn = c_ref[0, :, 0] + c_ref[1, :, 0]
        mm = jnp.dot(ss, w2_ref[...],
                     preferred_element_type=jnp.float32)
        mean = (mm + cn[:, None] * b2_ref[...]) / jnp.maximum(cn, 1.0)[:, None]
        if w_next is not None:
            h = jnp.maximum(mean, 0.0)
            o_ref[...] = jnp.dot(h, wn_ref[...],
                                 preferred_element_type=jnp.float32)
        else:
            o_ref[...] = mean

    in_specs = [
        pl.BlockSpec((NC, BN, D), lambda i: (0, i, 0)),
        pl.BlockSpec((NC, BN, CW), lambda i: (0, i, 0)),
        pl.BlockSpec((D, D), lambda i: (0, 0)),
        pl.BlockSpec((1, D), lambda i: (0, 0)),
    ]
    args = [s_parts, cnt, w2, b2.reshape(1, D)]
    if w_next is not None:
        in_specs.append(pl.BlockSpec((D, D), lambda i: (0, 0)))
        args.append(w_next)
    return pl.pallas_call(
        body,
        grid=(N // BN,),
        in_specs=in_specs,
        out_specs=pl.BlockSpec((BN, D), lambda i: (i, 0)),
        out_shape=jax.ShapeDtypeStruct((N, D), jnp.float32),
    )(*args)


def kernel(x, edge_index, edge_attr,
           W1_1, b1_1, W2_1, b2_1,
           W1_2, b1_2, W2_2, b2_2,
           W1_3, b1_3, W2_3, b2_3):
    src2 = edge_index[0].astype(jnp.int32).reshape(NCHUNK, CH)
    dst2 = edge_index[1].astype(jnp.int32).reshape(NCHUNK, CH)

    wb = jnp.concatenate([W1_1[D:], W1_2[D:], W1_3[D:]], axis=1)
    bb = jnp.concatenate([b1_1, b1_2, b1_3]).reshape(1, 3 * D)
    eaw = _edge_mlp(edge_attr, wb, bb)
    cnt = _sc_count(dst2)

    t = _node_matmul(x, W1_1[:D])
    s_parts = _sc_edge_layers[0](t, eaw, src2, dst2)
    t = _post(s_parts, cnt, W2_1, b2_1, W1_2[:D])
    s_parts = _sc_edge_layers[1](t, eaw, src2, dst2)
    t = _post(s_parts, cnt, W2_2, b2_2, W1_3[:D])
    s_parts = _sc_edge_layers[2](t, eaw, src2, dst2)
    return _post(s_parts, cnt, W2_3, b2_3, None)

# --- scband reference (transcript-rebuilt; emitter-appended) ---
"""Pipeline reference for scband-gnnencoder-51694226375420 (READ-ONLY COPY).

The authoritative reference and input builder live on the scoring server;
editing this copy changes nothing except your own understanding.
"""

import jax, jax.numpy as jnp
import numpy as np

N = 50000
E = 1600000
D = 32        # input_dim = hidden_dim = out_dim = 32
DE = 38       # edge_attr dim; must equal 2*(D+3) - D = D + 6
MLP_IN = 2 * (D + 3)  # 70


def _linear_init(key, fan_in, fan_out):
    s = 1.0 / np.sqrt(fan_in)
    kw, kb = jax.random.split(key)
    W = jax.random.uniform(kw, (fan_in, fan_out), minval=-s, maxval=s, dtype=jnp.float32)
    b = jax.random.uniform(kb, (fan_out,), minval=-s, maxval=s, dtype=jnp.float32)
    return W, b


def setup_inputs(seed: int = 0) -> dict:
    key = jax.random.key(seed)
    ks = jax.random.split(key, 10)
    inp = {}
    inp["x"] = jax.random.normal(ks[0], (N, D), dtype=jnp.float32)
    inp["edge_index"] = jax.random.randint(ks[1], (2, E), 0, N).astype(jnp.int64)
    inp["edge_attr"] = jax.random.normal(ks[2], (E, DE), dtype=jnp.float32)
    # layer 1 mlp: Linear(70, 32), ReLU, Linear(32, 32)
    inp["W1_1"], inp["b1_1"] = _linear_init(ks[3], MLP_IN, D)
    inp["W2_1"], inp["b2_1"] = _linear_init(ks[4], D, D)
    # layer 2
    inp["W1_2"], inp["b1_2"] = _linear_init(ks[5], MLP_IN, D)
    inp["W2_2"], inp["b2_2"] = _linear_init(ks[6], D, D)
    # layer 3
    inp["W1_3"], inp["b1_3"] = _linear_init(ks[7], MLP_IN, D)
    inp["W2_3"], inp["b2_3"] = _linear_init(ks[8], D, D)
    return inp


def _gnn_layer(x, edge_index, edge_attr, W1, b1, W2, b2):
    src = edge_index[0]
    dst = edge_index[1]
    # message: mlp(cat([x_j, edge_attr]))
    m = jnp.concatenate([jnp.take(x, src, axis=0), edge_attr], axis=-1)
    m = jnp.maximum(m @ W1 + b1, 0.0) @ W2 + b2
    # aggr='mean' at destination nodes (isolated nodes -> 0)
    n = x.shape[0]
    s = jax.ops.segment_sum(m, dst, num_segments=n)
    c = jax.ops.segment_sum(jnp.ones((dst.shape[0],), m.dtype), dst, num_segments=n)
    return s / jnp.maximum(c, 1.0)[:, None]


def reference(x, edge_index, edge_attr,
              W1_1, b1_1, W2_1, b2_1,
              W1_2, b1_2, W2_2, b2_2,
              W1_3, b1_3, W2_3, b2_3):
    h = _gnn_layer(x, edge_index, edge_attr, W1_1, b1_1, W2_1, b2_1)
    h = jax.nn.relu(h)
    h = _gnn_layer(h, edge_index, edge_attr, W1_2, b1_2, W2_2, b2_2)
    h = jax.nn.relu(h)
    out = _gnn_layer(h, edge_index, edge_attr, W1_3, b1_3, W2_3, b2_3)
    return out

if __name__ == "__main__":
    import jax
    _d = setup_inputs()
    print(jax.jit(kernel)(*tuple(_d.values())))

</pallas_src>

<mosaic_0001>
#map = affine_map<(d0, d1) -> (0, 0)>
#map1 = affine_map<(d0, d1) -> (0, 0, 0)>
module attributes {stable_mosaic.version = 14 : i64} {
  func.func @_sc_edge_pass(%arg0: i32, %arg1: i32, %arg2: memref<50000x32xf32, #tpu.memory_space<hbm>>, %arg3: memref<1600000x48xi32, #tpu.memory_space<hbm>>, %arg4: memref<16000x100xi32, #tpu.memory_space<hbm>>, %arg5: memref<16000x100xi32, #tpu.memory_space<hbm>>, %arg6: memref<2x50176x32xf32, #tpu.memory_space<hbm>>, %arg7: memref<3x100xi32, #tpu.memory_space<vmem>>, %arg8: memref<8x100xi32, #tpu.memory_space<vmem>>, %arg9: memref<3x100x32xf32, #tpu.memory_space<vmem>>, %arg10: memref<3x100x16xi32, #tpu.memory_space<vmem>>, %arg11: memref<4x100x32xf32, #tpu.memory_space<vmem>>, %arg12: memref<50176x32xf32, #tpu.memory_space<vmem_shared>>, %arg13: memref<3x!tpu.dma_semaphore, #tpu.memory_space<semaphore_mem>>, %arg14: memref<3x!tpu.dma_semaphore, #tpu.memory_space<semaphore_mem>>, %arg15: memref<4x!tpu.dma_semaphore, #tpu.memory_space<semaphore_mem>>) attributes {dimension_semantics = [#tpu.dimension_semantics<core_parallel>, #tpu.dimension_semantics<subcore_parallel>], iteration_bounds = array<i64: 2, 16>, scalar_prefetch = 0 : i64, scratch_operands = 9 : i64, tpu.core_type = #tpu.core_type<sc_vector_subcore>, window_params = [{transform_indices = #map}, {transform_indices = #map}, {transform_indices = #map}, {transform_indices = #map}, {transform_indices = #map1}]} {
    %scan3A = arith.constant 0 : i32
    %scan3A_0 = arith.constant 0 : i32
    %scan3A_1 = arith.constant 0 : i32
    %scan3A_2 = arith.constant 100 : i32
    %scan3A_3 = arith.addi %scan3A_1, %scan3A_2 : i32
    %scan3A_4 = arith.constant 1 : i32
    %scan3A_5 = scf.for %scan3A_343 = %scan3A_1 to %scan3A_3 step %scan3A_4 iter_args(%scan3A_344 = %scan3A_0) -> (i32)  : i32 {
      %broadcast_in_dim3A = arith.constant 0.000000e+00 : f32
      %broadcast_in_dim3A_345 = vector.broadcast %broadcast_in_dim3A : f32 to vector<16xf32>
      %swap3A = arith.constant 0 : i32
      %swap3A_346 = arith.constant 0 : i32
      %swap3A_347 = tpu.memref_slice %arg11[%scan3A, %swap3A, %swap3A_346] : memref<4x100x32xf32, #tpu.memory_space<vmem>> -> memref<1x100x32xf32, #tpu.memory_space<vmem>>
      %swap3A_348 = tpu.memref_squeeze %swap3A_347 : memref<1x100x32xf32, #tpu.memory_space<vmem>> -> memref<100x32xf32, #tpu.memory_space<vmem>>
      %swap3A_349 = arith.index_cast %scan3A_343 : i32 to index
      %swap3A_350 = arith.constant 0 : index
      %swap3A_351 = tpu.vector_load %swap3A_348[%swap3A_349, %swap3A_350] {strides = array<i32>} : memref<100x32xf32, #tpu.memory_space<vmem>>, vector<1x16xf32>,
      %swap3A_352 = vector.shape_cast %swap3A_351 : vector<1x16xf32> to vector<16xf32>
      %swap3A_353 = vector.shape_cast %broadcast_in_dim3A_345 : vector<16xf32> to vector<1x16xf32>
      tpu.vector_store %swap3A_348[%swap3A_349, %swap3A_350], %swap3A_353 {strides = array<i32>} : memref<100x32xf32, #tpu.memory_space<vmem>>, vector<1x16xf32>,
      %broadcast_in_dim3A_354 = arith.constant 0.000000e+00 : f32
      %broadcast_in_dim3A_355 = vector.broadcast %broadcast_in_dim3A_354 : f32 to vector<16xf32>
      %swap3A_356 = arith.constant 0 : i32
      %swap3A_357 = arith.constant 0 : i32
      %swap3A_358 = tpu.memref_slice %arg11[%scan3A, %swap3A_356, %swap3A_357] : memref<4x100x32xf32, #tpu.memory_space<vmem>> -> memref<1x100x32xf32, #tpu.memory_space<vmem>>
      %swap3A_359 = tpu.memref_squeeze %swap3A_358 : memref<1x100x32xf32, #tpu.memory_space<vmem>> -> memref<100x32xf32, #tpu.memory_space<vmem>>
      %swap3A_360 = arith.index_cast %scan3A_343 : i32 to index
      %swap3A_361 = arith.constant 16 : index
      %swap3A_362 = tpu.vector_load %swap3A_359[%swap3A_360, %swap3A_361] {strides = array<i32>} : memref<100x32xf32, #tpu.memory_space<vmem>>, vector<1x16xf32>,
      %swap3A_363 = vector.shape_cast %swap3A_362 : vector<1x16xf32> to vector<16xf32>
      %swap3A_364 = vector.shape_cast %broadcast_in_dim3A_355 : vector<16xf32> to vector<1x16xf32>
      tpu.vector_store %swap3A_359[%swap3A_360, %swap3A_361], %swap3A_364 {strides = array<i32>} : memref<100x32xf32, #tpu.memory_space<vmem>>, vector<1x16xf32>,
      %scan3A_365 = arith.constant 0 : i32
      scf.yield %scan3A_365 : i32
    }
    %scan3A_6 = arith.constant 100 : i32
    %mul3A = arith.constant 3136 : i32
    %mul3A_7 = arith.muli %arg1, %mul3A : i32
    %scan3A_8 = arith.constant 0 : i32
    %scan3A_9 = arith.constant 0 : i32
    %scan3A_10 = arith.constant 0 : i32
    %scan3A_11 = arith.constant 56 : i32
    %scan3A_12 = arith.addi %scan3A_10, %scan3A_11 : i32
    %scan3A_13 = arith.constant 1 : i32
    %scan3A_14 = scf.for %scan3A_343 = %scan3A_10 to %scan3A_12 step %scan3A_13 iter_args(%scan3A_344 = %scan3A_9) -> (i32)  : i32 {
      %mul3A_345 = arith.constant 56 : i32
      %mul3A_346 = arith.muli %scan3A_343, %mul3A_345 : i32
      %add3A_347 = arith.addi %mul3A_7, %mul3A_346 : i32
      "tpu.region"() ({
        %run_scoped3A = tpu.sem_alloc : memref<!tpu.dma_semaphore, #tpu.memory_space<semaphore_mem>>
        %dma_start3A_349 = arith.constant 0 : i32
        %dma_start3A_350 = arith.constant 0 : i32
        %dma_start3A_351 = tpu.memref_slice %arg11[%scan3A_8, %dma_start3A_349, %dma_start3A_350] : memref<4x100x32xf32, #tpu.memory_space<vmem>> -> memref<1x56x32xf32, #tpu.memory_space<vmem>>
        %dma_start3A_352 = tpu.memref_squeeze %dma_start3A_351 : memref<1x56x32xf32, #tpu.memory_space<vmem>> -> memref<56x32xf32, #tpu.memory_space<vmem>>
        %dma_start3A_353 = arith.constant 0 : i32
        %dma_start3A_354 = tpu.memref_slice %arg12[%add3A_347, %dma_start3A_353] : memref<50176x32xf32, #tpu.memory_space<vmem_shared>> -> memref<56x32xf32, #tpu.memory_space<vmem_shared>>
        %dma_start3A_355 = arith.constant 0 : i32
        %dma_start3A_356 = tpu.memref_slice %arg12[%add3A_347, %dma_start3A_355] : memref<50176x32xf32, #tpu.memory_space<vmem_shared>> -> memref<56x32xf32, #tpu.memory_space<vmem_shared>>
        %dma_start3A_357 = arith.constant 0 : i32
        %dma_start3A_358 = arith.constant 0 : i32
        %dma_start3A_359 = tpu.memref_slice %arg11[%scan3A_8, %dma_start3A_357, %dma_start3A_358] : memref<4x100x32xf32, #tpu.memory_space<vmem>> -> memref<1x56x32xf32, #tpu.memory_space<vmem>>
        %dma_start3A_360 = tpu.memref_squeeze %dma_start3A_359 : memref<1x56x32xf32, #tpu.memory_space<vmem>> -> memref<56x32xf32, #tpu.memory_space<vmem>>
        tpu.enqueue_dma source(%dma_start3A_360 : memref<56x32xf32, #tpu.memory_space<vmem>>) target(%dma_start3A_356 : memref<56x32xf32, #tpu.memory_space<vmem_shared>>) target_semaphore(%run_scoped3A : memref<!tpu.dma_semaphore, #tpu.memory_space<semaphore_mem>>)
        %dma_wait3A_361 = arith.constant 0 : i32
        %dma_wait3A_362 = arith.constant 0 : i32
        %dma_wait3A_363 = tpu.memref_slice %arg11[%scan3A_8, %dma_wait3A_361, %dma_wait3A_362] : memref<4x100x32xf32, #tpu.memory_space<vmem>> -> memref<1x56x32xf32, #tpu.memory_space<vmem>>
        %dma_wait3A_364 = tpu.memref_squeeze %dma_wait3A_363 : memref<1x56x32xf32, #tpu.memory_space<vmem>> -> memref<56x32xf32, #tpu.memory_space<vmem>>
        %dma_wait3A_365 = arith.constant 0 : i32
        %dma_wait3A_366 = tpu.memref_slice %arg12[%add3A_347, %dma_wait3A_365] : memref<50176x32xf32, #tpu.memory_space<vmem_shared>> -> memref<56x32xf32, #tpu.memory_space<vmem_shared>>
        %dma_wait3A_367 = arith.constant 0 : i32
        %dma_wait3A_368 = tpu.memref_slice %arg12[%add3A_347, %dma_wait3A_367] : memref<50176x32xf32, #tpu.memory_space<vmem_shared>> -> memref<56x32xf32, #tpu.memory_space<vmem_shared>>
        %dma_wait3A_369 = arith.constant 0 : i32
        %dma_wait3A_370 = arith.constant 0 : i32
        %dma_wait3A_371 = tpu.memref_slice %arg11[%scan3A_8, %dma_wait3A_369, %dma_wait3A_370] : memref<4x100x32xf32, #tpu.memory_space<vmem>> -> memref<1x56x32xf32, #tpu.memory_space<vmem>>
        %dma_wait3A_372 = tpu.memref_squeeze %dma_wait3A_371 : memref<1x56x32xf32, #tpu.memory_space<vmem>> -> memref<56x32xf32, #tpu.memory_space<vmem>>
        tpu.wait_dma2 semaphore(%run_scoped3A : memref<!tpu.dma_semaphore, #tpu.memory_space<semaphore_mem>>) src(%dma_wait3A_372 : memref<56x32xf32, #tpu.memory_space<vmem>>) dst(%dma_wait3A_368 : memref<56x32xf32, #tpu.memory_space<vmem_shared>>)
        tpu.yield
      }) : () -> ()
      %scan3A_348 = arith.constant 0 : i32
      scf.yield %scan3A_348 : i32
    }
    %scan3A_15 = arith.constant 56 : i32
    %barrier3A = arith.constant 0 : index
    tpu.barrier barrier_id(%barrier3A)
    %mul3A_16 = arith.constant 16 : i32
    %mul3A_17 = arith.muli %arg0, %mul3A_16 : i32
    %add3A = arith.addi %mul3A_17, %arg1 : i32
    %mul3A_18 = arith.constant 500 : i32
    %mul3A_19 = arith.muli %add3A, %mul3A_18 : i32
    %rem3A = arith.constant 0 : i32
    %rem3A_20 = arith.constant 3 : i32
    %rem3A_21 = arith.remsi %rem3A, %rem3A_20 : i32
    %rem3A_22 = arith.constant 0 : i32
    %rem3A_23 = arith.constant 8 : i32
    %rem3A_24 = arith.remsi %rem3A_22, %rem3A_23 : i32
    %add3A_25 = arith.constant 0 : i32
    %add3A_26 = arith.addi %mul3A_19, %add3A_25 : i32
    %dma_start3A = arith.constant 0 : i32
    %dma_start3A_27 = tpu.memref_slice %arg7[%rem3A_21, %dma_start3A] : memref<3x100xi32, #tpu.memory_space<vmem>> -> memref<1x100xi32, #tpu.memory_space<vmem>>
    %dma_start3A_28 = tpu.memref_squeeze %dma_start3A_27 : memref<1x100xi32, #tpu.memory_space<vmem>> -> memref<100xi32, #tpu.memory_space<vmem>>
    %dma_start3A_29 = arith.constant 0 : i32
    %dma_start3A_30 = tpu.memref_slice %arg4[%add3A_26, %dma_start3A_29] : memref<16000x100xi32, #tpu.memory_space<hbm>> -> memref<1x100xi32, #tpu.memory_space<hbm>>
    %dma_start3A_31 = tpu.memref_squeeze %dma_start3A_30 : memref<1x100xi32, #tpu.memory_space<hbm>> -> memref<100xi32, #tpu.memory_space<hbm>>
    %dma_start3A_32 = tpu.memref_slice %arg13[%rem3A_21] : memref<3x!tpu.dma_semaphore, #tpu.memory_space<semaphore_mem>> -> memref<1x!tpu.dma_semaphore, #tpu.memory_space<semaphore_mem>>
    %dma_start3A_33 = tpu.memref_squeeze %dma_start3A_32 : memref<1x!tpu.dma_semaphore, #tpu.memory_space<semaphore_mem>> -> memref<!tpu.dma_semaphore, #tpu.memory_space<semaphore_mem>>
    %dma_start3A_34 = arith.constant 0 : i32
    %dma_start3A_35 = tpu.memref_slice %arg7[%rem3A_21, %dma_start3A_34] : memref<3x100xi32, #tpu.memory_space<vmem>> -> memref<1x100xi32, #tpu.memory_space<vmem>>
    %dma_start3A_36 = tpu.memref_squeeze %dma_start3A_35 : memref<1x100xi32, #tpu.memory_space<vmem>> -> memref<100xi32, #tpu.memory_space<vmem>>
    %dma_start3A_37 = arith.constant 0 : i32
    %dma_start3A_38 = tpu.memref_slice %arg4[%add3A_26, %dma_start3A_37] : memref<16000x100xi32, #tpu.memory_space<hbm>> -> memref<1x100xi32, #tpu.memory_space<hbm>>
    %dma_start3A_39 = tpu.memref_squeeze %dma_start3A_38 : memref<1x100xi32, #tpu.memory_space<hbm>> -> memref<100xi32, #tpu.memory_space<hbm>>
    tpu.enqueue_dma source(%dma_start3A_39 : memref<100xi32, #tpu.memory_space<hbm>>) target(%dma_start3A_36 : memref<100xi32, #tpu.memory_space<vmem>>) target_semaphore(%dma_start3A_33 : memref<!tpu.dma_semaphore, #tpu.memory_space<semaphore_mem>>)
    %add3A_40 = arith.constant 0 : i32
    %add3A_41 = arith.addi %mul3A_19, %add3A_40 : i32
    %dma_start3A_42 = arith.constant 0 : i32
    %dma_start3A_43 = tpu.memref_slice %arg8[%rem3A_24, %dma_start3A_42] : memref<8x100xi32, #tpu.memory_space<vmem>> -> memref<1x100xi32, #tpu.memory_space<vmem>>
    %dma_start3A_44 = tpu.memref_squeeze %dma_start3A_43 : memref<1x100xi32, #tpu.memory_space<vmem>> -> memref<100xi32, #tpu.memory_space<vmem>>
    %dma_start3A_45 = arith.constant 0 : i32
    %dma_start3A_46 = tpu.memref_slice %arg5[%add3A_41, %dma_start3A_45] : memref<16000x100xi32, #tpu.memory_space<hbm>> -> memref<1x100xi32, #tpu.memory_space<hbm>>
    %dma_start3A_47 = tpu.memref_squeeze %dma_start3A_46 : memref<1x100xi32, #tpu.memory_space<hbm>> -> memref<100xi32, #tpu.memory_space<hbm>>
    %dma_start3A_48 = tpu.memref_slice %arg13[%rem3A_21] : memref<3x!tpu.dma_semaphore, #tpu.memory_space<semaphore_mem>> -> memref<1x!tpu.dma_semaphore, #tpu.memory_space<semaphore_mem>>
    %dma_start3A_49 = tpu.memref_squeeze %dma_start3A_48 : memref<1x!tpu.dma_semaphore, #tpu.memory_space<semaphore_mem>> -> memref<!tpu.dma_semaphore, #tpu.memory_space<semaphore_mem>>
    %dma_start3A_50 = arith.constant 0 : i32
    %dma_start3A_51 = tpu.memref_slice %arg8[%rem3A_24, %dma_start3A_50] : memref<8x100xi32, #tpu.memory_space<vmem>> -> memref<1x100xi32, #tpu.memory_space<vmem>>
    %dma_start3A_52 = tpu.memref_squeeze %dma_start3A_51 : memref<1x100xi32, #tpu.memory_space<vmem>> -> memref<100xi32, #tpu.memory_space<vmem>>
    %dma_start3A_53 = arith.constant 0 : i32
    %dma_start3A_54 = tpu.memref_slice %arg5[%add3A_41, %dma_start3A_53] : memref<16000x100xi32, #tpu.memory_space<hbm>> -> memref<1x100xi32, #tpu.memory_space<hbm>>
    %dma_start3A_55 = tpu.memref_squeeze %dma_start3A_54 : memref<1x100xi32, #tpu.memory_space<hbm>> -> memref<100xi32, #tpu.memory_space<hbm>>
    tpu.enqueue_dma source(%dma_start3A_55 : memref<100xi32, #tpu.memory_space<hbm>>) target(%dma_start3A_52 : memref<100xi32, #tpu.memory_space<vmem>>) target_semaphore(%dma_start3A_49 : memref<!tpu.dma_semaphore, #tpu.memory_space<semaphore_mem>>)
    %rem3A_56 = arith.constant 1 : i32
    %rem3A_57 = arith.constant 3 : i32
    %rem3A_58 = arith.remsi %rem3A_56, %rem3A_57 : i32
    %rem3A_59 = arith.constant 1 : i32
    %rem3A_60 = arith.constant 8 : i32
    %rem3A_61 = arith.remsi %rem3A_59, %rem3A_60 : i32
    %add3A_62 = arith.constant 1 : i32
    %add3A_63 = arith.addi %mul3A_19, %add3A_62 : i32
    %dma_start3A_64 = arith.constant 0 : i32
    %dma_start3A_65 = tpu.memref_slice %arg7[%rem3A_58, %dma_start3A_64] : memref<3x100xi32, #tpu.memory_space<vmem>> -> memref<1x100xi32, #tpu.memory_space<vmem>>
    %dma_start3A_66 = tpu.memref_squeeze %dma_start3A_65 : memref<1x100xi32, #tpu.memory_space<vmem>> -> memref<100xi32, #tpu.memory_space<vmem>>
    %dma_start3A_67 = arith.constant 0 : i32
    %dma_start3A_68 = tpu.memref_slice %arg4[%add3A_63, %dma_start3A_67] : memref<16000x100xi32, #tpu.memory_space<hbm>> -> memref<1x100xi32, #tpu.memory_space<hbm>>
    %dma_start3A_69 = tpu.memref_squeeze %dma_start3A_68 : memref<1x100xi32, #tpu.memory_space<hbm>> -> memref<100xi32, #tpu.memory_space<hbm>>
    %dma_start3A_70 = tpu.memref_slice %arg13[%rem3A_58] : memref<3x!tpu.dma_semaphore, #tpu.memory_space<semaphore_mem>> -> memref<1x!tpu.dma_semaphore, #tpu.memory_space<semaphore_mem>>
    %dma_start3A_71 = tpu.memref_squeeze %dma_start3A_70 : memref<1x!tpu.dma_semaphore, #tpu.memory_space<semaphore_mem>> -> memref<!tpu.dma_semaphore, #tpu.memory_space<semaphore_mem>>
    %dma_start3A_72 = arith.constant 0 : i32
    %dma_start3A_73 = tpu.memref_slice %arg7[%rem3A_58, %dma_start3A_72] : memref<3x100xi32, #tpu.memory_space<vmem>> -> memref<1x100xi32, #tpu.memory_space<vmem>>
    %dma_start3A_74 = tpu.memref_squeeze %dma_start3A_73 : memref<1x100xi32, #tpu.memory_space<vmem>> -> memref<100xi32, #tpu.memory_space<vmem>>
    %dma_start3A_75 = arith.constant 0 : i32
    %dma_start3A_76 = tpu.memref_slice %arg4[%add3A_63, %dma_start3A_75] : memref<16000x100xi32, #tpu.memory_space<hbm>> -> memref<1x100xi32, #tpu.memory_space<hbm>>
    %dma_start3A_77 = tpu.memref_squeeze %dma_start3A_76 : memref<1x100xi32, #tpu.memory_space<hbm>> -> memref<100xi32, #tpu.memory_space<hbm>>
    tpu.enqueue_dma source(%dma_start3A_77 : memref<100xi32, #tpu.memory_space<hbm>>) target(%dma_start3A_74 : memref<100xi32, #tpu.memory_space<vmem>>) target_semaphore(%dma_start3A_71 : memref<!tpu.dma_semaphore, #tpu.memory_space<semaphore_mem>>)
    %add3A_78 = arith.constant 1 : i32
    %add3A_79 = arith.addi %mul3A_19, %add3A_78 : i32
    %dma_start3A_80 = arith.constant 0 : i32
    %dma_start3A_81 = tpu.memref_slice %arg8[%rem3A_61, %dma_start3A_80] : memref<8x100xi32, #tpu.memory_space<vmem>> -> memref<1x100xi32, #tpu.memory_space<vmem>>
    %dma_start3A_82 = tpu.memref_squeeze %dma_start3A_81 : memref<1x100xi32, #tpu.memory_space<vmem>> -> memref<100xi32, #tpu.memory_space<vmem>>
    %dma_start3A_83 = arith.constant 0 : i32
    %dma_start3A_84 = tpu.memref_slice %arg5[%add3A_79, %dma_start3A_83] : memref<16000x100xi32, #tpu.memory_space<hbm>> -> memref<1x100xi32, #tpu.memory_space<hbm>>
    %dma_start3A_85 = tpu.memref_squeeze %dma_start3A_84 : memref<1x100xi32, #tpu.memory_space<hbm>> -> memref<100xi32, #tpu.memory_space<hbm>>
    %dma_start3A_86 = tpu.memref_slice %arg13[%rem3A_58] : memref<3x!tpu.dma_semaphore, #tpu.memory_space<semaphore_mem>> -> memref<1x!tpu.dma_semaphore, #tpu.memory_space<semaphore_mem>>
    %dma_start3A_87 = tpu.memref_squeeze %dma_start3A_86 : memref<1x!tpu.dma_semaphore, #tpu.memory_space<semaphore_mem>> -> memref<!tpu.dma_semaphore, #tpu.memory_space<semaphore_mem>>
    %dma_start3A_88 = arith.constant 0 : i32
    %dma_start3A_89 = tpu.memref_slice %arg8[%rem3A_61, %dma_start3A_88] : memref<8x100xi32, #tpu.memory_space<vmem>> -> memref<1x100xi32, #tpu.memory_space<vmem>>
    %dma_start3A_90 = tpu.memref_squeeze %dma_start3A_89 : memref<1x100xi32, #tpu.memory_space<vmem>> -> memref<100xi32, #tpu.memory_space<vmem>>
    %dma_start3A_91 = arith.constant 0 : i32
    %dma_start3A_92 = tpu.memref_slice %arg5[%add3A_79, %dma_start3A_91] : memref<16000x100xi32, #tpu.memory_space<hbm>> -> memref<1x100xi32, #tpu.memory_space<hbm>>
    %dma_start3A_93 = tpu.memref_squeeze %dma_start3A_92 : memref<1x100xi32, #tpu.memory_space<hbm>> -> memref<100xi32, #tpu.memory_space<hbm>>
    tpu.enqueue_dma source(%dma_start3A_93 : memref<100xi32, #tpu.memory_space<hbm>>) target(%dma_start3A_90 : memref<100xi32, #tpu.memory_space<vmem>>) target_semaphore(%dma_start3A_87 : memref<!tpu.dma_semaphore, #tpu.memory_space<semaphore_mem>>)
    %rem3A_94 = arith.constant 2 : i32
    %rem3A_95 = arith.constant 3 : i32
    %rem3A_96 = arith.remsi %rem3A_94, %rem3A_95 : i32
    %rem3A_97 = arith.constant 2 : i32
    %rem3A_98 = arith.constant 8 : i32
    %rem3A_99 = arith.remsi %rem3A_97, %rem3A_98 : i32
    %add3A_100 = arith.constant 2 : i32
    %add3A_101 = arith.addi %mul3A_19, %add3A_100 : i32
    %dma_start3A_102 = arith.constant 0 : i32
    %dma_start3A_103 = tpu.memref_slice %arg7[%rem3A_96, %dma_start3A_102] : memref<3x100xi32, #tpu.memory_space<vmem>> -> memref<1x100xi32, #tpu.memory_space<vmem>>
    %dma_start3A_104 = tpu.memref_squeeze %dma_start3A_103 : memref<1x100xi32, #tpu.memory_space<vmem>> -> memref<100xi32, #tpu.memory_space<vmem>>
    %dma_start3A_105 = arith.constant 0 : i32
    %dma_start3A_106 = tpu.memref_slice %arg4[%add3A_101, %dma_start3A_105] : memref<16000x100xi32, #tpu.memory_space<hbm>> -> memref<1x100xi32, #tpu.memory_space<hbm>>
    %dma_start3A_107 = tpu.memref_squeeze %dma_start3A_106 : memref<1x100xi32, #tpu.memory_space<hbm>> -> memref<100xi32, #tpu.memory_space<hbm>>
    %dma_start3A_108 = tpu.memref_slice %arg13[%rem3A_96] : memref<3x!tpu.dma_semaphore, #tpu.memory_space<semaphore_mem>> -> memref<1x!tpu.dma_semaphore, #tpu.memory_space<semaphore_mem>>
    %dma_start3A_109 = tpu.memref_squeeze %dma_start3A_108 : memref<1x!tpu.dma_semaphore, #tpu.memory_space<semaphore_mem>> -> memref<!tpu.dma_semaphore, #tpu.memory_space<semaphore_mem>>
    %dma_start3A_110 = arith.constant 0 : i32
    %dma_start3A_111 = tpu.memref_slice %arg7[%rem3A_96, %dma_start3A_110] : memref<3x100xi32, #tpu.memory_space<vmem>> -> memref<1x100xi32, #tpu.memory_space<vmem>>
    %dma_start3A_112 = tpu.memref_squeeze %dma_start3A_111 : memref<1x100xi32, #tpu.memory_space<vmem>> -> memref<100xi32, #tpu.memory_space<vmem>>
    %dma_start3A_113 = arith.constant 0 : i32
    %dma_start3A_114 = tpu.memref_slice %arg4[%add3A_101, %dma_start3A_113] : memref<16000x100xi32, #tpu.memory_space<hbm>> -> memref<1x100xi32, #tpu.memory_space<hbm>>
    %dma_start3A_115 = tpu.memref_squeeze %dma_start3A_114 : memref<1x100xi32, #tpu.memory_space<hbm>> -> memref<100xi32, #tpu.memory_space<hbm>>
    tpu.enqueue_dma source(%dma_start3A_115 : memref<100xi32, #tpu.memory_space<hbm>>) target(%dma_start3A_112 : memref<100xi32, #tpu.memory_space<vmem>>) target_semaphore(%dma_start3A_109 : memref<!tpu.dma_semaphore, #tpu.memory_space<semaphore_mem>>)
    %add3A_116 = arith.constant 2 : i32
    %add3A_117 = arith.addi %mul3A_19, %add3A_116 : i32
    %dma_start3A_118 = arith.constant 0 : i32
    %dma_start3A_119 = tpu.memref_slice %arg8[%rem3A_99, %dma_start3A_118] : memref<8x100xi32, #tpu.memory_space<vmem>> -> memref<1x100xi32, #tpu.memory_space<vmem>>
    %dma_start3A_120 = tpu.memref_squeeze %dma_start3A_119 : memref<1x100xi32, #tpu.memory_space<vmem>> -> memref<100xi32, #tpu.memory_space<vmem>>
    %dma_start3A_121 = arith.constant 0 : i32
    %dma_start3A_122 = tpu.memref_slice %arg5[%add3A_117, %dma_start3A_121] : memref<16000x100xi32, #tpu.memory_space<hbm>> -> memref<1x100xi32, #tpu.memory_space<hbm>>
    %dma_start3A_123 = tpu.memref_squeeze %dma_start3A_122 : memref<1x100xi32, #tpu.memory_space<hbm>> -> memref<100xi32, #tpu.memory_space<hbm>>
    %dma_start3A_124 = tpu.memref_slice %arg13[%rem3A_96] : memref<3x!tpu.dma_semaphore, #tpu.memory_space<semaphore_mem>> -> memref<1x!tpu.dma_semaphore, #tpu.memory_space<semaphore_mem>>
    %dma_start3A_125 = tpu.memref_squeeze %dma_start3A_124 : memref<1x!tpu.dma_semaphore, #tpu.memory_space<semaphore_mem>> -> memref<!tpu.dma_semaphore, #tpu.memory_space<semaphore_mem>>
    %dma_start3A_126 = arith.constant 0 : i32
    %dma_start3A_127 = tpu.memref_slice %arg8[%rem3A_99, %dma_start3A_126] : memref<8x100xi32, #tpu.memory_space<vmem>> -> memref<1x100xi32, #tpu.memory_space<vmem>>
    %dma_start3A_128 = tpu.memref_squeeze %dma_start3A_127 : memref<1x100xi32, #tpu.memory_space<vmem>> -> memref<100xi32, #tpu.memory_space<vmem>>
    %dma_start3A_129 = arith.constant 0 : i32
    %dma_start3A_130 = tpu.memref_slice %arg5[%add3A_117, %dma_start3A_129] : memref<16000x100xi32, #tpu.memory_space<hbm>> -> memref<1x100xi32, #tpu.memory_space<hbm>>
    %dma_start3A_131 = tpu.memref_squeeze %dma_start3A_130 : memref<1x100xi32, #tpu.memory_space<hbm>> -> memref<100xi32, #tpu.memory_space<hbm>>
    tpu.enqueue_dma source(%dma_start3A_131 : memref<100xi32, #tpu.memory_space<hbm>>) target(%dma_start3A_128 : memref<100xi32, #tpu.memory_space<vmem>>) target_semaphore(%dma_start3A_125 : memref<!tpu.dma_semaphore, #tpu.memory_space<semaphore_mem>>)
    %rem3A_132 = arith.constant 0 : i32
    %rem3A_133 = arith.constant 3 : i32
    %rem3A_134 = arith.remsi %rem3A_132, %rem3A_133 : i32
    %rem3A_135 = arith.constant 0 : i32
    %rem3A_136 = arith.constant 8 : i32
    %rem3A_137 = arith.remsi %rem3A_135, %rem3A_136 : i32
    %add3A_138 = arith.constant 0 : i32
    %add3A_139 = arith.addi %mul3A_19, %add3A_138 : i32
    %dma_wait3A = arith.constant 0 : i32
    %dma_wait3A_140 = tpu.memref_slice %arg7[%rem3A_134, %dma_wait3A] : memref<3x100xi32, #tpu.memory_space<vmem>> -> memref<1x100xi32, #tpu.memory_space<vmem>>
    %dma_wait3A_141 = tpu.memref_squeeze %dma_wait3A_140 : memref<1x100xi32, #tpu.memory_space<vmem>> -> memref<100xi32, #tpu.memory_space<vmem>>
    %dma_wait3A_142 = arith.constant 0 : i32
    %dma_wait3A_143 = tpu.memref_slice %arg4[%add3A_139, %dma_wait3A_142] : memref<16000x100xi32, #tpu.memory_space<hbm>> -> memref<1x100xi32, #tpu.memory_space<hbm>>
    %dma_wait3A_144 = tpu.memref_squeeze %dma_wait3A_143 : memref<1x100xi32, #tpu.memory_space<hbm>> -> memref<100xi32, #tpu.memory_space<hbm>>
    %dma_wait3A_145 = tpu.memref_slice %arg13[%rem3A_134] : memref<3x!tpu.dma_semaphore, #tpu.memory_space<semaphore_mem>> -> memref<1x!tpu.dma_semaphore, #tpu.memory_space<semaphore_mem>>
    %dma_wait3A_146 = tpu.memref_squeeze %dma_wait3A_145 : memref<1x!tpu.dma_semaphore, #tpu.memory_space<semaphore_mem>> -> memref<!tpu.dma_semaphore, #tpu.memory_space<semaphore_mem>>
    %dma_wait3A_147 = arith.constant 0 : i32
    %dma_wait3A_148 = tpu.memref_slice %arg7[%rem3A_134, %dma_wait3A_147] : memref<3x100xi32, #tpu.memory_space<vmem>> -> memref<1x100xi32, #tpu.memory_space<vmem>>
    %dma_wait3A_149 = tpu.memref_squeeze %dma_wait3A_148 : memref<1x100xi32, #tpu.memory_space<vmem>> -> memref<100xi32, #tpu.memory_space<vmem>>
    %dma_wait3A_150 = arith.constant 0 : i32
    %dma_wait3A_151 = tpu.memref_slice %arg4[%add3A_139, %dma_wait3A_150] : memref<16000x100xi32, #tpu.memory_space<hbm>> -> memref<1x100xi32, #tpu.memory_space<hbm>>
    %dma_wait3A_152 = tpu.memref_squeeze %dma_wait3A_151 : memref<1x100xi32, #tpu.memory_space<hbm>> -> memref<100xi32, #tpu.memory_space<hbm>>
    tpu.wait_dma2 semaphore(%dma_wait3A_146 : memref<!tpu.dma_semaphore, #tpu.memory_space<semaphore_mem>>) src(%dma_wait3A_152 : memref<100xi32, #tpu.memory_space<hbm>>) dst(%dma_wait3A_149 : memref<100xi32, #tpu.memory_space<vmem>>)
    %add3A_153 = arith.constant 0 : i32
    %add3A_154 = arith.addi %mul3A_19, %add3A_153 : i32
    %dma_wait3A_155 = arith.constant 0 : i32
    %dma_wait3A_156 = tpu.memref_slice %arg8[%rem3A_137, %dma_wait3A_155] : memref<8x100xi32, #tpu.memory_space<vmem>> -> memref<1x100xi32, #tpu.memory_space<vmem>>
    %dma_wait3A_157 = tpu.memref_squeeze %dma_wait3A_156 : memref<1x100xi32, #tpu.memory_space<vmem>> -> memref<100xi32, #tpu.memory_space<vmem>>
    %dma_wait3A_158 = arith.constant 0 : i32
    %dma_wait3A_159 = tpu.memref_slice %arg5[%add3A_154, %dma_wait3A_158] : memref<16000x100xi32, #tpu.memory_space<hbm>> -> memref<1x100xi32, #tpu.memory_space<hbm>>
    %dma_wait3A_160 = tpu.memref_squeeze %dma_wait3A_159 : memref<1x100xi32, #tpu.memory_space<hbm>> -> memref<100xi32, #tpu.memory_space<hbm>>
    %dma_wait3A_161 = tpu.memref_slice %arg13[%rem3A_134] : memref<3x!tpu.dma_semaphore, #tpu.memory_space<semaphore_mem>> -> memref<1x!tpu.dma_semaphore, #tpu.memory_space<semaphore_mem>>
    %dma_wait3A_162 = tpu.memref_squeeze %dma_wait3A_161 : memref<1x!tpu.dma_semaphore, #tpu.memory_space<semaphore_mem>> -> memref<!tpu.dma_semaphore, #tpu.memory_space<semaphore_mem>>
    %dma_wait3A_163 = arith.constant 0 : i32
    %dma_wait3A_164 = tpu.memref_slice %arg8[%rem3A_137, %dma_wait3A_163] : memref<8x100xi32, #tpu.memory_space<vmem>> -> memref<1x100xi32, #tpu.memory_space<vmem>>
    %dma_wait3A_165 = tpu.memref_squeeze %dma_wait3A_164 : memref<1x100xi32, #tpu.memory_space<vmem>> -> memref<100xi32, #tpu.memory_space<vmem>>
    %dma_wait3A_166 = arith.constant 0 : i32
    %dma_wait3A_167 = tpu.memref_slice %arg5[%add3A_154, %dma_wait3A_166] : memref<16000x100xi32, #tpu.memory_space<hbm>> -> memref<1x100xi32, #tpu.memory_space<hbm>>
    %dma_wait3A_168 = tpu.memref_squeeze %dma_wait3A_167 : memref<1x100xi32, #tpu.memory_space<hbm>> -> memref<100xi32, #tpu.memory_space<hbm>>
    tpu.wait_dma2 semaphore(%dma_wait3A_162 : memref<!tpu.dma_semaphore, #tpu.memory_space<semaphore_mem>>) src(%dma_wait3A_168 : memref<100xi32, #tpu.memory_space<hbm>>) dst(%dma_wait3A_165 : memref<100xi32, #tpu.memory_space<vmem>>)
    %rem3A_169 = arith.constant 0 : i32
    %rem3A_170 = arith.constant 3 : i32
    %rem3A_171 = arith.remsi %rem3A_169, %rem3A_170 : i32
    %add3A_172 = arith.constant 0 : i32
    %add3A_173 = arith.addi %mul3A_19, %add3A_172 : i32
    %mul3A_174 = arith.constant 100 : i32
    %mul3A_175 = arith.muli %add3A_173, %mul3A_174 : i32
    %dma_start3A_176 = arith.constant 0 : i32
    %dma_start3A_177 = arith.constant 0 : i32
    %dma_start3A_178 = tpu.memref_slice %arg9[%rem3A_171, %dma_start3A_176, %dma_start3A_177] : memref<3x100x32xf32, #tpu.memory_space<vmem>> -> memref<1x100x32xf32, #tpu.memory_space<vmem>>
    %dma_start3A_179 = tpu.memref_squeeze %dma_start3A_178 : memref<1x100x32xf32, #tpu.memory_space<vmem>> -> memref<100x32xf32, #tpu.memory_space<vmem>>
    %dma_start3A_180 = arith.constant 0 : i32
    %dma_start3A_181 = tpu.memref_slice %arg7[%rem3A_171, %dma_start3A_180] : memref<3x100xi32, #tpu.memory_space<vmem>> -> memref<1x100xi32, #tpu.memory_space<vmem>>
    %dma_start3A_182 = tpu.memref_squeeze %dma_start3A_181 : memref<1x100xi32, #tpu.memory_space<vmem>> -> memref<100xi32, #tpu.memory_space<vmem>>
    %dma_start3A_183 = arith.constant 0 : i32
    %dma_start3A_184 = arith.constant 0 : i32
    %dma_start3A_185 = tpu.memref_slice %arg2[%dma_start3A_183, %dma_start3A_184] : memref<50000x32xf32, #tpu.memory_space<hbm>> -> memref<50000x32xf32, #tpu.memory_space<hbm>>
    %dma_start3A_186 = tpu.memref_slice %arg14[%rem3A_171] : memref<3x!tpu.dma_semaphore, #tpu.memory_space<semaphore_mem>> -> memref<1x!tpu.dma_semaphore, #tpu.memory_space<semaphore_mem>>
    %dma_start3A_187 = tpu.memref_squeeze %dma_start3A_186 : memref<1x!tpu.dma_semaphore, #tpu.memory_space<semaphore_mem>> -> memref<!tpu.dma_semaphore, #tpu.memory_space<semaphore_mem>>
    tpu.enqueue_indirect_dma source(%dma_start3A_185 : memref<50000x32xf32, #tpu.memory_space<hbm>>) target(%dma_start3A_179 : memref<100x32xf32, #tpu.memory_space<vmem>>) offsets(%dma_start3A_182 : memref<100xi32, #tpu.memory_space<vmem>>) semaphore(%dma_start3A_187 : memref<!tpu.dma_semaphore, #tpu.memory_space<semaphore_mem>>)
    %dma_start3A_188 = arith.constant 0 : i32
    %dma_start3A_189 = arith.constant 0 : i32
    %dma_start3A_190 = tpu.memref_slice %arg10[%rem3A_171, %dma_start3A_188, %dma_start3A_189] : memref<3x100x16xi32, #tpu.memory_space<vmem>> -> memref<1x100x16xi32, #tpu.memory_space<vmem>>
    %dma_start3A_191 = tpu.memref_squeeze %dma_start3A_190 : memref<1x100x16xi32, #tpu.memory_space<vmem>> -> memref<100x16xi32, #tpu.memory_space<vmem>>
    %dma_start3A_192 = arith.constant 0 : i32
    %dma_start3A_193 = tpu.memref_slice %arg3[%mul3A_175, %dma_start3A_192] : memref<1600000x48xi32, #tpu.memory_space<hbm>> -> memref<100x16xi32, #tpu.memory_space<hbm>>
    %dma_start3A_194 = tpu.memref_slice %arg14[%rem3A_171] : memref<3x!tpu.dma_semaphore, #tpu.memory_space<semaphore_mem>> -> memref<1x!tpu.dma_semaphore, #tpu.memory_space<semaphore_mem>>
    %dma_start3A_195 = tpu.memref_squeeze %dma_start3A_194 : memref<1x!tpu.dma_semaphore, #tpu.memory_space<semaphore_mem>> -> memref<!tpu.dma_semaphore, #tpu.memory_space<semaphore_mem>>
    %dma_start3A_196 = arith.constant 0 : i32
    %dma_start3A_197 = arith.constant 0 : i32
    %dma_start3A_198 = tpu.memref_slice %arg10[%rem3A_171, %dma_start3A_196, %dma_start3A_197] : memref<3x100x16xi32, #tpu.memory_space<vmem>> -> memref<1x100x16xi32, #tpu.memory_space<vmem>>
    %dma_start3A_199 = tpu.memref_squeeze %dma_start3A_198 : memref<1x100x16xi32, #tpu.memory_space<vmem>> -> memref<100x16xi32, #tpu.memory_space<vmem>>
    %dma_start3A_200 = arith.constant 0 : i32
    %dma_start3A_201 = tpu.memref_slice %arg3[%mul3A_175, %dma_start3A_200] : memref<1600000x48xi32, #tpu.memory_space<hbm>> -> memref<100x16xi32, #tpu.memory_space<hbm>>
    tpu.enqueue_dma source(%dma_start3A_201 : memref<100x16xi32, #tpu.memory_space<hbm>>) target(%dma_start3A_199 : memref<100x16xi32, #tpu.memory_space<vmem>>) target_semaphore(%dma_start3A_195 : memref<!tpu.dma_semaphore, #tpu.memory_space<semaphore_mem>>)
    %rem3A_202 = arith.constant 1 : i32
    %rem3A_203 = arith.constant 3 : i32
    %rem3A_204 = arith.remsi %rem3A_202, %rem3A_203 : i32
    %rem3A_205 = arith.constant 1 : i32
    %rem3A_206 = arith.constant 8 : i32
    %rem3A_207 = arith.remsi %rem3A_205, %rem3A_206 : i32
    %add3A_208 = arith.constant 1 : i32
    %add3A_209 = arith.addi %mul3A_19, %add3A_208 : i32
    %dma_wait3A_210 = arith.constant 0 : i32
    %dma_wait3A_211 = tpu.memref_slice %arg7[%rem3A_204, %dma_wait3A_210] : memref<3x100xi32, #tpu.memory_space<vmem>> -> memref<1x100xi32, #tpu.memory_space<vmem>>
    %dma_wait3A_212 = tpu.memref_squeeze %dma_wait3A_211 : memref<1x100xi32, #tpu.memory_space<vmem>> -> memref<100xi32, #tpu.memory_space<vmem>>
    %dma_wait3A_213 = arith.constant 0 : i32
    %dma_wait3A_214 = tpu.memref_slice %arg4[%add3A_209, %dma_wait3A_213] : memref<16000x100xi32, #tpu.memory_space<hbm>> -> memref<1x100xi32, #tpu.memory_space<hbm>>
    %dma_wait3A_215 = tpu.memref_squeeze %dma_wait3A_214 : memref<1x100xi32, #tpu.memory_space<hbm>> -> memref<100xi32, #tpu.memory_space<hbm>>
    %dma_wait3A_216 = tpu.memref_slice %arg13[%rem3A_204] : memref<3x!tpu.dma_semaphore, #tpu.memory_space<semaphore_mem>> -> memref<1x!tpu.dma_semaphore, #tpu.memory_space<semaphore_mem>>
    %dma_wait3A_217 = tpu.memref_squeeze %dma_wait3A_216 : memref<1x!tpu.dma_semaphore, #tpu.memory_space<semaphore_mem>> -> memref<!tpu.dma_semaphore, #tpu.memory_space<semaphore_mem>>
    %dma_wait3A_218 = arith.constant 0 : i32
    %dma_wait3A_219 = tpu.memref_slice %arg7[%rem3A_204, %dma_wait3A_218] : memref<3x100xi32, #tpu.memory_space<vmem>> -> memref<1x100xi32, #tpu.memory_space<vmem>>
    %dma_wait3A_220 = tpu.memref_squeeze %dma_wait3A_219 : memref<1x100xi32, #tpu.memory_space<vmem>> -> memref<100xi32, #tpu.memory_space<vmem>>
    %dma_wait3A_221 = arith.constant 0 : i32
    %dma_wait3A_222 = tpu.memref_slice %arg4[%add3A_209, %dma_wait3A_221] : memref<16000x100xi32, #tpu.memory_space<hbm>> -> memref<1x100xi32, #tpu.memory_space<hbm>>
    %dma_wait3A_223 = tpu.memref_squeeze %dma_wait3A_222 : memref<1x100xi32, #tpu.memory_space<hbm>> -> memref<100xi32, #tpu.memory_space<hbm>>
    tpu.wait_dma2 semaphore(%dma_wait3A_217 : memref<!tpu.dma_semaphore, #tpu.memory_space<semaphore_mem>>) src(%dma_wait3A_223 : memref<100xi32, #tpu.memory_space<hbm>>) dst(%dma_wait3A_220 : memref<100xi32, #tpu.memory_space<vmem>>)
    %add3A_224 = arith.constant 1 : i32
    %add3A_225 = arith.addi %mul3A_19, %add3A_224 : i32
    %dma_wait3A_226 = arith.constant 0 : i32
    %dma_wait3A_227 = tpu.memref_slice %arg8[%rem3A_207, %dma_wait3A_226] : memref<8x100xi32, #tpu.memory_space<vmem>> -> memref<1x100xi32, #tpu.memory_space<vmem>>
    %dma_wait3A_228 = tpu.memref_squeeze %dma_wait3A_227 : memref<1x100xi32, #tpu.memory_space<vmem>> -> memref<100xi32, #tpu.memory_space<vmem>>
    %dma_wait3A_229 = arith.constant 0 : i32
    %dma_wait3A_230 = tpu.memref_slice %arg5[%add3A_225, %dma_wait3A_229] : memref<16000x100xi32, #tpu.memory_space<hbm>> -> memref<1x100xi32, #tpu.memory_space<hbm>>
    %dma_wait3A_231 = tpu.memref_squeeze %dma_wait3A_230 : memref<1x100xi32, #tpu.memory_space<hbm>> -> memref<100xi32, #tpu.memory_space<hbm>>
    %dma_wait3A_232 = tpu.memref_slice %arg13[%rem3A_204] : memref<3x!tpu.dma_semaphore, #tpu.memory_space<semaphore_mem>> -> memref<1x!tpu.dma_semaphore, #tpu.memory_space<semaphore_mem>>
    %dma_wait3A_233 = tpu.memref_squeeze %dma_wait3A_232 : memref<1x!tpu.dma_semaphore, #tpu.memory_space<semaphore_mem>> -> memref<!tpu.dma_semaphore, #tpu.memory_space<semaphore_mem>>
    %dma_wait3A_234 = arith.constant 0 : i32
    %dma_wait3A_235 = tpu.memref_slice %arg8[%rem3A_207, %dma_wait3A_234] : memref<8x100xi32, #tpu.memory_space<vmem>> -> memref<1x100xi32, #tpu.memory_space<vmem>>
    %dma_wait3A_236 = tpu.memref_squeeze %dma_wait3A_235 : memref<1x100xi32, #tpu.memory_space<vmem>> -> memref<100xi32, #tpu.memory_space<vmem>>
    %dma_wait3A_237 = arith.constant 0 : i32
    %dma_wait3A_238 = tpu.memref_slice %arg5[%add3A_225, %dma_wait3A_237] : memref<16000x100xi32, #tpu.memory_space<hbm>> -> memref<1x100xi32, #tpu.memory_space<hbm>>
    %dma_wait3A_239 = tpu.memref_squeeze %dma_wait3A_238 : memref<1x100xi32, #tpu.memory_space<hbm>> -> memref<100xi32, #tpu.memory_space<hbm>>
    tpu.wait_dma2 semaphore(%dma_wait3A_233 : memref<!tpu.dma_semaphore, #tpu.memory_space<semaphore_mem>>) src(%dma_wait3A_239 : memref<100xi32, #tpu.memory_space<hbm>>) dst(%dma_wait3A_236 : memref<100xi32, #tpu.memory_space<vmem>>)
    %rem3A_240 = arith.constant 1 : i32
    %rem3A_241 = arith.constant 3 : i32
    %rem3A_242 = arith.remsi %rem3A_240, %rem3A_241 : i32
    %add3A_243 = arith.constant 1 : i32
    %add3A_244 = arith.addi %mul3A_19, %add3A_243 : i32
    %mul3A_245 = arith.constant 100 : i32
    %mul3A_246 = arith.muli %add3A_244, %mul3A_245 : i32
    %dma_start3A_247 = arith.constant 0 : i32
    %dma_start3A_248 = arith.constant 0 : i32
    %dma_start3A_249 = tpu.memref_slice %arg9[%rem3A_242, %dma_start3A_247, %dma_start3A_248] : memref<3x100x32xf32, #tpu.memory_space<vmem>> -> memref<1x100x32xf32, #tpu.memory_space<vmem>>
    %dma_start3A_250 = tpu.memref_squeeze %dma_start3A_249 : memref<1x100x32xf32, #tpu.memory_space<vmem>> -> memref<100x32xf32, #tpu.memory_space<vmem>>
    %dma_start3A_251 = arith.constant 0 : i32
    %dma_start3A_252 = tpu.memref_slice %arg7[%rem3A_242, %dma_start3A_251] : memref<3x100xi32, #tpu.memory_space<vmem>> -> memref<1x100xi32, #tpu.memory_space<vmem>>
    %dma_start3A_253 = tpu.memref_squeeze %dma_start3A_252 : memref<1x100xi32, #tpu.memory_space<vmem>> -> memref<100xi32, #tpu.memory_space<vmem>>
    %dma_start3A_254 = arith.constant 0 : i32
    %dma_start3A_255 = arith.constant 0 : i32
    %dma_start3A_256 = tpu.memref_slice %arg2[%dma_start3A_254, %dma_start3A_255] : memref<50000x32xf32, #tpu.memory_space<hbm>> -> memref<50000x32xf32, #tpu.memory_space<hbm>>
    %dma_start3A_257 = tpu.memref_slice %arg14[%rem3A_242] : memref<3x!tpu.dma_semaphore, #tpu.memory_space<semaphore_mem>> -> memref<1x!tpu.dma_semaphore, #tpu.memory_space<semaphore_mem>>
    %dma_start3A_258 = tpu.memref_squeeze %dma_start3A_257 : memref<1x!tpu.dma_semaphore, #tpu.memory_space<semaphore_mem>> -> memref<!tpu.dma_semaphore, #tpu.memory_space<semaphore_mem>>
    tpu.enqueue_indirect_dma source(%dma_start3A_256 : memref<50000x32xf32, #tpu.memory_space<hbm>>) target(%dma_start3A_250 : memref<100x32xf32, #tpu.memory_space<vmem>>) offsets(%dma_start3A_253 : memref<100xi32, #tpu.memory_space<vmem>>) semaphore(%dma_start3A_258 : memref<!tpu.dma_semaphore, #tpu.memory_space<semaphore_mem>>)
    %dma_start3A_259 = arith.constant 0 : i32
    %dma_start3A_260 = arith.constant 0 : i32
    %dma_start3A_261 = tpu.memref_slice %arg10[%rem3A_242, %dma_start3A_259, %dma_start3A_260] : memref<3x100x16xi32, #tpu.memory_space<vmem>> -> memref<1x100x16xi32, #tpu.memory_space<vmem>>
    %dma_start3A_262 = tpu.memref_squeeze %dma_start3A_261 : memref<1x100x16xi32, #tpu.memory_space<vmem>> -> memref<100x16xi32, #tpu.memory_space<vmem>>
    %dma_start3A_263 = arith.constant 0 : i32
    %dma_start3A_264 = tpu.memref_slice %arg3[%mul3A_246, %dma_start3A_263] : memref<1600000x48xi32, #tpu.memory_space<hbm>> -> memref<100x16xi32, #tpu.memory_space<hbm>>
    %dma_start3A_265 = tpu.memref_slice %arg14[%rem3A_242] : memref<3x!tpu.dma_semaphore, #tpu.memory_space<semaphore_mem>> -> memref<1x!tpu.dma_semaphore, #tpu.memory_space<semaphore_mem>>
    %dma_start3A_266 = tpu.memref_squeeze %dma_start3A_265 : memref<1x!tpu.dma_semaphore, #tpu.memory_space<semaphore_mem>> -> memref<!tpu.dma_semaphore, #tpu.memory_space<semaphore_mem>>
    %dma_start3A_267 = arith.constant 0 : i32
    %dma_start3A_268 = arith.constant 0 : i32
    %dma_start3A_269 = tpu.memref_slice %arg10[%rem3A_242, %dma_start3A_267, %dma_start3A_268] : memref<3x100x16xi32, #tpu.memory_space<vmem>> -> memref<1x100x16xi32, #tpu.memory_space<vmem>>
    %dma_start3A_270 = tpu.memref_squeeze %dma_start3A_269 : memref<1x100x16xi32, #tpu.memory_space<vmem>> -> memref<100x16xi32, #tpu.memory_space<vmem>>
    %dma_start3A_271 = arith.constant 0 : i32
    %dma_start3A_272 = tpu.memref_slice %arg3[%mul3A_246, %dma_start3A_271] : memref<1600000x48xi32, #tpu.memory_space<hbm>> -> memref<100x16xi32, #tpu.memory_space<hbm>>
    tpu.enqueue_dma source(%dma_start3A_272 : memref<100x16xi32, #tpu.memory_space<hbm>>) target(%dma_start3A_270 : memref<100x16xi32, #tpu.memory_space<vmem>>) target_semaphore(%dma_start3A_266 : memref<!tpu.dma_semaphore, #tpu.memory_space<semaphore_mem>>)
    %scan3A_273 = arith.constant 0 : i32
    %scan3A_274 = arith.constant 0 : i32
    %scan3A_275 = arith.constant 500 : i32
    %scan3A_276 = arith.addi %scan3A_274, %scan3A_275 : i32
    %scan3A_277 = arith.constant 1 : i32
    %scan3A_278 = scf.for %scan3A_343 = %scan3A_274 to %scan3A_276 step %scan3A_277 iter_args(%scan3A_344 = %scan3A_273) -> (i32)  : i32 {
      %rem3A_345 = arith.constant 3 : i32
      %rem3A_346 = arith.remsi %scan3A_343, %rem3A_345 : i32
      %rem3A_347 = arith.constant 4 : i32
      %rem3A_348 = arith.remsi %scan3A_343, %rem3A_347 : i32
      %ge3A = arith.constant 4 : i32
      %ge3A_349 = arith.cmpi sge, %scan3A_343, %ge3A : i32
      %convert_element_type3A = arith.extui %ge3A_349 : i1 to i32
      %cond3A = arith.constant 0 : i32
      %cond3A_350 = arith.cmpi ne, %convert_element_type3A, %cond3A : i32
      scf.if %cond3A_350 {
        %dma_wait3A_417 = arith.constant 0 : i32
        %dma_wait3A_418 = arith.constant 0 : i32
        %dma_wait3A_419 = arith.constant 0 : i32
        %dma_wait3A_420 = tpu.memref_slice %arg11[%rem3A_348, %dma_wait3A_418, %dma_wait3A_419] : memref<4x100x32xf32, #tpu.memory_space<vmem>> -> memref<1x100x32xf32, #tpu.memory_space<vmem>>
        %dma_wait3A_421 = tpu.memref_squeeze %dma_wait3A_420 : memref<1x100x32xf32, #tpu.memory_space<vmem>> -> memref<100x32xf32, #tpu.memory_space<vmem>>
        %dma_wait3A_422 = arith.constant 0 : i32
        %dma_wait3A_423 = tpu.memref_slice %arg8[%dma_wait3A_417, %dma_wait3A_422] : memref<8x100xi32, #tpu.memory_space<vmem>> -> memref<1x100xi32, #tpu.memory_space<vmem>>
        %dma_wait3A_424 = tpu.memref_squeeze %dma_wait3A_423 : memref<1x100xi32, #tpu.memory_space<vmem>> -> memref<100xi32, #tpu.memory_space<vmem>>
        %dma_wait3A_425 = arith.constant 0 : i32
        %dma_wait3A_426 = arith.constant 0 : i32
        %dma_wait3A_427 = tpu.memref_slice %arg12[%dma_wait3A_425, %dma_wait3A_426] : memref<50176x32xf32, #tpu.memory_space<vmem_shared>> -> memref<50176x32xf32, #tpu.memory_space<vmem_shared>>
        %dma_wait3A_428 = tpu.memref_slice %arg15[%rem3A_348] : memref<4x!tpu.dma_semaphore, #tpu.memory_space<semaphore_mem>> -> memref<1x!tpu.dma_semaphore, #tpu.memory_space<semaphore_mem>>
        %dma_wait3A_429 = tpu.memref_squeeze %dma_wait3A_428 : memref<1x!tpu.dma_semaphore, #tpu.memory_space<semaphore_mem>> -> memref<!tpu.dma_semaphore, #tpu.memory_space<semaphore_mem>>
        tpu.wait_indirect_dma semaphore(%dma_wait3A_429 : memref<!tpu.dma_semaphore, #tpu.memory_space<semaphore_mem>>) src(%dma_wait3A_421 : memref<100x32xf32, #tpu.memory_space<vmem>>) dst(%dma_wait3A_427 : memref<50176x32xf32, #tpu.memory_space<vmem_shared>>)
      } else {
      }
      %add3A_351 = arith.constant 3 : i32
      %add3A_352 = arith.addi %scan3A_343, %add3A_351 : i32
      %lt3A = arith.constant 500 : i32
      %lt3A_353 = arith.cmpi slt, %add3A_352, %lt3A : i32
      %convert_element_type3A_354 = arith.extui %lt3A_353 : i1 to i32
      %cond3A_355 = arith.constant 0 : i32
      %cond3A_356 = arith.cmpi ne, %convert_element_type3A_354, %cond3A_355 : i32
      scf.if %cond3A_356 {
        %add3A_417 = arith.constant 3 : i32
        %add3A_418 = arith.addi %scan3A_343, %add3A_417 : i32
        %rem3A_419 = arith.constant 3 : i32
        %rem3A_420 = arith.remsi %add3A_418, %rem3A_419 : i32
        %rem3A_421 = arith.constant 8 : i32
        %rem3A_422 = arith.remsi %add3A_418, %rem3A_421 : i32
        %add3A_423 = arith.addi %mul3A_19, %add3A_418 : i32
        %dma_start3A_424 = arith.constant 0 : i32
        %dma_start3A_425 = tpu.memref_slice %arg7[%rem3A_420, %dma_start3A_424] : memref<3x100xi32, #tpu.memory_space<vmem>> -> memref<1x100xi32, #tpu.memory_space<vmem>>
        %dma_start3A_426 = tpu.memref_squeeze %dma_start3A_425 : memref<1x100xi32, #tpu.memory_space<vmem>> -> memref<100xi32, #tpu.memory_space<vmem>>
        %dma_start3A_427 = arith.constant 0 : i32
        %dma_start3A_428 = tpu.memref_slice %arg4[%add3A_423, %dma_start3A_427] : memref<16000x100xi32, #tpu.memory_space<hbm>> -> memref<1x100xi32, #tpu.memory_space<hbm>>
        %dma_start3A_429 = tpu.memref_squeeze %dma_start3A_428 : memref<1x100xi32, #tpu.memory_space<hbm>> -> memref<100xi32, #tpu.memory_space<hbm>>
        %dma_start3A_430 = tpu.memref_slice %arg13[%rem3A_420] : memref<3x!tpu.dma_semaphore, #tpu.memory_space<semaphore_mem>> -> memref<1x!tpu.dma_semaphore, #tpu.memory_space<semaphore_mem>>
        %dma_start3A_431 = tpu.memref_squeeze %dma_start3A_430 : memref<1x!tpu.dma_semaphore, #tpu.memory_space<semaphore_mem>> -> memref<!tpu.dma_semaphore, #tpu.memory_space<semaphore_mem>>
        %dma_start3A_432 = arith.constant 0 : i32
        %dma_start3A_433 = tpu.memref_slice %arg7[%rem3A_420, %dma_start3A_432] : memref<3x100xi32, #tpu.memory_space<vmem>> -> memref<1x100xi32, #tpu.memory_space<vmem>>
        %dma_start3A_434 = tpu.memref_squeeze %dma_start3A_433 : memref<1x100xi32, #tpu.memory_space<vmem>> -> memref<100xi32, #tpu.memory_space<vmem>>
        %dma_start3A_435 = arith.constant 0 : i32
        %dma_start3A_436 = tpu.memref_slice %arg4[%add3A_423, %dma_start3A_435] : memref<16000x100xi32, #tpu.memory_space<hbm>> -> memref<1x100xi32, #tpu.memory_space<hbm>>
        %dma_start3A_437 = tpu.memref_squeeze %dma_start3A_436 : memref<1x100xi32, #tpu.memory_space<hbm>> -> memref<100xi32, #tpu.memory_space<hbm>>
        tpu.enqueue_dma source(%dma_start3A_437 : memref<100xi32, #tpu.memory_space<hbm>>) target(%dma_start3A_434 : memref<100xi32, #tpu.memory_space<vmem>>) target_semaphore(%dma_start3A_431 : memref<!tpu.dma_semaphore, #tpu.memory_space<semaphore_mem>>)
        %add3A_438 = arith.addi %mul3A_19, %add3A_418 : i32
        %dma_start3A_439 = arith.constant 0 : i32
        %dma_start3A_440 = tpu.memref_slice %arg8[%rem3A_422, %dma_start3A_439] : memref<8x100xi32, #tpu.memory_space<vmem>> -> memref<1x100xi32, #tpu.memory_space<vmem>>
        %dma_start3A_441 = tpu.memref_squeeze %dma_start3A_440 : memref<1x100xi32, #tpu.memory_space<vmem>> -> memref<100xi32, #tpu.memory_space<vmem>>
        %dma_start3A_442 = arith.constant 0 : i32
        %dma_start3A_443 = tpu.memref_slice %arg5[%add3A_438, %dma_start3A_442] : memref<16000x100xi32, #tpu.memory_space<hbm>> -> memref<1x100xi32, #tpu.memory_space<hbm>>
        %dma_start3A_444 = tpu.memref_squeeze %dma_start3A_443 : memref<1x100xi32, #tpu.memory_space<hbm>> -> memref<100xi32, #tpu.memory_space<hbm>>
        %dma_start3A_445 = tpu.memref_slice %arg13[%rem3A_420] : memref<3x!tpu.dma_semaphore, #tpu.memory_space<semaphore_mem>> -> memref<1x!tpu.dma_semaphore, #tpu.memory_space<semaphore_mem>>
        %dma_start3A_446 = tpu.memref_squeeze %dma_start3A_445 : memref<1x!tpu.dma_semaphore, #tpu.memory_space<semaphore_mem>> -> memref<!tpu.dma_semaphore, #tpu.memory_space<semaphore_mem>>
        %dma_start3A_447 = arith.constant 0 : i32
        %dma_start3A_448 = tpu.memref_slice %arg8[%rem3A_422, %dma_start3A_447] : memref<8x100xi32, #tpu.memory_space<vmem>> -> memref<1x100xi32, #tpu.memory_space<vmem>>
        %dma_start3A_449 = tpu.memref_squeeze %dma_start3A_448 : memref<1x100xi32, #tpu.memory_space<vmem>> -> memref<100xi32, #tpu.memory_space<vmem>>
        %dma_start3A_450 = arith.constant 0 : i32
        %dma_start3A_451 = tpu.memref_slice %arg5[%add3A_438, %dma_start3A_450] : memref<16000x100xi32, #tpu.memory_space<hbm>> -> memref<1x100xi32, #tpu.memory_space<hbm>>
        %dma_start3A_452 = tpu.memref_squeeze %dma_start3A_451 : memref<1x100xi32, #tpu.memory_space<hbm>> -> memref<100xi32, #tpu.memory_space<hbm>>
        tpu.enqueue_dma source(%dma_start3A_452 : memref<100xi32, #tpu.memory_space<hbm>>) target(%dma_start3A_449 : memref<100xi32, #tpu.memory_space<vmem>>) target_semaphore(%dma_start3A_446 : memref<!tpu.dma_semaphore, #tpu.memory_space<semaphore_mem>>)
      } else {
      }
      %add3A_357 = arith.constant 2 : i32
      %add3A_358 = arith.addi %scan3A_343, %add3A_357 : i32
      %lt3A_359 = arith.constant 500 : i32
      %lt3A_360 = arith.cmpi slt, %add3A_358, %lt3A_359 : i32
      %convert_element_type3A_361 = arith.extui %lt3A_360 : i1 to i32
      %cond3A_362 = arith.constant 0 : i32
      %cond3A_363 = arith.cmpi ne, %convert_element_type3A_361, %cond3A_362 : i32
      scf.if %cond3A_363 {
        %add3A_417 = arith.constant 2 : i32
        %add3A_418 = arith.addi %scan3A_343, %add3A_417 : i32
        %rem3A_419 = arith.constant 3 : i32
        %rem3A_420 = arith.remsi %add3A_418, %rem3A_419 : i32
        %rem3A_421 = arith.constant 8 : i32
        %rem3A_422 = arith.remsi %add3A_418, %rem3A_421 : i32
        %add3A_423 = arith.addi %mul3A_19, %add3A_418 : i32
        %dma_wait3A_424 = arith.constant 0 : i32
        %dma_wait3A_425 = tpu.memref_slice %arg7[%rem3A_420, %dma_wait3A_424] : memref<3x100xi32, #tpu.memory_space<vmem>> -> memref<1x100xi32, #tpu.memory_space<vmem>>
        %dma_wait3A_426 = tpu.memref_squeeze %dma_wait3A_425 : memref<1x100xi32, #tpu.memory_space<vmem>> -> memref<100xi32, #tpu.memory_space<vmem>>
        %dma_wait3A_427 = arith.constant 0 : i32
        %dma_wait3A_428 = tpu.memref_slice %arg4[%add3A_423, %dma_wait3A_427] : memref<16000x100xi32, #tpu.memory_space<hbm>> -> memref<1x100xi32, #tpu.memory_space<hbm>>
        %dma_wait3A_429 = tpu.memref_squeeze %dma_wait3A_428 : memref<1x100xi32, #tpu.memory_space<hbm>> -> memref<100xi32, #tpu.memory_space<hbm>>
        %dma_wait3A_430 = tpu.memref_slice %arg13[%rem3A_420] : memref<3x!tpu.dma_semaphore, #tpu.memory_space<semaphore_mem>> -> memref<1x!tpu.dma_semaphore, #tpu.memory_space<semaphore_mem>>
        %dma_wait3A_431 = tpu.memref_squeeze %dma_wait3A_430 : memref<1x!tpu.dma_semaphore, #tpu.memory_space<semaphore_mem>> -> memref<!tpu.dma_semaphore, #tpu.memory_space<semaphore_mem>>
        %dma_wait3A_432 = arith.constant 0 : i32
        %dma_wait3A_433 = tpu.memref_slice %arg7[%rem3A_420, %dma_wait3A_432] : memref<3x100xi32, #tpu.memory_space<vmem>> -> memref<1x100xi32, #tpu.memory_space<vmem>>
        %dma_wait3A_434 = tpu.memref_squeeze %dma_wait3A_433 : memref<1x100xi32, #tpu.memory_space<vmem>> -> memref<100xi32, #tpu.memory_space<vmem>>
        %dma_wait3A_435 = arith.constant 0 : i32
        %dma_wait3A_436 = tpu.memref_slice %arg4[%add3A_423, %dma_wait3A_435] : memref<16000x100xi32, #tpu.memory_space<hbm>> -> memref<1x100xi32, #tpu.memory_space<hbm>>
        %dma_wait3A_437 = tpu.memref_squeeze %dma_wait3A_436 : memref<1x100xi32, #tpu.memory_space<hbm>> -> memref<100xi32, #tpu.memory_space<hbm>>
        tpu.wait_dma2 semaphore(%dma_wait3A_431 : memref<!tpu.dma_semaphore, #tpu.memory_space<semaphore_mem>>) src(%dma_wait3A_437 : memref<100xi32, #tpu.memory_space<hbm>>) dst(%dma_wait3A_434 : memref<100xi32, #tpu.memory_space<vmem>>)
        %add3A_438 = arith.addi %mul3A_19, %add3A_418 : i32
        %dma_wait3A_439 = arith.constant 0 : i32
        %dma_wait3A_440 = tpu.memref_slice %arg8[%rem3A_422, %dma_wait3A_439] : memref<8x100xi32, #tpu.memory_space<vmem>> -> memref<1x100xi32, #tpu.memory_space<vmem>>
        %dma_wait3A_441 = tpu.memref_squeeze %dma_wait3A_440 : memref<1x100xi32, #tpu.memory_space<vmem>> -> memref<100xi32, #tpu.memory_space<vmem>>
        %dma_wait3A_442 = arith.constant 0 : i32
        %dma_wait3A_443 = tpu.memref_slice %arg5[%add3A_438, %dma_wait3A_442] : memref<16000x100xi32, #tpu.memory_space<hbm>> -> memref<1x100xi32, #tpu.memory_space<hbm>>
        %dma_wait3A_444 = tpu.memref_squeeze %dma_wait3A_443 : memref<1x100xi32, #tpu.memory_space<hbm>> -> memref<100xi32, #tpu.memory_space<hbm>>
        %dma_wait3A_445 = tpu.memref_slice %arg13[%rem3A_420] : memref<3x!tpu.dma_semaphore, #tpu.memory_space<semaphore_mem>> -> memref<1x!tpu.dma_semaphore, #tpu.memory_space<semaphore_mem>>
        %dma_wait3A_446 = tpu.memref_squeeze %dma_wait3A_445 : memref<1x!tpu.dma_semaphore, #tpu.memory_space<semaphore_mem>> -> memref<!tpu.dma_semaphore, #tpu.memory_space<semaphore_mem>>
        %dma_wait3A_447 = arith.constant 0 : i32
        %dma_wait3A_448 = tpu.memref_slice %arg8[%rem3A_422, %dma_wait3A_447] : memref<8x100xi32, #tpu.memory_space<vmem>> -> memref<1x100xi32, #tpu.memory_space<vmem>>
        %dma_wait3A_449 = tpu.memref_squeeze %dma_wait3A_448 : memref<1x100xi32, #tpu.memory_space<vmem>> -> memref<100xi32, #tpu.memory_space<vmem>>
        %dma_wait3A_450 = arith.constant 0 : i32
        %dma_wait3A_451 = tpu.memref_slice %arg5[%add3A_438, %dma_wait3A_450] : memref<16000x100xi32, #tpu.memory_space<hbm>> -> memref<1x100xi32, #tpu.memory_space<hbm>>
        %dma_wait3A_452 = tpu.memref_squeeze %dma_wait3A_451 : memref<1x100xi32, #tpu.memory_space<hbm>> -> memref<100xi32, #tpu.memory_space<hbm>>
        tpu.wait_dma2 semaphore(%dma_wait3A_446 : memref<!tpu.dma_semaphore, #tpu.memory_space<semaphore_mem>>) src(%dma_wait3A_452 : memref<100xi32, #tpu.memory_space<hbm>>) dst(%dma_wait3A_449 : memref<100xi32, #tpu.memory_space<vmem>>)
        %add3A_453 = arith.constant 2 : i32
        %add3A_454 = arith.addi %scan3A_343, %add3A_453 : i32
        %rem3A_455 = arith.constant 3 : i32
        %rem3A_456 = arith.remsi %add3A_454, %rem3A_455 : i32
        %add3A_457 = arith.addi %mul3A_19, %add3A_454 : i32
        %mul3A_458 = arith.constant 100 : i32
        %mul3A_459 = arith.muli %add3A_457, %mul3A_458 : i32
        %dma_start3A_460 = arith.constant 0 : i32
        %dma_start3A_461 = arith.constant 0 : i32
        %dma_start3A_462 = tpu.memref_slice %arg9[%rem3A_456, %dma_start3A_460, %dma_start3A_461] : memref<3x100x32xf32, #tpu.memory_space<vmem>> -> memref<1x100x32xf32, #tpu.memory_space<vmem>>
        %dma_start3A_463 = tpu.memref_squeeze %dma_start3A_462 : memref<1x100x32xf32, #tpu.memory_space<vmem>> -> memref<100x32xf32, #tpu.memory_space<vmem>>
        %dma_start3A_464 = arith.constant 0 : i32
        %dma_start3A_465 = tpu.memref_slice %arg7[%rem3A_456, %dma_start3A_464] : memref<3x100xi32, #tpu.memory_space<vmem>> -> memref<1x100xi32, #tpu.memory_space<vmem>>
        %dma_start3A_466 = tpu.memref_squeeze %dma_start3A_465 : memref<1x100xi32, #tpu.memory_space<vmem>> -> memref<100xi32, #tpu.memory_space<vmem>>
        %dma_start3A_467 = arith.constant 0 : i32
        %dma_start3A_468 = arith.constant 0 : i32
        %dma_start3A_469 = tpu.memref_slice %arg2[%dma_start3A_467, %dma_start3A_468] : memref<50000x32xf32, #tpu.memory_space<hbm>> -> memref<50000x32xf32, #tpu.memory_space<hbm>>
        %dma_start3A_470 = tpu.memref_slice %arg14[%rem3A_456] : memref<3x!tpu.dma_semaphore, #tpu.memory_space<semaphore_mem>> -> memref<1x!tpu.dma_semaphore, #tpu.memory_space<semaphore_mem>>
        %dma_start3A_471 = tpu.memref_squeeze %dma_start3A_470 : memref<1x!tpu.dma_semaphore, #tpu.memory_space<semaphore_mem>> -> memref<!tpu.dma_semaphore, #tpu.memory_space<semaphore_mem>>
        tpu.enqueue_indirect_dma source(%dma_start3A_469 : memref<50000x32xf32, #tpu.memory_space<hbm>>) target(%dma_start3A_463 : memref<100x32xf32, #tpu.memory_space<vmem>>) offsets(%dma_start3A_466 : memref<100xi32, #tpu.memory_space<vmem>>) semaphore(%dma_start3A_471 : memref<!tpu.dma_semaphore, #tpu.memory_space<semaphore_mem>>)
        %dma_start3A_472 = arith.constant 0 : i32
        %dma_start3A_473 = arith.constant 0 : i32
        %dma_start3A_474 = tpu.memref_slice %arg10[%rem3A_456, %dma_start3A_472, %dma_start3A_473] : memref<3x100x16xi32, #tpu.memory_space<vmem>> -> memref<1x100x16xi32, #tpu.memory_space<vmem>>
        %dma_start3A_475 = tpu.memref_squeeze %dma_start3A_474 : memref<1x100x16xi32, #tpu.memory_space<vmem>> -> memref<100x16xi32, #tpu.memory_space<vmem>>
        %dma_start3A_476 = arith.constant 0 : i32
        %dma_start3A_477 = tpu.memref_slice %arg3[%mul3A_459, %dma_start3A_476] : memref<1600000x48xi32, #tpu.memory_space<hbm>> -> memref<100x16xi32, #tpu.memory_space<hbm>>
        %dma_start3A_478 = tpu.memref_slice %arg14[%rem3A_456] : memref<3x!tpu.dma_semaphore, #tpu.memory_space<semaphore_mem>> -> memref<1x!tpu.dma_semaphore, #tpu.memory_space<semaphore_mem>>
        %dma_start3A_479 = tpu.memref_squeeze %dma_start3A_478 : memref<1x!tpu.dma_semaphore, #tpu.memory_space<semaphore_mem>> -> memref<!tpu.dma_semaphore, #tpu.memory_space<semaphore_mem>>
        %dma_start3A_480 = arith.constant 0 : i32
        %dma_start3A_481 = arith.constant 0 : i32
        %dma_start3A_482 = tpu.memref_slice %arg10[%rem3A_456, %dma_start3A_480, %dma_start3A_481] : memref<3x100x16xi32, #tpu.memory_space<vmem>> -> memref<1x100x16xi32, #tpu.memory_space<vmem>>
        %dma_start3A_483 = tpu.memref_squeeze %dma_start3A_482 : memref<1x100x16xi32, #tpu.memory_space<vmem>> -> memref<100x16xi32, #tpu.memory_space<vmem>>
        %dma_start3A_484 = arith.constant 0 : i32
        %dma_start3A_485 = tpu.memref_slice %arg3[%mul3A_459, %dma_start3A_484] : memref<1600000x48xi32, #tpu.memory_space<hbm>> -> memref<100x16xi32, #tpu.memory_space<hbm>>
        tpu.enqueue_dma source(%dma_start3A_485 : memref<100x16xi32, #tpu.memory_space<hbm>>) target(%dma_start3A_483 : memref<100x16xi32, #tpu.memory_space<vmem>>) target_semaphore(%dma_start3A_479 : memref<!tpu.dma_semaphore, #tpu.memory_space<semaphore_mem>>)
      } else {
      }
      %rem3A_364 = arith.constant 3 : i32
      %rem3A_365 = arith.remsi %scan3A_343, %rem3A_364 : i32
      %add3A_366 = arith.addi %mul3A_19, %scan3A_343 : i32
      %mul3A_367 = arith.constant 100 : i32
      %mul3A_368 = arith.muli %add3A_366, %mul3A_367 : i32
      %dma_wait3A_369 = arith.constant 0 : i32
      %dma_wait3A_370 = arith.constant 0 : i32
      %dma_wait3A_371 = tpu.memref_slice %arg9[%rem3A_365, %dma_wait3A_369, %dma_wait3A_370] : memref<3x100x32xf32, #tpu.memory_space<vmem>> -> memref<1x100x32xf32, #tpu.memory_space<vmem>>
      %dma_wait3A_372 = tpu.memref_squeeze %dma_wait3A_371 : memref<1x100x32xf32, #tpu.memory_space<vmem>> -> memref<100x32xf32, #tpu.memory_space<vmem>>
      %dma_wait3A_373 = arith.constant 0 : i32
      %dma_wait3A_374 = tpu.memref_slice %arg7[%rem3A_365, %dma_wait3A_373] : memref<3x100xi32, #tpu.memory_space<vmem>> -> memref<1x100xi32, #tpu.memory_space<vmem>>
      %dma_wait3A_375 = tpu.memref_squeeze %dma_wait3A_374 : memref<1x100xi32, #tpu.memory_space<vmem>> -> memref<100xi32, #tpu.memory_space<vmem>>
      %dma_wait3A_376 = arith.constant 0 : i32
      %dma_wait3A_377 = arith.constant 0 : i32
      %dma_wait3A_378 = tpu.memref_slice %arg2[%dma_wait3A_376, %dma_wait3A_377] : memref<50000x32xf32, #tpu.memory_space<hbm>> -> memref<50000x32xf32, #tpu.memory_space<hbm>>
      %dma_wait3A_379 = tpu.memref_slice %arg14[%rem3A_365] : memref<3x!tpu.dma_semaphore, #tpu.memory_space<semaphore_mem>> -> memref<1x!tpu.dma_semaphore, #tpu.memory_space<semaphore_mem>>
      %dma_wait3A_380 = tpu.memref_squeeze %dma_wait3A_379 : memref<1x!tpu.dma_semaphore, #tpu.memory_space<semaphore_mem>> -> memref<!tpu.dma_semaphore, #tpu.memory_space<semaphore_mem>>
      tpu.wait_indirect_dma semaphore(%dma_wait3A_380 : memref<!tpu.dma_semaphore, #tpu.memory_space<semaphore_mem>>) src(%dma_wait3A_378 : memref<50000x32xf32, #tpu.memory_space<hbm>>) dst(%dma_wait3A_372 : memref<100x32xf32, #tpu.memory_space<vmem>>)
      %dma_wait3A_381 = arith.constant 0 : i32
      %dma_wait3A_382 = arith.constant 0 : i32
      %dma_wait3A_383 = tpu.memref_slice %arg10[%rem3A_365, %dma_wait3A_381, %dma_wait3A_382] : memref<3x100x16xi32, #tpu.memory_space<vmem>> -> memref<1x100x16xi32, #tpu.memory_space<vmem>>
      %dma_wait3A_384 = tpu.memref_squeeze %dma_wait3A_383 : memref<1x100x16xi32, #tpu.memory_space<vmem>> -> memref<100x16xi32, #tpu.memory_space<vmem>>
      %dma_wait3A_385 = arith.constant 0 : i32
      %dma_wait3A_386 = tpu.memref_slice %arg3[%mul3A_368, %dma_wait3A_385] : memref<1600000x48xi32, #tpu.memory_space<hbm>> -> memref<100x16xi32, #tpu.memory_space<hbm>>
      %dma_wait3A_387 = tpu.memref_slice %arg14[%rem3A_365] : memref<3x!tpu.dma_semaphore, #tpu.memory_space<semaphore_mem>> -> memref<1x!tpu.dma_semaphore, #tpu.memory_space<semaphore_mem>>
      %dma_wait3A_388 = tpu.memref_squeeze %dma_wait3A_387 : memref<1x!tpu.dma_semaphore, #tpu.memory_space<semaphore_mem>> -> memref<!tpu.dma_semaphore, #tpu.memory_space<semaphore_mem>>
      %dma_wait3A_389 = arith.constant 0 : i32
      %dma_wait3A_390 = arith.constant 0 : i32
      %dma_wait3A_391 = tpu.memref_slice %arg10[%rem3A_365, %dma_wait3A_389, %dma_wait3A_390] : memref<3x100x16xi32, #tpu.memory_space<vmem>> -> memref<1x100x16xi32, #tpu.memory_space<vmem>>
      %dma_wait3A_392 = tpu.memref_squeeze %dma_wait3A_391 : memref<1x100x16xi32, #tpu.memory_space<vmem>> -> memref<100x16xi32, #tpu.memory_space<vmem>>
      %dma_wait3A_393 = arith.constant 0 : i32
      %dma_wait3A_394 = tpu.memref_slice %arg3[%mul3A_368, %dma_wait3A_393] : memref<1600000x48xi32, #tpu.memory_space<hbm>> -> memref<100x16xi32, #tpu.memory_space<hbm>>
      tpu.wait_dma2 semaphore(%dma_wait3A_388 : memref<!tpu.dma_semaphore, #tpu.memory_space<semaphore_mem>>) src(%dma_wait3A_394 : memref<100x16xi32, #tpu.memory_space<hbm>>) dst(%dma_wait3A_392 : memref<100x16xi32, #tpu.memory_space<vmem>>)
      %scan3A_395 = arith.constant 0 : i32
      %scan3A_396 = arith.constant 0 : i32
      %scan3A_397 = arith.constant 100 : i32
      %scan3A_398 = arith.addi %scan3A_396, %scan3A_397 : i32
      %scan3A_399 = arith.constant 10 : i32
      %scan3A_400 = scf.for %scan3A_417 = %scan3A_396 to %scan3A_398 step %scan3A_399 iter_args(%scan3A_418 = %scan3A_395) -> (i32)  : i32 {
        %get3A = arith.index_cast %rem3A_346 : i32 to index
        %get3A_419 = arith.index_cast %scan3A_417 : i32 to index
        %get3A_420 = arith.constant 0 : index
        %get3A_421 = tpu.vector_load %arg10[%get3A, %get3A_419, %get3A_420] {strides = array<i32>} : memref<3x100x16xi32, #tpu.memory_space<vmem>>, vector<1x1x16xi32>,
        %get3A_422 = vector.shape_cast %get3A_421 : vector<1x1x16xi32> to vector<16xi32>
        %shift_left3A = arith.constant 16 : i32
        %shift_left3A_423 = vector.broadcast %shift_left3A : i32 to vector<16xi32>
        %shift_left3A_424 = arith.shli %get3A_422, %shift_left3A_423 : vector<16xi32>
        %bitcast_convert_type3A = tpu.bitcast %shift_left3A_424 : vector<16xi32> -> vector<16xf32>
        %and3A = arith.constant -65536 : i32
        %and3A_425 = vector.broadcast %and3A : i32 to vector<16xi32>
        %and3A_426 = arith.andi %get3A_422, %and3A_425 : vector<16xi32>
        %bitcast_convert_type3A_427 = tpu.bitcast %and3A_426 : vector<16xi32> -> vector<16xf32>
        %get3A_428 = arith.index_cast %rem3A_346 : i32 to index
        %get3A_429 = arith.index_cast %scan3A_417 : i32 to index
        %get3A_430 = arith.constant 0 : index
        %get3A_431 = tpu.vector_load %arg9[%get3A_428, %get3A_429, %get3A_430] {strides = array<i32>} : memref<3x100x32xf32, #tpu.memory_space<vmem>>, vector<1x1x16xf32>,
        %get3A_432 = vector.shape_cast %get3A_431 : vector<1x1x16xf32> to vector<16xf32>
        %add3A_433 = arith.addf %get3A_432, %bitcast_convert_type3A : vector<16xf32>
        %get3A_434 = arith.index_cast %rem3A_346 : i32 to index
        %get3A_435 = arith.index_cast %scan3A_417 : i32 to index
        %get3A_436 = arith.constant 16 : index
        %get3A_437 = tpu.vector_load %arg9[%get3A_434, %get3A_435, %get3A_436] {strides = array<i32>} : memref<3x100x32xf32, #tpu.memory_space<vmem>>, vector<1x1x16xf32>,
        %get3A_438 = vector.shape_cast %get3A_437 : vector<1x1x16xf32> to vector<16xf32>
        %add3A_439 = arith.addf %get3A_438, %bitcast_convert_type3A_427 : vector<16xf32>
        %max3A = arith.constant 0.000000e+00 : f32
        %max3A_440 = vector.broadcast %max3A : f32 to vector<16xf32>
        %max3A_441 = arith.maximumf %add3A_433, %max3A_440 : vector<16xf32>
        %swap3A = arith.index_cast %rem3A_348 : i32 to index
        %swap3A_442 = arith.index_cast %scan3A_417 : i32 to index
        %swap3A_443 = arith.constant 0 : index
        %swap3A_444 = tpu.vector_load %arg11[%swap3A, %swap3A_442, %swap3A_443] {strides = array<i32>} : memref<4x100x32xf32, #tpu.memory_space<vmem>>, vector<1x1x16xf32>,
        %swap3A_445 = vector.shape_cast %swap3A_444 : vector<1x1x16xf32> to vector<16xf32>
        %swap3A_446 = vector.shape_cast %max3A_441 : vector<16xf32> to vector<1x1x16xf32>
        tpu.vector_store %arg11[%swap3A, %swap3A_442, %swap3A_443], %swap3A_446 {strides = array<i32>} : memref<4x100x32xf32, #tpu.memory_space<vmem>>, vector<1x1x16xf32>,
        %max3A_447 = arith.constant 0.000000e+00 : f32
        %max3A_448 = vector.broadcast %max3A_447 : f32 to vector<16xf32>
        %max3A_449 = arith.maximumf %add3A_439, %max3A_448 : vector<16xf32>
        %swap3A_450 = arith.index_cast %rem3A_348 : i32 to index
        %swap3A_451 = arith.index_cast %scan3A_417 : i32 to index
        %swap3A_452 = arith.constant 16 : index
        %swap3A_453 = tpu.vector_load %arg11[%swap3A_450, %swap3A_451, %swap3A_452] {strides = array<i32>} : memref<4x100x32xf32, #tpu.memory_space<vmem>>, vector<1x1x16xf32>,
        %swap3A_454 = vector.shape_cast %swap3A_453 : vector<1x1x16xf32> to vector<16xf32>
        %swap3A_455 = vector.shape_cast %max3A_449 : vector<16xf32> to vector<1x1x16xf32>
        tpu.vector_store %arg11[%swap3A_450, %swap3A_451, %swap3A_452], %swap3A_455 {strides = array<i32>} : memref<4x100x32xf32, #tpu.memory_space<vmem>>, vector<1x1x16xf32>,
        %scan3A_456 = arith.constant 0 : i32
        %scan3A_457 = arith.constant 1 : i32
        %scan3A_458 = arith.addi %scan3A_417, %scan3A_457 : i32
        %get3A_459 = arith.index_cast %rem3A_346 : i32 to index
        %get3A_460 = arith.index_cast %scan3A_458 : i32 to index
        %get3A_461 = arith.constant 0 : index
        %get3A_462 = tpu.vector_load %arg10[%get3A_459, %get3A_460, %get3A_461] {strides = array<i32>} : memref<3x100x16xi32, #tpu.memory_space<vmem>>, vector<1x1x16xi32>,
        %get3A_463 = vector.shape_cast %get3A_462 : vector<1x1x16xi32> to vector<16xi32>
        %shift_left3A_464 = arith.constant 16 : i32
        %shift_left3A_465 = vector.broadcast %shift_left3A_464 : i32 to vector<16xi32>
        %shift_left3A_466 = arith.shli %get3A_463, %shift_left3A_465 : vector<16xi32>
        %bitcast_convert_type3A_467 = tpu.bitcast %shift_left3A_466 : vector<16xi32> -> vector<16xf32>
        %and3A_468 = arith.constant -65536 : i32
        %and3A_469 = vector.broadcast %and3A_468 : i32 to vector<16xi32>
        %and3A_470 = arith.andi %get3A_463, %and3A_469 : vector<16xi32>
        %bitcast_convert_type3A_471 = tpu.bitcast %and3A_470 : vector<16xi32> -> vector<16xf32>
        %get3A_472 = arith.index_cast %rem3A_346 : i32 to index
        %get3A_473 = arith.index_cast %scan3A_458 : i32 to index
        %get3A_474 = arith.constant 0 : index
        %get3A_475 = tpu.vector_load %arg9[%get3A_472, %get3A_473, %get3A_474] {strides = array<i32>} : memref<3x100x32xf32, #tpu.memory_space<vmem>>, vector<1x1x16xf32>,
        %get3A_476 = vector.shape_cast %get3A_475 : vector<1x1x16xf32> to vector<16xf32>
        %add3A_477 = arith.addf %get3A_476, %bitcast_convert_type3A_467 : vector<16xf32>
        %get3A_478 = arith.index_cast %rem3A_346 : i32 to index
        %get3A_479 = arith.index_cast %scan3A_458 : i32 to index
        %get3A_480 = arith.constant 16 : index
        %get3A_481 = tpu.vector_load %arg9[%get3A_478, %get3A_479, %get3A_480] {strides = array<i32>} : memref<3x100x32xf32, #tpu.memory_space<vmem>>, vector<1x1x16xf32>,
        %get3A_482 = vector.shape_cast %get3A_481 : vector<1x1x16xf32> to vector<16xf32>
        %add3A_483 = arith.addf %get3A_482, %bitcast_convert_type3A_471 : vector<16xf32>
        %max3A_484 = arith.constant 0.000000e+00 : f32
        %max3A_485 = vector.broadcast %max3A_484 : f32 to vector<16xf32>
        %max3A_486 = arith.maximumf %add3A_477, %max3A_485 : vector<16xf32>
        %swap3A_487 = arith.index_cast %rem3A_348 : i32 to index
        %swap3A_488 = arith.index_cast %scan3A_458 : i32 to index
        %swap3A_489 = arith.constant 0 : index
        %swap3A_490 = tpu.vector_load %arg11[%swap3A_487, %swap3A_488, %swap3A_489] {strides = array<i32>} : memref<4x100x32xf32, #tpu.memory_space<vmem>>, vector<1x1x16xf32>,
        %swap3A_491 = vector.shape_cast %swap3A_490 : vector<1x1x16xf32> to vector<16xf32>
        %swap3A_492 = vector.shape_cast %max3A_486 : vector<16xf32> to vector<1x1x16xf32>
        tpu.vector_store %arg11[%swap3A_487, %swap3A_488, %swap3A_489], %swap3A_492 {strides = array<i32>} : memref<4x100x32xf32, #tpu.memory_space<vmem>>, vector<1x1x16xf32>,
        %max3A_493 = arith.constant 0.000000e+00 : f32
        %max3A_494 = vector.broadcast %max3A_493 : f32 to vector<16xf32>
        %max3A_495 = arith.maximumf %add3A_483, %max3A_494 : vector<16xf32>
        %swap3A_496 = arith.index_cast %rem3A_348 : i32 to index
        %swap3A_497 = arith.index_cast %scan3A_458 : i32 to index
        %swap3A_498 = arith.constant 16 : index
        %swap3A_499 = tpu.vector_load %arg11[%swap3A_496, %swap3A_497, %swap3A_498] {strides = array<i32>} : memref<4x100x32xf32, #tpu.memory_space<vmem>>, vector<1x1x16xf32>,
        %swap3A_500 = vector.shape_cast %swap3A_499 : vector<1x1x16xf32> to vector<16xf32>
        %swap3A_501 = vector.shape_cast %max3A_495 : vector<16xf32> to vector<1x1x16xf32>
        tpu.vector_store %arg11[%swap3A_496, %swap3A_497, %swap3A_498], %swap3A_501 {strides = array<i32>} : memref<4x100x32xf32, #tpu.memory_space<vmem>>, vector<1x1x16xf32>,
        %scan3A_502 = arith.constant 0 : i32
        %scan3A_503 = arith.constant 2 : i32
        %scan3A_504 = arith.addi %scan3A_417, %scan3A_503 : i32
        %get3A_505 = arith.index_cast %rem3A_346 : i32 to index
        %get3A_506 = arith.index_cast %scan3A_504 : i32 to index
        %get3A_507 = arith.constant 0 : index
        %get3A_508 = tpu.vector_load %arg10[%get3A_505, %get3A_506, %get3A_507] {strides = array<i32>} : memref<3x100x16xi32, #tpu.memory_space<vmem>>, vector<1x1x16xi32>,
        %get3A_509 = vector.shape_cast %get3A_508 : vector<1x1x16xi32> to vector<16xi32>
        %shift_left3A_510 = arith.constant 16 : i32
        %shift_left3A_511 = vector.broadcast %shift_left3A_510 : i32 to vector<16xi32>
        %shift_left3A_512 = arith.shli %get3A_509, %shift_left3A_511 : vector<16xi32>
        %bitcast_convert_type3A_513 = tpu.bitcast %shift_left3A_512 : vector<16xi32> -> vector<16xf32>
        %and3A_514 = arith.constant -65536 : i32
        %and3A_515 = vector.broadcast %and3A_514 : i32 to vector<16xi32>
        %and3A_516 = arith.andi %get3A_509, %and3A_515 : vector<16xi32>
        %bitcast_convert_type3A_517 = tpu.bitcast %and3A_516 : vector<16xi32> -> vector<16xf32>
        %get3A_518 = arith.index_cast %rem3A_346 : i32 to index
        %get3A_519 = arith.index_cast %scan3A_504 : i32 to index
        %get3A_520 = arith.constant 0 : index
        %get3A_521 = tpu.vector_load %arg9[%get3A_518, %get3A_519, %get3A_520] {strides = array<i32>} : memref<3x100x32xf32, #tpu.memory_space<vmem>>, vector<1x1x16xf32>,
        %get3A_522 = vector.shape_cast %get3A_521 : vector<1x1x16xf32> to vector<16xf32>
        %add3A_523 = arith.addf %get3A_522, %bitcast_convert_type3A_513 : vector<16xf32>
        %get3A_524 = arith.index_cast %rem3A_346 : i32 to index
        %get3A_525 = arith.index_cast %scan3A_504 : i32 to index
        %get3A_526 = arith.constant 16 : index
        %get3A_527 = tpu.vector_load %arg9[%get3A_524, %get3A_525, %get3A_526] {strides = array<i32>} : memref<3x100x32xf32, #tpu.memory_space<vmem>>, vector<1x1x16xf32>,
        %get3A_528 = vector.shape_cast %get3A_527 : vector<1x1x16xf32> to vector<16xf32>
        %add3A_529 = arith.addf %get3A_528, %bitcast_convert_type3A_517 : vector<16xf32>
        %max3A_530 = arith.constant 0.000000e+00 : f32
        %max3A_531 = vector.broadcast %max3A_530 : f32 to vector<16xf32>
        %max3A_532 = arith.maximumf %add3A_523, %max3A_531 : vector<16xf32>
        %swap3A_533 = arith.index_cast %rem3A_348 : i32 to index
        %swap3A_534 = arith.index_cast %scan3A_504 : i32 to index
        %swap3A_535 = arith.constant 0 : index
        %swap3A_536 = tpu.vector_load %arg11[%swap3A_533, %swap3A_534, %swap3A_535] {strides = array<i32>} : memref<4x100x32xf32, #tpu.memory_space<vmem>>, vector<1x1x16xf32>,
        %swap3A_537 = vector.shape_cast %swap3A_536 : vector<1x1x16xf32> to vector<16xf32>
        %swap3A_538 = vector.shape_cast %max3A_532 : vector<16xf32> to vector<1x1x16xf32>
        tpu.vector_store %arg11[%swap3A_533, %swap3A_534, %swap3A_535], %swap3A_538 {strides = array<i32>} : memref<4x100x32xf32, #tpu.memory_space<vmem>>, vector<1x1x16xf32>,
        %max3A_539 = arith.constant 0.000000e+00 : f32
        %max3A_540 = vector.broadcast %max3A_539 : f32 to vector<16xf32>
        %max3A_541 = arith.maximumf %add3A_529, %max3A_540 : vector<16xf32>
        %swap3A_542 = arith.index_cast %rem3A_348 : i32 to index
        %swap3A_543 = arith.index_cast %scan3A_504 : i32 to index
        %swap3A_544 = arith.constant 16 : index
        %swap3A_545 = tpu.vector_load %arg11[%swap3A_542, %swap3A_543, %swap3A_544] {strides = array<i32>} : memref<4x100x32xf32, #tpu.memory_space<vmem>>, vector<1x1x16xf32>,
        %swap3A_546 = vector.shape_cast %swap3A_545 : vector<1x1x16xf32> to vector<16xf32>
        %swap3A_547 = vector.shape_cast %max3A_541 : vector<16xf32> to vector<1x1x16xf32>
        tpu.vector_store %arg11[%swap3A_542, %swap3A_543, %swap3A_544], %swap3A_547 {strides = array<i32>} : memref<4x100x32xf32, #tpu.memory_space<vmem>>, vector<1x1x16xf32>,
        %scan3A_548 = arith.constant 0 : i32
        %scan3A_549 = arith.constant 3 : i32
        %scan3A_550 = arith.addi %scan3A_417, %scan3A_549 : i32
        %get3A_551 = arith.index_cast %rem3A_346 : i32 to index
        %get3A_552 = arith.index_cast %scan3A_550 : i32 to index
        %get3A_553 = arith.constant 0 : index
        %get3A_554 = tpu.vector_load %arg10[%get3A_551, %get3A_552, %get3A_553] {strides = array<i32>} : memref<3x100x16xi32, #tpu.memory_space<vmem>>, vector<1x1x16xi32>,
        %get3A_555 = vector.shape_cast %get3A_554 : vector<1x1x16xi32> to vector<16xi32>
        %shift_left3A_556 = arith.constant 16 : i32
        %shift_left3A_557 = vector.broadcast %shift_left3A_556 : i32 to vector<16xi32>
        %shift_left3A_558 = arith.shli %get3A_555, %shift_left3A_557 : vector<16xi32>
        %bitcast_convert_type3A_559 = tpu.bitcast %shift_left3A_558 : vector<16xi32> -> vector<16xf32>
        %and3A_560 = arith.constant -65536 : i32
        %and3A_561 = vector.broadcast %and3A_560 : i32 to vector<16xi32>
        %and3A_562 = arith.andi %get3A_555, %and3A_561 : vector<16xi32>
        %bitcast_convert_type3A_563 = tpu.bitcast %and3A_562 : vector<16xi32> -> vector<16xf32>
        %get3A_564 = arith.index_cast %rem3A_346 : i32 to index
        %get3A_565 = arith.index_cast %scan3A_550 : i32 to index
        %get3A_566 = arith.constant 0 : index
        %get3A_567 = tpu.vector_load %arg9[%get3A_564, %get3A_565, %get3A_566] {strides = array<i32>} : memref<3x100x32xf32, #tpu.memory_space<vmem>>, vector<1x1x16xf32>,
        %get3A_568 = vector.shape_cast %get3A_567 : vector<1x1x16xf32> to vector<16xf32>
        %add3A_569 = arith.addf %get3A_568, %bitcast_convert_type3A_559 : vector<16xf32>
        %get3A_570 = arith.index_cast %rem3A_346 : i32 to index
        %get3A_571 = arith.index_cast %scan3A_550 : i32 to index
        %get3A_572 = arith.constant 16 : index
        %get3A_573 = tpu.vector_load %arg9[%get3A_570, %get3A_571, %get3A_572] {strides = array<i32>} : memref<3x100x32xf32, #tpu.memory_space<vmem>>, vector<1x1x16xf32>,
        %get3A_574 = vector.shape_cast %get3A_573 : vector<1x1x16xf32> to vector<16xf32>
        %add3A_575 = arith.addf %get3A_574, %bitcast_convert_type3A_563 : vector<16xf32>
        %max3A_576 = arith.constant 0.000000e+00 : f32
        %max3A_577 = vector.broadcast %max3A_576 : f32 to vector<16xf32>
        %max3A_578 = arith.maximumf %add3A_569, %max3A_577 : vector<16xf32>
        %swap3A_579 = arith.index_cast %rem3A_348 : i32 to index
        %swap3A_580 = arith.index_cast %scan3A_550 : i32 to index
        %swap3A_581 = arith.constant 0 : index
        %swap3A_582 = tpu.vector_load %arg11[%swap3A_579, %swap3A_580, %swap3A_581] {strides = array<i32>} : memref<4x100x32xf32, #tpu.memory_space<vmem>>, vector<1x1x16xf32>,
        %swap3A_583 = vector.shape_cast %swap3A_582 : vector<1x1x16xf32> to vector<16xf32>
        %swap3A_584 = vector.shape_cast %max3A_578 : vector<16xf32> to vector<1x1x16xf32>
        tpu.vector_store %arg11[%swap3A_579, %swap3A_580, %swap3A_581], %swap3A_584 {strides = array<i32>} : memref<4x100x32xf32, #tpu.memory_space<vmem>>, vector<1x1x16xf32>,
        %max3A_585 = arith.constant 0.000000e+00 : f32
        %max3A_586 = vector.broadcast %max3A_585 : f32 to vector<16xf32>
        %max3A_587 = arith.maximumf %add3A_575, %max3A_586 : vector<16xf32>
        %swap3A_588 = arith.index_cast %rem3A_348 : i32 to index
        %swap3A_589 = arith.index_cast %scan3A_550 : i32 to index
        %swap3A_590 = arith.constant 16 : index
        %swap3A_591 = tpu.vector_load %arg11[%swap3A_588, %swap3A_589, %swap3A_590] {strides = array<i32>} : memref<4x100x32xf32, #tpu.memory_space<vmem>>, vector<1x1x16xf32>,
        %swap3A_592 = vector.shape_cast %swap3A_591 : vector<1x1x16xf32> to vector<16xf32>
        %swap3A_593 = vector.shape_cast %max3A_587 : vector<16xf32> to vector<1x1x16xf32>
        tpu.vector_store %arg11[%swap3A_588, %swap3A_589, %swap3A_590], %swap3A_593 {strides = array<i32>} : memref<4x100x32xf32, #tpu.memory_space<vmem>>, vector<1x1x16xf32>,
        %scan3A_594 = arith.constant 0 : i32
        %scan3A_595 = arith.constant 4 : i32
        %scan3A_596 = arith.addi %scan3A_417, %scan3A_595 : i32
        %get3A_597 = arith.index_cast %rem3A_346 : i32 to index
        %get3A_598 = arith.index_cast %scan3A_596 : i32 to index
        %get3A_599 = arith.constant 0 : index
        %get3A_600 = tpu.vector_load %arg10[%get3A_597, %get3A_598, %get3A_599] {strides = array<i32>} : memref<3x100x16xi32, #tpu.memory_space<vmem>>, vector<1x1x16xi32>,
        %get3A_601 = vector.shape_cast %get3A_600 : vector<1x1x16xi32> to vector<16xi32>
        %shift_left3A_602 = arith.constant 16 : i32
        %shift_left3A_603 = vector.broadcast %shift_left3A_602 : i32 to vector<16xi32>
        %shift_left3A_604 = arith.shli %get3A_601, %shift_left3A_603 : vector<16xi32>
        %bitcast_convert_type3A_605 = tpu.bitcast %shift_left3A_604 : vector<16xi32> -> vector<16xf32>
        %and3A_606 = arith.constant -65536 : i32
        %and3A_607 = vector.broadcast %and3A_606 : i32 to vector<16xi32>
        %and3A_608 = arith.andi %get3A_601, %and3A_607 : vector<16xi32>
        %bitcast_convert_type3A_609 = tpu.bitcast %and3A_608 : vector<16xi32> -> vector<16xf32>
        %get3A_610 = arith.index_cast %rem3A_346 : i32 to index
        %get3A_611 = arith.index_cast %scan3A_596 : i32 to index
        %get3A_612 = arith.constant 0 : index
        %get3A_613 = tpu.vector_load %arg9[%get3A_610, %get3A_611, %get3A_612] {strides = array<i32>} : memref<3x100x32xf32, #tpu.memory_space<vmem>>, vector<1x1x16xf32>,
        %get3A_614 = vector.shape_cast %get3A_613 : vector<1x1x16xf32> to vector<16xf32>
        %add3A_615 = arith.addf %get3A_614, %bitcast_convert_type3A_605 : vector<16xf32>
        %get3A_616 = arith.index_cast %rem3A_346 : i32 to index
        %get3A_617 = arith.index_cast %scan3A_596 : i32 to index
        %get3A_618 = arith.constant 16 : index
        %get3A_619 = tpu.vector_load %arg9[%get3A_616, %get3A_617, %get3A_618] {strides = array<i32>} : memref<3x100x32xf32, #tpu.memory_space<vmem>>, vector<1x1x16xf32>,
        %get3A_620 = vector.shape_cast %get3A_619 : vector<1x1x16xf32> to vector<16xf32>
        %add3A_621 = arith.addf %get3A_620, %bitcast_convert_type3A_609 : vector<16xf32>
        %max3A_622 = arith.constant 0.000000e+00 : f32
        %max3A_623 = vector.broadcast %max3A_622 : f32 to vector<16xf32>
        %max3A_624 = arith.maximumf %add3A_615, %max3A_623 : vector<16xf32>
        %swap3A_625 = arith.index_cast %rem3A_348 : i32 to index
        %swap3A_626 = arith.index_cast %scan3A_596 : i32 to index
        %swap3A_627 = arith.constant 0 : index
        %swap3A_628 = tpu.vector_load %arg11[%swap3A_625, %swap3A_626, %swap3A_627] {strides = array<i32>} : memref<4x100x32xf32, #tpu.memory_space<vmem>>, vector<1x1x16xf32>,
        %swap3A_629 = vector.shape_cast %swap3A_628 : vector<1x1x16xf32> to vector<16xf32>
        %swap3A_630 = vector.shape_cast %max3A_624 : vector<16xf32> to vector<1x1x16xf32>
        tpu.vector_store %arg11[%swap3A_625, %swap3A_626, %swap3A_627], %swap3A_630 {strides = array<i32>} : memref<4x100x32xf32, #tpu.memory_space<vmem>>, vector<1x1x16xf32>,
        %max3A_631 = arith.constant 0.000000e+00 : f32
        %max3A_632 = vector.broadcast %max3A_631 : f32 to vector<16xf32>
        %max3A_633 = arith.maximumf %add3A_621, %max3A_632 : vector<16xf32>
        %swap3A_634 = arith.index_cast %rem3A_348 : i32 to index
        %swap3A_635 = arith.index_cast %scan3A_596 : i32 to index
        %swap3A_636 = arith.constant 16 : index
        %swap3A_637 = tpu.vector_load %arg11[%swap3A_634, %swap3A_635, %swap3A_636] {strides = array<i32>} : memref<4x100x32xf32, #tpu.memory_space<vmem>>, vector<1x1x16xf32>,
        %swap3A_638 = vector.shape_cast %swap3A_637 : vector<1x1x16xf32> to vector<16xf32>
        %swap3A_639 = vector.shape_cast %max3A_633 : vector<16xf32> to vector<1x1x16xf32>
        tpu.vector_store %arg11[%swap3A_634, %swap3A_635, %swap3A_636], %swap3A_639 {strides = array<i32>} : memref<4x100x32xf32, #tpu.memory_space<vmem>>, vector<1x1x16xf32>,
        %scan3A_640 = arith.constant 0 : i32
        %scan3A_641 = arith.constant 5 : i32
        %scan3A_642 = arith.addi %scan3A_417, %scan3A_641 : i32
        %get3A_643 = arith.index_cast %rem3A_346 : i32 to index
        %get3A_644 = arith.index_cast %scan3A_642 : i32 to index
        %get3A_645 = arith.constant 0 : index
        %get3A_646 = tpu.vector_load %arg10[%get3A_643, %get3A_644, %get3A_645] {strides = array<i32>} : memref<3x100x16xi32, #tpu.memory_space<vmem>>, vector<1x1x16xi32>,
        %get3A_647 = vector.shape_cast %get3A_646 : vector<1x1x16xi32> to vector<16xi32>
        %shift_left3A_648 = arith.constant 16 : i32
        %shift_left3A_649 = vector.broadcast %shift_left3A_648 : i32 to vector<16xi32>
        %shift_left3A_650 = arith.shli %get3A_647, %shift_left3A_649 : vector<16xi32>
        %bitcast_convert_type3A_651 = tpu.bitcast %shift_left3A_650 : vector<16xi32> -> vector<16xf32>
        %and3A_652 = arith.constant -65536 : i32
        %and3A_653 = vector.broadcast %and3A_652 : i32 to vector<16xi32>
        %and3A_654 = arith.andi %get3A_647, %and3A_653 : vector<16xi32>
        %bitcast_convert_type3A_655 = tpu.bitcast %and3A_654 : vector<16xi32> -> vector<16xf32>
        %get3A_656 = arith.index_cast %rem3A_346 : i32 to index
        %get3A_657 = arith.index_cast %scan3A_642 : i32 to index
        %get3A_658 = arith.constant 0 : index
        %get3A_659 = tpu.vector_load %arg9[%get3A_656, %get3A_657, %get3A_658] {strides = array<i32>} : memref<3x100x32xf32, #tpu.memory_space<vmem>>, vector<1x1x16xf32>,
        %get3A_660 = vector.shape_cast %get3A_659 : vector<1x1x16xf32> to vector<16xf32>
        %add3A_661 = arith.addf %get3A_660, %bitcast_convert_type3A_651 : vector<16xf32>
        %get3A_662 = arith.index_cast %rem3A_346 : i32 to index
        %get3A_663 = arith.index_cast %scan3A_642 : i32 to index
        %get3A_664 = arith.constant 16 : index
        %get3A_665 = tpu.vector_load %arg9[%get3A_662, %get3A_663, %get3A_664] {strides = array<i32>} : memref<3x100x32xf32, #tpu.memory_space<vmem>>, vector<1x1x16xf32>,
        %get3A_666 = vector.shape_cast %get3A_665 : vector<1x1x16xf32> to vector<16xf32>
        %add3A_667 = arith.addf %get3A_666, %bitcast_convert_type3A_655 : vector<16xf32>
        %max3A_668 = arith.constant 0.000000e+00 : f32
        %max3A_669 = vector.broadcast %max3A_668 : f32 to vector<16xf32>
        %max3A_670 = arith.maximumf %add3A_661, %max3A_669 : vector<16xf32>
        %swap3A_671 = arith.index_cast %rem3A_348 : i32 to index
        %swap3A_672 = arith.index_cast %scan3A_642 : i32 to index
        %swap3A_673 = arith.constant 0 : index
        %swap3A_674 = tpu.vector_load %arg11[%swap3A_671, %swap3A_672, %swap3A_673] {strides = array<i32>} : memref<4x100x32xf32, #tpu.memory_space<vmem>>, vector<1x1x16xf32>,
        %swap3A_675 = vector.shape_cast %swap3A_674 : vector<1x1x16xf32> to vector<16xf32>
        %swap3A_676 = vector.shape_cast %max3A_670 : vector<16xf32> to vector<1x1x16xf32>
        tpu.vector_store %arg11[%swap3A_671, %swap3A_672, %swap3A_673], %swap3A_676 {strides = array<i32>} : memref<4x100x32xf32, #tpu.memory_space<vmem>>, vector<1x1x16xf32>,
        %max3A_677 = arith.constant 0.000000e+00 : f32
        %max3A_678 = vector.broadcast %max3A_677 : f32 to vector<16xf32>
        %max3A_679 = arith.maximumf %add3A_667, %max3A_678 : vector<16xf32>
        %swap3A_680 = arith.index_cast %rem3A_348 : i32 to index
        %swap3A_681 = arith.index_cast %scan3A_642 : i32 to index
        %swap3A_682 = arith.constant 16 : index
        %swap3A_683 = tpu.vector_load %arg11[%swap3A_680, %swap3A_681, %swap3A_682] {strides = array<i32>} : memref<4x100x32xf32, #tpu.memory_space<vmem>>, vector<1x1x16xf32>,
        %swap3A_684 = vector.shape_cast %swap3A_683 : vector<1x1x16xf32> to vector<16xf32>
        %swap3A_685 = vector.shape_cast %max3A_679 : vector<16xf32> to vector<1x1x16xf32>
        tpu.vector_store %arg11[%swap3A_680, %swap3A_681, %swap3A_682], %swap3A_685 {strides = array<i32>} : memref<4x100x32xf32, #tpu.memory_space<vmem>>, vector<1x1x16xf32>,
        %scan3A_686 = arith.constant 0 : i32
        %scan3A_687 = arith.constant 6 : i32
        %scan3A_688 = arith.addi %scan3A_417, %scan3A_687 : i32
        %get3A_689 = arith.index_cast %rem3A_346 : i32 to index
        %get3A_690 = arith.index_cast %scan3A_688 : i32 to index
        %get3A_691 = arith.constant 0 : index
        %get3A_692 = tpu.vector_load %arg10[%get3A_689, %get3A_690, %get3A_691] {strides = array<i32>} : memref<3x100x16xi32, #tpu.memory_space<vmem>>, vector<1x1x16xi32>,
        %get3A_693 = vector.shape_cast %get3A_692 : vector<1x1x16xi32> to vector<16xi32>
        %shift_left3A_694 = arith.constant 16 : i32
        %shift_left3A_695 = vector.broadcast %shift_left3A_694 : i32 to vector<16xi32>
        %shift_left3A_696 = arith.shli %get3A_693, %shift_left3A_695 : vector<16xi32>
        %bitcast_convert_type3A_697 = tpu.bitcast %shift_left3A_696 : vector<16xi32> -> vector<16xf32>
        %and3A_698 = arith.constant -65536 : i32
        %and3A_699 = vector.broadcast %and3A_698 : i32 to vector<16xi32>
        %and3A_700 = arith.andi %get3A_693, %and3A_699 : vector<16xi32>
        %bitcast_convert_type3A_701 = tpu.bitcast %and3A_700 : vector<16xi32> -> vector<16xf32>
        %get3A_702 = arith.index_cast %rem3A_346 : i32 to index
        %get3A_703 = arith.index_cast %scan3A_688 : i32 to index
        %get3A_704 = arith.constant 0 : index
        %get3A_705 = tpu.vector_load %arg9[%get3A_702, %get3A_703, %get3A_704] {strides = array<i32>} : memref<3x100x32xf32, #tpu.memory_space<vmem>>, vector<1x1x16xf32>,
        %get3A_706 = vector.shape_cast %get3A_705 : vector<1x1x16xf32> to vector<16xf32>
        %add3A_707 = arith.addf %get3A_706, %bitcast_convert_type3A_697 : vector<16xf32>
        %get3A_708 = arith.index_cast %rem3A_346 : i32 to index
        %get3A_709 = arith.index_cast %scan3A_688 : i32 to index
        %get3A_710 = arith.constant 16 : index
        %get3A_711 = tpu.vector_load %arg9[%get3A_708, %get3A_709, %get3A_710] {strides = array<i32>} : memref<3x100x32xf32, #tpu.memory_space<vmem>>, vector<1x1x16xf32>,
        %get3A_712 = vector.shape_cast %get3A_711 : vector<1x1x16xf32> to vector<16xf32>
        %add3A_713 = arith.addf %get3A_712, %bitcast_convert_type3A_701 : vector<16xf32>
        %max3A_714 = arith.constant 0.000000e+00 : f32
        %max3A_715 = vector.broadcast %max3A_714 : f32 to vector<16xf32>
        %max3A_716 = arith.maximumf %add3A_707, %max3A_715 : vector<16xf32>
        %swap3A_717 = arith.index_cast %rem3A_348 : i32 to index
        %swap3A_718 = arith.index_cast %scan3A_688 : i32 to index
        %swap3A_719 = arith.constant 0 : index
        %swap3A_720 = tpu.vector_load %arg11[%swap3A_717, %swap3A_718, %swap3A_719] {strides = array<i32>} : memref<4x100x32xf32, #tpu.memory_space<vmem>>, vector<1x1x16xf32>,
        %swap3A_721 = vector.shape_cast %swap3A_720 : vector<1x1x16xf32> to vector<16xf32>
        %swap3A_722 = vector.shape_cast %max3A_716 : vector<16xf32> to vector<1x1x16xf32>
        tpu.vector_store %arg11[%swap3A_717, %swap3A_718, %swap3A_719], %swap3A_722 {strides = array<i32>} : memref<4x100x32xf32, #tpu.memory_space<vmem>>, vector<1x1x16xf32>,
        %max3A_723 = arith.constant 0.000000e+00 : f32
        %max3A_724 = vector.broadcast %max3A_723 : f32 to vector<16xf32>
        %max3A_725 = arith.maximumf %add3A_713, %max3A_724 : vector<16xf32>
        %swap3A_726 = arith.index_cast %rem3A_348 : i32 to index
        %swap3A_727 = arith.index_cast %scan3A_688 : i32 to index
        %swap3A_728 = arith.constant 16 : index
        %swap3A_729 = tpu.vector_load %arg11[%swap3A_726, %swap3A_727, %swap3A_728] {strides = array<i32>} : memref<4x100x32xf32, #tpu.memory_space<vmem>>, vector<1x1x16xf32>,
        %swap3A_730 = vector.shape_cast %swap3A_729 : vector<1x1x16xf32> to vector<16xf32>
        %swap3A_731 = vector.shape_cast %max3A_725 : vector<16xf32> to vector<1x1x16xf32>
        tpu.vector_store %arg11[%swap3A_726, %swap3A_727, %swap3A_728], %swap3A_731 {strides = array<i32>} : memref<4x100x32xf32, #tpu.memory_space<vmem>>, vector<1x1x16xf32>,
        %scan3A_732 = arith.constant 0 : i32
        %scan3A_733 = arith.constant 7 : i32
        %scan3A_734 = arith.addi %scan3A_417, %scan3A_733 : i32
        %get3A_735 = arith.index_cast %rem3A_346 : i32 to index
        %get3A_736 = arith.index_cast %scan3A_734 : i32 to index
        %get3A_737 = arith.constant 0 : index
        %get3A_738 = tpu.vector_load %arg10[%get3A_735, %get3A_736, %get3A_737] {strides = array<i32>} : memref<3x100x16xi32, #tpu.memory_space<vmem>>, vector<1x1x16xi32>,
        %get3A_739 = vector.shape_cast %get3A_738 : vector<1x1x16xi32> to vector<16xi32>
        %shift_left3A_740 = arith.constant 16 : i32
        %shift_left3A_741 = vector.broadcast %shift_left3A_740 : i32 to vector<16xi32>
        %shift_left3A_742 = arith.shli %get3A_739, %shift_left3A_741 : vector<16xi32>
        %bitcast_convert_type3A_743 = tpu.bitcast %shift_left3A_742 : vector<16xi32> -> vector<16xf32>
        %and3A_744 = arith.constant -65536 : i32
        %and3A_745 = vector.broadcast %and3A_744 : i32 to vector<16xi32>
        %and3A_746 = arith.andi %get3A_739, %and3A_745 : vector<16xi32>
        %bitcast_convert_type3A_747 = tpu.bitcast %and3A_746 : vector<16xi32> -> vector<16xf32>
        %get3A_748 = arith.index_cast %rem3A_346 : i32 to index
        %get3A_749 = arith.index_cast %scan3A_734 : i32 to index
        %get3A_750 = arith.constant 0 : index
        %get3A_751 = tpu.vector_load %arg9[%get3A_748, %get3A_749, %get3A_750] {strides = array<i32>} : memref<3x100x32xf32, #tpu.memory_space<vmem>>, vector<1x1x16xf32>,
        %get3A_752 = vector.shape_cast %get3A_751 : vector<1x1x16xf32> to vector<16xf32>
        %add3A_753 = arith.addf %get3A_752, %bitcast_convert_type3A_743 : vector<16xf32>
        %get3A_754 = arith.index_cast %rem3A_346 : i32 to index
        %get3A_755 = arith.index_cast %scan3A_734 : i32 to index
        %get3A_756 = arith.constant 16 : index
        %get3A_757 = tpu.vector_load %arg9[%get3A_754, %get3A_755, %get3A_756] {strides = array<i32>} : memref<3x100x32xf32, #tpu.memory_space<vmem>>, vector<1x1x16xf32>,
        %get3A_758 = vector.shape_cast %get3A_757 : vector<1x1x16xf32> to vector<16xf32>
        %add3A_759 = arith.addf %get3A_758, %bitcast_convert_type3A_747 : vector<16xf32>
        %max3A_760 = arith.constant 0.000000e+00 : f32
        %max3A_761 = vector.broadcast %max3A_760 : f32 to vector<16xf32>
        %max3A_762 = arith.maximumf %add3A_753, %max3A_761 : vector<16xf32>
        %swap3A_763 = arith.index_cast %rem3A_348 : i32 to index
        %swap3A_764 = arith.index_cast %scan3A_734 : i32 to index
        %swap3A_765 = arith.constant 0 : index
        %swap3A_766 = tpu.vector_load %arg11[%swap3A_763, %swap3A_764, %swap3A_765] {strides = array<i32>} : memref<4x100x32xf32, #tpu.memory_space<vmem>>, vector<1x1x16xf32>,
        %swap3A_767 = vector.shape_cast %swap3A_766 : vector<1x1x16xf32> to vector<16xf32>
        %swap3A_768 = vector.shape_cast %max3A_762 : vector<16xf32> to vector<1x1x16xf32>
        tpu.vector_store %arg11[%swap3A_763, %swap3A_764, %swap3A_765], %swap3A_768 {strides = array<i32>} : memref<4x100x32xf32, #tpu.memory_space<vmem>>, vector<1x1x16xf32>,
        %max3A_769 = arith.constant 0.000000e+00 : f32
        %max3A_770 = vector.broadcast %max3A_769 : f32 to vector<16xf32>
        %max3A_771 = arith.maximumf %add3A_759, %max3A_770 : vector<16xf32>
        %swap3A_772 = arith.index_cast %rem3A_348 : i32 to index
        %swap3A_773 = arith.index_cast %scan3A_734 : i32 to index
        %swap3A_774 = arith.constant 16 : index
        %swap3A_775 = tpu.vector_load %arg11[%swap3A_772, %swap3A_773, %swap3A_774] {strides = array<i32>} : memref<4x100x32xf32, #tpu.memory_space<vmem>>, vector<1x1x16xf32>,
        %swap3A_776 = vector.shape_cast %swap3A_775 : vector<1x1x16xf32> to vector<16xf32>
        %swap3A_777 = vector.shape_cast %max3A_771 : vector<16xf32> to vector<1x1x16xf32>
        tpu.vector_store %arg11[%swap3A_772, %swap3A_773, %swap3A_774], %swap3A_777 {strides = array<i32>} : memref<4x100x32xf32, #tpu.memory_space<vmem>>, vector<1x1x16xf32>,
        %scan3A_778 = arith.constant 0 : i32
        %scan3A_779 = arith.constant 8 : i32
        %scan3A_780 = arith.addi %scan3A_417, %scan3A_779 : i32
        %get3A_781 = arith.index_cast %rem3A_346 : i32 to index
        %get3A_782 = arith.index_cast %scan3A_780 : i32 to index
        %get3A_783 = arith.constant 0 : index
        %get3A_784 = tpu.vector_load %arg10[%get3A_781, %get3A_782, %get3A_783] {strides = array<i32>} : memref<3x100x16xi32, #tpu.memory_space<vmem>>, vector<1x1x16xi32>,
        %get3A_785 = vector.shape_cast %get3A_784 : vector<1x1x16xi32> to vector<16xi32>
        %shift_left3A_786 = arith.constant 16 : i32
        %shift_left3A_787 = vector.broadcast %shift_left3A_786 : i32 to vector<16xi32>
        %shift_left3A_788 = arith.shli %get3A_785, %shift_left3A_787 : vector<16xi32>
        %bitcast_convert_type3A_789 = tpu.bitcast %shift_left3A_788 : vector<16xi32> -> vector<16xf32>
        %and3A_790 = arith.constant -65536 : i32
        %and3A_791 = vector.broadcast %and3A_790 : i32 to vector<16xi32>
        %and3A_792 = arith.andi %get3A_785, %and3A_791 : vector<16xi32>
        %bitcast_convert_type3A_793 = tpu.bitcast %and3A_792 : vector<16xi32> -> vector<16xf32>
        %get3A_794 = arith.index_cast %rem3A_346 : i32 to index
        %get3A_795 = arith.index_cast %scan3A_780 : i32 to index
        %get3A_796 = arith.constant 0 : index
        %get3A_797 = tpu.vector_load %arg9[%get3A_794, %get3A_795, %get3A_796] {strides = array<i32>} : memref<3x100x32xf32, #tpu.memory_space<vmem>>, vector<1x1x16xf32>,
        %get3A_798 = vector.shape_cast %get3A_797 : vector<1x1x16xf32> to vector<16xf32>
        %add3A_799 = arith.addf %get3A_798, %bitcast_convert_type3A_789 : vector<16xf32>
        %get3A_800 = arith.index_cast %rem3A_346 : i32 to index
        %get3A_801 = arith.index_cast %scan3A_780 : i32 to index
        %get3A_802 = arith.constant 16 : index
        %get3A_803 = tpu.vector_load %arg9[%get3A_800, %get3A_801, %get3A_802] {strides = array<i32>} : memref<3x100x32xf32, #tpu.memory_space<vmem>>, vector<1x1x16xf32>,
        %get3A_804 = vector.shape_cast %get3A_803 : vector<1x1x16xf32> to vector<16xf32>
        %add3A_805 = arith.addf %get3A_804, %bitcast_convert_type3A_793 : vector<16xf32>
        %max3A_806 = arith.constant 0.000000e+00 : f32
        %max3A_807 = vector.broadcast %max3A_806 : f32 to vector<16xf32>
        %max3A_808 = arith.maximumf %add3A_799, %max3A_807 : vector<16xf32>
        %swap3A_809 = arith.index_cast %rem3A_348 : i32 to index
        %swap3A_810 = arith.index_cast %scan3A_780 : i32 to index
        %swap3A_811 = arith.constant 0 : index
        %swap3A_812 = tpu.vector_load %arg11[%swap3A_809, %swap3A_810, %swap3A_811] {strides = array<i32>} : memref<4x100x32xf32, #tpu.memory_space<vmem>>, vector<1x1x16xf32>,
        %swap3A_813 = vector.shape_cast %swap3A_812 : vector<1x1x16xf32> to vector<16xf32>
        %swap3A_814 = vector.shape_cast %max3A_808 : vector<16xf32> to vector<1x1x16xf32>
        tpu.vector_store %arg11[%swap3A_809, %swap3A_810, %swap3A_811], %swap3A_814 {strides = array<i32>} : memref<4x100x32xf32, #tpu.memory_space<vmem>>, vector<1x1x16xf32>,
        %max3A_815 = arith.constant 0.000000e+00 : f32
        %max3A_816 = vector.broadcast %max3A_815 : f32 to vector<16xf32>
        %max3A_817 = arith.maximumf %add3A_805, %max3A_816 : vector<16xf32>
        %swap3A_818 = arith.index_cast %rem3A_348 : i32 to index
        %swap3A_819 = arith.index_cast %scan3A_780 : i32 to index
        %swap3A_820 = arith.constant 16 : index
        %swap3A_821 = tpu.vector_load %arg11[%swap3A_818, %swap3A_819, %swap3A_820] {strides = array<i32>} : memref<4x100x32xf32, #tpu.memory_space<vmem>>, vector<1x1x16xf32>,
        %swap3A_822 = vector.shape_cast %swap3A_821 : vector<1x1x16xf32> to vector<16xf32>
        %swap3A_823 = vector.shape_cast %max3A_817 : vector<16xf32> to vector<1x1x16xf32>
        tpu.vector_store %arg11[%swap3A_818, %swap3A_819, %swap3A_820], %swap3A_823 {strides = array<i32>} : memref<4x100x32xf32, #tpu.memory_space<vmem>>, vector<1x1x16xf32>,
        %scan3A_824 = arith.constant 0 : i32
        %scan3A_825 = arith.constant 9 : i32
        %scan3A_826 = arith.addi %scan3A_417, %scan3A_825 : i32
        %get3A_827 = arith.index_cast %rem3A_346 : i32 to index
        %get3A_828 = arith.index_cast %scan3A_826 : i32 to index
        %get3A_829 = arith.constant 0 : index
        %get3A_830 = tpu.vector_load %arg10[%get3A_827, %get3A_828, %get3A_829] {strides = array<i32>} : memref<3x100x16xi32, #tpu.memory_space<vmem>>, vector<1x1x16xi32>,
        %get3A_831 = vector.shape_cast %get3A_830 : vector<1x1x16xi32> to vector<16xi32>
        %shift_left3A_832 = arith.constant 16 : i32
        %shift_left3A_833 = vector.broadcast %shift_left3A_832 : i32 to vector<16xi32>
        %shift_left3A_834 = arith.shli %get3A_831, %shift_left3A_833 : vector<16xi32>
        %bitcast_convert_type3A_835 = tpu.bitcast %shift_left3A_834 : vector<16xi32> -> vector<16xf32>
        %and3A_836 = arith.constant -65536 : i32
        %and3A_837 = vector.broadcast %and3A_836 : i32 to vector<16xi32>
        %and3A_838 = arith.andi %get3A_831, %and3A_837 : vector<16xi32>
        %bitcast_convert_type3A_839 = tpu.bitcast %and3A_838 : vector<16xi32> -> vector<16xf32>
        %get3A_840 = arith.index_cast %rem3A_346 : i32 to index
        %get3A_841 = arith.index_cast %scan3A_826 : i32 to index
        %get3A_842 = arith.constant 0 : index
        %get3A_843 = tpu.vector_load %arg9[%get3A_840, %get3A_841, %get3A_842] {strides = array<i32>} : memref<3x100x32xf32, #tpu.memory_space<vmem>>, vector<1x1x16xf32>,
        %get3A_844 = vector.shape_cast %get3A_843 : vector<1x1x16xf32> to vector<16xf32>
        %add3A_845 = arith.addf %get3A_844, %bitcast_convert_type3A_835 : vector<16xf32>
        %get3A_846 = arith.index_cast %rem3A_346 : i32 to index
        %get3A_847 = arith.index_cast %scan3A_826 : i32 to index
        %get3A_848 = arith.constant 16 : index
        %get3A_849 = tpu.vector_load %arg9[%get3A_846, %get3A_847, %get3A_848] {strides = array<i32>} : memref<3x100x32xf32, #tpu.memory_space<vmem>>, vector<1x1x16xf32>,
        %get3A_850 = vector.shape_cast %get3A_849 : vector<1x1x16xf32> to vector<16xf32>
        %add3A_851 = arith.addf %get3A_850, %bitcast_convert_type3A_839 : vector<16xf32>
        %max3A_852 = arith.constant 0.000000e+00 : f32
        %max3A_853 = vector.broadcast %max3A_852 : f32 to vector<16xf32>
        %max3A_854 = arith.maximumf %add3A_845, %max3A_853 : vector<16xf32>
        %swap3A_855 = arith.index_cast %rem3A_348 : i32 to index
        %swap3A_856 = arith.index_cast %scan3A_826 : i32 to index
        %swap3A_857 = arith.constant 0 : index
        %swap3A_858 = tpu.vector_load %arg11[%swap3A_855, %swap3A_856, %swap3A_857] {strides = array<i32>} : memref<4x100x32xf32, #tpu.memory_space<vmem>>, vector<1x1x16xf32>,
        %swap3A_859 = vector.shape_cast %swap3A_858 : vector<1x1x16xf32> to vector<16xf32>
        %swap3A_860 = vector.shape_cast %max3A_854 : vector<16xf32> to vector<1x1x16xf32>
        tpu.vector_store %arg11[%swap3A_855, %swap3A_856, %swap3A_857], %swap3A_860 {strides = array<i32>} : memref<4x100x32xf32, #tpu.memory_space<vmem>>, vector<1x1x16xf32>,
        %max3A_861 = arith.constant 0.000000e+00 : f32
        %max3A_862 = vector.broadcast %max3A_861 : f32 to vector<16xf32>
        %max3A_863 = arith.maximumf %add3A_851, %max3A_862 : vector<16xf32>
        %swap3A_864 = arith.index_cast %rem3A_348 : i32 to index
        %swap3A_865 = arith.index_cast %scan3A_826 : i32 to index
        %swap3A_866 = arith.constant 16 : index
        %swap3A_867 = tpu.vector_load %arg11[%swap3A_864, %swap3A_865, %swap3A_866] {strides = array<i32>} : memref<4x100x32xf32, #tpu.memory_space<vmem>>, vector<1x1x16xf32>,
        %swap3A_868 = vector.shape_cast %swap3A_867 : vector<1x1x16xf32> to vector<16xf32>
        %swap3A_869 = vector.shape_cast %max3A_863 : vector<16xf32> to vector<1x1x16xf32>
        tpu.vector_store %arg11[%swap3A_864, %swap3A_865, %swap3A_866], %swap3A_869 {strides = array<i32>} : memref<4x100x32xf32, #tpu.memory_space<vmem>>, vector<1x1x16xf32>,
        %scan3A_870 = arith.constant 0 : i32
        scf.yield %scan3A_870 : i32
      }
      %scan3A_401 = arith.constant 100 : i32
      %rem3A_402 = arith.constant 8 : i32
      %rem3A_403 = arith.remsi %scan3A_343, %rem3A_402 : i32
      %dma_start3A_404 = arith.constant 0 : i32
      %dma_start3A_405 = arith.constant 0 : i32
      %dma_start3A_406 = tpu.memref_slice %arg11[%rem3A_348, %dma_start3A_404, %dma_start3A_405] : memref<4x100x32xf32, #tpu.memory_space<vmem>> -> memref<1x100x32xf32, #tpu.memory_space<vmem>>
      %dma_start3A_407 = tpu.memref_squeeze %dma_start3A_406 : memref<1x100x32xf32, #tpu.memory_space<vmem>> -> memref<100x32xf32, #tpu.memory_space<vmem>>
      %dma_start3A_408 = arith.constant 0 : i32
      %dma_start3A_409 = tpu.memref_slice %arg8[%rem3A_403, %dma_start3A_408] : memref<8x100xi32, #tpu.memory_space<vmem>> -> memref<1x100xi32, #tpu.memory_space<vmem>>
      %dma_start3A_410 = tpu.memref_squeeze %dma_start3A_409 : memref<1x100xi32, #tpu.memory_space<vmem>> -> memref<100xi32, #tpu.memory_space<vmem>>
      %dma_start3A_411 = arith.constant 0 : i32
      %dma_start3A_412 = arith.constant 0 : i32
      %dma_start3A_413 = tpu.memref_slice %arg12[%dma_start3A_411, %dma_start3A_412] : memref<50176x32xf32, #tpu.memory_space<vmem_shared>> -> memref<50176x32xf32, #tpu.memory_space<vmem_shared>>
      %dma_start3A_414 = tpu.memref_slice %arg15[%rem3A_348] : memref<4x!tpu.dma_semaphore, #tpu.memory_space<semaphore_mem>> -> memref<1x!tpu.dma_semaphore, #tpu.memory_space<semaphore_mem>>
      %dma_start3A_415 = tpu.memref_squeeze %dma_start3A_414 : memref<1x!tpu.dma_semaphore, #tpu.memory_space<semaphore_mem>> -> memref<!tpu.dma_semaphore, #tpu.memory_space<semaphore_mem>>
      tpu.enqueue_indirect_dma source(%dma_start3A_407 : memref<100x32xf32, #tpu.memory_space<vmem>>) target(%dma_start3A_413 : memref<50176x32xf32, #tpu.memory_space<vmem_shared>>) offsets(%dma_start3A_410 : memref<100xi32, #tpu.memory_space<vmem>>) semaphore(%dma_start3A_415 : memref<!tpu.dma_semaphore, #tpu.memory_space<semaphore_mem>>) {add = true}
      %scan3A_416 = arith.constant 0 : i32
      scf.yield %scan3A_416 : i32
    }
    %scan3A_279 = arith.constant 500 : i32
    %dma_wait3A_280 = arith.constant 0 : i32
    %dma_wait3A_281 = arith.constant 0 : i32
    %dma_wait3A_282 = arith.constant 0 : i32
    %dma_wait3A_283 = arith.constant 0 : i32
    %dma_wait3A_284 = arith.constant 0 : i32
    %dma_wait3A_285 = tpu.memref_slice %arg11[%dma_wait3A_280, %dma_wait3A_283, %dma_wait3A_284] : memref<4x100x32xf32, #tpu.memory_space<vmem>> -> memref<1x100x32xf32, #tpu.memory_space<vmem>>
    %dma_wait3A_286 = tpu.memref_squeeze %dma_wait3A_285 : memref<1x100x32xf32, #tpu.memory_space<vmem>> -> memref<100x32xf32, #tpu.memory_space<vmem>>
    %dma_wait3A_287 = arith.constant 0 : i32
    %dma_wait3A_288 = tpu.memref_slice %arg8[%dma_wait3A_281, %dma_wait3A_287] : memref<8x100xi32, #tpu.memory_space<vmem>> -> memref<1x100xi32, #tpu.memory_space<vmem>>
    %dma_wait3A_289 = tpu.memref_squeeze %dma_wait3A_288 : memref<1x100xi32, #tpu.memory_space<vmem>> -> memref<100xi32, #tpu.memory_space<vmem>>
    %dma_wait3A_290 = arith.constant 0 : i32
    %dma_wait3A_291 = arith.constant 0 : i32
    %dma_wait3A_292 = tpu.memref_slice %arg12[%dma_wait3A_290, %dma_wait3A_291] : memref<50176x32xf32, #tpu.memory_space<vmem_shared>> -> memref<50176x32xf32, #tpu.memory_space<vmem_shared>>
    %dma_wait3A_293 = tpu.memref_slice %arg15[%dma_wait3A_282] : memref<4x!tpu.dma_semaphore, #tpu.memory_space<semaphore_mem>> -> memref<1x!tpu.dma_semaphore, #tpu.memory_space<semaphore_mem>>
    %dma_wait3A_294 = tpu.memref_squeeze %dma_wait3A_293 : memref<1x!tpu.dma_semaphore, #tpu.memory_space<semaphore_mem>> -> memref<!tpu.dma_semaphore, #tpu.memory_space<semaphore_mem>>
    tpu.wait_indirect_dma semaphore(%dma_wait3A_294 : memref<!tpu.dma_semaphore, #tpu.memory_space<semaphore_mem>>) src(%dma_wait3A_286 : memref<100x32xf32, #tpu.memory_space<vmem>>) dst(%dma_wait3A_292 : memref<50176x32xf32, #tpu.memory_space<vmem_shared>>)
    %dma_wait3A_295 = arith.constant 1 : i32
    %dma_wait3A_296 = arith.constant 0 : i32
    %dma_wait3A_297 = arith.constant 1 : i32
    %dma_wait3A_298 = arith.constant 0 : i32
    %dma_wait3A_299 = arith.constant 0 : i32
    %dma_wait3A_300 = tpu.memref_slice %arg11[%dma_wait3A_295, %dma_wait3A_298, %dma_wait3A_299] : memref<4x100x32xf32, #tpu.memory_space<vmem>> -> memref<1x100x32xf32, #tpu.memory_space<vmem>>
    %dma_wait3A_301 = tpu.memref_squeeze %dma_wait3A_300 : memref<1x100x32xf32, #tpu.memory_space<vmem>> -> memref<100x32xf32, #tpu.memory_space<vmem>>
    %dma_wait3A_302 = arith.constant 0 : i32
    %dma_wait3A_303 = tpu.memref_slice %arg8[%dma_wait3A_296, %dma_wait3A_302] : memref<8x100xi32, #tpu.memory_space<vmem>> -> memref<1x100xi32, #tpu.memory_space<vmem>>
    %dma_wait3A_304 = tpu.memref_squeeze %dma_wait3A_303 : memref<1x100xi32, #tpu.memory_space<vmem>> -> memref<100xi32, #tpu.memory_space<vmem>>
    %dma_wait3A_305 = arith.constant 0 : i32
    %dma_wait3A_306 = arith.constant 0 : i32
    %dma_wait3A_307 = tpu.memref_slice %arg12[%dma_wait3A_305, %dma_wait3A_306] : memref<50176x32xf32, #tpu.memory_space<vmem_shared>> -> memref<50176x32xf32, #tpu.memory_space<vmem_shared>>
    %dma_wait3A_308 = tpu.memref_slice %arg15[%dma_wait3A_297] : memref<4x!tpu.dma_semaphore, #tpu.memory_space<semaphore_mem>> -> memref<1x!tpu.dma_semaphore, #tpu.memory_space<semaphore_mem>>
    %dma_wait3A_309 = tpu.memref_squeeze %dma_wait3A_308 : memref<1x!tpu.dma_semaphore, #tpu.memory_space<semaphore_mem>> -> memref<!tpu.dma_semaphore, #tpu.memory_space<semaphore_mem>>
    tpu.wait_indirect_dma semaphore(%dma_wait3A_309 : memref<!tpu.dma_semaphore, #tpu.memory_space<semaphore_mem>>) src(%dma_wait3A_301 : memref<100x32xf32, #tpu.memory_space<vmem>>) dst(%dma_wait3A_307 : memref<50176x32xf32, #tpu.memory_space<vmem_shared>>)
    %dma_wait3A_310 = arith.constant 2 : i32
    %dma_wait3A_311 = arith.constant 0 : i32
    %dma_wait3A_312 = arith.constant 2 : i32
    %dma_wait3A_313 = arith.constant 0 : i32
    %dma_wait3A_314 = arith.constant 0 : i32
    %dma_wait3A_315 = tpu.memref_slice %arg11[%dma_wait3A_310, %dma_wait3A_313, %dma_wait3A_314] : memref<4x100x32xf32, #tpu.memory_space<vmem>> -> memref<1x100x32xf32, #tpu.memory_space<vmem>>
    %dma_wait3A_316 = tpu.memref_squeeze %dma_wait3A_315 : memref<1x100x32xf32, #tpu.memory_space<vmem>> -> memref<100x32xf32, #tpu.memory_space<vmem>>
    %dma_wait3A_317 = arith.constant 0 : i32
    %dma_wait3A_318 = tpu.memref_slice %arg8[%dma_wait3A_311, %dma_wait3A_317] : memref<8x100xi32, #tpu.memory_space<vmem>> -> memref<1x100xi32, #tpu.memory_space<vmem>>
    %dma_wait3A_319 = tpu.memref_squeeze %dma_wait3A_318 : memref<1x100xi32, #tpu.memory_space<vmem>> -> memref<100xi32, #tpu.memory_space<vmem>>
    %dma_wait3A_320 = arith.constant 0 : i32
    %dma_wait3A_321 = arith.constant 0 : i32
    %dma_wait3A_322 = tpu.memref_slice %arg12[%dma_wait3A_320, %dma_wait3A_321] : memref<50176x32xf32, #tpu.memory_space<vmem_shared>> -> memref<50176x32xf32, #tpu.memory_space<vmem_shared>>
    %dma_wait3A_323 = tpu.memref_slice %arg15[%dma_wait3A_312] : memref<4x!tpu.dma_semaphore, #tpu.memory_space<semaphore_mem>> -> memref<1x!tpu.dma_semaphore, #tpu.memory_space<semaphore_mem>>
    %dma_wait3A_324 = tpu.memref_squeeze %dma_wait3A_323 : memref<1x!tpu.dma_semaphore, #tpu.memory_space<semaphore_mem>> -> memref<!tpu.dma_semaphore, #tpu.memory_space<semaphore_mem>>
    tpu.wait_indirect_dma semaphore(%dma_wait3A_324 : memref<!tpu.dma_semaphore, #tpu.memory_space<semaphore_mem>>) src(%dma_wait3A_316 : memref<100x32xf32, #tpu.memory_space<vmem>>) dst(%dma_wait3A_322 : memref<50176x32xf32, #tpu.memory_space<vmem_shared>>)
    %dma_wait3A_325 = arith.constant 3 : i32
    %dma_wait3A_326 = arith.constant 0 : i32
    %dma_wait3A_327 = arith.constant 3 : i32
    %dma_wait3A_328 = arith.constant 0 : i32
    %dma_wait3A_329 = arith.constant 0 : i32
    %dma_wait3A_330 = tpu.memref_slice %arg11[%dma_wait3A_325, %dma_wait3A_328, %dma_wait3A_329] : memref<4x100x32xf32, #tpu.memory_space<vmem>> -> memref<1x100x32xf32, #tpu.memory_space<vmem>>
    %dma_wait3A_331 = tpu.memref_squeeze %dma_wait3A_330 : memref<1x100x32xf32, #tpu.memory_space<vmem>> -> memref<100x32xf32, #tpu.memory_space<vmem>>
    %dma_wait3A_332 = arith.constant 0 : i32
    %dma_wait3A_333 = tpu.memref_slice %arg8[%dma_wait3A_326, %dma_wait3A_332] : memref<8x100xi32, #tpu.memory_space<vmem>> -> memref<1x100xi32, #tpu.memory_space<vmem>>
    %dma_wait3A_334 = tpu.memref_squeeze %dma_wait3A_333 : memref<1x100xi32, #tpu.memory_space<vmem>> -> memref<100xi32, #tpu.memory_space<vmem>>
    %dma_wait3A_335 = arith.constant 0 : i32
    %dma_wait3A_336 = arith.constant 0 : i32
    %dma_wait3A_337 = tpu.memref_slice %arg12[%dma_wait3A_335, %dma_wait3A_336] : memref<50176x32xf32, #tpu.memory_space<vmem_shared>> -> memref<50176x32xf32, #tpu.memory_space<vmem_shared>>
    %dma_wait3A_338 = tpu.memref_slice %arg15[%dma_wait3A_327] : memref<4x!tpu.dma_semaphore, #tpu.memory_space<semaphore_mem>> -> memref<1x!tpu.dma_semaphore, #tpu.memory_space<semaphore_mem>>
    %dma_wait3A_339 = tpu.memref_squeeze %dma_wait3A_338 : memref<1x!tpu.dma_semaphore, #tpu.memory_space<semaphore_mem>> -> memref<!tpu.dma_semaphore, #tpu.memory_space<semaphore_mem>>
    tpu.wait_indirect_dma semaphore(%dma_wait3A_339 : memref<!tpu.dma_semaphore, #tpu.memory_space<semaphore_mem>>) src(%dma_wait3A_331 : memref<100x32xf32, #tpu.memory_space<vmem>>) dst(%dma_wait3A_337 : memref<50176x32xf32, #tpu.memory_space<vmem_shared>>)
    %barrier3A_340 = arith.constant 0 : index
    tpu.barrier barrier_id(%barrier3A_340)
    %mul3A_341 = arith.constant 3136 : i32
    %mul3A_342 = arith.muli %arg1, %mul3A_341 : i32
    "tpu.region"() ({
      %run_scoped3A = tpu.sem_alloc : memref<!tpu.dma_semaphore, #tpu.memory_space<semaphore_mem>>
      %dma_start3A_343 = arith.constant 0 : i32
      %dma_start3A_344 = tpu.memref_slice %arg6[%arg0, %mul3A_342, %dma_start3A_343] : memref<2x50176x32xf32, #tpu.memory_space<hbm>> -> memref<1x3136x32xf32, #tpu.memory_space<hbm>>
      %dma_start3A_345 = tpu.memref_squeeze %dma_start3A_344 : memref<1x3136x32xf32, #tpu.memory_space<hbm>> -> memref<3136x32xf32, #tpu.memory_space<hbm>>
      %dma_start3A_346 = arith.constant 0 : i32
      %dma_start3A_347 = tpu.memref_slice %arg12[%mul3A_342, %dma_start3A_346] : memref<50176x32xf32, #tpu.memory_space<vmem_shared>> -> memref<3136x32xf32, #tpu.memory_space<vmem_shared>>
      tpu.enqueue_dma source(%dma_start3A_347 : memref<3136x32xf32, #tpu.memory_space<vmem_shared>>) target(%dma_start3A_345 : memref<3136x32xf32, #tpu.memory_space<hbm>>) target_semaphore(%run_scoped3A : memref<!tpu.dma_semaphore, #tpu.memory_space<semaphore_mem>>)
      %dma_wait3A_348 = arith.constant 0 : i32
      %dma_wait3A_349 = tpu.memref_slice %arg6[%arg0, %mul3A_342, %dma_wait3A_348] : memref<2x50176x32xf32, #tpu.memory_space<hbm>> -> memref<1x3136x32xf32, #tpu.memory_space<hbm>>
      %dma_wait3A_350 = tpu.memref_squeeze %dma_wait3A_349 : memref<1x3136x32xf32, #tpu.memory_space<hbm>> -> memref<3136x32xf32, #tpu.memory_space<hbm>>
      %dma_wait3A_351 = arith.constant 0 : i32
      %dma_wait3A_352 = tpu.memref_slice %arg12[%mul3A_342, %dma_wait3A_351] : memref<50176x32xf32, #tpu.memory_space<vmem_shared>> -> memref<3136x32xf32, #tpu.memory_space<vmem_shared>>
      tpu.wait_dma2 semaphore(%run_scoped3A : memref<!tpu.dma_semaphore, #tpu.memory_space<semaphore_mem>>) src(%dma_wait3A_352 : memref<3136x32xf32, #tpu.memory_space<vmem_shared>>) dst(%dma_wait3A_350 : memref<3136x32xf32, #tpu.memory_space<hbm>>)
      tpu.yield
    }) : () -> ()
    return
  }
}

#map = affine_map<(d0, d1) -> (0, 0)>
#map1 = affine_map<(d0, d1) -> (0, 0, 0)>
module attributes {stable_mosaic.version = 14 : i64} {
  func.func @_sc_edge_pass(%arg0: i32, %arg1: i32, %arg2: memref<50000x32xf32, #tpu.memory_space<hbm>>, %arg3: memref<1600000x48xi32, #tpu.memory_space<hbm>>, %arg4: memref<16000x100xi32, #tpu.memory_space<hbm>>, %arg5: memref<16000x100xi32, #tpu.memory_space<hbm>>, %arg6: memref<2x50176x32xf32, #tpu.memory_space<hbm>>, %arg7: memref<3x100xi32, #tpu.memory_space<vmem>>, %arg8: memref<8x100xi32, #tpu.memory_space<vmem>>, %arg9: memref<3x100x32xf32, #tpu.memory_space<vmem>>, %arg10: memref<3x100x16xi32, #tpu.memory_space<vmem>>, %arg11: memref<4x100x32xf32, #tpu.memory_space<vmem>>, %arg12: memref<50176x32xf32, #tpu.memory_space<vmem_shared>>, %arg13: memref<3x!tpu.dma_semaphore, #tpu.memory_space<semaphore_mem>>, %arg14: memref<3x!tpu.dma_semaphore, #tpu.memory_space<semaphore_mem>>, %arg15: memref<4x!tpu.dma_semaphore, #tpu.memory_space<semaphore_mem>>) attributes {dimension_semantics = [#tpu.dimension_semantics<core_parallel>, #tpu.dimension_semantics<subcore_parallel>], iteration_bounds = array<i64: 2, 16>, scalar_prefetch = 0 : i64, scratch_operands = 9 : i64, tpu.core_type = #tpu.core_type<sc_vector_subcore>, window_params = [{transform_indices = #map}, {transform_indices = #map}, {transform_indices = #map}, {transform_indices = #map}, {transform_indices = #map1}]} {
    %scan3A = arith.constant 0 : i32
    %scan3A_0 = arith.constant 0 : i32
    %scan3A_1 = arith.constant 0 : i32
    %scan3A_2 = arith.constant 100 : i32
    %scan3A_3 = arith.addi %scan3A_1, %scan3A_2 : i32
    %scan3A_4 = arith.constant 1 : i32
    %scan3A_5 = scf.for %scan3A_343 = %scan3A_1 to %scan3A_3 step %scan3A_4 iter_args(%scan3A_344 = %scan3A_0) -> (i32)  : i32 {
      %broadcast_in_dim3A = arith.constant 0.000000e+00 : f32
      %broadcast_in_dim3A_345 = vector.broadcast %broadcast_in_dim3A : f32 to vector<16xf32>
      %swap3A = arith.constant 0 : i32
      %swap3A_346 = arith.constant 0 : i32
      %swap3A_347 = tpu.memref_slice %arg11[%scan3A, %swap3A, %swap3A_346] : memref<4x100x32xf32, #tpu.memory_space<vmem>> -> memref<1x100x32xf32, #tpu.memory_space<vmem>>
      %swap3A_348 = tpu.memref_squeeze %swap3A_347 : memref<1x100x32xf32, #tpu.memory_space<vmem>> -> memref<100x32xf32, #tpu.memory_space<vmem>>
      %swap3A_349 = arith.index_cast %scan3A_343 : i32 to index
      %swap3A_350 = arith.constant 0 : index
      %swap3A_351 = tpu.vector_load %swap3A_348[%swap3A_349, %swap3A_350] {strides = array<i32>} : memref<100x32xf32, #tpu.memory_space<vmem>>, vector<1x16xf32>,
      %swap3A_352 = vector.shape_cast %swap3A_351 : vector<1x16xf32> to vector<16xf32>
      %swap3A_353 = vector.shape_cast %broadcast_in_dim3A_345 : vector<16xf32> to vector<1x16xf32>
      tpu.vector_store %swap3A_348[%swap3A_349, %swap3A_350], %swap3A_353 {strides = array<i32>} : memref<100x32xf32, #tpu.memory_space<vmem>>, vector<1x16xf32>,
      %broadcast_in_dim3A_354 = arith.constant 0.000000e+00 : f32
      %broadcast_in_dim3A_355 = vector.broadcast %broadcast_in_dim3A_354 : f32 to vector<16xf32>
      %swap3A_356 = arith.constant 0 : i32
      %swap3A_357 = arith.constant 0 : i32
      %swap3A_358 = tpu.memref_slice %arg11[%scan3A, %swap3A_356, %swap3A_357] : memref<4x100x32xf32, #tpu.memory_space<vmem>> -> memref<1x100x32xf32, #tpu.memory_space<vmem>>
      %swap3A_359 = tpu.memref_squeeze %swap3A_358 : memref<1x100x32xf32, #tpu.memory_space<vmem>> -> memref<100x32xf32, #tpu.memory_space<vmem>>
      %swap3A_360 = arith.index_cast %scan3A_343 : i32 to index
      %swap3A_361 = arith.constant 16 : index
      %swap3A_362 = tpu.vector_load %swap3A_359[%swap3A_360, %swap3A_361] {strides = array<i32>} : memref<100x32xf32, #tpu.memory_space<vmem>>, vector<1x16xf32>,
      %swap3A_363 = vector.shape_cast %swap3A_362 : vector<1x16xf32> to vector<16xf32>
      %swap3A_364 = vector.shape_cast %broadcast_in_dim3A_355 : vector<16xf32> to vector<1x16xf32>
      tpu.vector_store %swap3A_359[%swap3A_360, %swap3A_361], %swap3A_364 {strides = array<i32>} : memref<100x32xf32, #tpu.memory_space<vmem>>, vector<1x16xf32>,
      %scan3A_365 = arith.constant 0 : i32
      scf.yield %scan3A_365 : i32
    }
    %scan3A_6 = arith.constant 100 : i32
    %mul3A = arith.constant 3136 : i32
    %mul3A_7 = arith.muli %arg1, %mul3A : i32
    %scan3A_8 = arith.constant 0 : i32
    %scan3A_9 = arith.constant 0 : i32
    %scan3A_10 = arith.constant 0 : i32
    %scan3A_11 = arith.constant 56 : i32
    %scan3A_12 = arith.addi %scan3A_10, %scan3A_11 : i32
    %scan3A_13 = arith.constant 1 : i32
    %scan3A_14 = scf.for %scan3A_343 = %scan3A_10 to %scan3A_12 step %scan3A_13 iter_args(%scan3A_344 = %scan3A_9) -> (i32)  : i32 {
      %mul3A_345 = arith.constant 56 : i32
      %mul3A_346 = arith.muli %scan3A_343, %mul3A_345 : i32
      %add3A_347 = arith.addi %mul3A_7, %mul3A_346 : i32
      "tpu.region"() ({
        %run_scoped3A = tpu.sem_alloc : memref<!tpu.dma_semaphore, #tpu.memory_space<semaphore_mem>>
        %dma_start3A_349 = arith.constant 0 : i32
        %dma_start3A_350 = arith.constant 0 : i32
        %dma_start3A_351 = tpu.memref_slice %arg11[%scan3A_8, %dma_start3A_349, %dma_start3A_350] : memref<4x100x32xf32, #tpu.memory_space<vmem>> -> memref<1x56x32xf32, #tpu.memory_space<vmem>>
        %dma_start3A_352 = tpu.memref_squeeze %dma_start3A_351 : memref<1x56x32xf32, #tpu.memory_space<vmem>> -> memref<56x32xf32, #tpu.memory_space<vmem>>
        %dma_start3A_353 = arith.constant 0 : i32
        %dma_start3A_354 = tpu.memref_slice %arg12[%add3A_347, %dma_start3A_353] : memref<50176x32xf32, #tpu.memory_space<vmem_shared>> -> memref<56x32xf32, #tpu.memory_space<vmem_shared>>
        %dma_start3A_355 = arith.constant 0 : i32
        %dma_start3A_356 = tpu.memref_slice %arg12[%add3A_347, %dma_start3A_355] : memref<50176x32xf32, #tpu.memory_space<vmem_shared>> -> memref<56x32xf32, #tpu.memory_space<vmem_shared>>
        %dma_start3A_357 = arith.constant 0 : i32
        %dma_start3A_358 = arith.constant 0 : i32
        %dma_start3A_359 = tpu.memref_slice %arg11[%scan3A_8, %dma_start3A_357, %dma_start3A_358] : memref<4x100x32xf32, #tpu.memory_space<vmem>> -> memref<1x56x32xf32, #tpu.memory_space<vmem>>
        %dma_start3A_360 = tpu.memref_squeeze %dma_start3A_359 : memref<1x56x32xf32, #tpu.memory_space<vmem>> -> memref<56x32xf32, #tpu.memory_space<vmem>>
        tpu.enqueue_dma source(%dma_start3A_360 : memref<56x32xf32, #tpu.memory_space<vmem>>) target(%dma_start3A_356 : memref<56x32xf32, #tpu.memory_space<vmem_shared>>) target_semaphore(%run_scoped3A : memref<!tpu.dma_semaphore, #tpu.memory_space<semaphore_mem>>)
        %dma_wait3A_361 = arith.constant 0 : i32
        %dma_wait3A_362 = arith.constant 0 : i32
        %dma_wait3A_363 = tpu.memref_slice %arg11[%scan3A_8, %dma_wait3A_361, %dma_wait3A_362] : memref<4x100x32xf32, #tpu.memory_space<vmem>> -> memref<1x56x32xf32, #tpu.memory_space<vmem>>
        %dma_wait3A_364 = tpu.memref_squeeze %dma_wait3A_363 : memref<1x56x32xf32, #tpu.memory_space<vmem>> -> memref<56x32xf32, #tpu.memory_space<vmem>>
        %dma_wait3A_365 = arith.constant 0 : i32
        %dma_wait3A_366 = tpu.memref_slice %arg12[%add3A_347, %dma_wait3A_365] : memref<50176x32xf32, #tpu.memory_space<vmem_shared>> -> memref<56x32xf32, #tpu.memory_space<vmem_shared>>
        %dma_wait3A_367 = arith.constant 0 : i32
        %dma_wait3A_368 = tpu.memref_slice %arg12[%add3A_347, %dma_wait3A_367] : memref<50176x32xf32, #tpu.memory_space<vmem_shared>> -> memref<56x32xf32, #tpu.memory_space<vmem_shared>>
        %dma_wait3A_369 = arith.constant 0 : i32
        %dma_wait3A_370 = arith.constant 0 : i32
        %dma_wait3A_371 = tpu.memref_slice %arg11[%scan3A_8, %dma_wait3A_369, %dma_wait3A_370] : memref<4x100x32xf32, #tpu.memory_space<vmem>> -> memref<1x56x32xf32, #tpu.memory_space<vmem>>
        %dma_wait3A_372 = tpu.memref_squeeze %dma_wait3A_371 : memref<1x56x32xf32, #tpu.memory_space<vmem>> -> memref<56x32xf32, #tpu.memory_space<vmem>>
        tpu.wait_dma2 semaphore(%run_scoped3A : memref<!tpu.dma_semaphore, #tpu.memory_space<semaphore_mem>>) src(%dma_wait3A_372 : memref<56x32xf32, #tpu.memory_space<vmem>>) dst(%dma_wait3A_368 : memref<56x32xf32, #tpu.memory_space<vmem_shared>>)
        tpu.yield
      }) : () -> ()
      %scan3A_348 = arith.constant 0 : i32
      scf.yield %scan3A_348 : i32
    }
    %scan3A_15 = arith.constant 56 : i32
    %barrier3A = arith.constant 0 : index
    tpu.barrier barrier_id(%barrier3A)
    %mul3A_16 = arith.constant 16 : i32
    %mul3A_17 = arith.muli %arg0, %mul3A_16 : i32
    %add3A = arith.addi %mul3A_17, %arg1 : i32
    %mul3A_18 = arith.constant 500 : i32
    %mul3A_19 = arith.muli %add3A, %mul3A_18 : i32
    %rem3A = arith.constant 0 : i32
    %rem3A_20 = arith.constant 3 : i32
    %rem3A_21 = arith.remsi %rem3A, %rem3A_20 : i32
    %rem3A_22 = arith.constant 0 : i32
    %rem3A_23 = arith.constant 8 : i32
    %rem3A_24 = arith.remsi %rem3A_22, %rem3A_23 : i32
    %add3A_25 = arith.constant 0 : i32
    %add3A_26 = arith.addi %mul3A_19, %add3A_25 : i32
    %dma_start3A = arith.constant 0 : i32
    %dma_start3A_27 = tpu.memref_slice %arg7[%rem3A_21, %dma_start3A] : memref<3x100xi32, #tpu.memory_space<vmem>> -> memref<1x100xi32, #tpu.memory_space<vmem>>
    %dma_start3A_28 = tpu.memref_squeeze %dma_start3A_27 : memref<1x100xi32, #tpu.memory_space<vmem>> -> memref<100xi32, #tpu.memory_space<vmem>>
    %dma_start3A_29 = arith.constant 0 : i32
    %dma_start3A_30 = tpu.memref_slice %arg4[%add3A_26, %dma_start3A_29] : memref<16000x100xi32, #tpu.memory_space<hbm>> -> memref<1x100xi32, #tpu.memory_space<hbm>>
    %dma_start3A_31 = tpu.memref_squeeze %dma_start3A_30 : memref<1x100xi32, #tpu.memory_space<hbm>> -> memref<100xi32, #tpu.memory_space<hbm>>
    %dma_start3A_32 = tpu.memref_slice %arg13[%rem3A_21] : memref<3x!tpu.dma_semaphore, #tpu.memory_space<semaphore_mem>> -> memref<1x!tpu.dma_semaphore, #tpu.memory_space<semaphore_mem>>
    %dma_start3A_33 = tpu.memref_squeeze %dma_start3A_32 : memref<1x!tpu.dma_semaphore, #tpu.memory_space<semaphore_mem>> -> memref<!tpu.dma_semaphore, #tpu.memory_space<semaphore_mem>>
    %dma_start3A_34 = arith.constant 0 : i32
    %dma_start3A_35 = tpu.memref_slice %arg7[%rem3A_21, %dma_start3A_34] : memref<3x100xi32, #tpu.memory_space<vmem>> -> memref<1x100xi32, #tpu.memory_space<vmem>>
    %dma_start3A_36 = tpu.memref_squeeze %dma_start3A_35 : memref<1x100xi32, #tpu.memory_space<vmem>> -> memref<100xi32, #tpu.memory_space<vmem>>
    %dma_start3A_37 = arith.constant 0 : i32
    %dma_start3A_38 = tpu.memref_slice %arg4[%add3A_26, %dma_start3A_37] : memref<16000x100xi32, #tpu.memory_space<hbm>> -> memref<1x100xi32, #tpu.memory_space<hbm>>
    %dma_start3A_39 = tpu.memref_squeeze %dma_start3A_38 : memref<1x100xi32, #tpu.memory_space<hbm>> -> memref<100xi32, #tpu.memory_space<hbm>>
    tpu.enqueue_dma source(%dma_start3A_39 : memref<100xi32, #tpu.memory_space<hbm>>) target(%dma_start3A_36 : memref<100xi32, #tpu.memory_space<vmem>>) target_semaphore(%dma_start3A_33 : memref<!tpu.dma_semaphore, #tpu.memory_space<semaphore_mem>>)
    %add3A_40 = arith.constant 0 : i32
    %add3A_41 = arith.addi %mul3A_19, %add3A_40 : i32
    %dma_start3A_42 = arith.constant 0 : i32
    %dma_start3A_43 = tpu.memref_slice %arg8[%rem3A_24, %dma_start3A_42] : memref<8x100xi32, #tpu.memory_space<vmem>> -> memref<1x100xi32, #tpu.memory_space<vmem>>
    %dma_start3A_44 = tpu.memref_squeeze %dma_start3A_43 : memref<1x100xi32, #tpu.memory_space<vmem>> -> memref<100xi32, #tpu.memory_space<vmem>>
    %dma_start3A_45 = arith.constant 0 : i32
    %dma_start3A_46 = tpu.memref_slice %arg5[%add3A_41, %dma_start3A_45] : memref<16000x100xi32, #tpu.memory_space<hbm>> -> memref<1x100xi32, #tpu.memory_space<hbm>>
    %dma_start3A_47 = tpu.memref_squeeze %dma_start3A_46 : memref<1x100xi32, #tpu.memory_space<hbm>> -> memref<100xi32, #tpu.memory_space<hbm>>
    %dma_start3A_48 = tpu.memref_slice %arg13[%rem3A_21] : memref<3x!tpu.dma_semaphore, #tpu.memory_space<semaphore_mem>> -> memref<1x!tpu.dma_semaphore, #tpu.memory_space<semaphore_mem>>
    %dma_start3A_49 = tpu.memref_squeeze %dma_start3A_48 : memref<1x!tpu.dma_semaphore, #tpu.memory_space<semaphore_mem>> -> memref<!tpu.dma_semaphore, #tpu.memory_space<semaphore_mem>>
    %dma_start3A_50 = arith.constant 0 : i32
    %dma_start3A_51 = tpu.memref_slice %arg8[%rem3A_24, %dma_start3A_50] : memref<8x100xi32, #tpu.memory_space<vmem>> -> memref<1x100xi32, #tpu.memory_space<vmem>>
    %dma_start3A_52 = tpu.memref_squeeze %dma_start3A_51 : memref<1x100xi32, #tpu.memory_space<vmem>> -> memref<100xi32, #tpu.memory_space<vmem>>
    %dma_start3A_53 = arith.constant 0 : i32
    %dma_start3A_54 = tpu.memref_slice %arg5[%add3A_41, %dma_start3A_53] : memref<16000x100xi32, #tpu.memory_space<hbm>> -> memref<1x100xi32, #tpu.memory_space<hbm>>
    %dma_start3A_55 = tpu.memref_squeeze %dma_start3A_54 : memref<1x100xi32, #tpu.memory_space<hbm>> -> memref<100xi32, #tpu.memory_space<hbm>>
    tpu.enqueue_dma source(%dma_start3A_55 : memref<100xi32, #tpu.memory_space<hbm>>) target(%dma_start3A_52 : memref<100xi32, #tpu.memory_space<vmem>>) target_semaphore(%dma_start3A_49 : memref<!tpu.dma_semaphore, #tpu.memory_space<semaphore_mem>>)
    %rem3A_56 = arith.constant 1 : i32
    %rem3A_57 = arith.constant 3 : i32
    %rem3A_58 = arith.remsi %rem3A_56, %rem3A_57 : i32
    %rem3A_59 = arith.constant 1 : i32
    %rem3A_60 = arith.constant 8 : i32
    %rem3A_61 = arith.remsi %rem3A_59, %rem3A_60 : i32
    %add3A_62 = arith.constant 1 : i32
    %add3A_63 = arith.addi %mul3A_19, %add3A_62 : i32
    %dma_start3A_64 = arith.constant 0 : i32
    %dma_start3A_65 = tpu.memref_slice %arg7[%rem3A_58, %dma_start3A_64] : memref<3x100xi32, #tpu.memory_space<vmem>> -> memref<1x100xi32, #tpu.memory_space<vmem>>
    %dma_start3A_66 = tpu.memref_squeeze %dma_start3A_65 : memref<1x100xi32, #tpu.memory_space<vmem>> -> memref<100xi32, #tpu.memory_space<vmem>>
    %dma_start3A_67 = arith.constant 0 : i32
    %dma_start3A_68 = tpu.memref_slice %arg4[%add3A_63, %dma_start3A_67] : memref<16000x100xi32, #tpu.memory_space<hbm>> -> memref<1x100xi32, #tpu.memory_space<hbm>>
    %dma_start3A_69 = tpu.memref_squeeze %dma_start3A_68 : memref<1x100xi32, #tpu.memory_space<hbm>> -> memref<100xi32, #tpu.memory_space<hbm>>
    %dma_start3A_70 = tpu.memref_slice %arg13[%rem3A_58] : memref<3x!tpu.dma_semaphore, #tpu.memory_space<semaphore_mem>> -> memref<1x!tpu.dma_semaphore, #tpu.memory_space<semaphore_mem>>
    %dma_start3A_71 = tpu.memref_squeeze %dma_start3A_70 : memref<1x!tpu.dma_semaphore, #tpu.memory_space<semaphore_mem>> -> memref<!tpu.dma_semaphore, #tpu.memory_space<semaphore_mem>>
    %dma_start3A_72 = arith.constant 0 : i32
    %dma_start3A_73 = tpu.memref_slice %arg7[%rem3A_58, %dma_start3A_72] : memref<3x100xi32, #tpu.memory_space<vmem>> -> memref<1x100xi32, #tpu.memory_space<vmem>>
    %dma_start3A_74 = tpu.memref_squeeze %dma_start3A_73 : memref<1x100xi32, #tpu.memory_space<vmem>> -> memref<100xi32, #tpu.memory_space<vmem>>
    %dma_start3A_75 = arith.constant 0 : i32
    %dma_start3A_76 = tpu.memref_slice %arg4[%add3A_63, %dma_start3A_75] : memref<16000x100xi32, #tpu.memory_space<hbm>> -> memref<1x100xi32, #tpu.memory_space<hbm>>
    %dma_start3A_77 = tpu.memref_squeeze %dma_start3A_76 : memref<1x100xi32, #tpu.memory_space<hbm>> -> memref<100xi32, #tpu.memory_space<hbm>>
    tpu.enqueue_dma source(%dma_start3A_77 : memref<100xi32, #tpu.memory_space<hbm>>) target(%dma_start3A_74 : memref<100xi32, #tpu.memory_space<vmem>>) target_semaphore(%dma_start3A_71 : memref<!tpu.dma_semaphore, #tpu.memory_space<semaphore_mem>>)
    %add3A_78 = arith.constant 1 : i32
    %add3A_79 = arith.addi %mul3A_19, %add3A_78 : i32
    %dma_start3A_80 = arith.constant 0 : i32
    %dma_start3A_81 = tpu.memref_slice %arg8[%rem3A_61, %dma_start3A_80] : memref<8x100xi32, #tpu.memory_space<vmem>> -> memref<1x100xi32, #tpu.memory_space<vmem>>
    %dma_start3A_82 = tpu.memref_squeeze %dma_start3A_81 : memref<1x100xi32, #tpu.memory_space<vmem>> -> memref<100xi32, #tpu.memory_space<vmem>>
    %dma_start3A_83 = arith.constant 0 : i32
    %dma_start3A_84 = tpu.memref_slice %arg5[%add3A_79, %dma_start3A_83] : memref<16000x100xi32, #tpu.memory_space<hbm>> -> memref<1x100xi32, #tpu.memory_space<hbm>>
    %dma_start3A_85 = tpu.memref_squeeze %dma_start3A_84 : memref<1x100xi32, #tpu.memory_space<hbm>> -> memref<100xi32, #tpu.memory_space<hbm>>
    %dma_start3A_86 = tpu.memref_slice %arg13[%rem3A_58] : memref<3x!tpu.dma_semaphore, #tpu.memory_space<semaphore_mem>> -> memref<1x!tpu.dma_semaphore, #tpu.memory_space<semaphore_mem>>
    %dma_start3A_87 = tpu.memref_squeeze %dma_start3A_86 : memref<1x!tpu.dma_semaphore, #tpu.memory_space<semaphore_mem>> -> memref<!tpu.dma_semaphore, #tpu.memory_space<semaphore_mem>>
    %dma_start3A_88 = arith.constant 0 : i32
    %dma_start3A_89 = tpu.memref_slice %arg8[%rem3A_61, %dma_start3A_88] : memref<8x100xi32, #tpu.memory_space<vmem>> -> memref<1x100xi32, #tpu.memory_space<vmem>>
    %dma_start3A_90 = tpu.memref_squeeze %dma_start3A_89 : memref<1x100xi32, #tpu.memory_space<vmem>> -> memref<100xi32, #tpu.memory_space<vmem>>
    %dma_start3A_91 = arith.constant 0 : i32
    %dma_start3A_92 = tpu.memref_slice %arg5[%add3A_79, %dma_start3A_91] : memref<16000x100xi32, #tpu.memory_space<hbm>> -> memref<1x100xi32, #tpu.memory_space<hbm>>
    %dma_start3A_93 = tpu.memref_squeeze %dma_start3A_92 : memref<1x100xi32, #tpu.memory_space<hbm>> -> memref<100xi32, #tpu.memory_space<hbm>>
    tpu.enqueue_dma source(%dma_start3A_93 : memref<100xi32, #tpu.memory_space<hbm>>) target(%dma_start3A_90 : memref<100xi32, #tpu.memory_space<vmem>>) target_semaphore(%dma_start3A_87 : memref<!tpu.dma_semaphore, #tpu.memory_space<semaphore_mem>>)
    %rem3A_94 = arith.constant 2 : i32
    %rem3A_95 = arith.constant 3 : i32
    %rem3A_96 = arith.remsi %rem3A_94, %rem3A_95 : i32
    %rem3A_97 = arith.constant 2 : i32
    %rem3A_98 = arith.constant 8 : i32
    %rem3A_99 = arith.remsi %rem3A_97, %rem3A_98 : i32
    %add3A_100 = arith.constant 2 : i32
    %add3A_101 = arith.addi %mul3A_19, %add3A_100 : i32
    %dma_start3A_102 = arith.constant 0 : i32
    %dma_start3A_103 = tpu.memref_slice %arg7[%rem3A_96, %dma_start3A_102] : memref<3x100xi32, #tpu.memory_space<vmem>> -> memref<1x100xi32, #tpu.memory_space<vmem>>
    %dma_start3A_104 = tpu.memref_squeeze %dma_start3A_103 : memref<1x100xi32, #tpu.memory_space<vmem>> -> memref<100xi32, #tpu.memory_space<vmem>>
    %dma_start3A_105 = arith.constant 0 : i32
    %dma_start3A_106 = tpu.memref_slice %arg4[%add3A_101, %dma_start3A_105] : memref<16000x100xi32, #tpu.memory_space<hbm>> -> memref<1x100xi32, #tpu.memory_space<hbm>>
    %dma_start3A_107 = tpu.memref_squeeze %dma_start3A_106 : memref<1x100xi32, #tpu.memory_space<hbm>> -> memref<100xi32, #tpu.memory_space<hbm>>
    %dma_start3A_108 = tpu.memref_slice %arg13[%rem3A_96] : memref<3x!tpu.dma_semaphore, #tpu.memory_space<semaphore_mem>> -> memref<1x!tpu.dma_semaphore, #tpu.memory_space<semaphore_mem>>
    %dma_start3A_109 = tpu.memref_squeeze %dma_start3A_108 : memref<1x!tpu.dma_semaphore, #tpu.memory_space<semaphore_mem>> -> memref<!tpu.dma_semaphore, #tpu.memory_space<semaphore_mem>>
    %dma_start3A_110 = arith.constant 0 : i32
    %dma_start3A_111 = tpu.memref_slice %arg7[%rem3A_96, %dma_start3A_110] : memref<3x100xi32, #tpu.memory_space<vmem>> -> memref<1x100xi32, #tpu.memory_space<vmem>>
    %dma_start3A_112 = tpu.memref_squeeze %dma_start3A_111 : memref<1x100xi32, #tpu.memory_space<vmem>> -> memref<100xi32, #tpu.memory_space<vmem>>
    %dma_start3A_113 = arith.constant 0 : i32
    %dma_start3A_114 = tpu.memref_slice %arg4[%add3A_101, %dma_start3A_113] : memref<16000x100xi32, #tpu.memory_space<hbm>> -> memref<1x100xi32, #tpu.memory_space<hbm>>
    %dma_start3A_115 = tpu.memref_squeeze %dma_start3A_114 : memref<1x100xi32, #tpu.memory_space<hbm>> -> memref<100xi32, #tpu.memory_space<hbm>>
    tpu.enqueue_dma source(%dma_start3A_115 : memref<100xi32, #tpu.memory_space<hbm>>) target(%dma_start3A_112 : memref<100xi32, #tpu.memory_space<vmem>>) target_semaphore(%dma_start3A_109 : memref<!tpu.dma_semaphore, #tpu.memory_space<semaphore_mem>>)
    %add3A_116 = arith.constant 2 : i32
    %add3A_117 = arith.addi %mul3A_19, %add3A_116 : i32
    %dma_start3A_118 = arith.constant 0 : i32
    %dma_start3A_119 = tpu.memref_slice %arg8[%rem3A_99, %dma_start3A_118] : memref<8x100xi32, #tpu.memory_space<vmem>> -> memref<1x100xi32, #tpu.memory_space<vmem>>
    %dma_start3A_120 = tpu.memref_squeeze %dma_start3A_119 : memref<1x100xi32, #tpu.memory_space<vmem>> -> memref<100xi32, #tpu.memory_space<vmem>>
    %dma_start3A_121 = arith.constant 0 : i32
    %dma_start3A_122 = tpu.memref_slice %arg5[%add3A_117, %dma_start3A_121] : memref<16000x100xi32, #tpu.memory_space<hbm>> -> memref<1x100xi32, #tpu.memory_space<hbm>>
    %dma_start3A_123 = tpu.memref_squeeze %dma_start3A_122 : memref<1x100xi32, #tpu.memory_space<hbm>> -> memref<100xi32, #tpu.memory_space<hbm>>
    %dma_start3A_124 = tpu.memref_slice %arg13[%rem3A_96] : memref<3x!tpu.dma_semaphore, #tpu.memory_space<semaphore_mem>> -> memref<1x!tpu.dma_semaphore, #tpu.memory_space<semaphore_mem>>
    %dma_start3A_125 = tpu.memref_squeeze %dma_start3A_124 : memref<1x!tpu.dma_semaphore, #tpu.memory_space<semaphore_mem>> -> memref<!tpu.dma_semaphore, #tpu.memory_space<semaphore_mem>>
    %dma_start3A_126 = arith.constant 0 : i32
    %dma_start3A_127 = tpu.memref_slice %arg8[%rem3A_99, %dma_start3A_126] : memref<8x100xi32, #tpu.memory_space<vmem>> -> memref<1x100xi32, #tpu.memory_space<vmem>>
    %dma_start3A_128 = tpu.memref_squeeze %dma_start3A_127 : memref<1x100xi32, #tpu.memory_space<vmem>> -> memref<100xi32, #tpu.memory_space<vmem>>
    %dma_start3A_129 = arith.constant 0 : i32
    %dma_start3A_130 = tpu.memref_slice %arg5[%add3A_117, %dma_start3A_129] : memref<16000x100xi32, #tpu.memory_space<hbm>> -> memref<1x100xi32, #tpu.memory_space<hbm>>
    %dma_start3A_131 = tpu.memref_squeeze %dma_start3A_130 : memref<1x100xi32, #tpu.memory_space<hbm>> -> memref<100xi32, #tpu.memory_space<hbm>>
    tpu.enqueue_dma source(%dma_start3A_131 : memref<100xi32, #tpu.memory_space<hbm>>) target(%dma_start3A_128 : memref<100xi32, #tpu.memory_space<vmem>>) target_semaphore(%dma_start3A_125 : memref<!tpu.dma_semaphore, #tpu.memory_space<semaphore_mem>>)
    %rem3A_132 = arith.constant 0 : i32
    %rem3A_133 = arith.constant 3 : i32
    %rem3A_134 = arith.remsi %rem3A_132, %rem3A_133 : i32
    %rem3A_135 = arith.constant 0 : i32
    %rem3A_136 = arith.constant 8 : i32
    %rem3A_137 = arith.remsi %rem3A_135, %rem3A_136 : i32
    %add3A_138 = arith.constant 0 : i32
    %add3A_139 = arith.addi %mul3A_19, %add3A_138 : i32
    %dma_wait3A = arith.constant 0 : i32
    %dma_wait3A_140 = tpu.memref_slice %arg7[%rem3A_134, %dma_wait3A] : memref<3x100xi32, #tpu.memory_space<vmem>> -> memref<1x100xi32, #tpu.memory_space<vmem>>
    %dma_wait3A_141 = tpu.memref_squeeze %dma_wait3A_140 : memref<1x100xi32, #tpu.memory_space<vmem>> -> memref<100xi32, #tpu.memory_space<vmem>>
    %dma_wait3A_142 = arith.constant 0 : i32
    %dma_wait3A_143 = tpu.memref_slice %arg4[%add3A_139, %dma_wait3A_142] : memref<16000x100xi32, #tpu.memory_space<hbm>> -> memref<1x100xi32, #tpu.memory_space<hbm>>
    %dma_wait3A_144 = tpu.memref_squeeze %dma_wait3A_143 : memref<1x100xi32, #tpu.memory_space<hbm>> -> memref<100xi32, #tpu.memory_space<hbm>>
    %dma_wait3A_145 = tpu.memref_slice %arg13[%rem3A_134] : memref<3x!tpu.dma_semaphore, #tpu.memory_space<semaphore_mem>> -> memref<1x!tpu.dma_semaphore, #tpu.memory_space<semaphore_mem>>
    %dma_wait3A_146 = tpu.memref_squeeze %dma_wait3A_145 : memref<1x!tpu.dma_semaphore, #tpu.memory_space<semaphore_mem>> -> memref<!tpu.dma_semaphore, #tpu.memory_space<semaphore_mem>>
    %dma_wait3A_147 = arith.constant 0 : i32
    %dma_wait3A_148 = tpu.memref_slice %arg7[%rem3A_134, %dma_wait3A_147] : memref<3x100xi32, #tpu.memory_space<vmem>> -> memref<1x100xi32, #tpu.memory_space<vmem>>
    %dma_wait3A_149 = tpu.memref_squeeze %dma_wait3A_148 : memref<1x100xi32, #tpu.memory_space<vmem>> -> memref<100xi32, #tpu.memory_space<vmem>>
    %dma_wait3A_150 = arith.constant 0 : i32
    %dma_wait3A_151 = tpu.memref_slice %arg4[%add3A_139, %dma_wait3A_150] : memref<16000x100xi32, #tpu.memory_space<hbm>> -> memref<1x100xi32, #tpu.memory_space<hbm>>
    %dma_wait3A_152 = tpu.memref_squeeze %dma_wait3A_151 : memref<1x100xi32, #tpu.memory_space<hbm>> -> memref<100xi32, #tpu.memory_space<hbm>>
    tpu.wait_dma2 semaphore(%dma_wait3A_146 : memref<!tpu.dma_semaphore, #tpu.memory_space<semaphore_mem>>) src(%dma_wait3A_152 : memref<100xi32, #tpu.memory_space<hbm>>) dst(%dma_wait3A_149 : memref<100xi32, #tpu.memory_space<vmem>>)
    %add3A_153 = arith.constant 0 : i32
    %add3A_154 = arith.addi %mul3A_19, %add3A_153 : i32
    %dma_wait3A_155 = arith.constant 0 : i32
    %dma_wait3A_156 = tpu.memref_slice %arg8[%rem3A_137, %dma_wait3A_155] : memref<8x100xi32, #tpu.memory_space<vmem>> -> memref<1x100xi32, #tpu.memory_space<vmem>>
    %dma_wait3A_157 = tpu.memref_squeeze %dma_wait3A_156 : memref<1x100xi32, #tpu.memory_space<vmem>> -> memref<100xi32, #tpu.memory_space<vmem>>
    %dma_wait3A_158 = arith.constant 0 : i32
    %dma_wait3A_159 = tpu.memref_slice %arg5[%add3A_154, %dma_wait3A_158] : memref<16000x100xi32, #tpu.memory_space<hbm>> -> memref<1x100xi32, #tpu.memory_space<hbm>>
    %dma_wait3A_160 = tpu.memref_squeeze %dma_wait3A_159 : memref<1x100xi32, #tpu.memory_space<hbm>> -> memref<100xi32, #tpu.memory_space<hbm>>
    %dma_wait3A_161 = tpu.memref_slice %arg13[%rem3A_134] : memref<3x!tpu.dma_semaphore, #tpu.memory_space<semaphore_mem>> -> memref<1x!tpu.dma_semaphore, #tpu.memory_space<semaphore_mem>>
    %dma_wait3A_162 = tpu.memref_squeeze %dma_wait3A_161 : memref<1x!tpu.dma_semaphore, #tpu.memory_space<semaphore_mem>> -> memref<!tpu.dma_semaphore, #tpu.memory_space<semaphore_mem>>
    %dma_wait3A_163 = arith.constant 0 : i32
    %dma_wait3A_164 = tpu.memref_slice %arg8[%rem3A_137, %dma_wait3A_163] : memref<8x100xi32, #tpu.memory_space<vmem>> -> memref<1x100xi32, #tpu.memory_space<vmem>>
    %dma_wait3A_165 = tpu.memref_squeeze %dma_wait3A_164 : memref<1x100xi32, #tpu.memory_space<vmem>> -> memref<100xi32, #tpu.memory_space<vmem>>
    %dma_wait3A_166 = arith.constant 0 : i32
    %dma_wait3A_167 = tpu.memref_slice %arg5[%add3A_154, %dma_wait3A_166] : memref<16000x100xi32, #tpu.memory_space<hbm>> -> memref<1x100xi32, #tpu.memory_space<hbm>>
    %dma_wait3A_168 = tpu.memref_squeeze %dma_wait3A_167 : memref<1x100xi32, #tpu.memory_space<hbm>> -> memref<100xi32, #tpu.memory_space<hbm>>
    tpu.wait_dma2 semaphore(%dma_wait3A_162 : memref<!tpu.dma_semaphore, #tpu.memory_space<semaphore_mem>>) src(%dma_wait3A_168 : memref<100xi32, #tpu.memory_space<hbm>>) dst(%dma_wait3A_165 : memref<100xi32, #tpu.memory_space<vmem>>)
    %rem3A_169 = arith.constant 0 : i32
    %rem3A_170 = arith.constant 3 : i32
    %rem3A_171 = arith.remsi %rem3A_169, %rem3A_170 : i32
    %add3A_172 = arith.constant 0 : i32
    %add3A_173 = arith.addi %mul3A_19, %add3A_172 : i32
    %mul3A_174 = arith.constant 100 : i32
    %mul3A_175 = arith.muli %add3A_173, %mul3A_174 : i32
    %dma_start3A_176 = arith.constant 0 : i32
    %dma_start3A_177 = arith.constant 0 : i32
    %dma_start3A_178 = tpu.memref_slice %arg9[%rem3A_171, %dma_start3A_176, %dma_start3A_177] : memref<3x100x32xf32, #tpu.memory_space<vmem>> -> memref<1x100x32xf32, #tpu.memory_space<vmem>>
    %dma_start3A_179 = tpu.memref_squeeze %dma_start3A_178 : memref<1x100x32xf32, #tpu.memory_space<vmem>> -> memref<100x32xf32, #tpu.memory_space<vmem>>
    %dma_start3A_180 = arith.constant 0 : i32
    %dma_start3A_181 = tpu.memref_slice %arg7[%rem3A_171, %dma_start3A_180] : memref<3x100xi32, #tpu.memory_space<vmem>> -> memref<1x100xi32, #tpu.memory_space<vmem>>
    %dma_start3A_182 = tpu.memref_squeeze %dma_start3A_181 : memref<1x100xi32, #tpu.memory_space<vmem>> -> memref<100xi32, #tpu.memory_space<vmem>>
    %dma_start3A_183 = arith.constant 0 : i32
    %dma_start3A_184 = arith.constant 0 : i32
    %dma_start3A_185 = tpu.memref_slice %arg2[%dma_start3A_183, %dma_start3A_184] : memref<50000x32xf32, #tpu.memory_space<hbm>> -> memref<50000x32xf32, #tpu.memory_space<hbm>>
    %dma_start3A_186 = tpu.memref_slice %arg14[%rem3A_171] : memref<3x!tpu.dma_semaphore, #tpu.memory_space<semaphore_mem>> -> memref<1x!tpu.dma_semaphore, #tpu.memory_space<semaphore_mem>>
    %dma_start3A_187 = tpu.memref_squeeze %dma_start3A_186 : memref<1x!tpu.dma_semaphore, #tpu.memory_space<semaphore_mem>> -> memref<!tpu.dma_semaphore, #tpu.memory_space<semaphore_mem>>
    tpu.enqueue_indirect_dma source(%dma_start3A_185 : memref<50000x32xf32, #tpu.memory_space<hbm>>) target(%dma_start3A_179 : memref<100x32xf32, #tpu.memory_space<vmem>>) offsets(%dma_start3A_182 : memref<100xi32, #tpu.memory_space<vmem>>) semaphore(%dma_start3A_187 : memref<!tpu.dma_semaphore, #tpu.memory_space<semaphore_mem>>)
    %dma_start3A_188 = arith.constant 0 : i32
    %dma_start3A_189 = arith.constant 0 : i32
    %dma_start3A_190 = tpu.memref_slice %arg10[%rem3A_171, %dma_start3A_188, %dma_start3A_189] : memref<3x100x16xi32, #tpu.memory_space<vmem>> -> memref<1x100x16xi32, #tpu.memory_space<vmem>>
    %dma_start3A_191 = tpu.memref_squeeze %dma_start3A_190 : memref<1x100x16xi32, #tpu.memory_space<vmem>> -> memref<100x16xi32, #tpu.memory_space<vmem>>
    %dma_start3A_192 = arith.constant 32 : i32
    %dma_start3A_193 = tpu.memref_slice %arg3[%mul3A_175, %dma_start3A_192] : memref<1600000x48xi32, #tpu.memory_space<hbm>> -> memref<100x16xi32, #tpu.memory_space<hbm>>
    %dma_start3A_194 = tpu.memref_slice %arg14[%rem3A_171] : memref<3x!tpu.dma_semaphore, #tpu.memory_space<semaphore_mem>> -> memref<1x!tpu.dma_semaphore, #tpu.memory_space<semaphore_mem>>
    %dma_start3A_195 = tpu.memref_squeeze %dma_start3A_194 : memref<1x!tpu.dma_semaphore, #tpu.memory_space<semaphore_mem>> -> memref<!tpu.dma_semaphore, #tpu.memory_space<semaphore_mem>>
    %dma_start3A_196 = arith.constant 0 : i32
    %dma_start3A_197 = arith.constant 0 : i32
    %dma_start3A_198 = tpu.memref_slice %arg10[%rem3A_171, %dma_start3A_196, %dma_start3A_197] : memref<3x100x16xi32, #tpu.memory_space<vmem>> -> memref<1x100x16xi32, #tpu.memory_space<vmem>>
    %dma_start3A_199 = tpu.memref_squeeze %dma_start3A_198 : memref<1x100x16xi32, #tpu.memory_space<vmem>> -> memref<100x16xi32, #tpu.memory_space<vmem>>
    %dma_start3A_200 = arith.constant 32 : i32
    %dma_start3A_201 = tpu.memref_slice %arg3[%mul3A_175, %dma_start3A_200] : memref<1600000x48xi32, #tpu.memory_space<hbm>> -> memref<100x16xi32, #tpu.memory_space<hbm>>
    tpu.enqueue_dma source(%dma_start3A_201 : memref<100x16xi32, #tpu.memory_space<hbm>>) target(%dma_start3A_199 : memref<100x16xi32, #tpu.memory_space<vmem>>) target_semaphore(%dma_start3A_195 : memref<!tpu.dma_semaphore, #tpu.memory_space<semaphore_mem>>)
    %rem3A_202 = arith.constant 1 : i32
    %rem3A_203 = arith.constant 3 : i32
    %rem3A_204 = arith.remsi %rem3A_202, %rem3A_203 : i32
    %rem3A_205 = arith.constant 1 : i32
    %rem3A_206 = arith.constant 8 : i32
    %rem3A_207 = arith.remsi %rem3A_205, %rem3A_206 : i32
    %add3A_208 = arith.constant 1 : i32
    %add3A_209 = arith.addi %mul3A_19, %add3A_208 : i32
    %dma_wait3A_210 = arith.constant 0 : i32
    %dma_wait3A_211 = tpu.memref_slice %arg7[%rem3A_204, %dma_wait3A_210] : memref<3x100xi32, #tpu.memory_space<vmem>> -> memref<1x100xi32, #tpu.memory_space<vmem>>
    %dma_wait3A_212 = tpu.memref_squeeze %dma_wait3A_211 : memref<1x100xi32, #tpu.memory_space<vmem>> -> memref<100xi32, #tpu.memory_space<vmem>>
    %dma_wait3A_213 = arith.constant 0 : i32
    %dma_wait3A_214 = tpu.memref_slice %arg4[%add3A_209, %dma_wait3A_213] : memref<16000x100xi32, #tpu.memory_space<hbm>> -> memref<1x100xi32, #tpu.memory_space<hbm>>
    %dma_wait3A_215 = tpu.memref_squeeze %dma_wait3A_214 : memref<1x100xi32, #tpu.memory_space<hbm>> -> memref<100xi32, #tpu.memory_space<hbm>>
    %dma_wait3A_216 = tpu.memref_slice %arg13[%rem3A_204] : memref<3x!tpu.dma_semaphore, #tpu.memory_space<semaphore_mem>> -> memref<1x!tpu.dma_semaphore, #tpu.memory_space<semaphore_mem>>
    %dma_wait3A_217 = tpu.memref_squeeze %dma_wait3A_216 : memref<1x!tpu.dma_semaphore, #tpu.memory_space<semaphore_mem>> -> memref<!tpu.dma_semaphore, #tpu.memory_space<semaphore_mem>>
    %dma_wait3A_218 = arith.constant 0 : i32
    %dma_wait3A_219 = tpu.memref_slice %arg7[%rem3A_204, %dma_wait3A_218] : memref<3x100xi32, #tpu.memory_space<vmem>> -> memref<1x100xi32, #tpu.memory_space<vmem>>
    %dma_wait3A_220 = tpu.memref_squeeze %dma_wait3A_219 : memref<1x100xi32, #tpu.memory_space<vmem>> -> memref<100xi32, #tpu.memory_space<vmem>>
    %dma_wait3A_221 = arith.constant 0 : i32
    %dma_wait3A_222 = tpu.memref_slice %arg4[%add3A_209, %dma_wait3A_221] : memref<16000x100xi32, #tpu.memory_space<hbm>> -> memref<1x100xi32, #tpu.memory_space<hbm>>
    %dma_wait3A_223 = tpu.memref_squeeze %dma_wait3A_222 : memref<1x100xi32, #tpu.memory_space<hbm>> -> memref<100xi32, #tpu.memory_space<hbm>>
    tpu.wait_dma2 semaphore(%dma_wait3A_217 : memref<!tpu.dma_semaphore, #tpu.memory_space<semaphore_mem>>) src(%dma_wait3A_223 : memref<100xi32, #tpu.memory_space<hbm>>) dst(%dma_wait3A_220 : memref<100xi32, #tpu.memory_space<vmem>>)
    %add3A_224 = arith.constant 1 : i32
    %add3A_225 = arith.addi %mul3A_19, %add3A_224 : i32
    %dma_wait3A_226 = arith.constant 0 : i32
    %dma_wait3A_227 = tpu.memref_slice %arg8[%rem3A_207, %dma_wait3A_226] : memref<8x100xi32, #tpu.memory_space<vmem>> -> memref<1x100xi32, #tpu.memory_space<vmem>>
    %dma_wait3A_228 = tpu.memref_squeeze %dma_wait3A_227 : memref<1x100xi32, #tpu.memory_space<vmem>> -> memref<100xi32, #tpu.memory_space<vmem>>
    %dma_wait3A_229 = arith.constant 0 : i32
    %dma_wait3A_230 = tpu.memref_slice %arg5[%add3A_225, %dma_wait3A_229] : memref<16000x100xi32, #tpu.memory_space<hbm>> -> memref<1x100xi32, #tpu.memory_space<hbm>>
    %dma_wait3A_231 = tpu.memref_squeeze %dma_wait3A_230 : memref<1x100xi32, #tpu.memory_space<hbm>> -> memref<100xi32, #tpu.memory_space<hbm>>
    %dma_wait3A_232 = tpu.memref_slice %arg13[%rem3A_204] : memref<3x!tpu.dma_semaphore, #tpu.memory_space<semaphore_mem>> -> memref<1x!tpu.dma_semaphore, #tpu.memory_space<semaphore_mem>>
    %dma_wait3A_233 = tpu.memref_squeeze %dma_wait3A_232 : memref<1x!tpu.dma_semaphore, #tpu.memory_space<semaphore_mem>> -> memref<!tpu.dma_semaphore, #tpu.memory_space<semaphore_mem>>
    %dma_wait3A_234 = arith.constant 0 : i32
    %dma_wait3A_235 = tpu.memref_slice %arg8[%rem3A_207, %dma_wait3A_234] : memref<8x100xi32, #tpu.memory_space<vmem>> -> memref<1x100xi32, #tpu.memory_space<vmem>>
    %dma_wait3A_236 = tpu.memref_squeeze %dma_wait3A_235 : memref<1x100xi32, #tpu.memory_space<vmem>> -> memref<100xi32, #tpu.memory_space<vmem>>
    %dma_wait3A_237 = arith.constant 0 : i32
    %dma_wait3A_238 = tpu.memref_slice %arg5[%add3A_225, %dma_wait3A_237] : memref<16000x100xi32, #tpu.memory_space<hbm>> -> memref<1x100xi32, #tpu.memory_space<hbm>>
    %dma_wait3A_239 = tpu.memref_squeeze %dma_wait3A_238 : memref<1x100xi32, #tpu.memory_space<hbm>> -> memref<100xi32, #tpu.memory_space<hbm>>
    tpu.wait_dma2 semaphore(%dma_wait3A_233 : memref<!tpu.dma_semaphore, #tpu.memory_space<semaphore_mem>>) src(%dma_wait3A_239 : memref<100xi32, #tpu.memory_space<hbm>>) dst(%dma_wait3A_236 : memref<100xi32, #tpu.memory_space<vmem>>)
    %rem3A_240 = arith.constant 1 : i32
    %rem3A_241 = arith.constant 3 : i32
    %rem3A_242 = arith.remsi %rem3A_240, %rem3A_241 : i32
    %add3A_243 = arith.constant 1 : i32
    %add3A_244 = arith.addi %mul3A_19, %add3A_243 : i32
    %mul3A_245 = arith.constant 100 : i32
    %mul3A_246 = arith.muli %add3A_244, %mul3A_245 : i32
    %dma_start3A_247 = arith.constant 0 : i32
    %dma_start3A_248 = arith.constant 0 : i32
    %dma_start3A_249 = tpu.memref_slice %arg9[%rem3A_242, %dma_start3A_247, %dma_start3A_248] : memref<3x100x32xf32, #tpu.memory_space<vmem>> -> memref<1x100x32xf32, #tpu.memory_space<vmem>>
    %dma_start3A_250 = tpu.memref_squeeze %dma_start3A_249 : memref<1x100x32xf32, #tpu.memory_space<vmem>> -> memref<100x32xf32, #tpu.memory_space<vmem>>
    %dma_start3A_251 = arith.constant 0 : i32
    %dma_start3A_252 = tpu.memref_slice %arg7[%rem3A_242, %dma_start3A_251] : memref<3x100xi32, #tpu.memory_space<vmem>> -> memref<1x100xi32, #tpu.memory_space<vmem>>
    %dma_start3A_253 = tpu.memref_squeeze %dma_start3A_252 : memref<1x100xi32, #tpu.memory_space<vmem>> -> memref<100xi32, #tpu.memory_space<vmem>>
    %dma_start3A_254 = arith.constant 0 : i32
    %dma_start3A_255 = arith.constant 0 : i32
    %dma_start3A_256 = tpu.memref_slice %arg2[%dma_start3A_254, %dma_start3A_255] : memref<50000x32xf32, #tpu.memory_space<hbm>> -> memref<50000x32xf32, #tpu.memory_space<hbm>>
    %dma_start3A_257 = tpu.memref_slice %arg14[%rem3A_242] : memref<3x!tpu.dma_semaphore, #tpu.memory_space<semaphore_mem>> -> memref<1x!tpu.dma_semaphore, #tpu.memory_space<semaphore_mem>>
    %dma_start3A_258 = tpu.memref_squeeze %dma_start3A_257 : memref<1x!tpu.dma_semaphore, #tpu.memory_space<semaphore_mem>> -> memref<!tpu.dma_semaphore, #tpu.memory_space<semaphore_mem>>
    tpu.enqueue_indirect_dma source(%dma_start3A_256 : memref<50000x32xf32, #tpu.memory_space<hbm>>) target(%dma_start3A_250 : memref<100x32xf32, #tpu.memory_space<vmem>>) offsets(%dma_start3A_253 : memref<100xi32, #tpu.memory_space<vmem>>) semaphore(%dma_start3A_258 : memref<!tpu.dma_semaphore, #tpu.memory_space<semaphore_mem>>)
    %dma_start3A_259 = arith.constant 0 : i32
    %dma_start3A_260 = arith.constant 0 : i32
    %dma_start3A_261 = tpu.memref_slice %arg10[%rem3A_242, %dma_start3A_259, %dma_start3A_260] : memref<3x100x16xi32, #tpu.memory_space<vmem>> -> memref<1x100x16xi32, #tpu.memory_space<vmem>>
    %dma_start3A_262 = tpu.memref_squeeze %dma_start3A_261 : memref<1x100x16xi32, #tpu.memory_space<vmem>> -> memref<100x16xi32, #tpu.memory_space<vmem>>
    %dma_start3A_263 = arith.constant 32 : i32
    %dma_start3A_264 = tpu.memref_slice %arg3[%mul3A_246, %dma_start3A_263] : memref<1600000x48xi32, #tpu.memory_space<hbm>> -> memref<100x16xi32, #tpu.memory_space<hbm>>
    %dma_start3A_265 = tpu.memref_slice %arg14[%rem3A_242] : memref<3x!tpu.dma_semaphore, #tpu.memory_space<semaphore_mem>> -> memref<1x!tpu.dma_semaphore, #tpu.memory_space<semaphore_mem>>
    %dma_start3A_266 = tpu.memref_squeeze %dma_start3A_265 : memref<1x!tpu.dma_semaphore, #tpu.memory_space<semaphore_mem>> -> memref<!tpu.dma_semaphore, #tpu.memory_space<semaphore_mem>>
    %dma_start3A_267 = arith.constant 0 : i32
    %dma_start3A_268 = arith.constant 0 : i32
    %dma_start3A_269 = tpu.memref_slice %arg10[%rem3A_242, %dma_start3A_267, %dma_start3A_268] : memref<3x100x16xi32, #tpu.memory_space<vmem>> -> memref<1x100x16xi32, #tpu.memory_space<vmem>>
    %dma_start3A_270 = tpu.memref_squeeze %dma_start3A_269 : memref<1x100x16xi32, #tpu.memory_space<vmem>> -> memref<100x16xi32, #tpu.memory_space<vmem>>
    %dma_start3A_271 = arith.constant 32 : i32
    %dma_start3A_272 = tpu.memref_slice %arg3[%mul3A_246, %dma_start3A_271] : memref<1600000x48xi32, #tpu.memory_space<hbm>> -> memref<100x16xi32, #tpu.memory_space<hbm>>
    tpu.enqueue_dma source(%dma_start3A_272 : memref<100x16xi32, #tpu.memory_space<hbm>>) target(%dma_start3A_270 : memref<100x16xi32, #tpu.memory_space<vmem>>) target_semaphore(%dma_start3A_266 : memref<!tpu.dma_semaphore, #tpu.memory_space<semaphore_mem>>)
    %scan3A_273 = arith.constant 0 : i32
    %scan3A_274 = arith.constant 0 : i32
    %scan3A_275 = arith.constant 500 : i32
    %scan3A_276 = arith.addi %scan3A_274, %scan3A_275 : i32
    %scan3A_277 = arith.constant 1 : i32
    %scan3A_278 = scf.for %scan3A_343 = %scan3A_274 to %scan3A_276 step %scan3A_277 iter_args(%scan3A_344 = %scan3A_273) -> (i32)  : i32 {
      %rem3A_345 = arith.constant 3 : i32
      %rem3A_346 = arith.remsi %scan3A_343, %rem3A_345 : i32
      %rem3A_347 = arith.constant 4 : i32
      %rem3A_348 = arith.remsi %scan3A_343, %rem3A_347 : i32
      %ge3A = arith.constant 4 : i32
      %ge3A_349 = arith.cmpi sge, %scan3A_343, %ge3A : i32
      %convert_element_type3A = arith.extui %ge3A_349 : i1 to i32
      %cond3A = arith.constant 0 : i32
      %cond3A_350 = arith.cmpi ne, %convert_element_type3A, %cond3A : i32
      scf.if %cond3A_350 {
        %dma_wait3A_417 = arith.constant 0 : i32
        %dma_wait3A_418 = arith.constant 0 : i32
        %dma_wait3A_419 = arith.constant 0 : i32
        %dma_wait3A_420 = tpu.memref_slice %arg11[%rem3A_348, %dma_wait3A_418, %dma_wait3A_419] : memref<4x100x32xf32, #tpu.memory_space<vmem>> -> memref<1x100x32xf32, #tpu.memory_space<vmem>>
        %dma_wait3A_421 = tpu.memref_squeeze %dma_wait3A_420 : memref<1x100x32xf32, #tpu.memory_space<vmem>> -> memref<100x32xf32, #tpu.memory_space<vmem>>
        %dma_wait3A_422 = arith.constant 0 : i32
        %dma_wait3A_423 = tpu.memref_slice %arg8[%dma_wait3A_417, %dma_wait3A_422] : memref<8x100xi32, #tpu.memory_space<vmem>> -> memref<1x100xi32, #tpu.memory_space<vmem>>
        %dma_wait3A_424 = tpu.memref_squeeze %dma_wait3A_423 : memref<1x100xi32, #tpu.memory_space<vmem>> -> memref<100xi32, #tpu.memory_space<vmem>>
        %dma_wait3A_425 = arith.constant 0 : i32
        %dma_wait3A_426 = arith.constant 0 : i32
        %dma_wait3A_427 = tpu.memref_slice %arg12[%dma_wait3A_425, %dma_wait3A_426] : memref<50176x32xf32, #tpu.memory_space<vmem_shared>> -> memref<50176x32xf32, #tpu.memory_space<vmem_shared>>
        %dma_wait3A_428 = tpu.memref_slice %arg15[%rem3A_348] : memref<4x!tpu.dma_semaphore, #tpu.memory_space<semaphore_mem>> -> memref<1x!tpu.dma_semaphore, #tpu.memory_space<semaphore_mem>>
        %dma_wait3A_429 = tpu.memref_squeeze %dma_wait3A_428 : memref<1x!tpu.dma_semaphore, #tpu.memory_space<semaphore_mem>> -> memref<!tpu.dma_semaphore, #tpu.memory_space<semaphore_mem>>
        tpu.wait_indirect_dma semaphore(%dma_wait3A_429 : memref<!tpu.dma_semaphore, #tpu.memory_space<semaphore_mem>>) src(%dma_wait3A_421 : memref<100x32xf32, #tpu.memory_space<vmem>>) dst(%dma_wait3A_427 : memref<50176x32xf32, #tpu.memory_space<vmem_shared>>)
      } else {
      }
      %add3A_351 = arith.constant 3 : i32
      %add3A_352 = arith.addi %scan3A_343, %add3A_351 : i32
      %lt3A = arith.constant 500 : i32
      %lt3A_353 = arith.cmpi slt, %add3A_352, %lt3A : i32
      %convert_element_type3A_354 = arith.extui %lt3A_353 : i1 to i32
      %cond3A_355 = arith.constant 0 : i32
      %cond3A_356 = arith.cmpi ne, %convert_element_type3A_354, %cond3A_355 : i32
      scf.if %cond3A_356 {
        %add3A_417 = arith.constant 3 : i32
        %add3A_418 = arith.addi %scan3A_343, %add3A_417 : i32
        %rem3A_419 = arith.constant 3 : i32
        %rem3A_420 = arith.remsi %add3A_418, %rem3A_419 : i32
        %rem3A_421 = arith.constant 8 : i32
        %rem3A_422 = arith.remsi %add3A_418, %rem3A_421 : i32
        %add3A_423 = arith.addi %mul3A_19, %add3A_418 : i32
        %dma_start3A_424 = arith.constant 0 : i32
        %dma_start3A_425 = tpu.memref_slice %arg7[%rem3A_420, %dma_start3A_424] : memref<3x100xi32, #tpu.memory_space<vmem>> -> memref<1x100xi32, #tpu.memory_space<vmem>>
        %dma_start3A_426 = tpu.memref_squeeze %dma_start3A_425 : memref<1x100xi32, #tpu.memory_space<vmem>> -> memref<100xi32, #tpu.memory_space<vmem>>
        %dma_start3A_427 = arith.constant 0 : i32
        %dma_start3A_428 = tpu.memref_slice %arg4[%add3A_423, %dma_start3A_427] : memref<16000x100xi32, #tpu.memory_space<hbm>> -> memref<1x100xi32, #tpu.memory_space<hbm>>
        %dma_start3A_429 = tpu.memref_squeeze %dma_start3A_428 : memref<1x100xi32, #tpu.memory_space<hbm>> -> memref<100xi32, #tpu.memory_space<hbm>>
        %dma_start3A_430 = tpu.memref_slice %arg13[%rem3A_420] : memref<3x!tpu.dma_semaphore, #tpu.memory_space<semaphore_mem>> -> memref<1x!tpu.dma_semaphore, #tpu.memory_space<semaphore_mem>>
        %dma_start3A_431 = tpu.memref_squeeze %dma_start3A_430 : memref<1x!tpu.dma_semaphore, #tpu.memory_space<semaphore_mem>> -> memref<!tpu.dma_semaphore, #tpu.memory_space<semaphore_mem>>
        %dma_start3A_432 = arith.constant 0 : i32
        %dma_start3A_433 = tpu.memref_slice %arg7[%rem3A_420, %dma_start3A_432] : memref<3x100xi32, #tpu.memory_space<vmem>> -> memref<1x100xi32, #tpu.memory_space<vmem>>
        %dma_start3A_434 = tpu.memref_squeeze %dma_start3A_433 : memref<1x100xi32, #tpu.memory_space<vmem>> -> memref<100xi32, #tpu.memory_space<vmem>>
        %dma_start3A_435 = arith.constant 0 : i32
        %dma_start3A_436 = tpu.memref_slice %arg4[%add3A_423, %dma_start3A_435] : memref<16000x100xi32, #tpu.memory_space<hbm>> -> memref<1x100xi32, #tpu.memory_space<hbm>>
        %dma_start3A_437 = tpu.memref_squeeze %dma_start3A_436 : memref<1x100xi32, #tpu.memory_space<hbm>> -> memref<100xi32, #tpu.memory_space<hbm>>
        tpu.enqueue_dma source(%dma_start3A_437 : memref<100xi32, #tpu.memory_space<hbm>>) target(%dma_start3A_434 : memref<100xi32, #tpu.memory_space<vmem>>) target_semaphore(%dma_start3A_431 : memref<!tpu.dma_semaphore, #tpu.memory_space<semaphore_mem>>)
        %add3A_438 = arith.addi %mul3A_19, %add3A_418 : i32
        %dma_start3A_439 = arith.constant 0 : i32
        %dma_start3A_440 = tpu.memref_slice %arg8[%rem3A_422, %dma_start3A_439] : memref<8x100xi32, #tpu.memory_space<vmem>> -> memref<1x100xi32, #tpu.memory_space<vmem>>
        %dma_start3A_441 = tpu.memref_squeeze %dma_start3A_440 : memref<1x100xi32, #tpu.memory_space<vmem>> -> memref<100xi32, #tpu.memory_space<vmem>>
        %dma_start3A_442 = arith.constant 0 : i32
        %dma_start3A_443 = tpu.memref_slice %arg5[%add3A_438, %dma_start3A_442] : memref<16000x100xi32, #tpu.memory_space<hbm>> -> memref<1x100xi32, #tpu.memory_space<hbm>>
        %dma_start3A_444 = tpu.memref_squeeze %dma_start3A_443 : memref<1x100xi32, #tpu.memory_space<hbm>> -> memref<100xi32, #tpu.memory_space<hbm>>
        %dma_start3A_445 = tpu.memref_slice %arg13[%rem3A_420] : memref<3x!tpu.dma_semaphore, #tpu.memory_space<semaphore_mem>> -> memref<1x!tpu.dma_semaphore, #tpu.memory_space<semaphore_mem>>
        %dma_start3A_446 = tpu.memref_squeeze %dma_start3A_445 : memref<1x!tpu.dma_semaphore, #tpu.memory_space<semaphore_mem>> -> memref<!tpu.dma_semaphore, #tpu.memory_space<semaphore_mem>>
        %dma_start3A_447 = arith.constant 0 : i32
        %dma_start3A_448 = tpu.memref_slice %arg8[%rem3A_422, %dma_start3A_447] : memref<8x100xi32, #tpu.memory_space<vmem>> -> memref<1x100xi32, #tpu.memory_space<vmem>>
        %dma_start3A_449 = tpu.memref_squeeze %dma_start3A_448 : memref<1x100xi32, #tpu.memory_space<vmem>> -> memref<100xi32, #tpu.memory_space<vmem>>
        %dma_start3A_450 = arith.constant 0 : i32
        %dma_start3A_451 = tpu.memref_slice %arg5[%add3A_438, %dma_start3A_450] : memref<16000x100xi32, #tpu.memory_space<hbm>> -> memref<1x100xi32, #tpu.memory_space<hbm>>
        %dma_start3A_452 = tpu.memref_squeeze %dma_start3A_451 : memref<1x100xi32, #tpu.memory_space<hbm>> -> memref<100xi32, #tpu.memory_space<hbm>>
        tpu.enqueue_dma source(%dma_start3A_452 : memref<100xi32, #tpu.memory_space<hbm>>) target(%dma_start3A_449 : memref<100xi32, #tpu.memory_space<vmem>>) target_semaphore(%dma_start3A_446 : memref<!tpu.dma_semaphore, #tpu.memory_space<semaphore_mem>>)
      } else {
      }
      %add3A_357 = arith.constant 2 : i32
      %add3A_358 = arith.addi %scan3A_343, %add3A_357 : i32
      %lt3A_359 = arith.constant 500 : i32
      %lt3A_360 = arith.cmpi slt, %add3A_358, %lt3A_359 : i32
      %convert_element_type3A_361 = arith.extui %lt3A_360 : i1 to i32
      %cond3A_362 = arith.constant 0 : i32
      %cond3A_363 = arith.cmpi ne, %convert_element_type3A_361, %cond3A_362 : i32
      scf.if %cond3A_363 {
        %add3A_417 = arith.constant 2 : i32
        %add3A_418 = arith.addi %scan3A_343, %add3A_417 : i32
        %rem3A_419 = arith.constant 3 : i32
        %rem3A_420 = arith.remsi %add3A_418, %rem3A_419 : i32
        %rem3A_421 = arith.constant 8 : i32
        %rem3A_422 = arith.remsi %add3A_418, %rem3A_421 : i32
        %add3A_423 = arith.addi %mul3A_19, %add3A_418 : i32
        %dma_wait3A_424 = arith.constant 0 : i32
        %dma_wait3A_425 = tpu.memref_slice %arg7[%rem3A_420, %dma_wait3A_424] : memref<3x100xi32, #tpu.memory_space<vmem>> -> memref<1x100xi32, #tpu.memory_space<vmem>>
        %dma_wait3A_426 = tpu.memref_squeeze %dma_wait3A_425 : memref<1x100xi32, #tpu.memory_space<vmem>> -> memref<100xi32, #tpu.memory_space<vmem>>
        %dma_wait3A_427 = arith.constant 0 : i32
        %dma_wait3A_428 = tpu.memref_slice %arg4[%add3A_423, %dma_wait3A_427] : memref<16000x100xi32, #tpu.memory_space<hbm>> -> memref<1x100xi32, #tpu.memory_space<hbm>>
        %dma_wait3A_429 = tpu.memref_squeeze %dma_wait3A_428 : memref<1x100xi32, #tpu.memory_space<hbm>> -> memref<100xi32, #tpu.memory_space<hbm>>
        %dma_wait3A_430 = tpu.memref_slice %arg13[%rem3A_420] : memref<3x!tpu.dma_semaphore, #tpu.memory_space<semaphore_mem>> -> memref<1x!tpu.dma_semaphore, #tpu.memory_space<semaphore_mem>>
        %dma_wait3A_431 = tpu.memref_squeeze %dma_wait3A_430 : memref<1x!tpu.dma_semaphore, #tpu.memory_space<semaphore_mem>> -> memref<!tpu.dma_semaphore, #tpu.memory_space<semaphore_mem>>
        %dma_wait3A_432 = arith.constant 0 : i32
        %dma_wait3A_433 = tpu.memref_slice %arg7[%rem3A_420, %dma_wait3A_432] : memref<3x100xi32, #tpu.memory_space<vmem>> -> memref<1x100xi32, #tpu.memory_space<vmem>>
        %dma_wait3A_434 = tpu.memref_squeeze %dma_wait3A_433 : memref<1x100xi32, #tpu.memory_space<vmem>> -> memref<100xi32, #tpu.memory_space<vmem>>
        %dma_wait3A_435 = arith.constant 0 : i32
        %dma_wait3A_436 = tpu.memref_slice %arg4[%add3A_423, %dma_wait3A_435] : memref<16000x100xi32, #tpu.memory_space<hbm>> -> memref<1x100xi32, #tpu.memory_space<hbm>>
        %dma_wait3A_437 = tpu.memref_squeeze %dma_wait3A_436 : memref<1x100xi32, #tpu.memory_space<hbm>> -> memref<100xi32, #tpu.memory_space<hbm>>
        tpu.wait_dma2 semaphore(%dma_wait3A_431 : memref<!tpu.dma_semaphore, #tpu.memory_space<semaphore_mem>>) src(%dma_wait3A_437 : memref<100xi32, #tpu.memory_space<hbm>>) dst(%dma_wait3A_434 : memref<100xi32, #tpu.memory_space<vmem>>)
        %add3A_438 = arith.addi %mul3A_19, %add3A_418 : i32
        %dma_wait3A_439 = arith.constant 0 : i32
        %dma_wait3A_440 = tpu.memref_slice %arg8[%rem3A_422, %dma_wait3A_439] : memref<8x100xi32, #tpu.memory_space<vmem>> -> memref<1x100xi32, #tpu.memory_space<vmem>>
        %dma_wait3A_441 = tpu.memref_squeeze %dma_wait3A_440 : memref<1x100xi32, #tpu.memory_space<vmem>> -> memref<100xi32, #tpu.memory_space<vmem>>
        %dma_wait3A_442 = arith.constant 0 : i32
        %dma_wait3A_443 = tpu.memref_slice %arg5[%add3A_438, %dma_wait3A_442] : memref<16000x100xi32, #tpu.memory_space<hbm>> -> memref<1x100xi32, #tpu.memory_space<hbm>>
        %dma_wait3A_444 = tpu.memref_squeeze %dma_wait3A_443 : memref<1x100xi32, #tpu.memory_space<hbm>> -> memref<100xi32, #tpu.memory_space<hbm>>
        %dma_wait3A_445 = tpu.memref_slice %arg13[%rem3A_420] : memref<3x!tpu.dma_semaphore, #tpu.memory_space<semaphore_mem>> -> memref<1x!tpu.dma_semaphore, #tpu.memory_space<semaphore_mem>>
        %dma_wait3A_446 = tpu.memref_squeeze %dma_wait3A_445 : memref<1x!tpu.dma_semaphore, #tpu.memory_space<semaphore_mem>> -> memref<!tpu.dma_semaphore, #tpu.memory_space<semaphore_mem>>
        %dma_wait3A_447 = arith.constant 0 : i32
        %dma_wait3A_448 = tpu.memref_slice %arg8[%rem3A_422, %dma_wait3A_447] : memref<8x100xi32, #tpu.memory_space<vmem>> -> memref<1x100xi32, #tpu.memory_space<vmem>>
        %dma_wait3A_449 = tpu.memref_squeeze %dma_wait3A_448 : memref<1x100xi32, #tpu.memory_space<vmem>> -> memref<100xi32, #tpu.memory_space<vmem>>
        %dma_wait3A_450 = arith.constant 0 : i32
        %dma_wait3A_451 = tpu.memref_slice %arg5[%add3A_438, %dma_wait3A_450] : memref<16000x100xi32, #tpu.memory_space<hbm>> -> memref<1x100xi32, #tpu.memory_space<hbm>>
        %dma_wait3A_452 = tpu.memref_squeeze %dma_wait3A_451 : memref<1x100xi32, #tpu.memory_space<hbm>> -> memref<100xi32, #tpu.memory_space<hbm>>
        tpu.wait_dma2 semaphore(%dma_wait3A_446 : memref<!tpu.dma_semaphore, #tpu.memory_space<semaphore_mem>>) src(%dma_wait3A_452 : memref<100xi32, #tpu.memory_space<hbm>>) dst(%dma_wait3A_449 : memref<100xi32, #tpu.memory_space<vmem>>)
        %add3A_453 = arith.constant 2 : i32
        %add3A_454 = arith.addi %scan3A_343, %add3A_453 : i32
        %rem3A_455 = arith.constant 3 : i32
        %rem3A_456 = arith.remsi %add3A_454, %rem3A_455 : i32
        %add3A_457 = arith.addi %mul3A_19, %add3A_454 : i32
        %mul3A_458 = arith.constant 100 : i32
        %mul3A_459 = arith.muli %add3A_457, %mul3A_458 : i32
        %dma_start3A_460 = arith.constant 0 : i32
        %dma_start3A_461 = arith.constant 0 : i32
        %dma_start3A_462 = tpu.memref_slice %arg9[%rem3A_456, %dma_start3A_460, %dma_start3A_461] : memref<3x100x32xf32, #tpu.memory_space<vmem>> -> memref<1x100x32xf32, #tpu.memory_space<vmem>>
        %dma_start3A_463 = tpu.memref_squeeze %dma_start3A_462 : memref<1x100x32xf32, #tpu.memory_space<vmem>> -> memref<100x32xf32, #tpu.memory_space<vmem>>
        %dma_start3A_464 = arith.constant 0 : i32
        %dma_start3A_465 = tpu.memref_slice %arg7[%rem3A_456, %dma_start3A_464] : memref<3x100xi32, #tpu.memory_space<vmem>> -> memref<1x100xi32, #tpu.memory_space<vmem>>
        %dma_start3A_466 = tpu.memref_squeeze %dma_start3A_465 : memref<1x100xi32, #tpu.memory_space<vmem>> -> memref<100xi32, #tpu.memory_space<vmem>>
        %dma_start3A_467 = arith.constant 0 : i32
        %dma_start3A_468 = arith.constant 0 : i32
        %dma_start3A_469 = tpu.memref_slice %arg2[%dma_start3A_467, %dma_start3A_468] : memref<50000x32xf32, #tpu.memory_space<hbm>> -> memref<50000x32xf32, #tpu.memory_space<hbm>>
        %dma_start3A_470 = tpu.memref_slice %arg14[%rem3A_456] : memref<3x!tpu.dma_semaphore, #tpu.memory_space<semaphore_mem>> -> memref<1x!tpu.dma_semaphore, #tpu.memory_space<semaphore_mem>>
        %dma_start3A_471 = tpu.memref_squeeze %dma_start3A_470 : memref<1x!tpu.dma_semaphore, #tpu.memory_space<semaphore_mem>> -> memref<!tpu.dma_semaphore, #tpu.memory_space<semaphore_mem>>
        tpu.enqueue_indirect_dma source(%dma_start3A_469 : memref<50000x32xf32, #tpu.memory_space<hbm>>) target(%dma_start3A_463 : memref<100x32xf32, #tpu.memory_space<vmem>>) offsets(%dma_start3A_466 : memref<100xi32, #tpu.memory_space<vmem>>) semaphore(%dma_start3A_471 : memref<!tpu.dma_semaphore, #tpu.memory_space<semaphore_mem>>)
        %dma_start3A_472 = arith.constant 0 : i32
        %dma_start3A_473 = arith.constant 0 : i32
        %dma_start3A_474 = tpu.memref_slice %arg10[%rem3A_456, %dma_start3A_472, %dma_start3A_473] : memref<3x100x16xi32, #tpu.memory_space<vmem>> -> memref<1x100x16xi32, #tpu.memory_space<vmem>>
        %dma_start3A_475 = tpu.memref_squeeze %dma_start3A_474 : memref<1x100x16xi32, #tpu.memory_space<vmem>> -> memref<100x16xi32, #tpu.memory_space<vmem>>
        %dma_start3A_476 = arith.constant 32 : i32
        %dma_start3A_477 = tpu.memref_slice %arg3[%mul3A_459, %dma_start3A_476] : memref<1600000x48xi32, #tpu.memory_space<hbm>> -> memref<100x16xi32, #tpu.memory_space<hbm>>
        %dma_start3A_478 = tpu.memref_slice %arg14[%rem3A_456] : memref<3x!tpu.dma_semaphore, #tpu.memory_space<semaphore_mem>> -> memref<1x!tpu.dma_semaphore, #tpu.memory_space<semaphore_mem>>
        %dma_start3A_479 = tpu.memref_squeeze %dma_start3A_478 : memref<1x!tpu.dma_semaphore, #tpu.memory_space<semaphore_mem>> -> memref<!tpu.dma_semaphore, #tpu.memory_space<semaphore_mem>>
        %dma_start3A_480 = arith.constant 0 : i32
        %dma_start3A_481 = arith.constant 0 : i32
        %dma_start3A_482 = tpu.memref_slice %arg10[%rem3A_456, %dma_start3A_480, %dma_start3A_481] : memref<3x100x16xi32, #tpu.memory_space<vmem>> -> memref<1x100x16xi32, #tpu.memory_space<vmem>>
        %dma_start3A_483 = tpu.memref_squeeze %dma_start3A_482 : memref<1x100x16xi32, #tpu.memory_space<vmem>> -> memref<100x16xi32, #tpu.memory_space<vmem>>
        %dma_start3A_484 = arith.constant 32 : i32
        %dma_start3A_485 = tpu.memref_slice %arg3[%mul3A_459, %dma_start3A_484] : memref<1600000x48xi32, #tpu.memory_space<hbm>> -> memref<100x16xi32, #tpu.memory_space<hbm>>
        tpu.enqueue_dma source(%dma_start3A_485 : memref<100x16xi32, #tpu.memory_space<hbm>>) target(%dma_start3A_483 : memref<100x16xi32, #tpu.memory_space<vmem>>) target_semaphore(%dma_start3A_479 : memref<!tpu.dma_semaphore, #tpu.memory_space<semaphore_mem>>)
      } else {
      }
      %rem3A_364 = arith.constant 3 : i32
      %rem3A_365 = arith.remsi %scan3A_343, %rem3A_364 : i32
      %add3A_366 = arith.addi %mul3A_19, %scan3A_343 : i32
      %mul3A_367 = arith.constant 100 : i32
      %mul3A_368 = arith.muli %add3A_366, %mul3A_367 : i32
      %dma_wait3A_369 = arith.constant 0 : i32
      %dma_wait3A_370 = arith.constant 0 : i32
      %dma_wait3A_371 = tpu.memref_slice %arg9[%rem3A_365, %dma_wait3A_369, %dma_wait3A_370] : memref<3x100x32xf32, #tpu.memory_space<vmem>> -> memref<1x100x32xf32, #tpu.memory_space<vmem>>
      %dma_wait3A_372 = tpu.memref_squeeze %dma_wait3A_371 : memref<1x100x32xf32, #tpu.memory_space<vmem>> -> memref<100x32xf32, #tpu.memory_space<vmem>>
      %dma_wait3A_373 = arith.constant 0 : i32
      %dma_wait3A_374 = tpu.memref_slice %arg7[%rem3A_365, %dma_wait3A_373] : memref<3x100xi32, #tpu.memory_space<vmem>> -> memref<1x100xi32, #tpu.memory_space<vmem>>
      %dma_wait3A_375 = tpu.memref_squeeze %dma_wait3A_374 : memref<1x100xi32, #tpu.memory_space<vmem>> -> memref<100xi32, #tpu.memory_space<vmem>>
      %dma_wait3A_376 = arith.constant 0 : i32
      %dma_wait3A_377 = arith.constant 0 : i32
      %dma_wait3A_378 = tpu.memref_slice %arg2[%dma_wait3A_376, %dma_wait3A_377] : memref<50000x32xf32, #tpu.memory_space<hbm>> -> memref<50000x32xf32, #tpu.memory_space<hbm>>
      %dma_wait3A_379 = tpu.memref_slice %arg14[%rem3A_365] : memref<3x!tpu.dma_semaphore, #tpu.memory_space<semaphore_mem>> -> memref<1x!tpu.dma_semaphore, #tpu.memory_space<semaphore_mem>>
      %dma_wait3A_380 = tpu.memref_squeeze %dma_wait3A_379 : memref<1x!tpu.dma_semaphore, #tpu.memory_space<semaphore_mem>> -> memref<!tpu.dma_semaphore, #tpu.memory_space<semaphore_mem>>
      tpu.wait_indirect_dma semaphore(%dma_wait3A_380 : memref<!tpu.dma_semaphore, #tpu.memory_space<semaphore_mem>>) src(%dma_wait3A_378 : memref<50000x32xf32, #tpu.memory_space<hbm>>) dst(%dma_wait3A_372 : memref<100x32xf32, #tpu.memory_space<vmem>>)
      %dma_wait3A_381 = arith.constant 0 : i32
      %dma_wait3A_382 = arith.constant 0 : i32
      %dma_wait3A_383 = tpu.memref_slice %arg10[%rem3A_365, %dma_wait3A_381, %dma_wait3A_382] : memref<3x100x16xi32, #tpu.memory_space<vmem>> -> memref<1x100x16xi32, #tpu.memory_space<vmem>>
      %dma_wait3A_384 = tpu.memref_squeeze %dma_wait3A_383 : memref<1x100x16xi32, #tpu.memory_space<vmem>> -> memref<100x16xi32, #tpu.memory_space<vmem>>
      %dma_wait3A_385 = arith.constant 32 : i32
      %dma_wait3A_386 = tpu.memref_slice %arg3[%mul3A_368, %dma_wait3A_385] : memref<1600000x48xi32, #tpu.memory_space<hbm>> -> memref<100x16xi32, #tpu.memory_space<hbm>>
      %dma_wait3A_387 = tpu.memref_slice %arg14[%rem3A_365] : memref<3x!tpu.dma_semaphore, #tpu.memory_space<semaphore_mem>> -> memref<1x!tpu.dma_semaphore, #tpu.memory_space<semaphore_mem>>
      %dma_wait3A_388 = tpu.memref_squeeze %dma_wait3A_387 : memref<1x!tpu.dma_semaphore, #tpu.memory_space<semaphore_mem>> -> memref<!tpu.dma_semaphore, #tpu.memory_space<semaphore_mem>>
      %dma_wait3A_389 = arith.constant 0 : i32
      %dma_wait3A_390 = arith.constant 0 : i32
      %dma_wait3A_391 = tpu.memref_slice %arg10[%rem3A_365, %dma_wait3A_389, %dma_wait3A_390] : memref<3x100x16xi32, #tpu.memory_space<vmem>> -> memref<1x100x16xi32, #tpu.memory_space<vmem>>
      %dma_wait3A_392 = tpu.memref_squeeze %dma_wait3A_391 : memref<1x100x16xi32, #tpu.memory_space<vmem>> -> memref<100x16xi32, #tpu.memory_space<vmem>>
      %dma_wait3A_393 = arith.constant 32 : i32
      %dma_wait3A_394 = tpu.memref_slice %arg3[%mul3A_368, %dma_wait3A_393] : memref<1600000x48xi32, #tpu.memory_space<hbm>> -> memref<100x16xi32, #tpu.memory_space<hbm>>
      tpu.wait_dma2 semaphore(%dma_wait3A_388 : memref<!tpu.dma_semaphore, #tpu.memory_space<semaphore_mem>>) src(%dma_wait3A_394 : memref<100x16xi32, #tpu.memory_space<hbm>>) dst(%dma_wait3A_392 : memref<100x16xi32, #tpu.memory_space<vmem>>)
      %scan3A_395 = arith.constant 0 : i32
      %scan3A_396 = arith.constant 0 : i32
      %scan3A_397 = arith.constant 100 : i32
      %scan3A_398 = arith.addi %scan3A_396, %scan3A_397 : i32
      %scan3A_399 = arith.constant 10 : i32
      %scan3A_400 = scf.for %scan3A_417 = %scan3A_396 to %scan3A_398 step %scan3A_399 iter_args(%scan3A_418 = %scan3A_395) -> (i32)  : i32 {
        %get3A = arith.index_cast %rem3A_346 : i32 to index
        %get3A_419 = arith.index_cast %scan3A_417 : i32 to index
        %get3A_420 = arith.constant 0 : index
        %get3A_421 = tpu.vector_load %arg10[%get3A, %get3A_419, %get3A_420] {strides = array<i32>} : memref<3x100x16xi32, #tpu.memory_space<vmem>>, vector<1x1x16xi32>,
        %get3A_422 = vector.shape_cast %get3A_421 : vector<1x1x16xi32> to vector<16xi32>
        %shift_left3A = arith.constant 16 : i32
        %shift_left3A_423 = vector.broadcast %shift_left3A : i32 to vector<16xi32>
        %shift_left3A_424 = arith.shli %get3A_422, %shift_left3A_423 : vector<16xi32>
        %bitcast_convert_type3A = tpu.bitcast %shift_left3A_424 : vector<16xi32> -> vector<16xf32>
        %and3A = arith.constant -65536 : i32
        %and3A_425 = vector.broadcast %and3A : i32 to vector<16xi32>
        %and3A_426 = arith.andi %get3A_422, %and3A_425 : vector<16xi32>
        %bitcast_convert_type3A_427 = tpu.bitcast %and3A_426 : vector<16xi32> -> vector<16xf32>
        %get3A_428 = arith.index_cast %rem3A_346 : i32 to index
        %get3A_429 = arith.index_cast %scan3A_417 : i32 to index
        %get3A_430 = arith.constant 0 : index
        %get3A_431 = tpu.vector_load %arg9[%get3A_428, %get3A_429, %get3A_430] {strides = array<i32>} : memref<3x100x32xf32, #tpu.memory_space<vmem>>, vector<1x1x16xf32>,
        %get3A_432 = vector.shape_cast %get3A_431 : vector<1x1x16xf32> to vector<16xf32>
        %add3A_433 = arith.addf %get3A_432, %bitcast_convert_type3A : vector<16xf32>
        %get3A_434 = arith.index_cast %rem3A_346 : i32 to index
        %get3A_435 = arith.index_cast %scan3A_417 : i32 to index
        %get3A_436 = arith.constant 16 : index
        %get3A_437 = tpu.vector_load %arg9[%get3A_434, %get3A_435, %get3A_436] {strides = array<i32>} : memref<3x100x32xf32, #tpu.memory_space<vmem>>, vector<1x1x16xf32>,
        %get3A_438 = vector.shape_cast %get3A_437 : vector<1x1x16xf32> to vector<16xf32>
        %add3A_439 = arith.addf %get3A_438, %bitcast_convert_type3A_427 : vector<16xf32>
        %max3A = arith.constant 0.000000e+00 : f32
        %max3A_440 = vector.broadcast %max3A : f32 to vector<16xf32>
        %max3A_441 = arith.maximumf %add3A_433, %max3A_440 : vector<16xf32>
        %swap3A = arith.index_cast %rem3A_348 : i32 to index
        %swap3A_442 = arith.index_cast %scan3A_417 : i32 to index
        %swap3A_443 = arith.constant 0 : index
        %swap3A_444 = tpu.vector_load %arg11[%swap3A, %swap3A_442, %swap3A_443] {strides = array<i32>} : memref<4x100x32xf32, #tpu.memory_space<vmem>>, vector<1x1x16xf32>,
        %swap3A_445 = vector.shape_cast %swap3A_444 : vector<1x1x16xf32> to vector<16xf32>
        %swap3A_446 = vector.shape_cast %max3A_441 : vector<16xf32> to vector<1x1x16xf32>
        tpu.vector_store %arg11[%swap3A, %swap3A_442, %swap3A_443], %swap3A_446 {strides = array<i32>} : memref<4x100x32xf32, #tpu.memory_space<vmem>>, vector<1x1x16xf32>,
        %max3A_447 = arith.constant 0.000000e+00 : f32
        %max3A_448 = vector.broadcast %max3A_447 : f32 to vector<16xf32>
        %max3A_449 = arith.maximumf %add3A_439, %max3A_448 : vector<16xf32>
        %swap3A_450 = arith.index_cast %rem3A_348 : i32 to index
        %swap3A_451 = arith.index_cast %scan3A_417 : i32 to index
        %swap3A_452 = arith.constant 16 : index
        %swap3A_453 = tpu.vector_load %arg11[%swap3A_450, %swap3A_451, %swap3A_452] {strides = array<i32>} : memref<4x100x32xf32, #tpu.memory_space<vmem>>, vector<1x1x16xf32>,
        %swap3A_454 = vector.shape_cast %swap3A_453 : vector<1x1x16xf32> to vector<16xf32>
        %swap3A_455 = vector.shape_cast %max3A_449 : vector<16xf32> to vector<1x1x16xf32>
        tpu.vector_store %arg11[%swap3A_450, %swap3A_451, %swap3A_452], %swap3A_455 {strides = array<i32>} : memref<4x100x32xf32, #tpu.memory_space<vmem>>, vector<1x1x16xf32>,
        %scan3A_456 = arith.constant 0 : i32
        %scan3A_457 = arith.constant 1 : i32
        %scan3A_458 = arith.addi %scan3A_417, %scan3A_457 : i32
        %get3A_459 = arith.index_cast %rem3A_346 : i32 to index
        %get3A_460 = arith.index_cast %scan3A_458 : i32 to index
        %get3A_461 = arith.constant 0 : index
        %get3A_462 = tpu.vector_load %arg10[%get3A_459, %get3A_460, %get3A_461] {strides = array<i32>} : memref<3x100x16xi32, #tpu.memory_space<vmem>>, vector<1x1x16xi32>,
        %get3A_463 = vector.shape_cast %get3A_462 : vector<1x1x16xi32> to vector<16xi32>
        %shift_left3A_464 = arith.constant 16 : i32
        %shift_left3A_465 = vector.broadcast %shift_left3A_464 : i32 to vector<16xi32>
        %shift_left3A_466 = arith.shli %get3A_463, %shift_left3A_465 : vector<16xi32>
        %bitcast_convert_type3A_467 = tpu.bitcast %shift_left3A_466 : vector<16xi32> -> vector<16xf32>
        %and3A_468 = arith.constant -65536 : i32
        %and3A_469 = vector.broadcast %and3A_468 : i32 to vector<16xi32>
        %and3A_470 = arith.andi %get3A_463, %and3A_469 : vector<16xi32>
        %bitcast_convert_type3A_471 = tpu.bitcast %and3A_470 : vector<16xi32> -> vector<16xf32>
        %get3A_472 = arith.index_cast %rem3A_346 : i32 to index
        %get3A_473 = arith.index_cast %scan3A_458 : i32 to index
        %get3A_474 = arith.constant 0 : index
        %get3A_475 = tpu.vector_load %arg9[%get3A_472, %get3A_473, %get3A_474] {strides = array<i32>} : memref<3x100x32xf32, #tpu.memory_space<vmem>>, vector<1x1x16xf32>,
        %get3A_476 = vector.shape_cast %get3A_475 : vector<1x1x16xf32> to vector<16xf32>
        %add3A_477 = arith.addf %get3A_476, %bitcast_convert_type3A_467 : vector<16xf32>
        %get3A_478 = arith.index_cast %rem3A_346 : i32 to index
        %get3A_479 = arith.index_cast %scan3A_458 : i32 to index
        %get3A_480 = arith.constant 16 : index
        %get3A_481 = tpu.vector_load %arg9[%get3A_478, %get3A_479, %get3A_480] {strides = array<i32>} : memref<3x100x32xf32, #tpu.memory_space<vmem>>, vector<1x1x16xf32>,
        %get3A_482 = vector.shape_cast %get3A_481 : vector<1x1x16xf32> to vector<16xf32>
        %add3A_483 = arith.addf %get3A_482, %bitcast_convert_type3A_471 : vector<16xf32>
        %max3A_484 = arith.constant 0.000000e+00 : f32
        %max3A_485 = vector.broadcast %max3A_484 : f32 to vector<16xf32>
        %max3A_486 = arith.maximumf %add3A_477, %max3A_485 : vector<16xf32>
        %swap3A_487 = arith.index_cast %rem3A_348 : i32 to index
        %swap3A_488 = arith.index_cast %scan3A_458 : i32 to index
        %swap3A_489 = arith.constant 0 : index
        %swap3A_490 = tpu.vector_load %arg11[%swap3A_487, %swap3A_488, %swap3A_489] {strides = array<i32>} : memref<4x100x32xf32, #tpu.memory_space<vmem>>, vector<1x1x16xf32>,
        %swap3A_491 = vector.shape_cast %swap3A_490 : vector<1x1x16xf32> to vector<16xf32>
        %swap3A_492 = vector.shape_cast %max3A_486 : vector<16xf32> to vector<1x1x16xf32>
        tpu.vector_store %arg11[%swap3A_487, %swap3A_488, %swap3A_489], %swap3A_492 {strides = array<i32>} : memref<4x100x32xf32, #tpu.memory_space<vmem>>, vector<1x1x16xf32>,
        %max3A_493 = arith.constant 0.000000e+00 : f32
        %max3A_494 = vector.broadcast %max3A_493 : f32 to vector<16xf32>
        %max3A_495 = arith.maximumf %add3A_483, %max3A_494 : vector<16xf32>
        %swap3A_496 = arith.index_cast %rem3A_348 : i32 to index
        %swap3A_497 = arith.index_cast %scan3A_458 : i32 to index
        %swap3A_498 = arith.constant 16 : index
        %swap3A_499 = tpu.vector_load %arg11[%swap3A_496, %swap3A_497, %swap3A_498] {strides = array<i32>} : memref<4x100x32xf32, #tpu.memory_space<vmem>>, vector<1x1x16xf32>,
        %swap3A_500 = vector.shape_cast %swap3A_499 : vector<1x1x16xf32> to vector<16xf32>
        %swap3A_501 = vector.shape_cast %max3A_495 : vector<16xf32> to vector<1x1x16xf32>
        tpu.vector_store %arg11[%swap3A_496, %swap3A_497, %swap3A_498], %swap3A_501 {strides = array<i32>} : memref<4x100x32xf32, #tpu.memory_space<vmem>>, vector<1x1x16xf32>,
        %scan3A_502 = arith.constant 0 : i32
        %scan3A_503 = arith.constant 2 : i32
        %scan3A_504 = arith.addi %scan3A_417, %scan3A_503 : i32
        %get3A_505 = arith.index_cast %rem3A_346 : i32 to index
        %get3A_506 = arith.index_cast %scan3A_504 : i32 to index
        %get3A_507 = arith.constant 0 : index
        %get3A_508 = tpu.vector_load %arg10[%get3A_505, %get3A_506, %get3A_507] {strides = array<i32>} : memref<3x100x16xi32, #tpu.memory_space<vmem>>, vector<1x1x16xi32>,
        %get3A_509 = vector.shape_cast %get3A_508 : vector<1x1x16xi32> to vector<16xi32>
        %shift_left3A_510 = arith.constant 16 : i32
        %shift_left3A_511 = vector.broadcast %shift_left3A_510 : i32 to vector<16xi32>
        %shift_left3A_512 = arith.shli %get3A_509, %shift_left3A_511 : vector<16xi32>
        %bitcast_convert_type3A_513 = tpu.bitcast %shift_left3A_512 : vector<16xi32> -> vector<16xf32>
        %and3A_514 = arith.constant -65536 : i32
        %and3A_515 = vector.broadcast %and3A_514 : i32 to vector<16xi32>
        %and3A_516 = arith.andi %get3A_509, %and3A_515 : vector<16xi32>
        %bitcast_convert_type3A_517 = tpu.bitcast %and3A_516 : vector<16xi32> -> vector<16xf32>
        %get3A_518 = arith.index_cast %rem3A_346 : i32 to index
        %get3A_519 = arith.index_cast %scan3A_504 : i32 to index
        %get3A_520 = arith.constant 0 : index
        %get3A_521 = tpu.vector_load %arg9[%get3A_518, %get3A_519, %get3A_520] {strides = array<i32>} : memref<3x100x32xf32, #tpu.memory_space<vmem>>, vector<1x1x16xf32>,
        %get3A_522 = vector.shape_cast %get3A_521 : vector<1x1x16xf32> to vector<16xf32>
        %add3A_523 = arith.addf %get3A_522, %bitcast_convert_type3A_513 : vector<16xf32>
        %get3A_524 = arith.index_cast %rem3A_346 : i32 to index
        %get3A_525 = arith.index_cast %scan3A_504 : i32 to index
        %get3A_526 = arith.constant 16 : index
        %get3A_527 = tpu.vector_load %arg9[%get3A_524, %get3A_525, %get3A_526] {strides = array<i32>} : memref<3x100x32xf32, #tpu.memory_space<vmem>>, vector<1x1x16xf32>,
        %get3A_528 = vector.shape_cast %get3A_527 : vector<1x1x16xf32> to vector<16xf32>
        %add3A_529 = arith.addf %get3A_528, %bitcast_convert_type3A_517 : vector<16xf32>
        %max3A_530 = arith.constant 0.000000e+00 : f32
        %max3A_531 = vector.broadcast %max3A_530 : f32 to vector<16xf32>
        %max3A_532 = arith.maximumf %add3A_523, %max3A_531 : vector<16xf32>
        %swap3A_533 = arith.index_cast %rem3A_348 : i32 to index
        %swap3A_534 = arith.index_cast %scan3A_504 : i32 to index
        %swap3A_535 = arith.constant 0 : index
        %swap3A_536 = tpu.vector_load %arg11[%swap3A_533, %swap3A_534, %swap3A_535] {strides = array<i32>} : memref<4x100x32xf32, #tpu.memory_space<vmem>>, vector<1x1x16xf32>,
        %swap3A_537 = vector.shape_cast %swap3A_536 : vector<1x1x16xf32> to vector<16xf32>
        %swap3A_538 = vector.shape_cast %max3A_532 : vector<16xf32> to vector<1x1x16xf32>
        tpu.vector_store %arg11[%swap3A_533, %swap3A_534, %swap3A_535], %swap3A_538 {strides = array<i32>} : memref<4x100x32xf32, #tpu.memory_space<vmem>>, vector<1x1x16xf32>,
        %max3A_539 = arith.constant 0.000000e+00 : f32
        %max3A_540 = vector.broadcast %max3A_539 : f32 to vector<16xf32>
        %max3A_541 = arith.maximumf %add3A_529, %max3A_540 : vector<16xf32>
        %swap3A_542 = arith.index_cast %rem3A_348 : i32 to index
        %swap3A_543 = arith.index_cast %scan3A_504 : i32 to index
        %swap3A_544 = arith.constant 16 : index
        %swap3A_545 = tpu.vector_load %arg11[%swap3A_542, %swap3A_543, %swap3A_544] {strides = array<i32>} : memref<4x100x32xf32, #tpu.memory_space<vmem>>, vector<1x1x16xf32>,
        %swap3A_546 = vector.shape_cast %swap3A_545 : vector<1x1x16xf32> to vector<16xf32>
        %swap3A_547 = vector.shape_cast %max3A_541 : vector<16xf32> to vector<1x1x16xf32>
        tpu.vector_store %arg11[%swap3A_542, %swap3A_543, %swap3A_544], %swap3A_547 {strides = array<i32>} : memref<4x100x32xf32, #tpu.memory_space<vmem>>, vector<1x1x16xf32>,
        %scan3A_548 = arith.constant 0 : i32
        %scan3A_549 = arith.constant 3 : i32
        %scan3A_550 = arith.addi %scan3A_417, %scan3A_549 : i32
        %get3A_551 = arith.index_cast %rem3A_346 : i32 to index
        %get3A_552 = arith.index_cast %scan3A_550 : i32 to index
        %get3A_553 = arith.constant 0 : index
        %get3A_554 = tpu.vector_load %arg10[%get3A_551, %get3A_552, %get3A_553] {strides = array<i32>} : memref<3x100x16xi32, #tpu.memory_space<vmem>>, vector<1x1x16xi32>,
        %get3A_555 = vector.shape_cast %get3A_554 : vector<1x1x16xi32> to vector<16xi32>
        %shift_left3A_556 = arith.constant 16 : i32
        %shift_left3A_557 = vector.broadcast %shift_left3A_556 : i32 to vector<16xi32>
        %shift_left3A_558 = arith.shli %get3A_555, %shift_left3A_557 : vector<16xi32>
        %bitcast_convert_type3A_559 = tpu.bitcast %shift_left3A_558 : vector<16xi32> -> vector<16xf32>
        %and3A_560 = arith.constant -65536 : i32
        %and3A_561 = vector.broadcast %and3A_560 : i32 to vector<16xi32>
        %and3A_562 = arith.andi %get3A_555, %and3A_561 : vector<16xi32>
        %bitcast_convert_type3A_563 = tpu.bitcast %and3A_562 : vector<16xi32> -> vector<16xf32>
        %get3A_564 = arith.index_cast %rem3A_346 : i32 to index
        %get3A_565 = arith.index_cast %scan3A_550 : i32 to index
        %get3A_566 = arith.constant 0 : index
        %get3A_567 = tpu.vector_load %arg9[%get3A_564, %get3A_565, %get3A_566] {strides = array<i32>} : memref<3x100x32xf32, #tpu.memory_space<vmem>>, vector<1x1x16xf32>,
        %get3A_568 = vector.shape_cast %get3A_567 : vector<1x1x16xf32> to vector<16xf32>
        %add3A_569 = arith.addf %get3A_568, %bitcast_convert_type3A_559 : vector<16xf32>
        %get3A_570 = arith.index_cast %rem3A_346 : i32 to index
        %get3A_571 = arith.index_cast %scan3A_550 : i32 to index
        %get3A_572 = arith.constant 16 : index
        %get3A_573 = tpu.vector_load %arg9[%get3A_570, %get3A_571, %get3A_572] {strides = array<i32>} : memref<3x100x32xf32, #tpu.memory_space<vmem>>, vector<1x1x16xf32>,
        %get3A_574 = vector.shape_cast %get3A_573 : vector<1x1x16xf32> to vector<16xf32>
        %add3A_575 = arith.addf %get3A_574, %bitcast_convert_type3A_563 : vector<16xf32>
        %max3A_576 = arith.constant 0.000000e+00 : f32
        %max3A_577 = vector.broadcast %max3A_576 : f32 to vector<16xf32>
        %max3A_578 = arith.maximumf %add3A_569, %max3A_577 : vector<16xf32>
        %swap3A_579 = arith.index_cast %rem3A_348 : i32 to index
        %swap3A_580 = arith.index_cast %scan3A_550 : i32 to index
        %swap3A_581 = arith.constant 0 : index
        %swap3A_582 = tpu.vector_load %arg11[%swap3A_579, %swap3A_580, %swap3A_581] {strides = array<i32>} : memref<4x100x32xf32, #tpu.memory_space<vmem>>, vector<1x1x16xf32>,
        %swap3A_583 = vector.shape_cast %swap3A_582 : vector<1x1x16xf32> to vector<16xf32>
        %swap3A_584 = vector.shape_cast %max3A_578 : vector<16xf32> to vector<1x1x16xf32>
        tpu.vector_store %arg11[%swap3A_579, %swap3A_580, %swap3A_581], %swap3A_584 {strides = array<i32>} : memref<4x100x32xf32, #tpu.memory_space<vmem>>, vector<1x1x16xf32>,
        %max3A_585 = arith.constant 0.000000e+00 : f32
        %max3A_586 = vector.broadcast %max3A_585 : f32 to vector<16xf32>
        %max3A_587 = arith.maximumf %add3A_575, %max3A_586 : vector<16xf32>
        %swap3A_588 = arith.index_cast %rem3A_348 : i32 to index
        %swap3A_589 = arith.index_cast %scan3A_550 : i32 to index
        %swap3A_590 = arith.constant 16 : index
        %swap3A_591 = tpu.vector_load %arg11[%swap3A_588, %swap3A_589, %swap3A_590] {strides = array<i32>} : memref<4x100x32xf32, #tpu.memory_space<vmem>>, vector<1x1x16xf32>,
        %swap3A_592 = vector.shape_cast %swap3A_591 : vector<1x1x16xf32> to vector<16xf32>
        %swap3A_593 = vector.shape_cast %max3A_587 : vector<16xf32> to vector<1x1x16xf32>
        tpu.vector_store %arg11[%swap3A_588, %swap3A_589, %swap3A_590], %swap3A_593 {strides = array<i32>} : memref<4x100x32xf32, #tpu.memory_space<vmem>>, vector<1x1x16xf32>,
        %scan3A_594 = arith.constant 0 : i32
        %scan3A_595 = arith.constant 4 : i32
        %scan3A_596 = arith.addi %scan3A_417, %scan3A_595 : i32
        %get3A_597 = arith.index_cast %rem3A_346 : i32 to index
        %get3A_598 = arith.index_cast %scan3A_596 : i32 to index
        %get3A_599 = arith.constant 0 : index
        %get3A_600 = tpu.vector_load %arg10[%get3A_597, %get3A_598, %get3A_599] {strides = array<i32>} : memref<3x100x16xi32, #tpu.memory_space<vmem>>, vector<1x1x16xi32>,
        %get3A_601 = vector.shape_cast %get3A_600 : vector<1x1x16xi32> to vector<16xi32>
        %shift_left3A_602 = arith.constant 16 : i32
        %shift_left3A_603 = vector.broadcast %shift_left3A_602 : i32 to vector<16xi32>
        %shift_left3A_604 = arith.shli %get3A_601, %shift_left3A_603 : vector<16xi32>
        %bitcast_convert_type3A_605 = tpu.bitcast %shift_left3A_604 : vector<16xi32> -> vector<16xf32>
        %and3A_606 = arith.constant -65536 : i32
        %and3A_607 = vector.broadcast %and3A_606 : i32 to vector<16xi32>
        %and3A_608 = arith.andi %get3A_601, %and3A_607 : vector<16xi32>
        %bitcast_convert_type3A_609 = tpu.bitcast %and3A_608 : vector<16xi32> -> vector<16xf32>
        %get3A_610 = arith.index_cast %rem3A_346 : i32 to index
        %get3A_611 = arith.index_cast %scan3A_596 : i32 to index
        %get3A_612 = arith.constant 0 : index
        %get3A_613 = tpu.vector_load %arg9[%get3A_610, %get3A_611, %get3A_612] {strides = array<i32>} : memref<3x100x32xf32, #tpu.memory_space<vmem>>, vector<1x1x16xf32>,
        %get3A_614 = vector.shape_cast %get3A_613 : vector<1x1x16xf32> to vector<16xf32>
        %add3A_615 = arith.addf %get3A_614, %bitcast_convert_type3A_605 : vector<16xf32>
        %get3A_616 = arith.index_cast %rem3A_346 : i32 to index
        %get3A_617 = arith.index_cast %scan3A_596 : i32 to index
        %get3A_618 = arith.constant 16 : index
        %get3A_619 = tpu.vector_load %arg9[%get3A_616, %get3A_617, %get3A_618] {strides = array<i32>} : memref<3x100x32xf32, #tpu.memory_space<vmem>>, vector<1x1x16xf32>,
        %get3A_620 = vector.shape_cast %get3A_619 : vector<1x1x16xf32> to vector<16xf32>
        %add3A_621 = arith.addf %get3A_620, %bitcast_convert_type3A_609 : vector<16xf32>
        %max3A_622 = arith.constant 0.000000e+00 : f32
        %max3A_623 = vector.broadcast %max3A_622 : f32 to vector<16xf32>
        %max3A_624 = arith.maximumf %add3A_615, %max3A_623 : vector<16xf32>
        %swap3A_625 = arith.index_cast %rem3A_348 : i32 to index
        %swap3A_626 = arith.index_cast %scan3A_596 : i32 to index
        %swap3A_627 = arith.constant 0 : index
        %swap3A_628 = tpu.vector_load %arg11[%swap3A_625, %swap3A_626, %swap3A_627] {strides = array<i32>} : memref<4x100x32xf32, #tpu.memory_space<vmem>>, vector<1x1x16xf32>,
        %swap3A_629 = vector.shape_cast %swap3A_628 : vector<1x1x16xf32> to vector<16xf32>
        %swap3A_630 = vector.shape_cast %max3A_624 : vector<16xf32> to vector<1x1x16xf32>
        tpu.vector_store %arg11[%swap3A_625, %swap3A_626, %swap3A_627], %swap3A_630 {strides = array<i32>} : memref<4x100x32xf32, #tpu.memory_space<vmem>>, vector<1x1x16xf32>,
        %max3A_631 = arith.constant 0.000000e+00 : f32
        %max3A_632 = vector.broadcast %max3A_631 : f32 to vector<16xf32>
        %max3A_633 = arith.maximumf %add3A_621, %max3A_632 : vector<16xf32>
        %swap3A_634 = arith.index_cast %rem3A_348 : i32 to index
        %swap3A_635 = arith.index_cast %scan3A_596 : i32 to index
        %swap3A_636 = arith.constant 16 : index
        %swap3A_637 = tpu.vector_load %arg11[%swap3A_634, %swap3A_635, %swap3A_636] {strides = array<i32>} : memref<4x100x32xf32, #tpu.memory_space<vmem>>, vector<1x1x16xf32>,
        %swap3A_638 = vector.shape_cast %swap3A_637 : vector<1x1x16xf32> to vector<16xf32>
        %swap3A_639 = vector.shape_cast %max3A_633 : vector<16xf32> to vector<1x1x16xf32>
        tpu.vector_store %arg11[%swap3A_634, %swap3A_635, %swap3A_636], %swap3A_639 {strides = array<i32>} : memref<4x100x32xf32, #tpu.memory_space<vmem>>, vector<1x1x16xf32>,
        %scan3A_640 = arith.constant 0 : i32
        %scan3A_641 = arith.constant 5 : i32
        %scan3A_642 = arith.addi %scan3A_417, %scan3A_641 : i32
        %get3A_643 = arith.index_cast %rem3A_346 : i32 to index
        %get3A_644 = arith.index_cast %scan3A_642 : i32 to index
        %get3A_645 = arith.constant 0 : index
        %get3A_646 = tpu.vector_load %arg10[%get3A_643, %get3A_644, %get3A_645] {strides = array<i32>} : memref<3x100x16xi32, #tpu.memory_space<vmem>>, vector<1x1x16xi32>,
        %get3A_647 = vector.shape_cast %get3A_646 : vector<1x1x16xi32> to vector<16xi32>
        %shift_left3A_648 = arith.constant 16 : i32
        %shift_left3A_649 = vector.broadcast %shift_left3A_648 : i32 to vector<16xi32>
        %shift_left3A_650 = arith.shli %get3A_647, %shift_left3A_649 : vector<16xi32>
        %bitcast_convert_type3A_651 = tpu.bitcast %shift_left3A_650 : vector<16xi32> -> vector<16xf32>
        %and3A_652 = arith.constant -65536 : i32
        %and3A_653 = vector.broadcast %and3A_652 : i32 to vector<16xi32>
        %and3A_654 = arith.andi %get3A_647, %and3A_653 : vector<16xi32>
        %bitcast_convert_type3A_655 = tpu.bitcast %and3A_654 : vector<16xi32> -> vector<16xf32>
        %get3A_656 = arith.index_cast %rem3A_346 : i32 to index
        %get3A_657 = arith.index_cast %scan3A_642 : i32 to index
        %get3A_658 = arith.constant 0 : index
        %get3A_659 = tpu.vector_load %arg9[%get3A_656, %get3A_657, %get3A_658] {strides = array<i32>} : memref<3x100x32xf32, #tpu.memory_space<vmem>>, vector<1x1x16xf32>,
        %get3A_660 = vector.shape_cast %get3A_659 : vector<1x1x16xf32> to vector<16xf32>
        %add3A_661 = arith.addf %get3A_660, %bitcast_convert_type3A_651 : vector<16xf32>
        %get3A_662 = arith.index_cast %rem3A_346 : i32 to index
        %get3A_663 = arith.index_cast %scan3A_642 : i32 to index
        %get3A_664 = arith.constant 16 : index
        %get3A_665 = tpu.vector_load %arg9[%get3A_662, %get3A_663, %get3A_664] {strides = array<i32>} : memref<3x100x32xf32, #tpu.memory_space<vmem>>, vector<1x1x16xf32>,
        %get3A_666 = vector.shape_cast %get3A_665 : vector<1x1x16xf32> to vector<16xf32>
        %add3A_667 = arith.addf %get3A_666, %bitcast_convert_type3A_655 : vector<16xf32>
        %max3A_668 = arith.constant 0.000000e+00 : f32
        %max3A_669 = vector.broadcast %max3A_668 : f32 to vector<16xf32>
        %max3A_670 = arith.maximumf %add3A_661, %max3A_669 : vector<16xf32>
        %swap3A_671 = arith.index_cast %rem3A_348 : i32 to index
        %swap3A_672 = arith.index_cast %scan3A_642 : i32 to index
        %swap3A_673 = arith.constant 0 : index
        %swap3A_674 = tpu.vector_load %arg11[%swap3A_671, %swap3A_672, %swap3A_673] {strides = array<i32>} : memref<4x100x32xf32, #tpu.memory_space<vmem>>, vector<1x1x16xf32>,
        %swap3A_675 = vector.shape_cast %swap3A_674 : vector<1x1x16xf32> to vector<16xf32>
        %swap3A_676 = vector.shape_cast %max3A_670 : vector<16xf32> to vector<1x1x16xf32>
        tpu.vector_store %arg11[%swap3A_671, %swap3A_672, %swap3A_673], %swap3A_676 {strides = array<i32>} : memref<4x100x32xf32, #tpu.memory_space<vmem>>, vector<1x1x16xf32>,
        %max3A_677 = arith.constant 0.000000e+00 : f32
        %max3A_678 = vector.broadcast %max3A_677 : f32 to vector<16xf32>
        %max3A_679 = arith.maximumf %add3A_667, %max3A_678 : vector<16xf32>
        %swap3A_680 = arith.index_cast %rem3A_348 : i32 to index
        %swap3A_681 = arith.index_cast %scan3A_642 : i32 to index
        %swap3A_682 = arith.constant 16 : index
        %swap3A_683 = tpu.vector_load %arg11[%swap3A_680, %swap3A_681, %swap3A_682] {strides = array<i32>} : memref<4x100x32xf32, #tpu.memory_space<vmem>>, vector<1x1x16xf32>,
        %swap3A_684 = vector.shape_cast %swap3A_683 : vector<1x1x16xf32> to vector<16xf32>
        %swap3A_685 = vector.shape_cast %max3A_679 : vector<16xf32> to vector<1x1x16xf32>
        tpu.vector_store %arg11[%swap3A_680, %swap3A_681, %swap3A_682], %swap3A_685 {strides = array<i32>} : memref<4x100x32xf32, #tpu.memory_space<vmem>>, vector<1x1x16xf32>,
        %scan3A_686 = arith.constant 0 : i32
        %scan3A_687 = arith.constant 6 : i32
        %scan3A_688 = arith.addi %scan3A_417, %scan3A_687 : i32
        %get3A_689 = arith.index_cast %rem3A_346 : i32 to index
        %get3A_690 = arith.index_cast %scan3A_688 : i32 to index
        %get3A_691 = arith.constant 0 : index
        %get3A_692 = tpu.vector_load %arg10[%get3A_689, %get3A_690, %get3A_691] {strides = array<i32>} : memref<3x100x16xi32, #tpu.memory_space<vmem>>, vector<1x1x16xi32>,
        %get3A_693 = vector.shape_cast %get3A_692 : vector<1x1x16xi32> to vector<16xi32>
        %shift_left3A_694 = arith.constant 16 : i32
        %shift_left3A_695 = vector.broadcast %shift_left3A_694 : i32 to vector<16xi32>
        %shift_left3A_696 = arith.shli %get3A_693, %shift_left3A_695 : vector<16xi32>
        %bitcast_convert_type3A_697 = tpu.bitcast %shift_left3A_696 : vector<16xi32> -> vector<16xf32>
        %and3A_698 = arith.constant -65536 : i32
        %and3A_699 = vector.broadcast %and3A_698 : i32 to vector<16xi32>
        %and3A_700 = arith.andi %get3A_693, %and3A_699 : vector<16xi32>
        %bitcast_convert_type3A_701 = tpu.bitcast %and3A_700 : vector<16xi32> -> vector<16xf32>
        %get3A_702 = arith.index_cast %rem3A_346 : i32 to index
        %get3A_703 = arith.index_cast %scan3A_688 : i32 to index
        %get3A_704 = arith.constant 0 : index
        %get3A_705 = tpu.vector_load %arg9[%get3A_702, %get3A_703, %get3A_704] {strides = array<i32>} : memref<3x100x32xf32, #tpu.memory_space<vmem>>, vector<1x1x16xf32>,
        %get3A_706 = vector.shape_cast %get3A_705 : vector<1x1x16xf32> to vector<16xf32>
        %add3A_707 = arith.addf %get3A_706, %bitcast_convert_type3A_697 : vector<16xf32>
        %get3A_708 = arith.index_cast %rem3A_346 : i32 to index
        %get3A_709 = arith.index_cast %scan3A_688 : i32 to index
        %get3A_710 = arith.constant 16 : index
        %get3A_711 = tpu.vector_load %arg9[%get3A_708, %get3A_709, %get3A_710] {strides = array<i32>} : memref<3x100x32xf32, #tpu.memory_space<vmem>>, vector<1x1x16xf32>,
        %get3A_712 = vector.shape_cast %get3A_711 : vector<1x1x16xf32> to vector<16xf32>
        %add3A_713 = arith.addf %get3A_712, %bitcast_convert_type3A_701 : vector<16xf32>
        %max3A_714 = arith.constant 0.000000e+00 : f32
        %max3A_715 = vector.broadcast %max3A_714 : f32 to vector<16xf32>
        %max3A_716 = arith.maximumf %add3A_707, %max3A_715 : vector<16xf32>
        %swap3A_717 = arith.index_cast %rem3A_348 : i32 to index
        %swap3A_718 = arith.index_cast %scan3A_688 : i32 to index
        %swap3A_719 = arith.constant 0 : index
        %swap3A_720 = tpu.vector_load %arg11[%swap3A_717, %swap3A_718, %swap3A_719] {strides = array<i32>} : memref<4x100x32xf32, #tpu.memory_space<vmem>>, vector<1x1x16xf32>,
        %swap3A_721 = vector.shape_cast %swap3A_720 : vector<1x1x16xf32> to vector<16xf32>
        %swap3A_722 = vector.shape_cast %max3A_716 : vector<16xf32> to vector<1x1x16xf32>
        tpu.vector_store %arg11[%swap3A_717, %swap3A_718, %swap3A_719], %swap3A_722 {strides = array<i32>} : memref<4x100x32xf32, #tpu.memory_space<vmem>>, vector<1x1x16xf32>,
        %max3A_723 = arith.constant 0.000000e+00 : f32
        %max3A_724 = vector.broadcast %max3A_723 : f32 to vector<16xf32>
        %max3A_725 = arith.maximumf %add3A_713, %max3A_724 : vector<16xf32>
        %swap3A_726 = arith.index_cast %rem3A_348 : i32 to index
        %swap3A_727 = arith.index_cast %scan3A_688 : i32 to index
        %swap3A_728 = arith.constant 16 : index
        %swap3A_729 = tpu.vector_load %arg11[%swap3A_726, %swap3A_727, %swap3A_728] {strides = array<i32>} : memref<4x100x32xf32, #tpu.memory_space<vmem>>, vector<1x1x16xf32>,
        %swap3A_730 = vector.shape_cast %swap3A_729 : vector<1x1x16xf32> to vector<16xf32>
        %swap3A_731 = vector.shape_cast %max3A_725 : vector<16xf32> to vector<1x1x16xf32>
        tpu.vector_store %arg11[%swap3A_726, %swap3A_727, %swap3A_728], %swap3A_731 {strides = array<i32>} : memref<4x100x32xf32, #tpu.memory_space<vmem>>, vector<1x1x16xf32>,
        %scan3A_732 = arith.constant 0 : i32
        %scan3A_733 = arith.constant 7 : i32
        %scan3A_734 = arith.addi %scan3A_417, %scan3A_733 : i32
        %get3A_735 = arith.index_cast %rem3A_346 : i32 to index
        %get3A_736 = arith.index_cast %scan3A_734 : i32 to index
        %get3A_737 = arith.constant 0 : index
        %get3A_738 = tpu.vector_load %arg10[%get3A_735, %get3A_736, %get3A_737] {strides = array<i32>} : memref<3x100x16xi32, #tpu.memory_space<vmem>>, vector<1x1x16xi32>,
        %get3A_739 = vector.shape_cast %get3A_738 : vector<1x1x16xi32> to vector<16xi32>
        %shift_left3A_740 = arith.constant 16 : i32
        %shift_left3A_741 = vector.broadcast %shift_left3A_740 : i32 to vector<16xi32>
        %shift_left3A_742 = arith.shli %get3A_739, %shift_left3A_741 : vector<16xi32>
        %bitcast_convert_type3A_743 = tpu.bitcast %shift_left3A_742 : vector<16xi32> -> vector<16xf32>
        %and3A_744 = arith.constant -65536 : i32
        %and3A_745 = vector.broadcast %and3A_744 : i32 to vector<16xi32>
        %and3A_746 = arith.andi %get3A_739, %and3A_745 : vector<16xi32>
        %bitcast_convert_type3A_747 = tpu.bitcast %and3A_746 : vector<16xi32> -> vector<16xf32>
        %get3A_748 = arith.index_cast %rem3A_346 : i32 to index
        %get3A_749 = arith.index_cast %scan3A_734 : i32 to index
        %get3A_750 = arith.constant 0 : index
        %get3A_751 = tpu.vector_load %arg9[%get3A_748, %get3A_749, %get3A_750] {strides = array<i32>} : memref<3x100x32xf32, #tpu.memory_space<vmem>>, vector<1x1x16xf32>,
        %get3A_752 = vector.shape_cast %get3A_751 : vector<1x1x16xf32> to vector<16xf32>
        %add3A_753 = arith.addf %get3A_752, %bitcast_convert_type3A_743 : vector<16xf32>
        %get3A_754 = arith.index_cast %rem3A_346 : i32 to index
        %get3A_755 = arith.index_cast %scan3A_734 : i32 to index
        %get3A_756 = arith.constant 16 : index
        %get3A_757 = tpu.vector_load %arg9[%get3A_754, %get3A_755, %get3A_756] {strides = array<i32>} : memref<3x100x32xf32, #tpu.memory_space<vmem>>, vector<1x1x16xf32>,
        %get3A_758 = vector.shape_cast %get3A_757 : vector<1x1x16xf32> to vector<16xf32>
        %add3A_759 = arith.addf %get3A_758, %bitcast_convert_type3A_747 : vector<16xf32>
        %max3A_760 = arith.constant 0.000000e+00 : f32
        %max3A_761 = vector.broadcast %max3A_760 : f32 to vector<16xf32>
        %max3A_762 = arith.maximumf %add3A_753, %max3A_761 : vector<16xf32>
        %swap3A_763 = arith.index_cast %rem3A_348 : i32 to index
        %swap3A_764 = arith.index_cast %scan3A_734 : i32 to index
        %swap3A_765 = arith.constant 0 : index
        %swap3A_766 = tpu.vector_load %arg11[%swap3A_763, %swap3A_764, %swap3A_765] {strides = array<i32>} : memref<4x100x32xf32, #tpu.memory_space<vmem>>, vector<1x1x16xf32>,
        %swap3A_767 = vector.shape_cast %swap3A_766 : vector<1x1x16xf32> to vector<16xf32>
        %swap3A_768 = vector.shape_cast %max3A_762 : vector<16xf32> to vector<1x1x16xf32>
        tpu.vector_store %arg11[%swap3A_763, %swap3A_764, %swap3A_765], %swap3A_768 {strides = array<i32>} : memref<4x100x32xf32, #tpu.memory_space<vmem>>, vector<1x1x16xf32>,
        %max3A_769 = arith.constant 0.000000e+00 : f32
        %max3A_770 = vector.broadcast %max3A_769 : f32 to vector<16xf32>
        %max3A_771 = arith.maximumf %add3A_759, %max3A_770 : vector<16xf32>
        %swap3A_772 = arith.index_cast %rem3A_348 : i32 to index
        %swap3A_773 = arith.index_cast %scan3A_734 : i32 to index
        %swap3A_774 = arith.constant 16 : index
        %swap3A_775 = tpu.vector_load %arg11[%swap3A_772, %swap3A_773, %swap3A_774] {strides = array<i32>} : memref<4x100x32xf32, #tpu.memory_space<vmem>>, vector<1x1x16xf32>,
        %swap3A_776 = vector.shape_cast %swap3A_775 : vector<1x1x16xf32> to vector<16xf32>
        %swap3A_777 = vector.shape_cast %max3A_771 : vector<16xf32> to vector<1x1x16xf32>
        tpu.vector_store %arg11[%swap3A_772, %swap3A_773, %swap3A_774], %swap3A_777 {strides = array<i32>} : memref<4x100x32xf32, #tpu.memory_space<vmem>>, vector<1x1x16xf32>,
        %scan3A_778 = arith.constant 0 : i32
        %scan3A_779 = arith.constant 8 : i32
        %scan3A_780 = arith.addi %scan3A_417, %scan3A_779 : i32
        %get3A_781 = arith.index_cast %rem3A_346 : i32 to index
        %get3A_782 = arith.index_cast %scan3A_780 : i32 to index
        %get3A_783 = arith.constant 0 : index
        %get3A_784 = tpu.vector_load %arg10[%get3A_781, %get3A_782, %get3A_783] {strides = array<i32>} : memref<3x100x16xi32, #tpu.memory_space<vmem>>, vector<1x1x16xi32>,
        %get3A_785 = vector.shape_cast %get3A_784 : vector<1x1x16xi32> to vector<16xi32>
        %shift_left3A_786 = arith.constant 16 : i32
        %shift_left3A_787 = vector.broadcast %shift_left3A_786 : i32 to vector<16xi32>
        %shift_left3A_788 = arith.shli %get3A_785, %shift_left3A_787 : vector<16xi32>
        %bitcast_convert_type3A_789 = tpu.bitcast %shift_left3A_788 : vector<16xi32> -> vector<16xf32>
        %and3A_790 = arith.constant -65536 : i32
        %and3A_791 = vector.broadcast %and3A_790 : i32 to vector<16xi32>
        %and3A_792 = arith.andi %get3A_785, %and3A_791 : vector<16xi32>
        %bitcast_convert_type3A_793 = tpu.bitcast %and3A_792 : vector<16xi32> -> vector<16xf32>
        %get3A_794 = arith.index_cast %rem3A_346 : i32 to index
        %get3A_795 = arith.index_cast %scan3A_780 : i32 to index
        %get3A_796 = arith.constant 0 : index
        %get3A_797 = tpu.vector_load %arg9[%get3A_794, %get3A_795, %get3A_796] {strides = array<i32>} : memref<3x100x32xf32, #tpu.memory_space<vmem>>, vector<1x1x16xf32>,
        %get3A_798 = vector.shape_cast %get3A_797 : vector<1x1x16xf32> to vector<16xf32>
        %add3A_799 = arith.addf %get3A_798, %bitcast_convert_type3A_789 : vector<16xf32>
        %get3A_800 = arith.index_cast %rem3A_346 : i32 to index
        %get3A_801 = arith.index_cast %scan3A_780 : i32 to index
        %get3A_802 = arith.constant 16 : index
        %get3A_803 = tpu.vector_load %arg9[%get3A_800, %get3A_801, %get3A_802] {strides = array<i32>} : memref<3x100x32xf32, #tpu.memory_space<vmem>>, vector<1x1x16xf32>,
        %get3A_804 = vector.shape_cast %get3A_803 : vector<1x1x16xf32> to vector<16xf32>
        %add3A_805 = arith.addf %get3A_804, %bitcast_convert_type3A_793 : vector<16xf32>
        %max3A_806 = arith.constant 0.000000e+00 : f32
        %max3A_807 = vector.broadcast %max3A_806 : f32 to vector<16xf32>
        %max3A_808 = arith.maximumf %add3A_799, %max3A_807 : vector<16xf32>
        %swap3A_809 = arith.index_cast %rem3A_348 : i32 to index
        %swap3A_810 = arith.index_cast %scan3A_780 : i32 to index
        %swap3A_811 = arith.constant 0 : index
        %swap3A_812 = tpu.vector_load %arg11[%swap3A_809, %swap3A_810, %swap3A_811] {strides = array<i32>} : memref<4x100x32xf32, #tpu.memory_space<vmem>>, vector<1x1x16xf32>,
        %swap3A_813 = vector.shape_cast %swap3A_812 : vector<1x1x16xf32> to vector<16xf32>
        %swap3A_814 = vector.shape_cast %max3A_808 : vector<16xf32> to vector<1x1x16xf32>
        tpu.vector_store %arg11[%swap3A_809, %swap3A_810, %swap3A_811], %swap3A_814 {strides = array<i32>} : memref<4x100x32xf32, #tpu.memory_space<vmem>>, vector<1x1x16xf32>,
        %max3A_815 = arith.constant 0.000000e+00 : f32
        %max3A_816 = vector.broadcast %max3A_815 : f32 to vector<16xf32>
        %max3A_817 = arith.maximumf %add3A_805, %max3A_816 : vector<16xf32>
        %swap3A_818 = arith.index_cast %rem3A_348 : i32 to index
        %swap3A_819 = arith.index_cast %scan3A_780 : i32 to index
        %swap3A_820 = arith.constant 16 : index
        %swap3A_821 = tpu.vector_load %arg11[%swap3A_818, %swap3A_819, %swap3A_820] {strides = array<i32>} : memref<4x100x32xf32, #tpu.memory_space<vmem>>, vector<1x1x16xf32>,
        %swap3A_822 = vector.shape_cast %swap3A_821 : vector<1x1x16xf32> to vector<16xf32>
        %swap3A_823 = vector.shape_cast %max3A_817 : vector<16xf32> to vector<1x1x16xf32>
        tpu.vector_store %arg11[%swap3A_818, %swap3A_819, %swap3A_820], %swap3A_823 {strides = array<i32>} : memref<4x100x32xf32, #tpu.memory_space<vmem>>, vector<1x1x16xf32>,
        %scan3A_824 = arith.constant 0 : i32
        %scan3A_825 = arith.constant 9 : i32
        %scan3A_826 = arith.addi %scan3A_417, %scan3A_825 : i32
        %get3A_827 = arith.index_cast %rem3A_346 : i32 to index
        %get3A_828 = arith.index_cast %scan3A_826 : i32 to index
        %get3A_829 = arith.constant 0 : index
        %get3A_830 = tpu.vector_load %arg10[%get3A_827, %get3A_828, %get3A_829] {strides = array<i32>} : memref<3x100x16xi32, #tpu.memory_space<vmem>>, vector<1x1x16xi32>,
        %get3A_831 = vector.shape_cast %get3A_830 : vector<1x1x16xi32> to vector<16xi32>
        %shift_left3A_832 = arith.constant 16 : i32
        %shift_left3A_833 = vector.broadcast %shift_left3A_832 : i32 to vector<16xi32>
        %shift_left3A_834 = arith.shli %get3A_831, %shift_left3A_833 : vector<16xi32>
        %bitcast_convert_type3A_835 = tpu.bitcast %shift_left3A_834 : vector<16xi32> -> vector<16xf32>
        %and3A_836 = arith.constant -65536 : i32
        %and3A_837 = vector.broadcast %and3A_836 : i32 to vector<16xi32>
        %and3A_838 = arith.andi %get3A_831, %and3A_837 : vector<16xi32>
        %bitcast_convert_type3A_839 = tpu.bitcast %and3A_838 : vector<16xi32> -> vector<16xf32>
        %get3A_840 = arith.index_cast %rem3A_346 : i32 to index
        %get3A_841 = arith.index_cast %scan3A_826 : i32 to index
        %get3A_842 = arith.constant 0 : index
        %get3A_843 = tpu.vector_load %arg9[%get3A_840, %get3A_841, %get3A_842] {strides = array<i32>} : memref<3x100x32xf32, #tpu.memory_space<vmem>>, vector<1x1x16xf32>,
        %get3A_844 = vector.shape_cast %get3A_843 : vector<1x1x16xf32> to vector<16xf32>
        %add3A_845 = arith.addf %get3A_844, %bitcast_convert_type3A_835 : vector<16xf32>
        %get3A_846 = arith.index_cast %rem3A_346 : i32 to index
        %get3A_847 = arith.index_cast %scan3A_826 : i32 to index
        %get3A_848 = arith.constant 16 : index
        %get3A_849 = tpu.vector_load %arg9[%get3A_846, %get3A_847, %get3A_848] {strides = array<i32>} : memref<3x100x32xf32, #tpu.memory_space<vmem>>, vector<1x1x16xf32>,
        %get3A_850 = vector.shape_cast %get3A_849 : vector<1x1x16xf32> to vector<16xf32>
        %add3A_851 = arith.addf %get3A_850, %bitcast_convert_type3A_839 : vector<16xf32>
        %max3A_852 = arith.constant 0.000000e+00 : f32
        %max3A_853 = vector.broadcast %max3A_852 : f32 to vector<16xf32>
        %max3A_854 = arith.maximumf %add3A_845, %max3A_853 : vector<16xf32>
        %swap3A_855 = arith.index_cast %rem3A_348 : i32 to index
        %swap3A_856 = arith.index_cast %scan3A_826 : i32 to index
        %swap3A_857 = arith.constant 0 : index
        %swap3A_858 = tpu.vector_load %arg11[%swap3A_855, %swap3A_856, %swap3A_857] {strides = array<i32>} : memref<4x100x32xf32, #tpu.memory_space<vmem>>, vector<1x1x16xf32>,
        %swap3A_859 = vector.shape_cast %swap3A_858 : vector<1x1x16xf32> to vector<16xf32>
        %swap3A_860 = vector.shape_cast %max3A_854 : vector<16xf32> to vector<1x1x16xf32>
        tpu.vector_store %arg11[%swap3A_855, %swap3A_856, %swap3A_857], %swap3A_860 {strides = array<i32>} : memref<4x100x32xf32, #tpu.memory_space<vmem>>, vector<1x1x16xf32>,
        %max3A_861 = arith.constant 0.000000e+00 : f32
        %max3A_862 = vector.broadcast %max3A_861 : f32 to vector<16xf32>
        %max3A_863 = arith.maximumf %add3A_851, %max3A_862 : vector<16xf32>
        %swap3A_864 = arith.index_cast %rem3A_348 : i32 to index
        %swap3A_865 = arith.index_cast %scan3A_826 : i32 to index
        %swap3A_866 = arith.constant 16 : index
        %swap3A_867 = tpu.vector_load %arg11[%swap3A_864, %swap3A_865, %swap3A_866] {strides = array<i32>} : memref<4x100x32xf32, #tpu.memory_space<vmem>>, vector<1x1x16xf32>,
        %swap3A_868 = vector.shape_cast %swap3A_867 : vector<1x1x16xf32> to vector<16xf32>
        %swap3A_869 = vector.shape_cast %max3A_863 : vector<16xf32> to vector<1x1x16xf32>
        tpu.vector_store %arg11[%swap3A_864, %swap3A_865, %swap3A_866], %swap3A_869 {strides = array<i32>} : memref<4x100x32xf32, #tpu.memory_space<vmem>>, vector<1x1x16xf32>,
        %scan3A_870 = arith.constant 0 : i32
        scf.yield %scan3A_870 : i32
      }
      %scan3A_401 = arith.constant 100 : i32
      %rem3A_402 = arith.constant 8 : i32
      %rem3A_403 = arith.remsi %scan3A_343, %rem3A_402 : i32
      %dma_start3A_404 = arith.constant 0 : i32
      %dma_start3A_405 = arith.constant 0 : i32
      %dma_start3A_406 = tpu.memref_slice %arg11[%rem3A_348, %dma_start3A_404, %dma_start3A_405] : memref<4x100x32xf32, #tpu.memory_space<vmem>> -> memref<1x100x32xf32, #tpu.memory_space<vmem>>
      %dma_start3A_407 = tpu.memref_squeeze %dma_start3A_406 : memref<1x100x32xf32, #tpu.memory_space<vmem>> -> memref<100x32xf32, #tpu.memory_space<vmem>>
      %dma_start3A_408 = arith.constant 0 : i32
      %dma_start3A_409 = tpu.memref_slice %arg8[%rem3A_403, %dma_start3A_408] : memref<8x100xi32, #tpu.memory_space<vmem>> -> memref<1x100xi32, #tpu.memory_space<vmem>>
      %dma_start3A_410 = tpu.memref_squeeze %dma_start3A_409 : memref<1x100xi32, #tpu.memory_space<vmem>> -> memref<100xi32, #tpu.memory_space<vmem>>
      %dma_start3A_411 = arith.constant 0 : i32
      %dma_start3A_412 = arith.constant 0 : i32
      %dma_start3A_413 = tpu.memref_slice %arg12[%dma_start3A_411, %dma_start3A_412] : memref<50176x32xf32, #tpu.memory_space<vmem_shared>> -> memref<50176x32xf32, #tpu.memory_space<vmem_shared>>
      %dma_start3A_414 = tpu.memref_slice %arg15[%rem3A_348] : memref<4x!tpu.dma_semaphore, #tpu.memory_space<semaphore_mem>> -> memref<1x!tpu.dma_semaphore, #tpu.memory_space<semaphore_mem>>
      %dma_start3A_415 = tpu.memref_squeeze %dma_start3A_414 : memref<1x!tpu.dma_semaphore, #tpu.memory_space<semaphore_mem>> -> memref<!tpu.dma_semaphore, #tpu.memory_space<semaphore_mem>>
      tpu.enqueue_indirect_dma source(%dma_start3A_407 : memref<100x32xf32, #tpu.memory_space<vmem>>) target(%dma_start3A_413 : memref<50176x32xf32, #tpu.memory_space<vmem_shared>>) offsets(%dma_start3A_410 : memref<100xi32, #tpu.memory_space<vmem>>) semaphore(%dma_start3A_415 : memref<!tpu.dma_semaphore, #tpu.memory_space<semaphore_mem>>) {add = true}
      %scan3A_416 = arith.constant 0 : i32
      scf.yield %scan3A_416 : i32
    }
    %scan3A_279 = arith.constant 500 : i32
    %dma_wait3A_280 = arith.constant 0 : i32
    %dma_wait3A_281 = arith.constant 0 : i32
    %dma_wait3A_282 = arith.constant 0 : i32
    %dma_wait3A_283 = arith.constant 0 : i32
    %dma_wait3A_284 = arith.constant 0 : i32
    %dma_wait3A_285 = tpu.memref_slice %arg11[%dma_wait3A_280, %dma_wait3A_283, %dma_wait3A_284] : memref<4x100x32xf32, #tpu.memory_space<vmem>> -> memref<1x100x32xf32, #tpu.memory_space<vmem>>
    %dma_wait3A_286 = tpu.memref_squeeze %dma_wait3A_285 : memref<1x100x32xf32, #tpu.memory_space<vmem>> -> memref<100x32xf32, #tpu.memory_space<vmem>>
    %dma_wait3A_287 = arith.constant 0 : i32
    %dma_wait3A_288 = tpu.memref_slice %arg8[%dma_wait3A_281, %dma_wait3A_287] : memref<8x100xi32, #tpu.memory_space<vmem>> -> memref<1x100xi32, #tpu.memory_space<vmem>>
    %dma_wait3A_289 = tpu.memref_squeeze %dma_wait3A_288 : memref<1x100xi32, #tpu.memory_space<vmem>> -> memref<100xi32, #tpu.memory_space<vmem>>
    %dma_wait3A_290 = arith.constant 0 : i32
    %dma_wait3A_291 = arith.constant 0 : i32
    %dma_wait3A_292 = tpu.memref_slice %arg12[%dma_wait3A_290, %dma_wait3A_291] : memref<50176x32xf32, #tpu.memory_space<vmem_shared>> -> memref<50176x32xf32, #tpu.memory_space<vmem_shared>>
    %dma_wait3A_293 = tpu.memref_slice %arg15[%dma_wait3A_282] : memref<4x!tpu.dma_semaphore, #tpu.memory_space<semaphore_mem>> -> memref<1x!tpu.dma_semaphore, #tpu.memory_space<semaphore_mem>>
    %dma_wait3A_294 = tpu.memref_squeeze %dma_wait3A_293 : memref<1x!tpu.dma_semaphore, #tpu.memory_space<semaphore_mem>> -> memref<!tpu.dma_semaphore, #tpu.memory_space<semaphore_mem>>
    tpu.wait_indirect_dma semaphore(%dma_wait3A_294 : memref<!tpu.dma_semaphore, #tpu.memory_space<semaphore_mem>>) src(%dma_wait3A_286 : memref<100x32xf32, #tpu.memory_space<vmem>>) dst(%dma_wait3A_292 : memref<50176x32xf32, #tpu.memory_space<vmem_shared>>)
    %dma_wait3A_295 = arith.constant 1 : i32
    %dma_wait3A_296 = arith.constant 0 : i32
    %dma_wait3A_297 = arith.constant 1 : i32
    %dma_wait3A_298 = arith.constant 0 : i32
    %dma_wait3A_299 = arith.constant 0 : i32
    %dma_wait3A_300 = tpu.memref_slice %arg11[%dma_wait3A_295, %dma_wait3A_298, %dma_wait3A_299] : memref<4x100x32xf32, #tpu.memory_space<vmem>> -> memref<1x100x32xf32, #tpu.memory_space<vmem>>
    %dma_wait3A_301 = tpu.memref_squeeze %dma_wait3A_300 : memref<1x100x32xf32, #tpu.memory_space<vmem>> -> memref<100x32xf32, #tpu.memory_space<vmem>>
    %dma_wait3A_302 = arith.constant 0 : i32
    %dma_wait3A_303 = tpu.memref_slice %arg8[%dma_wait3A_296, %dma_wait3A_302] : memref<8x100xi32, #tpu.memory_space<vmem>> -> memref<1x100xi32, #tpu.memory_space<vmem>>
    %dma_wait3A_304 = tpu.memref_squeeze %dma_wait3A_303 : memref<1x100xi32, #tpu.memory_space<vmem>> -> memref<100xi32, #tpu.memory_space<vmem>>
    %dma_wait3A_305 = arith.constant 0 : i32
    %dma_wait3A_306 = arith.constant 0 : i32
    %dma_wait3A_307 = tpu.memref_slice %arg12[%dma_wait3A_305, %dma_wait3A_306] : memref<50176x32xf32, #tpu.memory_space<vmem_shared>> -> memref<50176x32xf32, #tpu.memory_space<vmem_shared>>
    %dma_wait3A_308 = tpu.memref_slice %arg15[%dma_wait3A_297] : memref<4x!tpu.dma_semaphore, #tpu.memory_space<semaphore_mem>> -> memref<1x!tpu.dma_semaphore, #tpu.memory_space<semaphore_mem>>
    %dma_wait3A_309 = tpu.memref_squeeze %dma_wait3A_308 : memref<1x!tpu.dma_semaphore, #tpu.memory_space<semaphore_mem>> -> memref<!tpu.dma_semaphore, #tpu.memory_space<semaphore_mem>>
    tpu.wait_indirect_dma semaphore(%dma_wait3A_309 : memref<!tpu.dma_semaphore, #tpu.memory_space<semaphore_mem>>) src(%dma_wait3A_301 : memref<100x32xf32, #tpu.memory_space<vmem>>) dst(%dma_wait3A_307 : memref<50176x32xf32, #tpu.memory_space<vmem_shared>>)
    %dma_wait3A_310 = arith.constant 2 : i32
    %dma_wait3A_311 = arith.constant 0 : i32
    %dma_wait3A_312 = arith.constant 2 : i32
    %dma_wait3A_313 = arith.constant 0 : i32
    %dma_wait3A_314 = arith.constant 0 : i32
    %dma_wait3A_315 = tpu.memref_slice %arg11[%dma_wait3A_310, %dma_wait3A_313, %dma_wait3A_314] : memref<4x100x32xf32, #tpu.memory_space<vmem>> -> memref<1x100x32xf32, #tpu.memory_space<vmem>>
    %dma_wait3A_316 = tpu.memref_squeeze %dma_wait3A_315 : memref<1x100x32xf32, #tpu.memory_space<vmem>> -> memref<100x32xf32, #tpu.memory_space<vmem>>
    %dma_wait3A_317 = arith.constant 0 : i32
    %dma_wait3A_318 = tpu.memref_slice %arg8[%dma_wait3A_311, %dma_wait3A_317] : memref<8x100xi32, #tpu.memory_space<vmem>> -> memref<1x100xi32, #tpu.memory_space<vmem>>
    %dma_wait3A_319 = tpu.memref_squeeze %dma_wait3A_318 : memref<1x100xi32, #tpu.memory_space<vmem>> -> memref<100xi32, #tpu.memory_space<vmem>>
    %dma_wait3A_320 = arith.constant 0 : i32
    %dma_wait3A_321 = arith.constant 0 : i32
    %dma_wait3A_322 = tpu.memref_slice %arg12[%dma_wait3A_320, %dma_wait3A_321] : memref<50176x32xf32, #tpu.memory_space<vmem_shared>> -> memref<50176x32xf32, #tpu.memory_space<vmem_shared>>
    %dma_wait3A_323 = tpu.memref_slice %arg15[%dma_wait3A_312] : memref<4x!tpu.dma_semaphore, #tpu.memory_space<semaphore_mem>> -> memref<1x!tpu.dma_semaphore, #tpu.memory_space<semaphore_mem>>
    %dma_wait3A_324 = tpu.memref_squeeze %dma_wait3A_323 : memref<1x!tpu.dma_semaphore, #tpu.memory_space<semaphore_mem>> -> memref<!tpu.dma_semaphore, #tpu.memory_space<semaphore_mem>>
    tpu.wait_indirect_dma semaphore(%dma_wait3A_324 : memref<!tpu.dma_semaphore, #tpu.memory_space<semaphore_mem>>) src(%dma_wait3A_316 : memref<100x32xf32, #tpu.memory_space<vmem>>) dst(%dma_wait3A_322 : memref<50176x32xf32, #tpu.memory_space<vmem_shared>>)
    %dma_wait3A_325 = arith.constant 3 : i32
    %dma_wait3A_326 = arith.constant 0 : i32
    %dma_wait3A_327 = arith.constant 3 : i32
    %dma_wait3A_328 = arith.constant 0 : i32
    %dma_wait3A_329 = arith.constant 0 : i32
    %dma_wait3A_330 = tpu.memref_slice %arg11[%dma_wait3A_325, %dma_wait3A_328, %dma_wait3A_329] : memref<4x100x32xf32, #tpu.memory_space<vmem>> -> memref<1x100x32xf32, #tpu.memory_space<vmem>>
    %dma_wait3A_331 = tpu.memref_squeeze %dma_wait3A_330 : memref<1x100x32xf32, #tpu.memory_space<vmem>> -> memref<100x32xf32, #tpu.memory_space<vmem>>
    %dma_wait3A_332 = arith.constant 0 : i32
    %dma_wait3A_333 = tpu.memref_slice %arg8[%dma_wait3A_326, %dma_wait3A_332] : memref<8x100xi32, #tpu.memory_space<vmem>> -> memref<1x100xi32, #tpu.memory_space<vmem>>
    %dma_wait3A_334 = tpu.memref_squeeze %dma_wait3A_333 : memref<1x100xi32, #tpu.memory_space<vmem>> -> memref<100xi32, #tpu.memory_space<vmem>>
    %dma_wait3A_335 = arith.constant 0 : i32
    %dma_wait3A_336 = arith.constant 0 : i32
    %dma_wait3A_337 = tpu.memref_slice %arg12[%dma_wait3A_335, %dma_wait3A_336] : memref<50176x32xf32, #tpu.memory_space<vmem_shared>> -> memref<50176x32xf32, #tpu.memory_space<vmem_shared>>
    %dma_wait3A_338 = tpu.memref_slice %arg15[%dma_wait3A_327] : memref<4x!tpu.dma_semaphore, #tpu.memory_space<semaphore_mem>> -> memref<1x!tpu.dma_semaphore, #tpu.memory_space<semaphore_mem>>
    %dma_wait3A_339 = tpu.memref_squeeze %dma_wait3A_338 : memref<1x!tpu.dma_semaphore, #tpu.memory_space<semaphore_mem>> -> memref<!tpu.dma_semaphore, #tpu.memory_space<semaphore_mem>>
    tpu.wait_indirect_dma semaphore(%dma_wait3A_339 : memref<!tpu.dma_semaphore, #tpu.memory_space<semaphore_mem>>) src(%dma_wait3A_331 : memref<100x32xf32, #tpu.memory_space<vmem>>) dst(%dma_wait3A_337 : memref<50176x32xf32, #tpu.memory_space<vmem_shared>>)
    %barrier3A_340 = arith.constant 0 : index
    tpu.barrier barrier_id(%barrier3A_340)
    %mul3A_341 = arith.constant 3136 : i32
    %mul3A_342 = arith.muli %arg1, %mul3A_341 : i32
    "tpu.region"() ({
      %run_scoped3A = tpu.sem_alloc : memref<!tpu.dma_semaphore, #tpu.memory_space<semaphore_mem>>
      %dma_start3A_343 = arith.constant 0 : i32
      %dma_start3A_344 = tpu.memref_slice %arg6[%arg0, %mul3A_342, %dma_start3A_343] : memref<2x50176x32xf32, #tpu.memory_space<hbm>> -> memref<1x3136x32xf32, #tpu.memory_space<hbm>>
      %dma_start3A_345 = tpu.memref_squeeze %dma_start3A_344 : memref<1x3136x32xf32, #tpu.memory_space<hbm>> -> memref<3136x32xf32, #tpu.memory_space<hbm>>
      %dma_start3A_346 = arith.constant 0 : i32
      %dma_start3A_347 = tpu.memref_slice %arg12[%mul3A_342, %dma_start3A_346] : memref<50176x32xf32, #tpu.memory_space<vmem_shared>> -> memref<3136x32xf32, #tpu.memory_space<vmem_shared>>
      tpu.enqueue_dma source(%dma_start3A_347 : memref<3136x32xf32, #tpu.memory_space<vmem_shared>>) target(%dma_start3A_345 : memref<3136x32xf32, #tpu.memory_space<hbm>>) target_semaphore(%run_scoped3A : memref<!tpu.dma_semaphore, #tpu.memory_space<semaphore_mem>>)
      %dma_wait3A_348 = arith.constant 0 : i32
      %dma_wait3A_349 = tpu.memref_slice %arg6[%arg0, %mul3A_342, %dma_wait3A_348] : memref<2x50176x32xf32, #tpu.memory_space<hbm>> -> memref<1x3136x32xf32, #tpu.memory_space<hbm>>
      %dma_wait3A_350 = tpu.memref_squeeze %dma_wait3A_349 : memref<1x3136x32xf32, #tpu.memory_space<hbm>> -> memref<3136x32xf32, #tpu.memory_space<hbm>>
      %dma_wait3A_351 = arith.constant 0 : i32
      %dma_wait3A_352 = tpu.memref_slice %arg12[%mul3A_342, %dma_wait3A_351] : memref<50176x32xf32, #tpu.memory_space<vmem_shared>> -> memref<3136x32xf32, #tpu.memory_space<vmem_shared>>
      tpu.wait_dma2 semaphore(%run_scoped3A : memref<!tpu.dma_semaphore, #tpu.memory_space<semaphore_mem>>) src(%dma_wait3A_352 : memref<3136x32xf32, #tpu.memory_space<vmem_shared>>) dst(%dma_wait3A_350 : memref<3136x32xf32, #tpu.memory_space<hbm>>)
      tpu.yield
    }) : () -> ()
    return
  }
}

#map = affine_map<(d0, d1) -> (0, 0)>
#map1 = affine_map<(d0, d1) -> (0, 0, 0)>
module attributes {stable_mosaic.version = 14 : i64} {
  func.func @_sc_edge_pass(%arg0: i32, %arg1: i32, %arg2: memref<50000x32xf32, #tpu.memory_space<hbm>>, %arg3: memref<1600000x48xi32, #tpu.memory_space<hbm>>, %arg4: memref<16000x100xi32, #tpu.memory_space<hbm>>, %arg5: memref<16000x100xi32, #tpu.memory_space<hbm>>, %arg6: memref<2x50176x32xf32, #tpu.memory_space<hbm>>, %arg7: memref<3x100xi32, #tpu.memory_space<vmem>>, %arg8: memref<8x100xi32, #tpu.memory_space<vmem>>, %arg9: memref<3x100x32xf32, #tpu.memory_space<vmem>>, %arg10: memref<3x100x16xi32, #tpu.memory_space<vmem>>, %arg11: memref<4x100x32xf32, #tpu.memory_space<vmem>>, %arg12: memref<50176x32xf32, #tpu.memory_space<vmem_shared>>, %arg13: memref<3x!tpu.dma_semaphore, #tpu.memory_space<semaphore_mem>>, %arg14: memref<3x!tpu.dma_semaphore, #tpu.memory_space<semaphore_mem>>, %arg15: memref<4x!tpu.dma_semaphore, #tpu.memory_space<semaphore_mem>>) attributes {dimension_semantics = [#tpu.dimension_semantics<core_parallel>, #tpu.dimension_semantics<subcore_parallel>], iteration_bounds = array<i64: 2, 16>, scalar_prefetch = 0 : i64, scratch_operands = 9 : i64, tpu.core_type = #tpu.core_type<sc_vector_subcore>, window_params = [{transform_indices = #map}, {transform_indices = #map}, {transform_indices = #map}, {transform_indices = #map}, {transform_indices = #map1}]} {
    %scan3A = arith.constant 0 : i32
    %scan3A_0 = arith.constant 0 : i32
    %scan3A_1 = arith.constant 0 : i32
    %scan3A_2 = arith.constant 100 : i32
    %scan3A_3 = arith.addi %scan3A_1, %scan3A_2 : i32
    %scan3A_4 = arith.constant 1 : i32
    %scan3A_5 = scf.for %scan3A_343 = %scan3A_1 to %scan3A_3 step %scan3A_4 iter_args(%scan3A_344 = %scan3A_0) -> (i32)  : i32 {
      %broadcast_in_dim3A = arith.constant 0.000000e+00 : f32
      %broadcast_in_dim3A_345 = vector.broadcast %broadcast_in_dim3A : f32 to vector<16xf32>
      %swap3A = arith.constant 0 : i32
      %swap3A_346 = arith.constant 0 : i32
      %swap3A_347 = tpu.memref_slice %arg11[%scan3A, %swap3A, %swap3A_346] : memref<4x100x32xf32, #tpu.memory_space<vmem>> -> memref<1x100x32xf32, #tpu.memory_space<vmem>>
      %swap3A_348 = tpu.memref_squeeze %swap3A_347 : memref<1x100x32xf32, #tpu.memory_space<vmem>> -> memref<100x32xf32, #tpu.memory_space<vmem>>
      %swap3A_349 = arith.index_cast %scan3A_343 : i32 to index
      %swap3A_350 = arith.constant 0 : index
      %swap3A_351 = tpu.vector_load %swap3A_348[%swap3A_349, %swap3A_350] {strides = array<i32>} : memref<100x32xf32, #tpu.memory_space<vmem>>, vector<1x16xf32>,
      %swap3A_352 = vector.shape_cast %swap3A_351 : vector<1x16xf32> to vector<16xf32>
      %swap3A_353 = vector.shape_cast %broadcast_in_dim3A_345 : vector<16xf32> to vector<1x16xf32>
      tpu.vector_store %swap3A_348[%swap3A_349, %swap3A_350], %swap3A_353 {strides = array<i32>} : memref<100x32xf32, #tpu.memory_space<vmem>>, vector<1x16xf32>,
      %broadcast_in_dim3A_354 = arith.constant 0.000000e+00 : f32
      %broadcast_in_dim3A_355 = vector.broadcast %broadcast_in_dim3A_354 : f32 to vector<16xf32>
      %swap3A_356 = arith.constant 0 : i32
      %swap3A_357 = arith.constant 0 : i32
      %swap3A_358 = tpu.memref_slice %arg11[%scan3A, %swap3A_356, %swap3A_357] : memref<4x100x32xf32, #tpu.memory_space<vmem>> -> memref<1x100x32xf32, #tpu.memory_space<vmem>>
      %swap3A_359 = tpu.memref_squeeze %swap3A_358 : memref<1x100x32xf32, #tpu.memory_space<vmem>> -> memref<100x32xf32, #tpu.memory_space<vmem>>
      %swap3A_360 = arith.index_cast %scan3A_343 : i32 to index
      %swap3A_361 = arith.constant 16 : index
      %swap3A_362 = tpu.vector_load %swap3A_359[%swap3A_360, %swap3A_361] {strides = array<i32>} : memref<100x32xf32, #tpu.memory_space<vmem>>, vector<1x16xf32>,
      %swap3A_363 = vector.shape_cast %swap3A_362 : vector<1x16xf32> to vector<16xf32>
      %swap3A_364 = vector.shape_cast %broadcast_in_dim3A_355 : vector<16xf32> to vector<1x16xf32>
      tpu.vector_store %swap3A_359[%swap3A_360, %swap3A_361], %swap3A_364 {strides = array<i32>} : memref<100x32xf32, #tpu.memory_space<vmem>>, vector<1x16xf32>,
      %scan3A_365 = arith.constant 0 : i32
      scf.yield %scan3A_365 : i32
    }
    %scan3A_6 = arith.constant 100 : i32
    %mul3A = arith.constant 3136 : i32
    %mul3A_7 = arith.muli %arg1, %mul3A : i32
    %scan3A_8 = arith.constant 0 : i32
    %scan3A_9 = arith.constant 0 : i32
    %scan3A_10 = arith.constant 0 : i32
    %scan3A_11 = arith.constant 56 : i32
    %scan3A_12 = arith.addi %scan3A_10, %scan3A_11 : i32
    %scan3A_13 = arith.constant 1 : i32
    %scan3A_14 = scf.for %scan3A_343 = %scan3A_10 to %scan3A_12 step %scan3A_13 iter_args(%scan3A_344 = %scan3A_9) -> (i32)  : i32 {
      %mul3A_345 = arith.constant 56 : i32
      %mul3A_346 = arith.muli %scan3A_343, %mul3A_345 : i32
      %add3A_347 = arith.addi %mul3A_7, %mul3A_346 : i32
      "tpu.region"() ({
        %run_scoped3A = tpu.sem_alloc : memref<!tpu.dma_semaphore, #tpu.memory_space<semaphore_mem>>
        %dma_start3A_349 = arith.constant 0 : i32
        %dma_start3A_350 = arith.constant 0 : i32
        %dma_start3A_351 = tpu.memref_slice %arg11[%scan3A_8, %dma_start3A_349, %dma_start3A_350] : memref<4x100x32xf32, #tpu.memory_space<vmem>> -> memref<1x56x32xf32, #tpu.memory_space<vmem>>
        %dma_start3A_352 = tpu.memref_squeeze %dma_start3A_351 : memref<1x56x32xf32, #tpu.memory_space<vmem>> -> memref<56x32xf32, #tpu.memory_space<vmem>>
        %dma_start3A_353 = arith.constant 0 : i32
        %dma_start3A_354 = tpu.memref_slice %arg12[%add3A_347, %dma_start3A_353] : memref<50176x32xf32, #tpu.memory_space<vmem_shared>> -> memref<56x32xf32, #tpu.memory_space<vmem_shared>>
        %dma_start3A_355 = arith.constant 0 : i32
        %dma_start3A_356 = tpu.memref_slice %arg12[%add3A_347, %dma_start3A_355] : memref<50176x32xf32, #tpu.memory_space<vmem_shared>> -> memref<56x32xf32, #tpu.memory_space<vmem_shared>>
        %dma_start3A_357 = arith.constant 0 : i32
        %dma_start3A_358 = arith.constant 0 : i32
        %dma_start3A_359 = tpu.memref_slice %arg11[%scan3A_8, %dma_start3A_357, %dma_start3A_358] : memref<4x100x32xf32, #tpu.memory_space<vmem>> -> memref<1x56x32xf32, #tpu.memory_space<vmem>>
        %dma_start3A_360 = tpu.memref_squeeze %dma_start3A_359 : memref<1x56x32xf32, #tpu.memory_space<vmem>> -> memref<56x32xf32, #tpu.memory_space<vmem>>
        tpu.enqueue_dma source(%dma_start3A_360 : memref<56x32xf32, #tpu.memory_space<vmem>>) target(%dma_start3A_356 : memref<56x32xf32, #tpu.memory_space<vmem_shared>>) target_semaphore(%run_scoped3A : memref<!tpu.dma_semaphore, #tpu.memory_space<semaphore_mem>>)
        %dma_wait3A_361 = arith.constant 0 : i32
        %dma_wait3A_362 = arith.constant 0 : i32
        %dma_wait3A_363 = tpu.memref_slice %arg11[%scan3A_8, %dma_wait3A_361, %dma_wait3A_362] : memref<4x100x32xf32, #tpu.memory_space<vmem>> -> memref<1x56x32xf32, #tpu.memory_space<vmem>>
        %dma_wait3A_364 = tpu.memref_squeeze %dma_wait3A_363 : memref<1x56x32xf32, #tpu.memory_space<vmem>> -> memref<56x32xf32, #tpu.memory_space<vmem>>
        %dma_wait3A_365 = arith.constant 0 : i32
        %dma_wait3A_366 = tpu.memref_slice %arg12[%add3A_347, %dma_wait3A_365] : memref<50176x32xf32, #tpu.memory_space<vmem_shared>> -> memref<56x32xf32, #tpu.memory_space<vmem_shared>>
        %dma_wait3A_367 = arith.constant 0 : i32
        %dma_wait3A_368 = tpu.memref_slice %arg12[%add3A_347, %dma_wait3A_367] : memref<50176x32xf32, #tpu.memory_space<vmem_shared>> -> memref<56x32xf32, #tpu.memory_space<vmem_shared>>
        %dma_wait3A_369 = arith.constant 0 : i32
        %dma_wait3A_370 = arith.constant 0 : i32
        %dma_wait3A_371 = tpu.memref_slice %arg11[%scan3A_8, %dma_wait3A_369, %dma_wait3A_370] : memref<4x100x32xf32, #tpu.memory_space<vmem>> -> memref<1x56x32xf32, #tpu.memory_space<vmem>>
        %dma_wait3A_372 = tpu.memref_squeeze %dma_wait3A_371 : memref<1x56x32xf32, #tpu.memory_space<vmem>> -> memref<56x32xf32, #tpu.memory_space<vmem>>
        tpu.wait_dma2 semaphore(%run_scoped3A : memref<!tpu.dma_semaphore, #tpu.memory_space<semaphore_mem>>) src(%dma_wait3A_372 : memref<56x32xf32, #tpu.memory_space<vmem>>) dst(%dma_wait3A_368 : memref<56x32xf32, #tpu.memory_space<vmem_shared>>)
        tpu.yield
      }) : () -> ()
      %scan3A_348 = arith.constant 0 : i32
      scf.yield %scan3A_348 : i32
    }
    %scan3A_15 = arith.constant 56 : i32
    %barrier3A = arith.constant 0 : index
    tpu.barrier barrier_id(%barrier3A)
    %mul3A_16 = arith.constant 16 : i32
    %mul3A_17 = arith.muli %arg0, %mul3A_16 : i32
    %add3A = arith.addi %mul3A_17, %arg1 : i32
    %mul3A_18 = arith.constant 500 : i32
    %mul3A_19 = arith.muli %add3A, %mul3A_18 : i32
    %rem3A = arith.constant 0 : i32
    %rem3A_20 = arith.constant 3 : i32
    %rem3A_21 = arith.remsi %rem3A, %rem3A_20 : i32
    %rem3A_22 = arith.constant 0 : i32
    %rem3A_23 = arith.constant 8 : i32
    %rem3A_24 = arith.remsi %rem3A_22, %rem3A_23 : i32
    %add3A_25 = arith.constant 0 : i32
    %add3A_26 = arith.addi %mul3A_19, %add3A_25 : i32
    %dma_start3A = arith.constant 0 : i32
    %dma_start3A_27 = tpu.memref_slice %arg7[%rem3A_21, %dma_start3A] : memref<3x100xi32, #tpu.memory_space<vmem>> -> memref<1x100xi32, #tpu.memory_space<vmem>>
    %dma_start3A_28 = tpu.memref_squeeze %dma_start3A_27 : memref<1x100xi32, #tpu.memory_space<vmem>> -> memref<100xi32, #tpu.memory_space<vmem>>
    %dma_start3A_29 = arith.constant 0 : i32
    %dma_start3A_30 = tpu.memref_slice %arg4[%add3A_26, %dma_start3A_29] : memref<16000x100xi32, #tpu.memory_space<hbm>> -> memref<1x100xi32, #tpu.memory_space<hbm>>
    %dma_start3A_31 = tpu.memref_squeeze %dma_start3A_30 : memref<1x100xi32, #tpu.memory_space<hbm>> -> memref<100xi32, #tpu.memory_space<hbm>>
    %dma_start3A_32 = tpu.memref_slice %arg13[%rem3A_21] : memref<3x!tpu.dma_semaphore, #tpu.memory_space<semaphore_mem>> -> memref<1x!tpu.dma_semaphore, #tpu.memory_space<semaphore_mem>>
    %dma_start3A_33 = tpu.memref_squeeze %dma_start3A_32 : memref<1x!tpu.dma_semaphore, #tpu.memory_space<semaphore_mem>> -> memref<!tpu.dma_semaphore, #tpu.memory_space<semaphore_mem>>
    %dma_start3A_34 = arith.constant 0 : i32
    %dma_start3A_35 = tpu.memref_slice %arg7[%rem3A_21, %dma_start3A_34] : memref<3x100xi32, #tpu.memory_space<vmem>> -> memref<1x100xi32, #tpu.memory_space<vmem>>
    %dma_start3A_36 = tpu.memref_squeeze %dma_start3A_35 : memref<1x100xi32, #tpu.memory_space<vmem>> -> memref<100xi32, #tpu.memory_space<vmem>>
    %dma_start3A_37 = arith.constant 0 : i32
    %dma_start3A_38 = tpu.memref_slice %arg4[%add3A_26, %dma_start3A_37] : memref<16000x100xi32, #tpu.memory_space<hbm>> -> memref<1x100xi32, #tpu.memory_space<hbm>>
    %dma_start3A_39 = tpu.memref_squeeze %dma_start3A_38 : memref<1x100xi32, #tpu.memory_space<hbm>> -> memref<100xi32, #tpu.memory_space<hbm>>
    tpu.enqueue_dma source(%dma_start3A_39 : memref<100xi32, #tpu.memory_space<hbm>>) target(%dma_start3A_36 : memref<100xi32, #tpu.memory_space<vmem>>) target_semaphore(%dma_start3A_33 : memref<!tpu.dma_semaphore, #tpu.memory_space<semaphore_mem>>)
    %add3A_40 = arith.constant 0 : i32
    %add3A_41 = arith.addi %mul3A_19, %add3A_40 : i32
    %dma_start3A_42 = arith.constant 0 : i32
    %dma_start3A_43 = tpu.memref_slice %arg8[%rem3A_24, %dma_start3A_42] : memref<8x100xi32, #tpu.memory_space<vmem>> -> memref<1x100xi32, #tpu.memory_space<vmem>>
    %dma_start3A_44 = tpu.memref_squeeze %dma_start3A_43 : memref<1x100xi32, #tpu.memory_space<vmem>> -> memref<100xi32, #tpu.memory_space<vmem>>
    %dma_start3A_45 = arith.constant 0 : i32
    %dma_start3A_46 = tpu.memref_slice %arg5[%add3A_41, %dma_start3A_45] : memref<16000x100xi32, #tpu.memory_space<hbm>> -> memref<1x100xi32, #tpu.memory_space<hbm>>
    %dma_start3A_47 = tpu.memref_squeeze %dma_start3A_46 : memref<1x100xi32, #tpu.memory_space<hbm>> -> memref<100xi32, #tpu.memory_space<hbm>>
    %dma_start3A_48 = tpu.memref_slice %arg13[%rem3A_21] : memref<3x!tpu.dma_semaphore, #tpu.memory_space<semaphore_mem>> -> memref<1x!tpu.dma_semaphore, #tpu.memory_space<semaphore_mem>>
    %dma_start3A_49 = tpu.memref_squeeze %dma_start3A_48 : memref<1x!tpu.dma_semaphore, #tpu.memory_space<semaphore_mem>> -> memref<!tpu.dma_semaphore, #tpu.memory_space<semaphore_mem>>
    %dma_start3A_50 = arith.constant 0 : i32
    %dma_start3A_51 = tpu.memref_slice %arg8[%rem3A_24, %dma_start3A_50] : memref<8x100xi32, #tpu.memory_space<vmem>> -> memref<1x100xi32, #tpu.memory_space<vmem>>
    %dma_start3A_52 = tpu.memref_squeeze %dma_start3A_51 : memref<1x100xi32, #tpu.memory_space<vmem>> -> memref<100xi32, #tpu.memory_space<vmem>>
    %dma_start3A_53 = arith.constant 0 : i32
    %dma_start3A_54 = tpu.memref_slice %arg5[%add3A_41, %dma_start3A_53] : memref<16000x100xi32, #tpu.memory_space<hbm>> -> memref<1x100xi32, #tpu.memory_space<hbm>>
    %dma_start3A_55 = tpu.memref_squeeze %dma_start3A_54 : memref<1x100xi32, #tpu.memory_space<hbm>> -> memref<100xi32, #tpu.memory_space<hbm>>
    tpu.enqueue_dma source(%dma_start3A_55 : memref<100xi32, #tpu.memory_space<hbm>>) target(%dma_start3A_52 : memref<100xi32, #tpu.memory_space<vmem>>) target_semaphore(%dma_start3A_49 : memref<!tpu.dma_semaphore, #tpu.memory_space<semaphore_mem>>)
    %rem3A_56 = arith.constant 1 : i32
    %rem3A_57 = arith.constant 3 : i32
    %rem3A_58 = arith.remsi %rem3A_56, %rem3A_57 : i32
    %rem3A_59 = arith.constant 1 : i32
    %rem3A_60 = arith.constant 8 : i32
    %rem3A_61 = arith.remsi %rem3A_59, %rem3A_60 : i32
    %add3A_62 = arith.constant 1 : i32
    %add3A_63 = arith.addi %mul3A_19, %add3A_62 : i32
    %dma_start3A_64 = arith.constant 0 : i32
    %dma_start3A_65 = tpu.memref_slice %arg7[%rem3A_58, %dma_start3A_64] : memref<3x100xi32, #tpu.memory_space<vmem>> -> memref<1x100xi32, #tpu.memory_space<vmem>>
    %dma_start3A_66 = tpu.memref_squeeze %dma_start3A_65 : memref<1x100xi32, #tpu.memory_space<vmem>> -> memref<100xi32, #tpu.memory_space<vmem>>
    %dma_start3A_67 = arith.constant 0 : i32
    %dma_start3A_68 = tpu.memref_slice %arg4[%add3A_63, %dma_start3A_67] : memref<16000x100xi32, #tpu.memory_space<hbm>> -> memref<1x100xi32, #tpu.memory_space<hbm>>
    %dma_start3A_69 = tpu.memref_squeeze %dma_start3A_68 : memref<1x100xi32, #tpu.memory_space<hbm>> -> memref<100xi32, #tpu.memory_space<hbm>>
    %dma_start3A_70 = tpu.memref_slice %arg13[%rem3A_58] : memref<3x!tpu.dma_semaphore, #tpu.memory_space<semaphore_mem>> -> memref<1x!tpu.dma_semaphore, #tpu.memory_space<semaphore_mem>>
    %dma_start3A_71 = tpu.memref_squeeze %dma_start3A_70 : memref<1x!tpu.dma_semaphore, #tpu.memory_space<semaphore_mem>> -> memref<!tpu.dma_semaphore, #tpu.memory_space<semaphore_mem>>
    %dma_start3A_72 = arith.constant 0 : i32
    %dma_start3A_73 = tpu.memref_slice %arg7[%rem3A_58, %dma_start3A_72] : memref<3x100xi32, #tpu.memory_space<vmem>> -> memref<1x100xi32, #tpu.memory_space<vmem>>
    %dma_start3A_74 = tpu.memref_squeeze %dma_start3A_73 : memref<1x100xi32, #tpu.memory_space<vmem>> -> memref<100xi32, #tpu.memory_space<vmem>>
    %dma_start3A_75 = arith.constant 0 : i32
    %dma_start3A_76 = tpu.memref_slice %arg4[%add3A_63, %dma_start3A_75] : memref<16000x100xi32, #tpu.memory_space<hbm>> -> memref<1x100xi32, #tpu.memory_space<hbm>>
    %dma_start3A_77 = tpu.memref_squeeze %dma_start3A_76 : memref<1x100xi32, #tpu.memory_space<hbm>> -> memref<100xi32, #tpu.memory_space<hbm>>
    tpu.enqueue_dma source(%dma_start3A_77 : memref<100xi32, #tpu.memory_space<hbm>>) target(%dma_start3A_74 : memref<100xi32, #tpu.memory_space<vmem>>) target_semaphore(%dma_start3A_71 : memref<!tpu.dma_semaphore, #tpu.memory_space<semaphore_mem>>)
    %add3A_78 = arith.constant 1 : i32
    %add3A_79 = arith.addi %mul3A_19, %add3A_78 : i32
    %dma_start3A_80 = arith.constant 0 : i32
    %dma_start3A_81 = tpu.memref_slice %arg8[%rem3A_61, %dma_start3A_80] : memref<8x100xi32, #tpu.memory_space<vmem>> -> memref<1x100xi32, #tpu.memory_space<vmem>>
    %dma_start3A_82 = tpu.memref_squeeze %dma_start3A_81 : memref<1x100xi32, #tpu.memory_space<vmem>> -> memref<100xi32, #tpu.memory_space<vmem>>
    %dma_start3A_83 = arith.constant 0 : i32
    %dma_start3A_84 = tpu.memref_slice %arg5[%add3A_79, %dma_start3A_83] : memref<16000x100xi32, #tpu.memory_space<hbm>> -> memref<1x100xi32, #tpu.memory_space<hbm>>
    %dma_start3A_85 = tpu.memref_squeeze %dma_start3A_84 : memref<1x100xi32, #tpu.memory_space<hbm>> -> memref<100xi32, #tpu.memory_space<hbm>>
    %dma_start3A_86 = tpu.memref_slice %arg13[%rem3A_58] : memref<3x!tpu.dma_semaphore, #tpu.memory_space<semaphore_mem>> -> memref<1x!tpu.dma_semaphore, #tpu.memory_space<semaphore_mem>>
    %dma_start3A_87 = tpu.memref_squeeze %dma_start3A_86 : memref<1x!tpu.dma_semaphore, #tpu.memory_space<semaphore_mem>> -> memref<!tpu.dma_semaphore, #tpu.memory_space<semaphore_mem>>
    %dma_start3A_88 = arith.constant 0 : i32
    %dma_start3A_89 = tpu.memref_slice %arg8[%rem3A_61, %dma_start3A_88] : memref<8x100xi32, #tpu.memory_space<vmem>> -> memref<1x100xi32, #tpu.memory_space<vmem>>
    %dma_start3A_90 = tpu.memref_squeeze %dma_start3A_89 : memref<1x100xi32, #tpu.memory_space<vmem>> -> memref<100xi32, #tpu.memory_space<vmem>>
    %dma_start3A_91 = arith.constant 0 : i32
    %dma_start3A_92 = tpu.memref_slice %arg5[%add3A_79, %dma_start3A_91] : memref<16000x100xi32, #tpu.memory_space<hbm>> -> memref<1x100xi32, #tpu.memory_space<hbm>>
    %dma_start3A_93 = tpu.memref_squeeze %dma_start3A_92 : memref<1x100xi32, #tpu.memory_space<hbm>> -> memref<100xi32, #tpu.memory_space<hbm>>
    tpu.enqueue_dma source(%dma_start3A_93 : memref<100xi32, #tpu.memory_space<hbm>>) target(%dma_start3A_90 : memref<100xi32, #tpu.memory_space<vmem>>) target_semaphore(%dma_start3A_87 : memref<!tpu.dma_semaphore, #tpu.memory_space<semaphore_mem>>)
    %rem3A_94 = arith.constant 2 : i32
    %rem3A_95 = arith.constant 3 : i32
    %rem3A_96 = arith.remsi %rem3A_94, %rem3A_95 : i32
    %rem3A_97 = arith.constant 2 : i32
    %rem3A_98 = arith.constant 8 : i32
    %rem3A_99 = arith.remsi %rem3A_97, %rem3A_98 : i32
    %add3A_100 = arith.constant 2 : i32
    %add3A_101 = arith.addi %mul3A_19, %add3A_100 : i32
    %dma_start3A_102 = arith.constant 0 : i32
    %dma_start3A_103 = tpu.memref_slice %arg7[%rem3A_96, %dma_start3A_102] : memref<3x100xi32, #tpu.memory_space<vmem>> -> memref<1x100xi32, #tpu.memory_space<vmem>>
    %dma_start3A_104 = tpu.memref_squeeze %dma_start3A_103 : memref<1x100xi32, #tpu.memory_space<vmem>> -> memref<100xi32, #tpu.memory_space<vmem>>
    %dma_start3A_105 = arith.constant 0 : i32
    %dma_start3A_106 = tpu.memref_slice %arg4[%add3A_101, %dma_start3A_105] : memref<16000x100xi32, #tpu.memory_space<hbm>> -> memref<1x100xi32, #tpu.memory_space<hbm>>
    %dma_start3A_107 = tpu.memref_squeeze %dma_start3A_106 : memref<1x100xi32, #tpu.memory_space<hbm>> -> memref<100xi32, #tpu.memory_space<hbm>>
    %dma_start3A_108 = tpu.memref_slice %arg13[%rem3A_96] : memref<3x!tpu.dma_semaphore, #tpu.memory_space<semaphore_mem>> -> memref<1x!tpu.dma_semaphore, #tpu.memory_space<semaphore_mem>>
    %dma_start3A_109 = tpu.memref_squeeze %dma_start3A_108 : memref<1x!tpu.dma_semaphore, #tpu.memory_space<semaphore_mem>> -> memref<!tpu.dma_semaphore, #tpu.memory_space<semaphore_mem>>
    %dma_start3A_110 = arith.constant 0 : i32
    %dma_start3A_111 = tpu.memref_slice %arg7[%rem3A_96, %dma_start3A_110] : memref<3x100xi32, #tpu.memory_space<vmem>> -> memref<1x100xi32, #tpu.memory_space<vmem>>
    %dma_start3A_112 = tpu.memref_squeeze %dma_start3A_111 : memref<1x100xi32, #tpu.memory_space<vmem>> -> memref<100xi32, #tpu.memory_space<vmem>>
    %dma_start3A_113 = arith.constant 0 : i32
    %dma_start3A_114 = tpu.memref_slice %arg4[%add3A_101, %dma_start3A_113] : memref<16000x100xi32, #tpu.memory_space<hbm>> -> memref<1x100xi32, #tpu.memory_space<hbm>>
    %dma_start3A_115 = tpu.memref_squeeze %dma_start3A_114 : memref<1x100xi32, #tpu.memory_space<hbm>> -> memref<100xi32, #tpu.memory_space<hbm>>
    tpu.enqueue_dma source(%dma_start3A_115 : memref<100xi32, #tpu.memory_space<hbm>>) target(%dma_start3A_112 : memref<100xi32, #tpu.memory_space<vmem>>) target_semaphore(%dma_start3A_109 : memref<!tpu.dma_semaphore, #tpu.memory_space<semaphore_mem>>)
    %add3A_116 = arith.constant 2 : i32
    %add3A_117 = arith.addi %mul3A_19, %add3A_116 : i32
    %dma_start3A_118 = arith.constant 0 : i32
    %dma_start3A_119 = tpu.memref_slice %arg8[%rem3A_99, %dma_start3A_118] : memref<8x100xi32, #tpu.memory_space<vmem>> -> memref<1x100xi32, #tpu.memory_space<vmem>>
    %dma_start3A_120 = tpu.memref_squeeze %dma_start3A_119 : memref<1x100xi32, #tpu.memory_space<vmem>> -> memref<100xi32, #tpu.memory_space<vmem>>
    %dma_start3A_121 = arith.constant 0 : i32
    %dma_start3A_122 = tpu.memref_slice %arg5[%add3A_117, %dma_start3A_121] : memref<16000x100xi32, #tpu.memory_space<hbm>> -> memref<1x100xi32, #tpu.memory_space<hbm>>
    %dma_start3A_123 = tpu.memref_squeeze %dma_start3A_122 : memref<1x100xi32, #tpu.memory_space<hbm>> -> memref<100xi32, #tpu.memory_space<hbm>>
    %dma_start3A_124 = tpu.memref_slice %arg13[%rem3A_96] : memref<3x!tpu.dma_semaphore, #tpu.memory_space<semaphore_mem>> -> memref<1x!tpu.dma_semaphore, #tpu.memory_space<semaphore_mem>>
    %dma_start3A_125 = tpu.memref_squeeze %dma_start3A_124 : memref<1x!tpu.dma_semaphore, #tpu.memory_space<semaphore_mem>> -> memref<!tpu.dma_semaphore, #tpu.memory_space<semaphore_mem>>
    %dma_start3A_126 = arith.constant 0 : i32
    %dma_start3A_127 = tpu.memref_slice %arg8[%rem3A_99, %dma_start3A_126] : memref<8x100xi32, #tpu.memory_space<vmem>> -> memref<1x100xi32, #tpu.memory_space<vmem>>
    %dma_start3A_128 = tpu.memref_squeeze %dma_start3A_127 : memref<1x100xi32, #tpu.memory_space<vmem>> -> memref<100xi32, #tpu.memory_space<vmem>>
    %dma_start3A_129 = arith.constant 0 : i32
    %dma_start3A_130 = tpu.memref_slice %arg5[%add3A_117, %dma_start3A_129] : memref<16000x100xi32, #tpu.memory_space<hbm>> -> memref<1x100xi32, #tpu.memory_space<hbm>>
    %dma_start3A_131 = tpu.memref_squeeze %dma_start3A_130 : memref<1x100xi32, #tpu.memory_space<hbm>> -> memref<100xi32, #tpu.memory_space<hbm>>
    tpu.enqueue_dma source(%dma_start3A_131 : memref<100xi32, #tpu.memory_space<hbm>>) target(%dma_start3A_128 : memref<100xi32, #tpu.memory_space<vmem>>) target_semaphore(%dma_start3A_125 : memref<!tpu.dma_semaphore, #tpu.memory_space<semaphore_mem>>)
    %rem3A_132 = arith.constant 0 : i32
    %rem3A_133 = arith.constant 3 : i32
    %rem3A_134 = arith.remsi %rem3A_132, %rem3A_133 : i32
    %rem3A_135 = arith.constant 0 : i32
    %rem3A_136 = arith.constant 8 : i32
    %rem3A_137 = arith.remsi %rem3A_135, %rem3A_136 : i32
    %add3A_138 = arith.constant 0 : i32
    %add3A_139 = arith.addi %mul3A_19, %add3A_138 : i32
    %dma_wait3A = arith.constant 0 : i32
    %dma_wait3A_140 = tpu.memref_slice %arg7[%rem3A_134, %dma_wait3A] : memref<3x100xi32, #tpu.memory_space<vmem>> -> memref<1x100xi32, #tpu.memory_space<vmem>>
    %dma_wait3A_141 = tpu.memref_squeeze %dma_wait3A_140 : memref<1x100xi32, #tpu.memory_space<vmem>> -> memref<100xi32, #tpu.memory_space<vmem>>
    %dma_wait3A_142 = arith.constant 0 : i32
    %dma_wait3A_143 = tpu.memref_slice %arg4[%add3A_139, %dma_wait3A_142] : memref<16000x100xi32, #tpu.memory_space<hbm>> -> memref<1x100xi32, #tpu.memory_space<hbm>>
    %dma_wait3A_144 = tpu.memref_squeeze %dma_wait3A_143 : memref<1x100xi32, #tpu.memory_space<hbm>> -> memref<100xi32, #tpu.memory_space<hbm>>
    %dma_wait3A_145 = tpu.memref_slice %arg13[%rem3A_134] : memref<3x!tpu.dma_semaphore, #tpu.memory_space<semaphore_mem>> -> memref<1x!tpu.dma_semaphore, #tpu.memory_space<semaphore_mem>>
    %dma_wait3A_146 = tpu.memref_squeeze %dma_wait3A_145 : memref<1x!tpu.dma_semaphore, #tpu.memory_space<semaphore_mem>> -> memref<!tpu.dma_semaphore, #tpu.memory_space<semaphore_mem>>
    %dma_wait3A_147 = arith.constant 0 : i32
    %dma_wait3A_148 = tpu.memref_slice %arg7[%rem3A_134, %dma_wait3A_147] : memref<3x100xi32, #tpu.memory_space<vmem>> -> memref<1x100xi32, #tpu.memory_space<vmem>>
    %dma_wait3A_149 = tpu.memref_squeeze %dma_wait3A_148 : memref<1x100xi32, #tpu.memory_space<vmem>> -> memref<100xi32, #tpu.memory_space<vmem>>
    %dma_wait3A_150 = arith.constant 0 : i32
    %dma_wait3A_151 = tpu.memref_slice %arg4[%add3A_139, %dma_wait3A_150] : memref<16000x100xi32, #tpu.memory_space<hbm>> -> memref<1x100xi32, #tpu.memory_space<hbm>>
    %dma_wait3A_152 = tpu.memref_squeeze %dma_wait3A_151 : memref<1x100xi32, #tpu.memory_space<hbm>> -> memref<100xi32, #tpu.memory_space<hbm>>
    tpu.wait_dma2 semaphore(%dma_wait3A_146 : memref<!tpu.dma_semaphore, #tpu.memory_space<semaphore_mem>>) src(%dma_wait3A_152 : memref<100xi32, #tpu.memory_space<hbm>>) dst(%dma_wait3A_149 : memref<100xi32, #tpu.memory_space<vmem>>)
    %add3A_153 = arith.constant 0 : i32
    %add3A_154 = arith.addi %mul3A_19, %add3A_153 : i32
    %dma_wait3A_155 = arith.constant 0 : i32
    %dma_wait3A_156 = tpu.memref_slice %arg8[%rem3A_137, %dma_wait3A_155] : memref<8x100xi32, #tpu.memory_space<vmem>> -> memref<1x100xi32, #tpu.memory_space<vmem>>
    %dma_wait3A_157 = tpu.memref_squeeze %dma_wait3A_156 : memref<1x100xi32, #tpu.memory_space<vmem>> -> memref<100xi32, #tpu.memory_space<vmem>>
    %dma_wait3A_158 = arith.constant 0 : i32
    %dma_wait3A_159 = tpu.memref_slice %arg5[%add3A_154, %dma_wait3A_158] : memref<16000x100xi32, #tpu.memory_space<hbm>> -> memref<1x100xi32, #tpu.memory_space<hbm>>
    %dma_wait3A_160 = tpu.memref_squeeze %dma_wait3A_159 : memref<1x100xi32, #tpu.memory_space<hbm>> -> memref<100xi32, #tpu.memory_space<hbm>>
    %dma_wait3A_161 = tpu.memref_slice %arg13[%rem3A_134] : memref<3x!tpu.dma_semaphore, #tpu.memory_space<semaphore_mem>> -> memref<1x!tpu.dma_semaphore, #tpu.memory_space<semaphore_mem>>
    %dma_wait3A_162 = tpu.memref_squeeze %dma_wait3A_161 : memref<1x!tpu.dma_semaphore, #tpu.memory_space<semaphore_mem>> -> memref<!tpu.dma_semaphore, #tpu.memory_space<semaphore_mem>>
    %dma_wait3A_163 = arith.constant 0 : i32
    %dma_wait3A_164 = tpu.memref_slice %arg8[%rem3A_137, %dma_wait3A_163] : memref<8x100xi32, #tpu.memory_space<vmem>> -> memref<1x100xi32, #tpu.memory_space<vmem>>
    %dma_wait3A_165 = tpu.memref_squeeze %dma_wait3A_164 : memref<1x100xi32, #tpu.memory_space<vmem>> -> memref<100xi32, #tpu.memory_space<vmem>>
    %dma_wait3A_166 = arith.constant 0 : i32
    %dma_wait3A_167 = tpu.memref_slice %arg5[%add3A_154, %dma_wait3A_166] : memref<16000x100xi32, #tpu.memory_space<hbm>> -> memref<1x100xi32, #tpu.memory_space<hbm>>
    %dma_wait3A_168 = tpu.memref_squeeze %dma_wait3A_167 : memref<1x100xi32, #tpu.memory_space<hbm>> -> memref<100xi32, #tpu.memory_space<hbm>>
    tpu.wait_dma2 semaphore(%dma_wait3A_162 : memref<!tpu.dma_semaphore, #tpu.memory_space<semaphore_mem>>) src(%dma_wait3A_168 : memref<100xi32, #tpu.memory_space<hbm>>) dst(%dma_wait3A_165 : memref<100xi32, #tpu.memory_space<vmem>>)
    %rem3A_169 = arith.constant 0 : i32
    %rem3A_170 = arith.constant 3 : i32
    %rem3A_171 = arith.remsi %rem3A_169, %rem3A_170 : i32
    %add3A_172 = arith.constant 0 : i32
    %add3A_173 = arith.addi %mul3A_19, %add3A_172 : i32
    %mul3A_174 = arith.constant 100 : i32
    %mul3A_175 = arith.muli %add3A_173, %mul3A_174 : i32
    %dma_start3A_176 = arith.constant 0 : i32
    %dma_start3A_177 = arith.constant 0 : i32
    %dma_start3A_178 = tpu.memref_slice %arg9[%rem3A_171, %dma_start3A_176, %dma_start3A_177] : memref<3x100x32xf32, #tpu.memory_space<vmem>> -> memref<1x100x32xf32, #tpu.memory_space<vmem>>
    %dma_start3A_179 = tpu.memref_squeeze %dma_start3A_178 : memref<1x100x32xf32, #tpu.memory_space<vmem>> -> memref<100x32xf32, #tpu.memory_space<vmem>>
    %dma_start3A_180 = arith.constant 0 : i32
    %dma_start3A_181 = tpu.memref_slice %arg7[%rem3A_171, %dma_start3A_180] : memref<3x100xi32, #tpu.memory_space<vmem>> -> memref<1x100xi32, #tpu.memory_space<vmem>>
    %dma_start3A_182 = tpu.memref_squeeze %dma_start3A_181 : memref<1x100xi32, #tpu.memory_space<vmem>> -> memref<100xi32, #tpu.memory_space<vmem>>
    %dma_start3A_183 = arith.constant 0 : i32
    %dma_start3A_184 = arith.constant 0 : i32
    %dma_start3A_185 = tpu.memref_slice %arg2[%dma_start3A_183, %dma_start3A_184] : memref<50000x32xf32, #tpu.memory_space<hbm>> -> memref<50000x32xf32, #tpu.memory_space<hbm>>
    %dma_start3A_186 = tpu.memref_slice %arg14[%rem3A_171] : memref<3x!tpu.dma_semaphore, #tpu.memory_space<semaphore_mem>> -> memref<1x!tpu.dma_semaphore, #tpu.memory_space<semaphore_mem>>
    %dma_start3A_187 = tpu.memref_squeeze %dma_start3A_186 : memref<1x!tpu.dma_semaphore, #tpu.memory_space<semaphore_mem>> -> memref<!tpu.dma_semaphore, #tpu.memory_space<semaphore_mem>>
    tpu.enqueue_indirect_dma source(%dma_start3A_185 : memref<50000x32xf32, #tpu.memory_space<hbm>>) target(%dma_start3A_179 : memref<100x32xf32, #tpu.memory_space<vmem>>) offsets(%dma_start3A_182 : memref<100xi32, #tpu.memory_space<vmem>>) semaphore(%dma_start3A_187 : memref<!tpu.dma_semaphore, #tpu.memory_space<semaphore_mem>>)
    %dma_start3A_188 = arith.constant 0 : i32
    %dma_start3A_189 = arith.constant 0 : i32
    %dma_start3A_190 = tpu.memref_slice %arg10[%rem3A_171, %dma_start3A_188, %dma_start3A_189] : memref<3x100x16xi32, #tpu.memory_space<vmem>> -> memref<1x100x16xi32, #tpu.memory_space<vmem>>
    %dma_start3A_191 = tpu.memref_squeeze %dma_start3A_190 : memref<1x100x16xi32, #tpu.memory_space<vmem>> -> memref<100x16xi32, #tpu.memory_space<vmem>>
    %dma_start3A_192 = arith.constant 16 : i32
    %dma_start3A_193 = tpu.memref_slice %arg3[%mul3A_175, %dma_start3A_192] : memref<1600000x48xi32, #tpu.memory_space<hbm>> -> memref<100x16xi32, #tpu.memory_space<hbm>>
    %dma_start3A_194 = tpu.memref_slice %arg14[%rem3A_171] : memref<3x!tpu.dma_semaphore, #tpu.memory_space<semaphore_mem>> -> memref<1x!tpu.dma_semaphore, #tpu.memory_space<semaphore_mem>>
    %dma_start3A_195 = tpu.memref_squeeze %dma_start3A_194 : memref<1x!tpu.dma_semaphore, #tpu.memory_space<semaphore_mem>> -> memref<!tpu.dma_semaphore, #tpu.memory_space<semaphore_mem>>
    %dma_start3A_196 = arith.constant 0 : i32
    %dma_start3A_197 = arith.constant 0 : i32
    %dma_start3A_198 = tpu.memref_slice %arg10[%rem3A_171, %dma_start3A_196, %dma_start3A_197] : memref<3x100x16xi32, #tpu.memory_space<vmem>> -> memref<1x100x16xi32, #tpu.memory_space<vmem>>
    %dma_start3A_199 = tpu.memref_squeeze %dma_start3A_198 : memref<1x100x16xi32, #tpu.memory_space<vmem>> -> memref<100x16xi32, #tpu.memory_space<vmem>>
    %dma_start3A_200 = arith.constant 16 : i32
    %dma_start3A_201 = tpu.memref_slice %arg3[%mul3A_175, %dma_start3A_200] : memref<1600000x48xi32, #tpu.memory_space<hbm>> -> memref<100x16xi32, #tpu.memory_space<hbm>>
    tpu.enqueue_dma source(%dma_start3A_201 : memref<100x16xi32, #tpu.memory_space<hbm>>) target(%dma_start3A_199 : memref<100x16xi32, #tpu.memory_space<vmem>>) target_semaphore(%dma_start3A_195 : memref<!tpu.dma_semaphore, #tpu.memory_space<semaphore_mem>>)
    %rem3A_202 = arith.constant 1 : i32
    %rem3A_203 = arith.constant 3 : i32
    %rem3A_204 = arith.remsi %rem3A_202, %rem3A_203 : i32
    %rem3A_205 = arith.constant 1 : i32
    %rem3A_206 = arith.constant 8 : i32
    %rem3A_207 = arith.remsi %rem3A_205, %rem3A_206 : i32
    %add3A_208 = arith.constant 1 : i32
    %add3A_209 = arith.addi %mul3A_19, %add3A_208 : i32
    %dma_wait3A_210 = arith.constant 0 : i32
    %dma_wait3A_211 = tpu.memref_slice %arg7[%rem3A_204, %dma_wait3A_210] : memref<3x100xi32, #tpu.memory_space<vmem>> -> memref<1x100xi32, #tpu.memory_space<vmem>>
    %dma_wait3A_212 = tpu.memref_squeeze %dma_wait3A_211 : memref<1x100xi32, #tpu.memory_space<vmem>> -> memref<100xi32, #tpu.memory_space<vmem>>
    %dma_wait3A_213 = arith.constant 0 : i32
    %dma_wait3A_214 = tpu.memref_slice %arg4[%add3A_209, %dma_wait3A_213] : memref<16000x100xi32, #tpu.memory_space<hbm>> -> memref<1x100xi32, #tpu.memory_space<hbm>>
    %dma_wait3A_215 = tpu.memref_squeeze %dma_wait3A_214 : memref<1x100xi32, #tpu.memory_space<hbm>> -> memref<100xi32, #tpu.memory_space<hbm>>
    %dma_wait3A_216 = tpu.memref_slice %arg13[%rem3A_204] : memref<3x!tpu.dma_semaphore, #tpu.memory_space<semaphore_mem>> -> memref<1x!tpu.dma_semaphore, #tpu.memory_space<semaphore_mem>>
    %dma_wait3A_217 = tpu.memref_squeeze %dma_wait3A_216 : memref<1x!tpu.dma_semaphore, #tpu.memory_space<semaphore_mem>> -> memref<!tpu.dma_semaphore, #tpu.memory_space<semaphore_mem>>
    %dma_wait3A_218 = arith.constant 0 : i32
    %dma_wait3A_219 = tpu.memref_slice %arg7[%rem3A_204, %dma_wait3A_218] : memref<3x100xi32, #tpu.memory_space<vmem>> -> memref<1x100xi32, #tpu.memory_space<vmem>>
    %dma_wait3A_220 = tpu.memref_squeeze %dma_wait3A_219 : memref<1x100xi32, #tpu.memory_space<vmem>> -> memref<100xi32, #tpu.memory_space<vmem>>
    %dma_wait3A_221 = arith.constant 0 : i32
    %dma_wait3A_222 = tpu.memref_slice %arg4[%add3A_209, %dma_wait3A_221] : memref<16000x100xi32, #tpu.memory_space<hbm>> -> memref<1x100xi32, #tpu.memory_space<hbm>>
    %dma_wait3A_223 = tpu.memref_squeeze %dma_wait3A_222 : memref<1x100xi32, #tpu.memory_space<hbm>> -> memref<100xi32, #tpu.memory_space<hbm>>
    tpu.wait_dma2 semaphore(%dma_wait3A_217 : memref<!tpu.dma_semaphore, #tpu.memory_space<semaphore_mem>>) src(%dma_wait3A_223 : memref<100xi32, #tpu.memory_space<hbm>>) dst(%dma_wait3A_220 : memref<100xi32, #tpu.memory_space<vmem>>)
    %add3A_224 = arith.constant 1 : i32
    %add3A_225 = arith.addi %mul3A_19, %add3A_224 : i32
    %dma_wait3A_226 = arith.constant 0 : i32
    %dma_wait3A_227 = tpu.memref_slice %arg8[%rem3A_207, %dma_wait3A_226] : memref<8x100xi32, #tpu.memory_space<vmem>> -> memref<1x100xi32, #tpu.memory_space<vmem>>
    %dma_wait3A_228 = tpu.memref_squeeze %dma_wait3A_227 : memref<1x100xi32, #tpu.memory_space<vmem>> -> memref<100xi32, #tpu.memory_space<vmem>>
    %dma_wait3A_229 = arith.constant 0 : i32
    %dma_wait3A_230 = tpu.memref_slice %arg5[%add3A_225, %dma_wait3A_229] : memref<16000x100xi32, #tpu.memory_space<hbm>> -> memref<1x100xi32, #tpu.memory_space<hbm>>
    %dma_wait3A_231 = tpu.memref_squeeze %dma_wait3A_230 : memref<1x100xi32, #tpu.memory_space<hbm>> -> memref<100xi32, #tpu.memory_space<hbm>>
    %dma_wait3A_232 = tpu.memref_slice %arg13[%rem3A_204] : memref<3x!tpu.dma_semaphore, #tpu.memory_space<semaphore_mem>> -> memref<1x!tpu.dma_semaphore, #tpu.memory_space<semaphore_mem>>
    %dma_wait3A_233 = tpu.memref_squeeze %dma_wait3A_232 : memref<1x!tpu.dma_semaphore, #tpu.memory_space<semaphore_mem>> -> memref<!tpu.dma_semaphore, #tpu.memory_space<semaphore_mem>>
    %dma_wait3A_234 = arith.constant 0 : i32
    %dma_wait3A_235 = tpu.memref_slice %arg8[%rem3A_207, %dma_wait3A_234] : memref<8x100xi32, #tpu.memory_space<vmem>> -> memref<1x100xi32, #tpu.memory_space<vmem>>
    %dma_wait3A_236 = tpu.memref_squeeze %dma_wait3A_235 : memref<1x100xi32, #tpu.memory_space<vmem>> -> memref<100xi32, #tpu.memory_space<vmem>>
    %dma_wait3A_237 = arith.constant 0 : i32
    %dma_wait3A_238 = tpu.memref_slice %arg5[%add3A_225, %dma_wait3A_237] : memref<16000x100xi32, #tpu.memory_space<hbm>> -> memref<1x100xi32, #tpu.memory_space<hbm>>
    %dma_wait3A_239 = tpu.memref_squeeze %dma_wait3A_238 : memref<1x100xi32, #tpu.memory_space<hbm>> -> memref<100xi32, #tpu.memory_space<hbm>>
    tpu.wait_dma2 semaphore(%dma_wait3A_233 : memref<!tpu.dma_semaphore, #tpu.memory_space<semaphore_mem>>) src(%dma_wait3A_239 : memref<100xi32, #tpu.memory_space<hbm>>) dst(%dma_wait3A_236 : memref<100xi32, #tpu.memory_space<vmem>>)
    %rem3A_240 = arith.constant 1 : i32
    %rem3A_241 = arith.constant 3 : i32
    %rem3A_242 = arith.remsi %rem3A_240, %rem3A_241 : i32
    %add3A_243 = arith.constant 1 : i32
    %add3A_244 = arith.addi %mul3A_19, %add3A_243 : i32
    %mul3A_245 = arith.constant 100 : i32
    %mul3A_246 = arith.muli %add3A_244, %mul3A_245 : i32
    %dma_start3A_247 = arith.constant 0 : i32
    %dma_start3A_248 = arith.constant 0 : i32
    %dma_start3A_249 = tpu.memref_slice %arg9[%rem3A_242, %dma_start3A_247, %dma_start3A_248] : memref<3x100x32xf32, #tpu.memory_space<vmem>> -> memref<1x100x32xf32, #tpu.memory_space<vmem>>
    %dma_start3A_250 = tpu.memref_squeeze %dma_start3A_249 : memref<1x100x32xf32, #tpu.memory_space<vmem>> -> memref<100x32xf32, #tpu.memory_space<vmem>>
    %dma_start3A_251 = arith.constant 0 : i32
    %dma_start3A_252 = tpu.memref_slice %arg7[%rem3A_242, %dma_start3A_251] : memref<3x100xi32, #tpu.memory_space<vmem>> -> memref<1x100xi32, #tpu.memory_space<vmem>>
    %dma_start3A_253 = tpu.memref_squeeze %dma_start3A_252 : memref<1x100xi32, #tpu.memory_space<vmem>> -> memref<100xi32, #tpu.memory_space<vmem>>
    %dma_start3A_254 = arith.constant 0 : i32
    %dma_start3A_255 = arith.constant 0 : i32
    %dma_start3A_256 = tpu.memref_slice %arg2[%dma_start3A_254, %dma_start3A_255] : memref<50000x32xf32, #tpu.memory_space<hbm>> -> memref<50000x32xf32, #tpu.memory_space<hbm>>
    %dma_start3A_257 = tpu.memref_slice %arg14[%rem3A_242] : memref<3x!tpu.dma_semaphore, #tpu.memory_space<semaphore_mem>> -> memref<1x!tpu.dma_semaphore, #tpu.memory_space<semaphore_mem>>
    %dma_start3A_258 = tpu.memref_squeeze %dma_start3A_257 : memref<1x!tpu.dma_semaphore, #tpu.memory_space<semaphore_mem>> -> memref<!tpu.dma_semaphore, #tpu.memory_space<semaphore_mem>>
    tpu.enqueue_indirect_dma source(%dma_start3A_256 : memref<50000x32xf32, #tpu.memory_space<hbm>>) target(%dma_start3A_250 : memref<100x32xf32, #tpu.memory_space<vmem>>) offsets(%dma_start3A_253 : memref<100xi32, #tpu.memory_space<vmem>>) semaphore(%dma_start3A_258 : memref<!tpu.dma_semaphore, #tpu.memory_space<semaphore_mem>>)
    %dma_start3A_259 = arith.constant 0 : i32
    %dma_start3A_260 = arith.constant 0 : i32
    %dma_start3A_261 = tpu.memref_slice %arg10[%rem3A_242, %dma_start3A_259, %dma_start3A_260] : memref<3x100x16xi32, #tpu.memory_space<vmem>> -> memref<1x100x16xi32, #tpu.memory_space<vmem>>
    %dma_start3A_262 = tpu.memref_squeeze %dma_start3A_261 : memref<1x100x16xi32, #tpu.memory_space<vmem>> -> memref<100x16xi32, #tpu.memory_space<vmem>>
    %dma_start3A_263 = arith.constant 16 : i32
    %dma_start3A_264 = tpu.memref_slice %arg3[%mul3A_246, %dma_start3A_263] : memref<1600000x48xi32, #tpu.memory_space<hbm>> -> memref<100x16xi32, #tpu.memory_space<hbm>>
    %dma_start3A_265 = tpu.memref_slice %arg14[%rem3A_242] : memref<3x!tpu.dma_semaphore, #tpu.memory_space<semaphore_mem>> -> memref<1x!tpu.dma_semaphore, #tpu.memory_space<semaphore_mem>>
    %dma_start3A_266 = tpu.memref_squeeze %dma_start3A_265 : memref<1x!tpu.dma_semaphore, #tpu.memory_space<semaphore_mem>> -> memref<!tpu.dma_semaphore, #tpu.memory_space<semaphore_mem>>
    %dma_start3A_267 = arith.constant 0 : i32
    %dma_start3A_268 = arith.constant 0 : i32
    %dma_start3A_269 = tpu.memref_slice %arg10[%rem3A_242, %dma_start3A_267, %dma_start3A_268] : memref<3x100x16xi32, #tpu.memory_space<vmem>> -> memref<1x100x16xi32, #tpu.memory_space<vmem>>
    %dma_start3A_270 = tpu.memref_squeeze %dma_start3A_269 : memref<1x100x16xi32, #tpu.memory_space<vmem>> -> memref<100x16xi32, #tpu.memory_space<vmem>>
    %dma_start3A_271 = arith.constant 16 : i32
    %dma_start3A_272 = tpu.memref_slice %arg3[%mul3A_246, %dma_start3A_271] : memref<1600000x48xi32, #tpu.memory_space<hbm>> -> memref<100x16xi32, #tpu.memory_space<hbm>>
    tpu.enqueue_dma source(%dma_start3A_272 : memref<100x16xi32, #tpu.memory_space<hbm>>) target(%dma_start3A_270 : memref<100x16xi32, #tpu.memory_space<vmem>>) target_semaphore(%dma_start3A_266 : memref<!tpu.dma_semaphore, #tpu.memory_space<semaphore_mem>>)
    %scan3A_273 = arith.constant 0 : i32
    %scan3A_274 = arith.constant 0 : i32
    %scan3A_275 = arith.constant 500 : i32
    %scan3A_276 = arith.addi %scan3A_274, %scan3A_275 : i32
    %scan3A_277 = arith.constant 1 : i32
    %scan3A_278 = scf.for %scan3A_343 = %scan3A_274 to %scan3A_276 step %scan3A_277 iter_args(%scan3A_344 = %scan3A_273) -> (i32)  : i32 {
      %rem3A_345 = arith.constant 3 : i32
      %rem3A_346 = arith.remsi %scan3A_343, %rem3A_345 : i32
      %rem3A_347 = arith.constant 4 : i32
      %rem3A_348 = arith.remsi %scan3A_343, %rem3A_347 : i32
      %ge3A = arith.constant 4 : i32
      %ge3A_349 = arith.cmpi sge, %scan3A_343, %ge3A : i32
      %convert_element_type3A = arith.extui %ge3A_349 : i1 to i32
      %cond3A = arith.constant 0 : i32
      %cond3A_350 = arith.cmpi ne, %convert_element_type3A, %cond3A : i32
      scf.if %cond3A_350 {
        %dma_wait3A_417 = arith.constant 0 : i32
        %dma_wait3A_418 = arith.constant 0 : i32
        %dma_wait3A_419 = arith.constant 0 : i32
        %dma_wait3A_420 = tpu.memref_slice %arg11[%rem3A_348, %dma_wait3A_418, %dma_wait3A_419] : memref<4x100x32xf32, #tpu.memory_space<vmem>> -> memref<1x100x32xf32, #tpu.memory_space<vmem>>
        %dma_wait3A_421 = tpu.memref_squeeze %dma_wait3A_420 : memref<1x100x32xf32, #tpu.memory_space<vmem>> -> memref<100x32xf32, #tpu.memory_space<vmem>>
        %dma_wait3A_422 = arith.constant 0 : i32
        %dma_wait3A_423 = tpu.memref_slice %arg8[%dma_wait3A_417, %dma_wait3A_422] : memref<8x100xi32, #tpu.memory_space<vmem>> -> memref<1x100xi32, #tpu.memory_space<vmem>>
        %dma_wait3A_424 = tpu.memref_squeeze %dma_wait3A_423 : memref<1x100xi32, #tpu.memory_space<vmem>> -> memref<100xi32, #tpu.memory_space<vmem>>
        %dma_wait3A_425 = arith.constant 0 : i32
        %dma_wait3A_426 = arith.constant 0 : i32
        %dma_wait3A_427 = tpu.memref_slice %arg12[%dma_wait3A_425, %dma_wait3A_426] : memref<50176x32xf32, #tpu.memory_space<vmem_shared>> -> memref<50176x32xf32, #tpu.memory_space<vmem_shared>>
        %dma_wait3A_428 = tpu.memref_slice %arg15[%rem3A_348] : memref<4x!tpu.dma_semaphore, #tpu.memory_space<semaphore_mem>> -> memref<1x!tpu.dma_semaphore, #tpu.memory_space<semaphore_mem>>
        %dma_wait3A_429 = tpu.memref_squeeze %dma_wait3A_428 : memref<1x!tpu.dma_semaphore, #tpu.memory_space<semaphore_mem>> -> memref<!tpu.dma_semaphore, #tpu.memory_space<semaphore_mem>>
        tpu.wait_indirect_dma semaphore(%dma_wait3A_429 : memref<!tpu.dma_semaphore, #tpu.memory_space<semaphore_mem>>) src(%dma_wait3A_421 : memref<100x32xf32, #tpu.memory_space<vmem>>) dst(%dma_wait3A_427 : memref<50176x32xf32, #tpu.memory_space<vmem_shared>>)
      } else {
      }
      %add3A_351 = arith.constant 3 : i32
      %add3A_352 = arith.addi %scan3A_343, %add3A_351 : i32
      %lt3A = arith.constant 500 : i32
      %lt3A_353 = arith.cmpi slt, %add3A_352, %lt3A : i32
      %convert_element_type3A_354 = arith.extui %lt3A_353 : i1 to i32
      %cond3A_355 = arith.constant 0 : i32
      %cond3A_356 = arith.cmpi ne, %convert_element_type3A_354, %cond3A_355 : i32
      scf.if %cond3A_356 {
        %add3A_417 = arith.constant 3 : i32
        %add3A_418 = arith.addi %scan3A_343, %add3A_417 : i32
        %rem3A_419 = arith.constant 3 : i32
        %rem3A_420 = arith.remsi %add3A_418, %rem3A_419 : i32
        %rem3A_421 = arith.constant 8 : i32
        %rem3A_422 = arith.remsi %add3A_418, %rem3A_421 : i32
        %add3A_423 = arith.addi %mul3A_19, %add3A_418 : i32
        %dma_start3A_424 = arith.constant 0 : i32
        %dma_start3A_425 = tpu.memref_slice %arg7[%rem3A_420, %dma_start3A_424] : memref<3x100xi32, #tpu.memory_space<vmem>> -> memref<1x100xi32, #tpu.memory_space<vmem>>
        %dma_start3A_426 = tpu.memref_squeeze %dma_start3A_425 : memref<1x100xi32, #tpu.memory_space<vmem>> -> memref<100xi32, #tpu.memory_space<vmem>>
        %dma_start3A_427 = arith.constant 0 : i32
        %dma_start3A_428 = tpu.memref_slice %arg4[%add3A_423, %dma_start3A_427] : memref<16000x100xi32, #tpu.memory_space<hbm>> -> memref<1x100xi32, #tpu.memory_space<hbm>>
        %dma_start3A_429 = tpu.memref_squeeze %dma_start3A_428 : memref<1x100xi32, #tpu.memory_space<hbm>> -> memref<100xi32, #tpu.memory_space<hbm>>
        %dma_start3A_430 = tpu.memref_slice %arg13[%rem3A_420] : memref<3x!tpu.dma_semaphore, #tpu.memory_space<semaphore_mem>> -> memref<1x!tpu.dma_semaphore, #tpu.memory_space<semaphore_mem>>
        %dma_start3A_431 = tpu.memref_squeeze %dma_start3A_430 : memref<1x!tpu.dma_semaphore, #tpu.memory_space<semaphore_mem>> -> memref<!tpu.dma_semaphore, #tpu.memory_space<semaphore_mem>>
        %dma_start3A_432 = arith.constant 0 : i32
        %dma_start3A_433 = tpu.memref_slice %arg7[%rem3A_420, %dma_start3A_432] : memref<3x100xi32, #tpu.memory_space<vmem>> -> memref<1x100xi32, #tpu.memory_space<vmem>>
        %dma_start3A_434 = tpu.memref_squeeze %dma_start3A_433 : memref<1x100xi32, #tpu.memory_space<vmem>> -> memref<100xi32, #tpu.memory_space<vmem>>
        %dma_start3A_435 = arith.constant 0 : i32
        %dma_start3A_436 = tpu.memref_slice %arg4[%add3A_423, %dma_start3A_435] : memref<16000x100xi32, #tpu.memory_space<hbm>> -> memref<1x100xi32, #tpu.memory_space<hbm>>
        %dma_start3A_437 = tpu.memref_squeeze %dma_start3A_436 : memref<1x100xi32, #tpu.memory_space<hbm>> -> memref<100xi32, #tpu.memory_space<hbm>>
        tpu.enqueue_dma source(%dma_start3A_437 : memref<100xi32, #tpu.memory_space<hbm>>) target(%dma_start3A_434 : memref<100xi32, #tpu.memory_space<vmem>>) target_semaphore(%dma_start3A_431 : memref<!tpu.dma_semaphore, #tpu.memory_space<semaphore_mem>>)
        %add3A_438 = arith.addi %mul3A_19, %add3A_418 : i32
        %dma_start3A_439 = arith.constant 0 : i32
        %dma_start3A_440 = tpu.memref_slice %arg8[%rem3A_422, %dma_start3A_439] : memref<8x100xi32, #tpu.memory_space<vmem>> -> memref<1x100xi32, #tpu.memory_space<vmem>>
        %dma_start3A_441 = tpu.memref_squeeze %dma_start3A_440 : memref<1x100xi32, #tpu.memory_space<vmem>> -> memref<100xi32, #tpu.memory_space<vmem>>
        %dma_start3A_442 = arith.constant 0 : i32
        %dma_start3A_443 = tpu.memref_slice %arg5[%add3A_438, %dma_start3A_442] : memref<16000x100xi32, #tpu.memory_space<hbm>> -> memref<1x100xi32, #tpu.memory_space<hbm>>
        %dma_start3A_444 = tpu.memref_squeeze %dma_start3A_443 : memref<1x100xi32, #tpu.memory_space<hbm>> -> memref<100xi32, #tpu.memory_space<hbm>>
        %dma_start3A_445 = tpu.memref_slice %arg13[%rem3A_420] : memref<3x!tpu.dma_semaphore, #tpu.memory_space<semaphore_mem>> -> memref<1x!tpu.dma_semaphore, #tpu.memory_space<semaphore_mem>>
        %dma_start3A_446 = tpu.memref_squeeze %dma_start3A_445 : memref<1x!tpu.dma_semaphore, #tpu.memory_space<semaphore_mem>> -> memref<!tpu.dma_semaphore, #tpu.memory_space<semaphore_mem>>
        %dma_start3A_447 = arith.constant 0 : i32
        %dma_start3A_448 = tpu.memref_slice %arg8[%rem3A_422, %dma_start3A_447] : memref<8x100xi32, #tpu.memory_space<vmem>> -> memref<1x100xi32, #tpu.memory_space<vmem>>
        %dma_start3A_449 = tpu.memref_squeeze %dma_start3A_448 : memref<1x100xi32, #tpu.memory_space<vmem>> -> memref<100xi32, #tpu.memory_space<vmem>>
        %dma_start3A_450 = arith.constant 0 : i32
        %dma_start3A_451 = tpu.memref_slice %arg5[%add3A_438, %dma_start3A_450] : memref<16000x100xi32, #tpu.memory_space<hbm>> -> memref<1x100xi32, #tpu.memory_space<hbm>>
        %dma_start3A_452 = tpu.memref_squeeze %dma_start3A_451 : memref<1x100xi32, #tpu.memory_space<hbm>> -> memref<100xi32, #tpu.memory_space<hbm>>
        tpu.enqueue_dma source(%dma_start3A_452 : memref<100xi32, #tpu.memory_space<hbm>>) target(%dma_start3A_449 : memref<100xi32, #tpu.memory_space<vmem>>) target_semaphore(%dma_start3A_446 : memref<!tpu.dma_semaphore, #tpu.memory_space<semaphore_mem>>)
      } else {
      }
      %add3A_357 = arith.constant 2 : i32
      %add3A_358 = arith.addi %scan3A_343, %add3A_357 : i32
      %lt3A_359 = arith.constant 500 : i32
      %lt3A_360 = arith.cmpi slt, %add3A_358, %lt3A_359 : i32
      %convert_element_type3A_361 = arith.extui %lt3A_360 : i1 to i32
      %cond3A_362 = arith.constant 0 : i32
      %cond3A_363 = arith.cmpi ne, %convert_element_type3A_361, %cond3A_362 : i32
      scf.if %cond3A_363 {
        %add3A_417 = arith.constant 2 : i32
        %add3A_418 = arith.addi %scan3A_343, %add3A_417 : i32
        %rem3A_419 = arith.constant 3 : i32
        %rem3A_420 = arith.remsi %add3A_418, %rem3A_419 : i32
        %rem3A_421 = arith.constant 8 : i32
        %rem3A_422 = arith.remsi %add3A_418, %rem3A_421 : i32
        %add3A_423 = arith.addi %mul3A_19, %add3A_418 : i32
        %dma_wait3A_424 = arith.constant 0 : i32
        %dma_wait3A_425 = tpu.memref_slice %arg7[%rem3A_420, %dma_wait3A_424] : memref<3x100xi32, #tpu.memory_space<vmem>> -> memref<1x100xi32, #tpu.memory_space<vmem>>
        %dma_wait3A_426 = tpu.memref_squeeze %dma_wait3A_425 : memref<1x100xi32, #tpu.memory_space<vmem>> -> memref<100xi32, #tpu.memory_space<vmem>>
        %dma_wait3A_427 = arith.constant 0 : i32
        %dma_wait3A_428 = tpu.memref_slice %arg4[%add3A_423, %dma_wait3A_427] : memref<16000x100xi32, #tpu.memory_space<hbm>> -> memref<1x100xi32, #tpu.memory_space<hbm>>
        %dma_wait3A_429 = tpu.memref_squeeze %dma_wait3A_428 : memref<1x100xi32, #tpu.memory_space<hbm>> -> memref<100xi32, #tpu.memory_space<hbm>>
        %dma_wait3A_430 = tpu.memref_slice %arg13[%rem3A_420] : memref<3x!tpu.dma_semaphore, #tpu.memory_space<semaphore_mem>> -> memref<1x!tpu.dma_semaphore, #tpu.memory_space<semaphore_mem>>
        %dma_wait3A_431 = tpu.memref_squeeze %dma_wait3A_430 : memref<1x!tpu.dma_semaphore, #tpu.memory_space<semaphore_mem>> -> memref<!tpu.dma_semaphore, #tpu.memory_space<semaphore_mem>>
        %dma_wait3A_432 = arith.constant 0 : i32
        %dma_wait3A_433 = tpu.memref_slice %arg7[%rem3A_420, %dma_wait3A_432] : memref<3x100xi32, #tpu.memory_space<vmem>> -> memref<1x100xi32, #tpu.memory_space<vmem>>
        %dma_wait3A_434 = tpu.memref_squeeze %dma_wait3A_433 : memref<1x100xi32, #tpu.memory_space<vmem>> -> memref<100xi32, #tpu.memory_space<vmem>>
        %dma_wait3A_435 = arith.constant 0 : i32
        %dma_wait3A_436 = tpu.memref_slice %arg4[%add3A_423, %dma_wait3A_435] : memref<16000x100xi32, #tpu.memory_space<hbm>> -> memref<1x100xi32, #tpu.memory_space<hbm>>
        %dma_wait3A_437 = tpu.memref_squeeze %dma_wait3A_436 : memref<1x100xi32, #tpu.memory_space<hbm>> -> memref<100xi32, #tpu.memory_space<hbm>>
        tpu.wait_dma2 semaphore(%dma_wait3A_431 : memref<!tpu.dma_semaphore, #tpu.memory_space<semaphore_mem>>) src(%dma_wait3A_437 : memref<100xi32, #tpu.memory_space<hbm>>) dst(%dma_wait3A_434 : memref<100xi32, #tpu.memory_space<vmem>>)
        %add3A_438 = arith.addi %mul3A_19, %add3A_418 : i32
        %dma_wait3A_439 = arith.constant 0 : i32
        %dma_wait3A_440 = tpu.memref_slice %arg8[%rem3A_422, %dma_wait3A_439] : memref<8x100xi32, #tpu.memory_space<vmem>> -> memref<1x100xi32, #tpu.memory_space<vmem>>
        %dma_wait3A_441 = tpu.memref_squeeze %dma_wait3A_440 : memref<1x100xi32, #tpu.memory_space<vmem>> -> memref<100xi32, #tpu.memory_space<vmem>>
        %dma_wait3A_442 = arith.constant 0 : i32
        %dma_wait3A_443 = tpu.memref_slice %arg5[%add3A_438, %dma_wait3A_442] : memref<16000x100xi32, #tpu.memory_space<hbm>> -> memref<1x100xi32, #tpu.memory_space<hbm>>
        %dma_wait3A_444 = tpu.memref_squeeze %dma_wait3A_443 : memref<1x100xi32, #tpu.memory_space<hbm>> -> memref<100xi32, #tpu.memory_space<hbm>>
        %dma_wait3A_445 = tpu.memref_slice %arg13[%rem3A_420] : memref<3x!tpu.dma_semaphore, #tpu.memory_space<semaphore_mem>> -> memref<1x!tpu.dma_semaphore, #tpu.memory_space<semaphore_mem>>
        %dma_wait3A_446 = tpu.memref_squeeze %dma_wait3A_445 : memref<1x!tpu.dma_semaphore, #tpu.memory_space<semaphore_mem>> -> memref<!tpu.dma_semaphore, #tpu.memory_space<semaphore_mem>>
        %dma_wait3A_447 = arith.constant 0 : i32
        %dma_wait3A_448 = tpu.memref_slice %arg8[%rem3A_422, %dma_wait3A_447] : memref<8x100xi32, #tpu.memory_space<vmem>> -> memref<1x100xi32, #tpu.memory_space<vmem>>
        %dma_wait3A_449 = tpu.memref_squeeze %dma_wait3A_448 : memref<1x100xi32, #tpu.memory_space<vmem>> -> memref<100xi32, #tpu.memory_space<vmem>>
        %dma_wait3A_450 = arith.constant 0 : i32
        %dma_wait3A_451 = tpu.memref_slice %arg5[%add3A_438, %dma_wait3A_450] : memref<16000x100xi32, #tpu.memory_space<hbm>> -> memref<1x100xi32, #tpu.memory_space<hbm>>
        %dma_wait3A_452 = tpu.memref_squeeze %dma_wait3A_451 : memref<1x100xi32, #tpu.memory_space<hbm>> -> memref<100xi32, #tpu.memory_space<hbm>>
        tpu.wait_dma2 semaphore(%dma_wait3A_446 : memref<!tpu.dma_semaphore, #tpu.memory_space<semaphore_mem>>) src(%dma_wait3A_452 : memref<100xi32, #tpu.memory_space<hbm>>) dst(%dma_wait3A_449 : memref<100xi32, #tpu.memory_space<vmem>>)
        %add3A_453 = arith.constant 2 : i32
        %add3A_454 = arith.addi %scan3A_343, %add3A_453 : i32
        %rem3A_455 = arith.constant 3 : i32
        %rem3A_456 = arith.remsi %add3A_454, %rem3A_455 : i32
        %add3A_457 = arith.addi %mul3A_19, %add3A_454 : i32
        %mul3A_458 = arith.constant 100 : i32
        %mul3A_459 = arith.muli %add3A_457, %mul3A_458 : i32
        %dma_start3A_460 = arith.constant 0 : i32
        %dma_start3A_461 = arith.constant 0 : i32
        %dma_start3A_462 = tpu.memref_slice %arg9[%rem3A_456, %dma_start3A_460, %dma_start3A_461] : memref<3x100x32xf32, #tpu.memory_space<vmem>> -> memref<1x100x32xf32, #tpu.memory_space<vmem>>
        %dma_start3A_463 = tpu.memref_squeeze %dma_start3A_462 : memref<1x100x32xf32, #tpu.memory_space<vmem>> -> memref<100x32xf32, #tpu.memory_space<vmem>>
        %dma_start3A_464 = arith.constant 0 : i32
        %dma_start3A_465 = tpu.memref_slice %arg7[%rem3A_456, %dma_start3A_464] : memref<3x100xi32, #tpu.memory_space<vmem>> -> memref<1x100xi32, #tpu.memory_space<vmem>>
        %dma_start3A_466 = tpu.memref_squeeze %dma_start3A_465 : memref<1x100xi32, #tpu.memory_space<vmem>> -> memref<100xi32, #tpu.memory_space<vmem>>
        %dma_start3A_467 = arith.constant 0 : i32
        %dma_start3A_468 = arith.constant 0 : i32
        %dma_start3A_469 = tpu.memref_slice %arg2[%dma_start3A_467, %dma_start3A_468] : memref<50000x32xf32, #tpu.memory_space<hbm>> -> memref<50000x32xf32, #tpu.memory_space<hbm>>
        %dma_start3A_470 = tpu.memref_slice %arg14[%rem3A_456] : memref<3x!tpu.dma_semaphore, #tpu.memory_space<semaphore_mem>> -> memref<1x!tpu.dma_semaphore, #tpu.memory_space<semaphore_mem>>
        %dma_start3A_471 = tpu.memref_squeeze %dma_start3A_470 : memref<1x!tpu.dma_semaphore, #tpu.memory_space<semaphore_mem>> -> memref<!tpu.dma_semaphore, #tpu.memory_space<semaphore_mem>>
        tpu.enqueue_indirect_dma source(%dma_start3A_469 : memref<50000x32xf32, #tpu.memory_space<hbm>>) target(%dma_start3A_463 : memref<100x32xf32, #tpu.memory_space<vmem>>) offsets(%dma_start3A_466 : memref<100xi32, #tpu.memory_space<vmem>>) semaphore(%dma_start3A_471 : memref<!tpu.dma_semaphore, #tpu.memory_space<semaphore_mem>>)
        %dma_start3A_472 = arith.constant 0 : i32
        %dma_start3A_473 = arith.constant 0 : i32
        %dma_start3A_474 = tpu.memref_slice %arg10[%rem3A_456, %dma_start3A_472, %dma_start3A_473] : memref<3x100x16xi32, #tpu.memory_space<vmem>> -> memref<1x100x16xi32, #tpu.memory_space<vmem>>
        %dma_start3A_475 = tpu.memref_squeeze %dma_start3A_474 : memref<1x100x16xi32, #tpu.memory_space<vmem>> -> memref<100x16xi32, #tpu.memory_space<vmem>>
        %dma_start3A_476 = arith.constant 16 : i32
        %dma_start3A_477 = tpu.memref_slice %arg3[%mul3A_459, %dma_start3A_476] : memref<1600000x48xi32, #tpu.memory_space<hbm>> -> memref<100x16xi32, #tpu.memory_space<hbm>>
        %dma_start3A_478 = tpu.memref_slice %arg14[%rem3A_456] : memref<3x!tpu.dma_semaphore, #tpu.memory_space<semaphore_mem>> -> memref<1x!tpu.dma_semaphore, #tpu.memory_space<semaphore_mem>>
        %dma_start3A_479 = tpu.memref_squeeze %dma_start3A_478 : memref<1x!tpu.dma_semaphore, #tpu.memory_space<semaphore_mem>> -> memref<!tpu.dma_semaphore, #tpu.memory_space<semaphore_mem>>
        %dma_start3A_480 = arith.constant 0 : i32
        %dma_start3A_481 = arith.constant 0 : i32
        %dma_start3A_482 = tpu.memref_slice %arg10[%rem3A_456, %dma_start3A_480, %dma_start3A_481] : memref<3x100x16xi32, #tpu.memory_space<vmem>> -> memref<1x100x16xi32, #tpu.memory_space<vmem>>
        %dma_start3A_483 = tpu.memref_squeeze %dma_start3A_482 : memref<1x100x16xi32, #tpu.memory_space<vmem>> -> memref<100x16xi32, #tpu.memory_space<vmem>>
        %dma_start3A_484 = arith.constant 16 : i32
        %dma_start3A_485 = tpu.memref_slice %arg3[%mul3A_459, %dma_start3A_484] : memref<1600000x48xi32, #tpu.memory_space<hbm>> -> memref<100x16xi32, #tpu.memory_space<hbm>>
        tpu.enqueue_dma source(%dma_start3A_485 : memref<100x16xi32, #tpu.memory_space<hbm>>) target(%dma_start3A_483 : memref<100x16xi32, #tpu.memory_space<vmem>>) target_semaphore(%dma_start3A_479 : memref<!tpu.dma_semaphore, #tpu.memory_space<semaphore_mem>>)
      } else {
      }
      %rem3A_364 = arith.constant 3 : i32
      %rem3A_365 = arith.remsi %scan3A_343, %rem3A_364 : i32
      %add3A_366 = arith.addi %mul3A_19, %scan3A_343 : i32
      %mul3A_367 = arith.constant 100 : i32
      %mul3A_368 = arith.muli %add3A_366, %mul3A_367 : i32
      %dma_wait3A_369 = arith.constant 0 : i32
      %dma_wait3A_370 = arith.constant 0 : i32
      %dma_wait3A_371 = tpu.memref_slice %arg9[%rem3A_365, %dma_wait3A_369, %dma_wait3A_370] : memref<3x100x32xf32, #tpu.memory_space<vmem>> -> memref<1x100x32xf32, #tpu.memory_space<vmem>>
      %dma_wait3A_372 = tpu.memref_squeeze %dma_wait3A_371 : memref<1x100x32xf32, #tpu.memory_space<vmem>> -> memref<100x32xf32, #tpu.memory_space<vmem>>
      %dma_wait3A_373 = arith.constant 0 : i32
      %dma_wait3A_374 = tpu.memref_slice %arg7[%rem3A_365, %dma_wait3A_373] : memref<3x100xi32, #tpu.memory_space<vmem>> -> memref<1x100xi32, #tpu.memory_space<vmem>>
      %dma_wait3A_375 = tpu.memref_squeeze %dma_wait3A_374 : memref<1x100xi32, #tpu.memory_space<vmem>> -> memref<100xi32, #tpu.memory_space<vmem>>
      %dma_wait3A_376 = arith.constant 0 : i32
      %dma_wait3A_377 = arith.constant 0 : i32
      %dma_wait3A_378 = tpu.memref_slice %arg2[%dma_wait3A_376, %dma_wait3A_377] : memref<50000x32xf32, #tpu.memory_space<hbm>> -> memref<50000x32xf32, #tpu.memory_space<hbm>>
      %dma_wait3A_379 = tpu.memref_slice %arg14[%rem3A_365] : memref<3x!tpu.dma_semaphore, #tpu.memory_space<semaphore_mem>> -> memref<1x!tpu.dma_semaphore, #tpu.memory_space<semaphore_mem>>
      %dma_wait3A_380 = tpu.memref_squeeze %dma_wait3A_379 : memref<1x!tpu.dma_semaphore, #tpu.memory_space<semaphore_mem>> -> memref<!tpu.dma_semaphore, #tpu.memory_space<semaphore_mem>>
      tpu.wait_indirect_dma semaphore(%dma_wait3A_380 : memref<!tpu.dma_semaphore, #tpu.memory_space<semaphore_mem>>) src(%dma_wait3A_378 : memref<50000x32xf32, #tpu.memory_space<hbm>>) dst(%dma_wait3A_372 : memref<100x32xf32, #tpu.memory_space<vmem>>)
      %dma_wait3A_381 = arith.constant 0 : i32
      %dma_wait3A_382 = arith.constant 0 : i32
      %dma_wait3A_383 = tpu.memref_slice %arg10[%rem3A_365, %dma_wait3A_381, %dma_wait3A_382] : memref<3x100x16xi32, #tpu.memory_space<vmem>> -> memref<1x100x16xi32, #tpu.memory_space<vmem>>
      %dma_wait3A_384 = tpu.memref_squeeze %dma_wait3A_383 : memref<1x100x16xi32, #tpu.memory_space<vmem>> -> memref<100x16xi32, #tpu.memory_space<vmem>>
      %dma_wait3A_385 = arith.constant 16 : i32
      %dma_wait3A_386 = tpu.memref_slice %arg3[%mul3A_368, %dma_wait3A_385] : memref<1600000x48xi32, #tpu.memory_space<hbm>> -> memref<100x16xi32, #tpu.memory_space<hbm>>
      %dma_wait3A_387 = tpu.memref_slice %arg14[%rem3A_365] : memref<3x!tpu.dma_semaphore, #tpu.memory_space<semaphore_mem>> -> memref<1x!tpu.dma_semaphore, #tpu.memory_space<semaphore_mem>>
      %dma_wait3A_388 = tpu.memref_squeeze %dma_wait3A_387 : memref<1x!tpu.dma_semaphore, #tpu.memory_space<semaphore_mem>> -> memref<!tpu.dma_semaphore, #tpu.memory_space<semaphore_mem>>
      %dma_wait3A_389 = arith.constant 0 : i32
      %dma_wait3A_390 = arith.constant 0 : i32
      %dma_wait3A_391 = tpu.memref_slice %arg10[%rem3A_365, %dma_wait3A_389, %dma_wait3A_390] : memref<3x100x16xi32, #tpu.memory_space<vmem>> -> memref<1x100x16xi32, #tpu.memory_space<vmem>>
      %dma_wait3A_392 = tpu.memref_squeeze %dma_wait3A_391 : memref<1x100x16xi32, #tpu.memory_space<vmem>> -> memref<100x16xi32, #tpu.memory_space<vmem>>
      %dma_wait3A_393 = arith.constant 16 : i32
      %dma_wait3A_394 = tpu.memref_slice %arg3[%mul3A_368, %dma_wait3A_393] : memref<1600000x48xi32, #tpu.memory_space<hbm>> -> memref<100x16xi32, #tpu.memory_space<hbm>>
      tpu.wait_dma2 semaphore(%dma_wait3A_388 : memref<!tpu.dma_semaphore, #tpu.memory_space<semaphore_mem>>) src(%dma_wait3A_394 : memref<100x16xi32, #tpu.memory_space<hbm>>) dst(%dma_wait3A_392 : memref<100x16xi32, #tpu.memory_space<vmem>>)
      %scan3A_395 = arith.constant 0 : i32
      %scan3A_396 = arith.constant 0 : i32
      %scan3A_397 = arith.constant 100 : i32
      %scan3A_398 = arith.addi %scan3A_396, %scan3A_397 : i32
      %scan3A_399 = arith.constant 10 : i32
      %scan3A_400 = scf.for %scan3A_417 = %scan3A_396 to %scan3A_398 step %scan3A_399 iter_args(%scan3A_418 = %scan3A_395) -> (i32)  : i32 {
        %get3A = arith.index_cast %rem3A_346 : i32 to index
        %get3A_419 = arith.index_cast %scan3A_417 : i32 to index
        %get3A_420 = arith.constant 0 : index
        %get3A_421 = tpu.vector_load %arg10[%get3A, %get3A_419, %get3A_420] {strides = array<i32>} : memref<3x100x16xi32, #tpu.memory_space<vmem>>, vector<1x1x16xi32>,
        %get3A_422 = vector.shape_cast %get3A_421 : vector<1x1x16xi32> to vector<16xi32>
        %shift_left3A = arith.constant 16 : i32
        %shift_left3A_423 = vector.broadcast %shift_left3A : i32 to vector<16xi32>
        %shift_left3A_424 = arith.shli %get3A_422, %shift_left3A_423 : vector<16xi32>
        %bitcast_convert_type3A = tpu.bitcast %shift_left3A_424 : vector<16xi32> -> vector<16xf32>
        %and3A = arith.constant -65536 : i32
        %and3A_425 = vector.broadcast %and3A : i32 to vector<16xi32>
        %and3A_426 = arith.andi %get3A_422, %and3A_425 : vector<16xi32>
        %bitcast_convert_type3A_427 = tpu.bitcast %and3A_426 : vector<16xi32> -> vector<16xf32>
        %get3A_428 = arith.index_cast %rem3A_346 : i32 to index
        %get3A_429 = arith.index_cast %scan3A_417 : i32 to index
        %get3A_430 = arith.constant 0 : index
        %get3A_431 = tpu.vector_load %arg9[%get3A_428, %get3A_429, %get3A_430] {strides = array<i32>} : memref<3x100x32xf32, #tpu.memory_space<vmem>>, vector<1x1x16xf32>,
        %get3A_432 = vector.shape_cast %get3A_431 : vector<1x1x16xf32> to vector<16xf32>
        %add3A_433 = arith.addf %get3A_432, %bitcast_convert_type3A : vector<16xf32>
        %get3A_434 = arith.index_cast %rem3A_346 : i32 to index
        %get3A_435 = arith.index_cast %scan3A_417 : i32 to index
        %get3A_436 = arith.constant 16 : index
        %get3A_437 = tpu.vector_load %arg9[%get3A_434, %get3A_435, %get3A_436] {strides = array<i32>} : memref<3x100x32xf32, #tpu.memory_space<vmem>>, vector<1x1x16xf32>,
        %get3A_438 = vector.shape_cast %get3A_437 : vector<1x1x16xf32> to vector<16xf32>
        %add3A_439 = arith.addf %get3A_438, %bitcast_convert_type3A_427 : vector<16xf32>
        %max3A = arith.constant 0.000000e+00 : f32
        %max3A_440 = vector.broadcast %max3A : f32 to vector<16xf32>
        %max3A_441 = arith.maximumf %add3A_433, %max3A_440 : vector<16xf32>
        %swap3A = arith.index_cast %rem3A_348 : i32 to index
        %swap3A_442 = arith.index_cast %scan3A_417 : i32 to index
        %swap3A_443 = arith.constant 0 : index
        %swap3A_444 = tpu.vector_load %arg11[%swap3A, %swap3A_442, %swap3A_443] {strides = array<i32>} : memref<4x100x32xf32, #tpu.memory_space<vmem>>, vector<1x1x16xf32>,
        %swap3A_445 = vector.shape_cast %swap3A_444 : vector<1x1x16xf32> to vector<16xf32>
        %swap3A_446 = vector.shape_cast %max3A_441 : vector<16xf32> to vector<1x1x16xf32>
        tpu.vector_store %arg11[%swap3A, %swap3A_442, %swap3A_443], %swap3A_446 {strides = array<i32>} : memref<4x100x32xf32, #tpu.memory_space<vmem>>, vector<1x1x16xf32>,
        %max3A_447 = arith.constant 0.000000e+00 : f32
        %max3A_448 = vector.broadcast %max3A_447 : f32 to vector<16xf32>
        %max3A_449 = arith.maximumf %add3A_439, %max3A_448 : vector<16xf32>
        %swap3A_450 = arith.index_cast %rem3A_348 : i32 to index
        %swap3A_451 = arith.index_cast %scan3A_417 : i32 to index
        %swap3A_452 = arith.constant 16 : index
        %swap3A_453 = tpu.vector_load %arg11[%swap3A_450, %swap3A_451, %swap3A_452] {strides = array<i32>} : memref<4x100x32xf32, #tpu.memory_space<vmem>>, vector<1x1x16xf32>,
        %swap3A_454 = vector.shape_cast %swap3A_453 : vector<1x1x16xf32> to vector<16xf32>
        %swap3A_455 = vector.shape_cast %max3A_449 : vector<16xf32> to vector<1x1x16xf32>
        tpu.vector_store %arg11[%swap3A_450, %swap3A_451, %swap3A_452], %swap3A_455 {strides = array<i32>} : memref<4x100x32xf32, #tpu.memory_space<vmem>>, vector<1x1x16xf32>,
        %scan3A_456 = arith.constant 0 : i32
        %scan3A_457 = arith.constant 1 : i32
        %scan3A_458 = arith.addi %scan3A_417, %scan3A_457 : i32
        %get3A_459 = arith.index_cast %rem3A_346 : i32 to index
        %get3A_460 = arith.index_cast %scan3A_458 : i32 to index
        %get3A_461 = arith.constant 0 : index
        %get3A_462 = tpu.vector_load %arg10[%get3A_459, %get3A_460, %get3A_461] {strides = array<i32>} : memref<3x100x16xi32, #tpu.memory_space<vmem>>, vector<1x1x16xi32>,
        %get3A_463 = vector.shape_cast %get3A_462 : vector<1x1x16xi32> to vector<16xi32>
        %shift_left3A_464 = arith.constant 16 : i32
        %shift_left3A_465 = vector.broadcast %shift_left3A_464 : i32 to vector<16xi32>
        %shift_left3A_466 = arith.shli %get3A_463, %shift_left3A_465 : vector<16xi32>
        %bitcast_convert_type3A_467 = tpu.bitcast %shift_left3A_466 : vector<16xi32> -> vector<16xf32>
        %and3A_468 = arith.constant -65536 : i32
        %and3A_469 = vector.broadcast %and3A_468 : i32 to vector<16xi32>
        %and3A_470 = arith.andi %get3A_463, %and3A_469 : vector<16xi32>
        %bitcast_convert_type3A_471 = tpu.bitcast %and3A_470 : vector<16xi32> -> vector<16xf32>
        %get3A_472 = arith.index_cast %rem3A_346 : i32 to index
        %get3A_473 = arith.index_cast %scan3A_458 : i32 to index
        %get3A_474 = arith.constant 0 : index
        %get3A_475 = tpu.vector_load %arg9[%get3A_472, %get3A_473, %get3A_474] {strides = array<i32>} : memref<3x100x32xf32, #tpu.memory_space<vmem>>, vector<1x1x16xf32>,
        %get3A_476 = vector.shape_cast %get3A_475 : vector<1x1x16xf32> to vector<16xf32>
        %add3A_477 = arith.addf %get3A_476, %bitcast_convert_type3A_467 : vector<16xf32>
        %get3A_478 = arith.index_cast %rem3A_346 : i32 to index
        %get3A_479 = arith.index_cast %scan3A_458 : i32 to index
        %get3A_480 = arith.constant 16 : index
        %get3A_481 = tpu.vector_load %arg9[%get3A_478, %get3A_479, %get3A_480] {strides = array<i32>} : memref<3x100x32xf32, #tpu.memory_space<vmem>>, vector<1x1x16xf32>,
        %get3A_482 = vector.shape_cast %get3A_481 : vector<1x1x16xf32> to vector<16xf32>
        %add3A_483 = arith.addf %get3A_482, %bitcast_convert_type3A_471 : vector<16xf32>
        %max3A_484 = arith.constant 0.000000e+00 : f32
        %max3A_485 = vector.broadcast %max3A_484 : f32 to vector<16xf32>
        %max3A_486 = arith.maximumf %add3A_477, %max3A_485 : vector<16xf32>
        %swap3A_487 = arith.index_cast %rem3A_348 : i32 to index
        %swap3A_488 = arith.index_cast %scan3A_458 : i32 to index
        %swap3A_489 = arith.constant 0 : index
        %swap3A_490 = tpu.vector_load %arg11[%swap3A_487, %swap3A_488, %swap3A_489] {strides = array<i32>} : memref<4x100x32xf32, #tpu.memory_space<vmem>>, vector<1x1x16xf32>,
        %swap3A_491 = vector.shape_cast %swap3A_490 : vector<1x1x16xf32> to vector<16xf32>
        %swap3A_492 = vector.shape_cast %max3A_486 : vector<16xf32> to vector<1x1x16xf32>
        tpu.vector_store %arg11[%swap3A_487, %swap3A_488, %swap3A_489], %swap3A_492 {strides = array<i32>} : memref<4x100x32xf32, #tpu.memory_space<vmem>>, vector<1x1x16xf32>,
        %max3A_493 = arith.constant 0.000000e+00 : f32
        %max3A_494 = vector.broadcast %max3A_493 : f32 to vector<16xf32>
        %max3A_495 = arith.maximumf %add3A_483, %max3A_494 : vector<16xf32>
        %swap3A_496 = arith.index_cast %rem3A_348 : i32 to index
        %swap3A_497 = arith.index_cast %scan3A_458 : i32 to index
        %swap3A_498 = arith.constant 16 : index
        %swap3A_499 = tpu.vector_load %arg11[%swap3A_496, %swap3A_497, %swap3A_498] {strides = array<i32>} : memref<4x100x32xf32, #tpu.memory_space<vmem>>, vector<1x1x16xf32>,
        %swap3A_500 = vector.shape_cast %swap3A_499 : vector<1x1x16xf32> to vector<16xf32>
        %swap3A_501 = vector.shape_cast %max3A_495 : vector<16xf32> to vector<1x1x16xf32>
        tpu.vector_store %arg11[%swap3A_496, %swap3A_497, %swap3A_498], %swap3A_501 {strides = array<i32>} : memref<4x100x32xf32, #tpu.memory_space<vmem>>, vector<1x1x16xf32>,
        %scan3A_502 = arith.constant 0 : i32
        %scan3A_503 = arith.constant 2 : i32
        %scan3A_504 = arith.addi %scan3A_417, %scan3A_503 : i32
        %get3A_505 = arith.index_cast %rem3A_346 : i32 to index
        %get3A_506 = arith.index_cast %scan3A_504 : i32 to index
        %get3A_507 = arith.constant 0 : index
        %get3A_508 = tpu.vector_load %arg10[%get3A_505, %get3A_506, %get3A_507] {strides = array<i32>} : memref<3x100x16xi32, #tpu.memory_space<vmem>>, vector<1x1x16xi32>,
        %get3A_509 = vector.shape_cast %get3A_508 : vector<1x1x16xi32> to vector<16xi32>
        %shift_left3A_510 = arith.constant 16 : i32
        %shift_left3A_511 = vector.broadcast %shift_left3A_510 : i32 to vector<16xi32>
        %shift_left3A_512 = arith.shli %get3A_509, %shift_left3A_511 : vector<16xi32>
        %bitcast_convert_type3A_513 = tpu.bitcast %shift_left3A_512 : vector<16xi32> -> vector<16xf32>
        %and3A_514 = arith.constant -65536 : i32
        %and3A_515 = vector.broadcast %and3A_514 : i32 to vector<16xi32>
        %and3A_516 = arith.andi %get3A_509, %and3A_515 : vector<16xi32>
        %bitcast_convert_type3A_517 = tpu.bitcast %and3A_516 : vector<16xi32> -> vector<16xf32>
        %get3A_518 = arith.index_cast %rem3A_346 : i32 to index
        %get3A_519 = arith.index_cast %scan3A_504 : i32 to index
        %get3A_520 = arith.constant 0 : index
        %get3A_521 = tpu.vector_load %arg9[%get3A_518, %get3A_519, %get3A_520] {strides = array<i32>} : memref<3x100x32xf32, #tpu.memory_space<vmem>>, vector<1x1x16xf32>,
        %get3A_522 = vector.shape_cast %get3A_521 : vector<1x1x16xf32> to vector<16xf32>
        %add3A_523 = arith.addf %get3A_522, %bitcast_convert_type3A_513 : vector<16xf32>
        %get3A_524 = arith.index_cast %rem3A_346 : i32 to index
        %get3A_525 = arith.index_cast %scan3A_504 : i32 to index
        %get3A_526 = arith.constant 16 : index
        %get3A_527 = tpu.vector_load %arg9[%get3A_524, %get3A_525, %get3A_526] {strides = array<i32>} : memref<3x100x32xf32, #tpu.memory_space<vmem>>, vector<1x1x16xf32>,
        %get3A_528 = vector.shape_cast %get3A_527 : vector<1x1x16xf32> to vector<16xf32>
        %add3A_529 = arith.addf %get3A_528, %bitcast_convert_type3A_517 : vector<16xf32>
        %max3A_530 = arith.constant 0.000000e+00 : f32
        %max3A_531 = vector.broadcast %max3A_530 : f32 to vector<16xf32>
        %max3A_532 = arith.maximumf %add3A_523, %max3A_531 : vector<16xf32>
        %swap3A_533 = arith.index_cast %rem3A_348 : i32 to index
        %swap3A_534 = arith.index_cast %scan3A_504 : i32 to index
        %swap3A_535 = arith.constant 0 : index
        %swap3A_536 = tpu.vector_load %arg11[%swap3A_533, %swap3A_534, %swap3A_535] {strides = array<i32>} : memref<4x100x32xf32, #tpu.memory_space<vmem>>, vector<1x1x16xf32>,
        %swap3A_537 = vector.shape_cast %swap3A_536 : vector<1x1x16xf32> to vector<16xf32>
        %swap3A_538 = vector.shape_cast %max3A_532 : vector<16xf32> to vector<1x1x16xf32>
        tpu.vector_store %arg11[%swap3A_533, %swap3A_534, %swap3A_535], %swap3A_538 {strides = array<i32>} : memref<4x100x32xf32, #tpu.memory_space<vmem>>, vector<1x1x16xf32>,
        %max3A_539 = arith.constant 0.000000e+00 : f32
        %max3A_540 = vector.broadcast %max3A_539 : f32 to vector<16xf32>
        %max3A_541 = arith.maximumf %add3A_529, %max3A_540 : vector<16xf32>
        %swap3A_542 = arith.index_cast %rem3A_348 : i32 to index
        %swap3A_543 = arith.index_cast %scan3A_504 : i32 to index
        %swap3A_544 = arith.constant 16 : index
        %swap3A_545 = tpu.vector_load %arg11[%swap3A_542, %swap3A_543, %swap3A_544] {strides = array<i32>} : memref<4x100x32xf32, #tpu.memory_space<vmem>>, vector<1x1x16xf32>,
        %swap3A_546 = vector.shape_cast %swap3A_545 : vector<1x1x16xf32> to vector<16xf32>
        %swap3A_547 = vector.shape_cast %max3A_541 : vector<16xf32> to vector<1x1x16xf32>
        tpu.vector_store %arg11[%swap3A_542, %swap3A_543, %swap3A_544], %swap3A_547 {strides = array<i32>} : memref<4x100x32xf32, #tpu.memory_space<vmem>>, vector<1x1x16xf32>,
        %scan3A_548 = arith.constant 0 : i32
        %scan3A_549 = arith.constant 3 : i32
        %scan3A_550 = arith.addi %scan3A_417, %scan3A_549 : i32
        %get3A_551 = arith.index_cast %rem3A_346 : i32 to index
        %get3A_552 = arith.index_cast %scan3A_550 : i32 to index
        %get3A_553 = arith.constant 0 : index
        %get3A_554 = tpu.vector_load %arg10[%get3A_551, %get3A_552, %get3A_553] {strides = array<i32>} : memref<3x100x16xi32, #tpu.memory_space<vmem>>, vector<1x1x16xi32>,
        %get3A_555 = vector.shape_cast %get3A_554 : vector<1x1x16xi32> to vector<16xi32>
        %shift_left3A_556 = arith.constant 16 : i32
        %shift_left3A_557 = vector.broadcast %shift_left3A_556 : i32 to vector<16xi32>
        %shift_left3A_558 = arith.shli %get3A_555, %shift_left3A_557 : vector<16xi32>
        %bitcast_convert_type3A_559 = tpu.bitcast %shift_left3A_558 : vector<16xi32> -> vector<16xf32>
        %and3A_560 = arith.constant -65536 : i32
        %and3A_561 = vector.broadcast %and3A_560 : i32 to vector<16xi32>
        %and3A_562 = arith.andi %get3A_555, %and3A_561 : vector<16xi32>
        %bitcast_convert_type3A_563 = tpu.bitcast %and3A_562 : vector<16xi32> -> vector<16xf32>
        %get3A_564 = arith.index_cast %rem3A_346 : i32 to index
        %get3A_565 = arith.index_cast %scan3A_550 : i32 to index
        %get3A_566 = arith.constant 0 : index
        %get3A_567 = tpu.vector_load %arg9[%get3A_564, %get3A_565, %get3A_566] {strides = array<i32>} : memref<3x100x32xf32, #tpu.memory_space<vmem>>, vector<1x1x16xf32>,
        %get3A_568 = vector.shape_cast %get3A_567 : vector<1x1x16xf32> to vector<16xf32>
        %add3A_569 = arith.addf %get3A_568, %bitcast_convert_type3A_559 : vector<16xf32>
        %get3A_570 = arith.index_cast %rem3A_346 : i32 to index
        %get3A_571 = arith.index_cast %scan3A_550 : i32 to index
        %get3A_572 = arith.constant 16 : index
        %get3A_573 = tpu.vector_load %arg9[%get3A_570, %get3A_571, %get3A_572] {strides = array<i32>} : memref<3x100x32xf32, #tpu.memory_space<vmem>>, vector<1x1x16xf32>,
        %get3A_574 = vector.shape_cast %get3A_573 : vector<1x1x16xf32> to vector<16xf32>
        %add3A_575 = arith.addf %get3A_574, %bitcast_convert_type3A_563 : vector<16xf32>
        %max3A_576 = arith.constant 0.000000e+00 : f32
        %max3A_577 = vector.broadcast %max3A_576 : f32 to vector<16xf32>
        %max3A_578 = arith.maximumf %add3A_569, %max3A_577 : vector<16xf32>
        %swap3A_579 = arith.index_cast %rem3A_348 : i32 to index
        %swap3A_580 = arith.index_cast %scan3A_550 : i32 to index
        %swap3A_581 = arith.constant 0 : index
        %swap3A_582 = tpu.vector_load %arg11[%swap3A_579, %swap3A_580, %swap3A_581] {strides = array<i32>} : memref<4x100x32xf32, #tpu.memory_space<vmem>>, vector<1x1x16xf32>,
        %swap3A_583 = vector.shape_cast %swap3A_582 : vector<1x1x16xf32> to vector<16xf32>
        %swap3A_584 = vector.shape_cast %max3A_578 : vector<16xf32> to vector<1x1x16xf32>
        tpu.vector_store %arg11[%swap3A_579, %swap3A_580, %swap3A_581], %swap3A_584 {strides = array<i32>} : memref<4x100x32xf32, #tpu.memory_space<vmem>>, vector<1x1x16xf32>,
        %max3A_585 = arith.constant 0.000000e+00 : f32
        %max3A_586 = vector.broadcast %max3A_585 : f32 to vector<16xf32>
        %max3A_587 = arith.maximumf %add3A_575, %max3A_586 : vector<16xf32>
        %swap3A_588 = arith.index_cast %rem3A_348 : i32 to index
        %swap3A_589 = arith.index_cast %scan3A_550 : i32 to index
        %swap3A_590 = arith.constant 16 : index
        %swap3A_591 = tpu.vector_load %arg11[%swap3A_588, %swap3A_589, %swap3A_590] {strides = array<i32>} : memref<4x100x32xf32, #tpu.memory_space<vmem>>, vector<1x1x16xf32>,
        %swap3A_592 = vector.shape_cast %swap3A_591 : vector<1x1x16xf32> to vector<16xf32>
        %swap3A_593 = vector.shape_cast %max3A_587 : vector<16xf32> to vector<1x1x16xf32>
        tpu.vector_store %arg11[%swap3A_588, %swap3A_589, %swap3A_590], %swap3A_593 {strides = array<i32>} : memref<4x100x32xf32, #tpu.memory_space<vmem>>, vector<1x1x16xf32>,
        %scan3A_594 = arith.constant 0 : i32
        %scan3A_595 = arith.constant 4 : i32
        %scan3A_596 = arith.addi %scan3A_417, %scan3A_595 : i32
        %get3A_597 = arith.index_cast %rem3A_346 : i32 to index
        %get3A_598 = arith.index_cast %scan3A_596 : i32 to index
        %get3A_599 = arith.constant 0 : index
        %get3A_600 = tpu.vector_load %arg10[%get3A_597, %get3A_598, %get3A_599] {strides = array<i32>} : memref<3x100x16xi32, #tpu.memory_space<vmem>>, vector<1x1x16xi32>,
        %get3A_601 = vector.shape_cast %get3A_600 : vector<1x1x16xi32> to vector<16xi32>
        %shift_left3A_602 = arith.constant 16 : i32
        %shift_left3A_603 = vector.broadcast %shift_left3A_602 : i32 to vector<16xi32>
        %shift_left3A_604 = arith.shli %get3A_601, %shift_left3A_603 : vector<16xi32>
        %bitcast_convert_type3A_605 = tpu.bitcast %shift_left3A_604 : vector<16xi32> -> vector<16xf32>
        %and3A_606 = arith.constant -65536 : i32
        %and3A_607 = vector.broadcast %and3A_606 : i32 to vector<16xi32>
        %and3A_608 = arith.andi %get3A_601, %and3A_607 : vector<16xi32>
        %bitcast_convert_type3A_609 = tpu.bitcast %and3A_608 : vector<16xi32> -> vector<16xf32>
        %get3A_610 = arith.index_cast %rem3A_346 : i32 to index
        %get3A_611 = arith.index_cast %scan3A_596 : i32 to index
        %get3A_612 = arith.constant 0 : index
        %get3A_613 = tpu.vector_load %arg9[%get3A_610, %get3A_611, %get3A_612] {strides = array<i32>} : memref<3x100x32xf32, #tpu.memory_space<vmem>>, vector<1x1x16xf32>,
        %get3A_614 = vector.shape_cast %get3A_613 : vector<1x1x16xf32> to vector<16xf32>
        %add3A_615 = arith.addf %get3A_614, %bitcast_convert_type3A_605 : vector<16xf32>
        %get3A_616 = arith.index_cast %rem3A_346 : i32 to index
        %get3A_617 = arith.index_cast %scan3A_596 : i32 to index
        %get3A_618 = arith.constant 16 : index
        %get3A_619 = tpu.vector_load %arg9[%get3A_616, %get3A_617, %get3A_618] {strides = array<i32>} : memref<3x100x32xf32, #tpu.memory_space<vmem>>, vector<1x1x16xf32>,
        %get3A_620 = vector.shape_cast %get3A_619 : vector<1x1x16xf32> to vector<16xf32>
        %add3A_621 = arith.addf %get3A_620, %bitcast_convert_type3A_609 : vector<16xf32>
        %max3A_622 = arith.constant 0.000000e+00 : f32
        %max3A_623 = vector.broadcast %max3A_622 : f32 to vector<16xf32>
        %max3A_624 = arith.maximumf %add3A_615, %max3A_623 : vector<16xf32>
        %swap3A_625 = arith.index_cast %rem3A_348 : i32 to index
        %swap3A_626 = arith.index_cast %scan3A_596 : i32 to index
        %swap3A_627 = arith.constant 0 : index
        %swap3A_628 = tpu.vector_load %arg11[%swap3A_625, %swap3A_626, %swap3A_627] {strides = array<i32>} : memref<4x100x32xf32, #tpu.memory_space<vmem>>, vector<1x1x16xf32>,
        %swap3A_629 = vector.shape_cast %swap3A_628 : vector<1x1x16xf32> to vector<16xf32>
        %swap3A_630 = vector.shape_cast %max3A_624 : vector<16xf32> to vector<1x1x16xf32>
        tpu.vector_store %arg11[%swap3A_625, %swap3A_626, %swap3A_627], %swap3A_630 {strides = array<i32>} : memref<4x100x32xf32, #tpu.memory_space<vmem>>, vector<1x1x16xf32>,
        %max3A_631 = arith.constant 0.000000e+00 : f32
        %max3A_632 = vector.broadcast %max3A_631 : f32 to vector<16xf32>
        %max3A_633 = arith.maximumf %add3A_621, %max3A_632 : vector<16xf32>
        %swap3A_634 = arith.index_cast %rem3A_348 : i32 to index
        %swap3A_635 = arith.index_cast %scan3A_596 : i32 to index
        %swap3A_636 = arith.constant 16 : index
        %swap3A_637 = tpu.vector_load %arg11[%swap3A_634, %swap3A_635, %swap3A_636] {strides = array<i32>} : memref<4x100x32xf32, #tpu.memory_space<vmem>>, vector<1x1x16xf32>,
        %swap3A_638 = vector.shape_cast %swap3A_637 : vector<1x1x16xf32> to vector<16xf32>
        %swap3A_639 = vector.shape_cast %max3A_633 : vector<16xf32> to vector<1x1x16xf32>
        tpu.vector_store %arg11[%swap3A_634, %swap3A_635, %swap3A_636], %swap3A_639 {strides = array<i32>} : memref<4x100x32xf32, #tpu.memory_space<vmem>>, vector<1x1x16xf32>,
        %scan3A_640 = arith.constant 0 : i32
        %scan3A_641 = arith.constant 5 : i32
        %scan3A_642 = arith.addi %scan3A_417, %scan3A_641 : i32
        %get3A_643 = arith.index_cast %rem3A_346 : i32 to index
        %get3A_644 = arith.index_cast %scan3A_642 : i32 to index
        %get3A_645 = arith.constant 0 : index
        %get3A_646 = tpu.vector_load %arg10[%get3A_643, %get3A_644, %get3A_645] {strides = array<i32>} : memref<3x100x16xi32, #tpu.memory_space<vmem>>, vector<1x1x16xi32>,
        %get3A_647 = vector.shape_cast %get3A_646 : vector<1x1x16xi32> to vector<16xi32>
        %shift_left3A_648 = arith.constant 16 : i32
        %shift_left3A_649 = vector.broadcast %shift_left3A_648 : i32 to vector<16xi32>
        %shift_left3A_650 = arith.shli %get3A_647, %shift_left3A_649 : vector<16xi32>
        %bitcast_convert_type3A_651 = tpu.bitcast %shift_left3A_650 : vector<16xi32> -> vector<16xf32>
        %and3A_652 = arith.constant -65536 : i32
        %and3A_653 = vector.broadcast %and3A_652 : i32 to vector<16xi32>
        %and3A_654 = arith.andi %get3A_647, %and3A_653 : vector<16xi32>
        %bitcast_convert_type3A_655 = tpu.bitcast %and3A_654 : vector<16xi32> -> vector<16xf32>
        %get3A_656 = arith.index_cast %rem3A_346 : i32 to index
        %get3A_657 = arith.index_cast %scan3A_642 : i32 to index
        %get3A_658 = arith.constant 0 : index
        %get3A_659 = tpu.vector_load %arg9[%get3A_656, %get3A_657, %get3A_658] {strides = array<i32>} : memref<3x100x32xf32, #tpu.memory_space<vmem>>, vector<1x1x16xf32>,
        %get3A_660 = vector.shape_cast %get3A_659 : vector<1x1x16xf32> to vector<16xf32>
        %add3A_661 = arith.addf %get3A_660, %bitcast_convert_type3A_651 : vector<16xf32>
        %get3A_662 = arith.index_cast %rem3A_346 : i32 to index
        %get3A_663 = arith.index_cast %scan3A_642 : i32 to index
        %get3A_664 = arith.constant 16 : index
        %get3A_665 = tpu.vector_load %arg9[%get3A_662, %get3A_663, %get3A_664] {strides = array<i32>} : memref<3x100x32xf32, #tpu.memory_space<vmem>>, vector<1x1x16xf32>,
        %get3A_666 = vector.shape_cast %get3A_665 : vector<1x1x16xf32> to vector<16xf32>
        %add3A_667 = arith.addf %get3A_666, %bitcast_convert_type3A_655 : vector<16xf32>
        %max3A_668 = arith.constant 0.000000e+00 : f32
        %max3A_669 = vector.broadcast %max3A_668 : f32 to vector<16xf32>
        %max3A_670 = arith.maximumf %add3A_661, %max3A_669 : vector<16xf32>
        %swap3A_671 = arith.index_cast %rem3A_348 : i32 to index
        %swap3A_672 = arith.index_cast %scan3A_642 : i32 to index
        %swap3A_673 = arith.constant 0 : index
        %swap3A_674 = tpu.vector_load %arg11[%swap3A_671, %swap3A_672, %swap3A_673] {strides = array<i32>} : memref<4x100x32xf32, #tpu.memory_space<vmem>>, vector<1x1x16xf32>,
        %swap3A_675 = vector.shape_cast %swap3A_674 : vector<1x1x16xf32> to vector<16xf32>
        %swap3A_676 = vector.shape_cast %max3A_670 : vector<16xf32> to vector<1x1x16xf32>
        tpu.vector_store %arg11[%swap3A_671, %swap3A_672, %swap3A_673], %swap3A_676 {strides = array<i32>} : memref<4x100x32xf32, #tpu.memory_space<vmem>>, vector<1x1x16xf32>,
        %max3A_677 = arith.constant 0.000000e+00 : f32
        %max3A_678 = vector.broadcast %max3A_677 : f32 to vector<16xf32>
        %max3A_679 = arith.maximumf %add3A_667, %max3A_678 : vector<16xf32>
        %swap3A_680 = arith.index_cast %rem3A_348 : i32 to index
        %swap3A_681 = arith.index_cast %scan3A_642 : i32 to index
        %swap3A_682 = arith.constant 16 : index
        %swap3A_683 = tpu.vector_load %arg11[%swap3A_680, %swap3A_681, %swap3A_682] {strides = array<i32>} : memref<4x100x32xf32, #tpu.memory_space<vmem>>, vector<1x1x16xf32>,
        %swap3A_684 = vector.shape_cast %swap3A_683 : vector<1x1x16xf32> to vector<16xf32>
        %swap3A_685 = vector.shape_cast %max3A_679 : vector<16xf32> to vector<1x1x16xf32>
        tpu.vector_store %arg11[%swap3A_680, %swap3A_681, %swap3A_682], %swap3A_685 {strides = array<i32>} : memref<4x100x32xf32, #tpu.memory_space<vmem>>, vector<1x1x16xf32>,
        %scan3A_686 = arith.constant 0 : i32
        %scan3A_687 = arith.constant 6 : i32
        %scan3A_688 = arith.addi %scan3A_417, %scan3A_687 : i32
        %get3A_689 = arith.index_cast %rem3A_346 : i32 to index
        %get3A_690 = arith.index_cast %scan3A_688 : i32 to index
        %get3A_691 = arith.constant 0 : index
        %get3A_692 = tpu.vector_load %arg10[%get3A_689, %get3A_690, %get3A_691] {strides = array<i32>} : memref<3x100x16xi32, #tpu.memory_space<vmem>>, vector<1x1x16xi32>,
        %get3A_693 = vector.shape_cast %get3A_692 : vector<1x1x16xi32> to vector<16xi32>
        %shift_left3A_694 = arith.constant 16 : i32
        %shift_left3A_695 = vector.broadcast %shift_left3A_694 : i32 to vector<16xi32>
        %shift_left3A_696 = arith.shli %get3A_693, %shift_left3A_695 : vector<16xi32>
        %bitcast_convert_type3A_697 = tpu.bitcast %shift_left3A_696 : vector<16xi32> -> vector<16xf32>
        %and3A_698 = arith.constant -65536 : i32
        %and3A_699 = vector.broadcast %and3A_698 : i32 to vector<16xi32>
        %and3A_700 = arith.andi %get3A_693, %and3A_699 : vector<16xi32>
        %bitcast_convert_type3A_701 = tpu.bitcast %and3A_700 : vector<16xi32> -> vector<16xf32>
        %get3A_702 = arith.index_cast %rem3A_346 : i32 to index
        %get3A_703 = arith.index_cast %scan3A_688 : i32 to index
        %get3A_704 = arith.constant 0 : index
        %get3A_705 = tpu.vector_load %arg9[%get3A_702, %get3A_703, %get3A_704] {strides = array<i32>} : memref<3x100x32xf32, #tpu.memory_space<vmem>>, vector<1x1x16xf32>,
        %get3A_706 = vector.shape_cast %get3A_705 : vector<1x1x16xf32> to vector<16xf32>
        %add3A_707 = arith.addf %get3A_706, %bitcast_convert_type3A_697 : vector<16xf32>
        %get3A_708 = arith.index_cast %rem3A_346 : i32 to index
        %get3A_709 = arith.index_cast %scan3A_688 : i32 to index
        %get3A_710 = arith.constant 16 : index
        %get3A_711 = tpu.vector_load %arg9[%get3A_708, %get3A_709, %get3A_710] {strides = array<i32>} : memref<3x100x32xf32, #tpu.memory_space<vmem>>, vector<1x1x16xf32>,
        %get3A_712 = vector.shape_cast %get3A_711 : vector<1x1x16xf32> to vector<16xf32>
        %add3A_713 = arith.addf %get3A_712, %bitcast_convert_type3A_701 : vector<16xf32>
        %max3A_714 = arith.constant 0.000000e+00 : f32
        %max3A_715 = vector.broadcast %max3A_714 : f32 to vector<16xf32>
        %max3A_716 = arith.maximumf %add3A_707, %max3A_715 : vector<16xf32>
        %swap3A_717 = arith.index_cast %rem3A_348 : i32 to index
        %swap3A_718 = arith.index_cast %scan3A_688 : i32 to index
        %swap3A_719 = arith.constant 0 : index
        %swap3A_720 = tpu.vector_load %arg11[%swap3A_717, %swap3A_718, %swap3A_719] {strides = array<i32>} : memref<4x100x32xf32, #tpu.memory_space<vmem>>, vector<1x1x16xf32>,
        %swap3A_721 = vector.shape_cast %swap3A_720 : vector<1x1x16xf32> to vector<16xf32>
        %swap3A_722 = vector.shape_cast %max3A_716 : vector<16xf32> to vector<1x1x16xf32>
        tpu.vector_store %arg11[%swap3A_717, %swap3A_718, %swap3A_719], %swap3A_722 {strides = array<i32>} : memref<4x100x32xf32, #tpu.memory_space<vmem>>, vector<1x1x16xf32>,
        %max3A_723 = arith.constant 0.000000e+00 : f32
        %max3A_724 = vector.broadcast %max3A_723 : f32 to vector<16xf32>
        %max3A_725 = arith.maximumf %add3A_713, %max3A_724 : vector<16xf32>
        %swap3A_726 = arith.index_cast %rem3A_348 : i32 to index
        %swap3A_727 = arith.index_cast %scan3A_688 : i32 to index
        %swap3A_728 = arith.constant 16 : index
        %swap3A_729 = tpu.vector_load %arg11[%swap3A_726, %swap3A_727, %swap3A_728] {strides = array<i32>} : memref<4x100x32xf32, #tpu.memory_space<vmem>>, vector<1x1x16xf32>,
        %swap3A_730 = vector.shape_cast %swap3A_729 : vector<1x1x16xf32> to vector<16xf32>
        %swap3A_731 = vector.shape_cast %max3A_725 : vector<16xf32> to vector<1x1x16xf32>
        tpu.vector_store %arg11[%swap3A_726, %swap3A_727, %swap3A_728], %swap3A_731 {strides = array<i32>} : memref<4x100x32xf32, #tpu.memory_space<vmem>>, vector<1x1x16xf32>,
        %scan3A_732 = arith.constant 0 : i32
        %scan3A_733 = arith.constant 7 : i32
        %scan3A_734 = arith.addi %scan3A_417, %scan3A_733 : i32
        %get3A_735 = arith.index_cast %rem3A_346 : i32 to index
        %get3A_736 = arith.index_cast %scan3A_734 : i32 to index
        %get3A_737 = arith.constant 0 : index
        %get3A_738 = tpu.vector_load %arg10[%get3A_735, %get3A_736, %get3A_737] {strides = array<i32>} : memref<3x100x16xi32, #tpu.memory_space<vmem>>, vector<1x1x16xi32>,
        %get3A_739 = vector.shape_cast %get3A_738 : vector<1x1x16xi32> to vector<16xi32>
        %shift_left3A_740 = arith.constant 16 : i32
        %shift_left3A_741 = vector.broadcast %shift_left3A_740 : i32 to vector<16xi32>
        %shift_left3A_742 = arith.shli %get3A_739, %shift_left3A_741 : vector<16xi32>
        %bitcast_convert_type3A_743 = tpu.bitcast %shift_left3A_742 : vector<16xi32> -> vector<16xf32>
        %and3A_744 = arith.constant -65536 : i32
        %and3A_745 = vector.broadcast %and3A_744 : i32 to vector<16xi32>
        %and3A_746 = arith.andi %get3A_739, %and3A_745 : vector<16xi32>
        %bitcast_convert_type3A_747 = tpu.bitcast %and3A_746 : vector<16xi32> -> vector<16xf32>
        %get3A_748 = arith.index_cast %rem3A_346 : i32 to index
        %get3A_749 = arith.index_cast %scan3A_734 : i32 to index
        %get3A_750 = arith.constant 0 : index
        %get3A_751 = tpu.vector_load %arg9[%get3A_748, %get3A_749, %get3A_750] {strides = array<i32>} : memref<3x100x32xf32, #tpu.memory_space<vmem>>, vector<1x1x16xf32>,
        %get3A_752 = vector.shape_cast %get3A_751 : vector<1x1x16xf32> to vector<16xf32>
        %add3A_753 = arith.addf %get3A_752, %bitcast_convert_type3A_743 : vector<16xf32>
        %get3A_754 = arith.index_cast %rem3A_346 : i32 to index
        %get3A_755 = arith.index_cast %scan3A_734 : i32 to index
        %get3A_756 = arith.constant 16 : index
        %get3A_757 = tpu.vector_load %arg9[%get3A_754, %get3A_755, %get3A_756] {strides = array<i32>} : memref<3x100x32xf32, #tpu.memory_space<vmem>>, vector<1x1x16xf32>,
        %get3A_758 = vector.shape_cast %get3A_757 : vector<1x1x16xf32> to vector<16xf32>
        %add3A_759 = arith.addf %get3A_758, %bitcast_convert_type3A_747 : vector<16xf32>
        %max3A_760 = arith.constant 0.000000e+00 : f32
        %max3A_761 = vector.broadcast %max3A_760 : f32 to vector<16xf32>
        %max3A_762 = arith.maximumf %add3A_753, %max3A_761 : vector<16xf32>
        %swap3A_763 = arith.index_cast %rem3A_348 : i32 to index
        %swap3A_764 = arith.index_cast %scan3A_734 : i32 to index
        %swap3A_765 = arith.constant 0 : index
        %swap3A_766 = tpu.vector_load %arg11[%swap3A_763, %swap3A_764, %swap3A_765] {strides = array<i32>} : memref<4x100x32xf32, #tpu.memory_space<vmem>>, vector<1x1x16xf32>,
        %swap3A_767 = vector.shape_cast %swap3A_766 : vector<1x1x16xf32> to vector<16xf32>
        %swap3A_768 = vector.shape_cast %max3A_762 : vector<16xf32> to vector<1x1x16xf32>
        tpu.vector_store %arg11[%swap3A_763, %swap3A_764, %swap3A_765], %swap3A_768 {strides = array<i32>} : memref<4x100x32xf32, #tpu.memory_space<vmem>>, vector<1x1x16xf32>,
        %max3A_769 = arith.constant 0.000000e+00 : f32
        %max3A_770 = vector.broadcast %max3A_769 : f32 to vector<16xf32>
        %max3A_771 = arith.maximumf %add3A_759, %max3A_770 : vector<16xf32>
        %swap3A_772 = arith.index_cast %rem3A_348 : i32 to index
        %swap3A_773 = arith.index_cast %scan3A_734 : i32 to index
        %swap3A_774 = arith.constant 16 : index
        %swap3A_775 = tpu.vector_load %arg11[%swap3A_772, %swap3A_773, %swap3A_774] {strides = array<i32>} : memref<4x100x32xf32, #tpu.memory_space<vmem>>, vector<1x1x16xf32>,
        %swap3A_776 = vector.shape_cast %swap3A_775 : vector<1x1x16xf32> to vector<16xf32>
        %swap3A_777 = vector.shape_cast %max3A_771 : vector<16xf32> to vector<1x1x16xf32>
        tpu.vector_store %arg11[%swap3A_772, %swap3A_773, %swap3A_774], %swap3A_777 {strides = array<i32>} : memref<4x100x32xf32, #tpu.memory_space<vmem>>, vector<1x1x16xf32>,
        %scan3A_778 = arith.constant 0 : i32
        %scan3A_779 = arith.constant 8 : i32
        %scan3A_780 = arith.addi %scan3A_417, %scan3A_779 : i32
        %get3A_781 = arith.index_cast %rem3A_346 : i32 to index
        %get3A_782 = arith.index_cast %scan3A_780 : i32 to index
        %get3A_783 = arith.constant 0 : index
        %get3A_784 = tpu.vector_load %arg10[%get3A_781, %get3A_782, %get3A_783] {strides = array<i32>} : memref<3x100x16xi32, #tpu.memory_space<vmem>>, vector<1x1x16xi32>,
        %get3A_785 = vector.shape_cast %get3A_784 : vector<1x1x16xi32> to vector<16xi32>
        %shift_left3A_786 = arith.constant 16 : i32
        %shift_left3A_787 = vector.broadcast %shift_left3A_786 : i32 to vector<16xi32>
        %shift_left3A_788 = arith.shli %get3A_785, %shift_left3A_787 : vector<16xi32>
        %bitcast_convert_type3A_789 = tpu.bitcast %shift_left3A_788 : vector<16xi32> -> vector<16xf32>
        %and3A_790 = arith.constant -65536 : i32
        %and3A_791 = vector.broadcast %and3A_790 : i32 to vector<16xi32>
        %and3A_792 = arith.andi %get3A_785, %and3A_791 : vector<16xi32>
        %bitcast_convert_type3A_793 = tpu.bitcast %and3A_792 : vector<16xi32> -> vector<16xf32>
        %get3A_794 = arith.index_cast %rem3A_346 : i32 to index
        %get3A_795 = arith.index_cast %scan3A_780 : i32 to index
        %get3A_796 = arith.constant 0 : index
        %get3A_797 = tpu.vector_load %arg9[%get3A_794, %get3A_795, %get3A_796] {strides = array<i32>} : memref<3x100x32xf32, #tpu.memory_space<vmem>>, vector<1x1x16xf32>,
        %get3A_798 = vector.shape_cast %get3A_797 : vector<1x1x16xf32> to vector<16xf32>
        %add3A_799 = arith.addf %get3A_798, %bitcast_convert_type3A_789 : vector<16xf32>
        %get3A_800 = arith.index_cast %rem3A_346 : i32 to index
        %get3A_801 = arith.index_cast %scan3A_780 : i32 to index
        %get3A_802 = arith.constant 16 : index
        %get3A_803 = tpu.vector_load %arg9[%get3A_800, %get3A_801, %get3A_802] {strides = array<i32>} : memref<3x100x32xf32, #tpu.memory_space<vmem>>, vector<1x1x16xf32>,
        %get3A_804 = vector.shape_cast %get3A_803 : vector<1x1x16xf32> to vector<16xf32>
        %add3A_805 = arith.addf %get3A_804, %bitcast_convert_type3A_793 : vector<16xf32>
        %max3A_806 = arith.constant 0.000000e+00 : f32
        %max3A_807 = vector.broadcast %max3A_806 : f32 to vector<16xf32>
        %max3A_808 = arith.maximumf %add3A_799, %max3A_807 : vector<16xf32>
        %swap3A_809 = arith.index_cast %rem3A_348 : i32 to index
        %swap3A_810 = arith.index_cast %scan3A_780 : i32 to index
        %swap3A_811 = arith.constant 0 : index
        %swap3A_812 = tpu.vector_load %arg11[%swap3A_809, %swap3A_810, %swap3A_811] {strides = array<i32>} : memref<4x100x32xf32, #tpu.memory_space<vmem>>, vector<1x1x16xf32>,
        %swap3A_813 = vector.shape_cast %swap3A_812 : vector<1x1x16xf32> to vector<16xf32>
        %swap3A_814 = vector.shape_cast %max3A_808 : vector<16xf32> to vector<1x1x16xf32>
        tpu.vector_store %arg11[%swap3A_809, %swap3A_810, %swap3A_811], %swap3A_814 {strides = array<i32>} : memref<4x100x32xf32, #tpu.memory_space<vmem>>, vector<1x1x16xf32>,
        %max3A_815 = arith.constant 0.000000e+00 : f32
        %max3A_816 = vector.broadcast %max3A_815 : f32 to vector<16xf32>
        %max3A_817 = arith.maximumf %add3A_805, %max3A_816 : vector<16xf32>
        %swap3A_818 = arith.index_cast %rem3A_348 : i32 to index
        %swap3A_819 = arith.index_cast %scan3A_780 : i32 to index
        %swap3A_820 = arith.constant 16 : index
        %swap3A_821 = tpu.vector_load %arg11[%swap3A_818, %swap3A_819, %swap3A_820] {strides = array<i32>} : memref<4x100x32xf32, #tpu.memory_space<vmem>>, vector<1x1x16xf32>,
        %swap3A_822 = vector.shape_cast %swap3A_821 : vector<1x1x16xf32> to vector<16xf32>
        %swap3A_823 = vector.shape_cast %max3A_817 : vector<16xf32> to vector<1x1x16xf32>
        tpu.vector_store %arg11[%swap3A_818, %swap3A_819, %swap3A_820], %swap3A_823 {strides = array<i32>} : memref<4x100x32xf32, #tpu.memory_space<vmem>>, vector<1x1x16xf32>,
        %scan3A_824 = arith.constant 0 : i32
        %scan3A_825 = arith.constant 9 : i32
        %scan3A_826 = arith.addi %scan3A_417, %scan3A_825 : i32
        %get3A_827 = arith.index_cast %rem3A_346 : i32 to index
        %get3A_828 = arith.index_cast %scan3A_826 : i32 to index
        %get3A_829 = arith.constant 0 : index
        %get3A_830 = tpu.vector_load %arg10[%get3A_827, %get3A_828, %get3A_829] {strides = array<i32>} : memref<3x100x16xi32, #tpu.memory_space<vmem>>, vector<1x1x16xi32>,
        %get3A_831 = vector.shape_cast %get3A_830 : vector<1x1x16xi32> to vector<16xi32>
        %shift_left3A_832 = arith.constant 16 : i32
        %shift_left3A_833 = vector.broadcast %shift_left3A_832 : i32 to vector<16xi32>
        %shift_left3A_834 = arith.shli %get3A_831, %shift_left3A_833 : vector<16xi32>
        %bitcast_convert_type3A_835 = tpu.bitcast %shift_left3A_834 : vector<16xi32> -> vector<16xf32>
        %and3A_836 = arith.constant -65536 : i32
        %and3A_837 = vector.broadcast %and3A_836 : i32 to vector<16xi32>
        %and3A_838 = arith.andi %get3A_831, %and3A_837 : vector<16xi32>
        %bitcast_convert_type3A_839 = tpu.bitcast %and3A_838 : vector<16xi32> -> vector<16xf32>
        %get3A_840 = arith.index_cast %rem3A_346 : i32 to index
        %get3A_841 = arith.index_cast %scan3A_826 : i32 to index
        %get3A_842 = arith.constant 0 : index
        %get3A_843 = tpu.vector_load %arg9[%get3A_840, %get3A_841, %get3A_842] {strides = array<i32>} : memref<3x100x32xf32, #tpu.memory_space<vmem>>, vector<1x1x16xf32>,
        %get3A_844 = vector.shape_cast %get3A_843 : vector<1x1x16xf32> to vector<16xf32>
        %add3A_845 = arith.addf %get3A_844, %bitcast_convert_type3A_835 : vector<16xf32>
        %get3A_846 = arith.index_cast %rem3A_346 : i32 to index
        %get3A_847 = arith.index_cast %scan3A_826 : i32 to index
        %get3A_848 = arith.constant 16 : index
        %get3A_849 = tpu.vector_load %arg9[%get3A_846, %get3A_847, %get3A_848] {strides = array<i32>} : memref<3x100x32xf32, #tpu.memory_space<vmem>>, vector<1x1x16xf32>,
        %get3A_850 = vector.shape_cast %get3A_849 : vector<1x1x16xf32> to vector<16xf32>
        %add3A_851 = arith.addf %get3A_850, %bitcast_convert_type3A_839 : vector<16xf32>
        %max3A_852 = arith.constant 0.000000e+00 : f32
        %max3A_853 = vector.broadcast %max3A_852 : f32 to vector<16xf32>
        %max3A_854 = arith.maximumf %add3A_845, %max3A_853 : vector<16xf32>
        %swap3A_855 = arith.index_cast %rem3A_348 : i32 to index
        %swap3A_856 = arith.index_cast %scan3A_826 : i32 to index
        %swap3A_857 = arith.constant 0 : index
        %swap3A_858 = tpu.vector_load %arg11[%swap3A_855, %swap3A_856, %swap3A_857] {strides = array<i32>} : memref<4x100x32xf32, #tpu.memory_space<vmem>>, vector<1x1x16xf32>,
        %swap3A_859 = vector.shape_cast %swap3A_858 : vector<1x1x16xf32> to vector<16xf32>
        %swap3A_860 = vector.shape_cast %max3A_854 : vector<16xf32> to vector<1x1x16xf32>
        tpu.vector_store %arg11[%swap3A_855, %swap3A_856, %swap3A_857], %swap3A_860 {strides = array<i32>} : memref<4x100x32xf32, #tpu.memory_space<vmem>>, vector<1x1x16xf32>,
        %max3A_861 = arith.constant 0.000000e+00 : f32
        %max3A_862 = vector.broadcast %max3A_861 : f32 to vector<16xf32>
        %max3A_863 = arith.maximumf %add3A_851, %max3A_862 : vector<16xf32>
        %swap3A_864 = arith.index_cast %rem3A_348 : i32 to index
        %swap3A_865 = arith.index_cast %scan3A_826 : i32 to index
        %swap3A_866 = arith.constant 16 : index
        %swap3A_867 = tpu.vector_load %arg11[%swap3A_864, %swap3A_865, %swap3A_866] {strides = array<i32>} : memref<4x100x32xf32, #tpu.memory_space<vmem>>, vector<1x1x16xf32>,
        %swap3A_868 = vector.shape_cast %swap3A_867 : vector<1x1x16xf32> to vector<16xf32>
        %swap3A_869 = vector.shape_cast %max3A_863 : vector<16xf32> to vector<1x1x16xf32>
        tpu.vector_store %arg11[%swap3A_864, %swap3A_865, %swap3A_866], %swap3A_869 {strides = array<i32>} : memref<4x100x32xf32, #tpu.memory_space<vmem>>, vector<1x1x16xf32>,
        %scan3A_870 = arith.constant 0 : i32
        scf.yield %scan3A_870 : i32
      }
      %scan3A_401 = arith.constant 100 : i32
      %rem3A_402 = arith.constant 8 : i32
      %rem3A_403 = arith.remsi %scan3A_343, %rem3A_402 : i32
      %dma_start3A_404 = arith.constant 0 : i32
      %dma_start3A_405 = arith.constant 0 : i32
      %dma_start3A_406 = tpu.memref_slice %arg11[%rem3A_348, %dma_start3A_404, %dma_start3A_405] : memref<4x100x32xf32, #tpu.memory_space<vmem>> -> memref<1x100x32xf32, #tpu.memory_space<vmem>>
      %dma_start3A_407 = tpu.memref_squeeze %dma_start3A_406 : memref<1x100x32xf32, #tpu.memory_space<vmem>> -> memref<100x32xf32, #tpu.memory_space<vmem>>
      %dma_start3A_408 = arith.constant 0 : i32
      %dma_start3A_409 = tpu.memref_slice %arg8[%rem3A_403, %dma_start3A_408] : memref<8x100xi32, #tpu.memory_space<vmem>> -> memref<1x100xi32, #tpu.memory_space<vmem>>
      %dma_start3A_410 = tpu.memref_squeeze %dma_start3A_409 : memref<1x100xi32, #tpu.memory_space<vmem>> -> memref<100xi32, #tpu.memory_space<vmem>>
      %dma_start3A_411 = arith.constant 0 : i32
      %dma_start3A_412 = arith.constant 0 : i32
      %dma_start3A_413 = tpu.memref_slice %arg12[%dma_start3A_411, %dma_start3A_412] : memref<50176x32xf32, #tpu.memory_space<vmem_shared>> -> memref<50176x32xf32, #tpu.memory_space<vmem_shared>>
      %dma_start3A_414 = tpu.memref_slice %arg15[%rem3A_348] : memref<4x!tpu.dma_semaphore, #tpu.memory_space<semaphore_mem>> -> memref<1x!tpu.dma_semaphore, #tpu.memory_space<semaphore_mem>>
      %dma_start3A_415 = tpu.memref_squeeze %dma_start3A_414 : memref<1x!tpu.dma_semaphore, #tpu.memory_space<semaphore_mem>> -> memref<!tpu.dma_semaphore, #tpu.memory_space<semaphore_mem>>
      tpu.enqueue_indirect_dma source(%dma_start3A_407 : memref<100x32xf32, #tpu.memory_space<vmem>>) target(%dma_start3A_413 : memref<50176x32xf32, #tpu.memory_space<vmem_shared>>) offsets(%dma_start3A_410 : memref<100xi32, #tpu.memory_space<vmem>>) semaphore(%dma_start3A_415 : memref<!tpu.dma_semaphore, #tpu.memory_space<semaphore_mem>>) {add = true}
      %scan3A_416 = arith.constant 0 : i32
      scf.yield %scan3A_416 : i32
    }
    %scan3A_279 = arith.constant 500 : i32
    %dma_wait3A_280 = arith.constant 0 : i32
    %dma_wait3A_281 = arith.constant 0 : i32
    %dma_wait3A_282 = arith.constant 0 : i32
    %dma_wait3A_283 = arith.constant 0 : i32
    %dma_wait3A_284 = arith.constant 0 : i32
    %dma_wait3A_285 = tpu.memref_slice %arg11[%dma_wait3A_280, %dma_wait3A_283, %dma_wait3A_284] : memref<4x100x32xf32, #tpu.memory_space<vmem>> -> memref<1x100x32xf32, #tpu.memory_space<vmem>>
    %dma_wait3A_286 = tpu.memref_squeeze %dma_wait3A_285 : memref<1x100x32xf32, #tpu.memory_space<vmem>> -> memref<100x32xf32, #tpu.memory_space<vmem>>
    %dma_wait3A_287 = arith.constant 0 : i32
    %dma_wait3A_288 = tpu.memref_slice %arg8[%dma_wait3A_281, %dma_wait3A_287] : memref<8x100xi32, #tpu.memory_space<vmem>> -> memref<1x100xi32, #tpu.memory_space<vmem>>
    %dma_wait3A_289 = tpu.memref_squeeze %dma_wait3A_288 : memref<1x100xi32, #tpu.memory_space<vmem>> -> memref<100xi32, #tpu.memory_space<vmem>>
    %dma_wait3A_290 = arith.constant 0 : i32
    %dma_wait3A_291 = arith.constant 0 : i32
    %dma_wait3A_292 = tpu.memref_slice %arg12[%dma_wait3A_290, %dma_wait3A_291] : memref<50176x32xf32, #tpu.memory_space<vmem_shared>> -> memref<50176x32xf32, #tpu.memory_space<vmem_shared>>
    %dma_wait3A_293 = tpu.memref_slice %arg15[%dma_wait3A_282] : memref<4x!tpu.dma_semaphore, #tpu.memory_space<semaphore_mem>> -> memref<1x!tpu.dma_semaphore, #tpu.memory_space<semaphore_mem>>
    %dma_wait3A_294 = tpu.memref_squeeze %dma_wait3A_293 : memref<1x!tpu.dma_semaphore, #tpu.memory_space<semaphore_mem>> -> memref<!tpu.dma_semaphore, #tpu.memory_space<semaphore_mem>>
    tpu.wait_indirect_dma semaphore(%dma_wait3A_294 : memref<!tpu.dma_semaphore, #tpu.memory_space<semaphore_mem>>) src(%dma_wait3A_286 : memref<100x32xf32, #tpu.memory_space<vmem>>) dst(%dma_wait3A_292 : memref<50176x32xf32, #tpu.memory_space<vmem_shared>>)
    %dma_wait3A_295 = arith.constant 1 : i32
    %dma_wait3A_296 = arith.constant 0 : i32
    %dma_wait3A_297 = arith.constant 1 : i32
    %dma_wait3A_298 = arith.constant 0 : i32
    %dma_wait3A_299 = arith.constant 0 : i32
    %dma_wait3A_300 = tpu.memref_slice %arg11[%dma_wait3A_295, %dma_wait3A_298, %dma_wait3A_299] : memref<4x100x32xf32, #tpu.memory_space<vmem>> -> memref<1x100x32xf32, #tpu.memory_space<vmem>>
    %dma_wait3A_301 = tpu.memref_squeeze %dma_wait3A_300 : memref<1x100x32xf32, #tpu.memory_space<vmem>> -> memref<100x32xf32, #tpu.memory_space<vmem>>
    %dma_wait3A_302 = arith.constant 0 : i32
    %dma_wait3A_303 = tpu.memref_slice %arg8[%dma_wait3A_296, %dma_wait3A_302] : memref<8x100xi32, #tpu.memory_space<vmem>> -> memref<1x100xi32, #tpu.memory_space<vmem>>
    %dma_wait3A_304 = tpu.memref_squeeze %dma_wait3A_303 : memref<1x100xi32, #tpu.memory_space<vmem>> -> memref<100xi32, #tpu.memory_space<vmem>>
    %dma_wait3A_305 = arith.constant 0 : i32
    %dma_wait3A_306 = arith.constant 0 : i32
    %dma_wait3A_307 = tpu.memref_slice %arg12[%dma_wait3A_305, %dma_wait3A_306] : memref<50176x32xf32, #tpu.memory_space<vmem_shared>> -> memref<50176x32xf32, #tpu.memory_space<vmem_shared>>
    %dma_wait3A_308 = tpu.memref_slice %arg15[%dma_wait3A_297] : memref<4x!tpu.dma_semaphore, #tpu.memory_space<semaphore_mem>> -> memref<1x!tpu.dma_semaphore, #tpu.memory_space<semaphore_mem>>
    %dma_wait3A_309 = tpu.memref_squeeze %dma_wait3A_308 : memref<1x!tpu.dma_semaphore, #tpu.memory_space<semaphore_mem>> -> memref<!tpu.dma_semaphore, #tpu.memory_space<semaphore_mem>>
    tpu.wait_indirect_dma semaphore(%dma_wait3A_309 : memref<!tpu.dma_semaphore, #tpu.memory_space<semaphore_mem>>) src(%dma_wait3A_301 : memref<100x32xf32, #tpu.memory_space<vmem>>) dst(%dma_wait3A_307 : memref<50176x32xf32, #tpu.memory_space<vmem_shared>>)
    %dma_wait3A_310 = arith.constant 2 : i32
    %dma_wait3A_311 = arith.constant 0 : i32
    %dma_wait3A_312 = arith.constant 2 : i32
    %dma_wait3A_313 = arith.constant 0 : i32
    %dma_wait3A_314 = arith.constant 0 : i32
    %dma_wait3A_315 = tpu.memref_slice %arg11[%dma_wait3A_310, %dma_wait3A_313, %dma_wait3A_314] : memref<4x100x32xf32, #tpu.memory_space<vmem>> -> memref<1x100x32xf32, #tpu.memory_space<vmem>>
    %dma_wait3A_316 = tpu.memref_squeeze %dma_wait3A_315 : memref<1x100x32xf32, #tpu.memory_space<vmem>> -> memref<100x32xf32, #tpu.memory_space<vmem>>
    %dma_wait3A_317 = arith.constant 0 : i32
    %dma_wait3A_318 = tpu.memref_slice %arg8[%dma_wait3A_311, %dma_wait3A_317] : memref<8x100xi32, #tpu.memory_space<vmem>> -> memref<1x100xi32, #tpu.memory_space<vmem>>
    %dma_wait3A_319 = tpu.memref_squeeze %dma_wait3A_318 : memref<1x100xi32, #tpu.memory_space<vmem>> -> memref<100xi32, #tpu.memory_space<vmem>>
    %dma_wait3A_320 = arith.constant 0 : i32
    %dma_wait3A_321 = arith.constant 0 : i32
    %dma_wait3A_322 = tpu.memref_slice %arg12[%dma_wait3A_320, %dma_wait3A_321] : memref<50176x32xf32, #tpu.memory_space<vmem_shared>> -> memref<50176x32xf32, #tpu.memory_space<vmem_shared>>
    %dma_wait3A_323 = tpu.memref_slice %arg15[%dma_wait3A_312] : memref<4x!tpu.dma_semaphore, #tpu.memory_space<semaphore_mem>> -> memref<1x!tpu.dma_semaphore, #tpu.memory_space<semaphore_mem>>
    %dma_wait3A_324 = tpu.memref_squeeze %dma_wait3A_323 : memref<1x!tpu.dma_semaphore, #tpu.memory_space<semaphore_mem>> -> memref<!tpu.dma_semaphore, #tpu.memory_space<semaphore_mem>>
    tpu.wait_indirect_dma semaphore(%dma_wait3A_324 : memref<!tpu.dma_semaphore, #tpu.memory_space<semaphore_mem>>) src(%dma_wait3A_316 : memref<100x32xf32, #tpu.memory_space<vmem>>) dst(%dma_wait3A_322 : memref<50176x32xf32, #tpu.memory_space<vmem_shared>>)
    %dma_wait3A_325 = arith.constant 3 : i32
    %dma_wait3A_326 = arith.constant 0 : i32
    %dma_wait3A_327 = arith.constant 3 : i32
    %dma_wait3A_328 = arith.constant 0 : i32
    %dma_wait3A_329 = arith.constant 0 : i32
    %dma_wait3A_330 = tpu.memref_slice %arg11[%dma_wait3A_325, %dma_wait3A_328, %dma_wait3A_329] : memref<4x100x32xf32, #tpu.memory_space<vmem>> -> memref<1x100x32xf32, #tpu.memory_space<vmem>>
    %dma_wait3A_331 = tpu.memref_squeeze %dma_wait3A_330 : memref<1x100x32xf32, #tpu.memory_space<vmem>> -> memref<100x32xf32, #tpu.memory_space<vmem>>
    %dma_wait3A_332 = arith.constant 0 : i32
    %dma_wait3A_333 = tpu.memref_slice %arg8[%dma_wait3A_326, %dma_wait3A_332] : memref<8x100xi32, #tpu.memory_space<vmem>> -> memref<1x100xi32, #tpu.memory_space<vmem>>
    %dma_wait3A_334 = tpu.memref_squeeze %dma_wait3A_333 : memref<1x100xi32, #tpu.memory_space<vmem>> -> memref<100xi32, #tpu.memory_space<vmem>>
    %dma_wait3A_335 = arith.constant 0 : i32
    %dma_wait3A_336 = arith.constant 0 : i32
    %dma_wait3A_337 = tpu.memref_slice %arg12[%dma_wait3A_335, %dma_wait3A_336] : memref<50176x32xf32, #tpu.memory_space<vmem_shared>> -> memref<50176x32xf32, #tpu.memory_space<vmem_shared>>
    %dma_wait3A_338 = tpu.memref_slice %arg15[%dma_wait3A_327] : memref<4x!tpu.dma_semaphore, #tpu.memory_space<semaphore_mem>> -> memref<1x!tpu.dma_semaphore, #tpu.memory_space<semaphore_mem>>
    %dma_wait3A_339 = tpu.memref_squeeze %dma_wait3A_338 : memref<1x!tpu.dma_semaphore, #tpu.memory_space<semaphore_mem>> -> memref<!tpu.dma_semaphore, #tpu.memory_space<semaphore_mem>>
    tpu.wait_indirect_dma semaphore(%dma_wait3A_339 : memref<!tpu.dma_semaphore, #tpu.memory_space<semaphore_mem>>) src(%dma_wait3A_331 : memref<100x32xf32, #tpu.memory_space<vmem>>) dst(%dma_wait3A_337 : memref<50176x32xf32, #tpu.memory_space<vmem_shared>>)
    %barrier3A_340 = arith.constant 0 : index
    tpu.barrier barrier_id(%barrier3A_340)
    %mul3A_341 = arith.constant 3136 : i32
    %mul3A_342 = arith.muli %arg1, %mul3A_341 : i32
    "tpu.region"() ({
      %run_scoped3A = tpu.sem_alloc : memref<!tpu.dma_semaphore, #tpu.memory_space<semaphore_mem>>
      %dma_start3A_343 = arith.constant 0 : i32
      %dma_start3A_344 = tpu.memref_slice %arg6[%arg0, %mul3A_342, %dma_start3A_343] : memref<2x50176x32xf32, #tpu.memory_space<hbm>> -> memref<1x3136x32xf32, #tpu.memory_space<hbm>>
      %dma_start3A_345 = tpu.memref_squeeze %dma_start3A_344 : memref<1x3136x32xf32, #tpu.memory_space<hbm>> -> memref<3136x32xf32, #tpu.memory_space<hbm>>
      %dma_start3A_346 = arith.constant 0 : i32
      %dma_start3A_347 = tpu.memref_slice %arg12[%mul3A_342, %dma_start3A_346] : memref<50176x32xf32, #tpu.memory_space<vmem_shared>> -> memref<3136x32xf32, #tpu.memory_space<vmem_shared>>
      tpu.enqueue_dma source(%dma_start3A_347 : memref<3136x32xf32, #tpu.memory_space<vmem_shared>>) target(%dma_start3A_345 : memref<3136x32xf32, #tpu.memory_space<hbm>>) target_semaphore(%run_scoped3A : memref<!tpu.dma_semaphore, #tpu.memory_space<semaphore_mem>>)
      %dma_wait3A_348 = arith.constant 0 : i32
      %dma_wait3A_349 = tpu.memref_slice %arg6[%arg0, %mul3A_342, %dma_wait3A_348] : memref<2x50176x32xf32, #tpu.memory_space<hbm>> -> memref<1x3136x32xf32, #tpu.memory_space<hbm>>
      %dma_wait3A_350 = tpu.memref_squeeze %dma_wait3A_349 : memref<1x3136x32xf32, #tpu.memory_space<hbm>> -> memref<3136x32xf32, #tpu.memory_space<hbm>>
      %dma_wait3A_351 = arith.constant 0 : i32
      %dma_wait3A_352 = tpu.memref_slice %arg12[%mul3A_342, %dma_wait3A_351] : memref<50176x32xf32, #tpu.memory_space<vmem_shared>> -> memref<3136x32xf32, #tpu.memory_space<vmem_shared>>
      tpu.wait_dma2 semaphore(%run_scoped3A : memref<!tpu.dma_semaphore, #tpu.memory_space<semaphore_mem>>) src(%dma_wait3A_352 : memref<3136x32xf32, #tpu.memory_space<vmem_shared>>) dst(%dma_wait3A_350 : memref<3136x32xf32, #tpu.memory_space<hbm>>)
      tpu.yield
    }) : () -> ()
    return
  }
}

#map = affine_map<(d0, d1) -> (0, 0)>
#map1 = affine_map<(d0, d1) -> (0, 0, 0)>
module attributes {stable_mosaic.version = 14 : i64} {
  func.func @_sc_count(%arg0: i32, %arg1: i32, %arg2: memref<16000x100xi32, #tpu.memory_space<hbm>>, %arg3: memref<2x50176x16xf32, #tpu.memory_space<hbm>>, %arg4: memref<8x100xi32, #tpu.memory_space<vmem>>, %arg5: memref<100x16xf32, #tpu.memory_space<vmem>>, %arg6: memref<100x16xf32, #tpu.memory_space<vmem>>, %arg7: memref<50176x16xf32, #tpu.memory_space<vmem_shared>>, %arg8: memref<3x!tpu.dma_semaphore, #tpu.memory_space<semaphore_mem>>, %arg9: memref<3x!tpu.dma_semaphore, #tpu.memory_space<semaphore_mem>>) attributes {dimension_semantics = [#tpu.dimension_semantics<core_parallel>, #tpu.dimension_semantics<subcore_parallel>], iteration_bounds = array<i64: 2, 16>, scalar_prefetch = 0 : i64, scratch_operands = 6 : i64, tpu.core_type = #tpu.core_type<sc_vector_subcore>, window_params = [{transform_indices = #map}, {transform_indices = #map1}]} {
    %scan3A = arith.constant 0 : i32
    %scan3A_0 = arith.constant 0 : i32
    %scan3A_1 = arith.constant 100 : i32
    %scan3A_2 = arith.addi %scan3A_0, %scan3A_1 : i32
    %scan3A_3 = arith.constant 1 : i32
    %scan3A_4 = scf.for %scan3A_128 = %scan3A_0 to %scan3A_2 step %scan3A_3 iter_args(%scan3A_129 = %scan3A) -> (i32)  : i32 {
      %broadcast_in_dim3A = arith.constant 1.000000e+00 : f32
      %broadcast_in_dim3A_130 = vector.broadcast %broadcast_in_dim3A : f32 to vector<16xf32>
      %swap3A = arith.index_cast %scan3A_128 : i32 to index
      %swap3A_131 = arith.constant 0 : index
      %swap3A_132 = tpu.vector_load %arg5[%swap3A, %swap3A_131] {strides = array<i32>} : memref<100x16xf32, #tpu.memory_space<vmem>>, vector<1x16xf32>,
      %swap3A_133 = vector.shape_cast %swap3A_132 : vector<1x16xf32> to vector<16xf32>
      %swap3A_134 = vector.shape_cast %broadcast_in_dim3A_130 : vector<16xf32> to vector<1x16xf32>
      tpu.vector_store %arg5[%swap3A, %swap3A_131], %swap3A_134 {strides = array<i32>} : memref<100x16xf32, #tpu.memory_space<vmem>>, vector<1x16xf32>,
      %scan3A_135 = arith.constant 0 : i32
      scf.yield %scan3A_135 : i32
    }
    %scan3A_5 = arith.constant 100 : i32
    %scan3A_6 = arith.constant 0 : i32
    %scan3A_7 = arith.constant 0 : i32
    %scan3A_8 = arith.constant 100 : i32
    %scan3A_9 = arith.addi %scan3A_7, %scan3A_8 : i32
    %scan3A_10 = arith.constant 1 : i32
    %scan3A_11 = scf.for %scan3A_128 = %scan3A_7 to %scan3A_9 step %scan3A_10 iter_args(%scan3A_129 = %scan3A_6) -> (i32)  : i32 {
      %broadcast_in_dim3A = arith.constant 0.000000e+00 : f32
      %broadcast_in_dim3A_130 = vector.broadcast %broadcast_in_dim3A : f32 to vector<16xf32>
      %swap3A = arith.index_cast %scan3A_128 : i32 to index
      %swap3A_131 = arith.constant 0 : index
      %swap3A_132 = tpu.vector_load %arg6[%swap3A, %swap3A_131] {strides = array<i32>} : memref<100x16xf32, #tpu.memory_space<vmem>>, vector<1x16xf32>,
      %swap3A_133 = vector.shape_cast %swap3A_132 : vector<1x16xf32> to vector<16xf32>
      %swap3A_134 = vector.shape_cast %broadcast_in_dim3A_130 : vector<16xf32> to vector<1x16xf32>
      tpu.vector_store %arg6[%swap3A, %swap3A_131], %swap3A_134 {strides = array<i32>} : memref<100x16xf32, #tpu.memory_space<vmem>>, vector<1x16xf32>,
      %scan3A_135 = arith.constant 0 : i32
      scf.yield %scan3A_135 : i32
    }
    %scan3A_12 = arith.constant 100 : i32
    %mul3A = arith.constant 3136 : i32
    %mul3A_13 = arith.muli %arg1, %mul3A : i32
    %scan3A_14 = arith.constant 0 : i32
    %scan3A_15 = arith.constant 0 : i32
    %scan3A_16 = arith.constant 56 : i32
    %scan3A_17 = arith.addi %scan3A_15, %scan3A_16 : i32
    %scan3A_18 = arith.constant 1 : i32
    %scan3A_19 = scf.for %scan3A_128 = %scan3A_15 to %scan3A_17 step %scan3A_18 iter_args(%scan3A_129 = %scan3A_14) -> (i32)  : i32 {
      %mul3A_130 = arith.constant 56 : i32
      %mul3A_131 = arith.muli %scan3A_128, %mul3A_130 : i32
      %add3A_132 = arith.addi %mul3A_13, %mul3A_131 : i32
      "tpu.region"() ({
        %run_scoped3A = tpu.sem_alloc : memref<!tpu.dma_semaphore, #tpu.memory_space<semaphore_mem>>
        %dma_start3A_134 = arith.constant 0 : i32
        %dma_start3A_135 = arith.constant 0 : i32
        %dma_start3A_136 = tpu.memref_slice %arg6[%dma_start3A_134, %dma_start3A_135] : memref<100x16xf32, #tpu.memory_space<vmem>> -> memref<56x16xf32, #tpu.memory_space<vmem>>
        %dma_start3A_137 = arith.constant 0 : i32
        %dma_start3A_138 = tpu.memref_slice %arg7[%add3A_132, %dma_start3A_137] : memref<50176x16xf32, #tpu.memory_space<vmem_shared>> -> memref<56x16xf32, #tpu.memory_space<vmem_shared>>
        %dma_start3A_139 = arith.constant 0 : i32
        %dma_start3A_140 = tpu.memref_slice %arg7[%add3A_132, %dma_start3A_139] : memref<50176x16xf32, #tpu.memory_space<vmem_shared>> -> memref<56x16xf32, #tpu.memory_space<vmem_shared>>
        %dma_start3A_141 = arith.constant 0 : i32
        %dma_start3A_142 = arith.constant 0 : i32
        %dma_start3A_143 = tpu.memref_slice %arg6[%dma_start3A_141, %dma_start3A_142] : memref<100x16xf32, #tpu.memory_space<vmem>> -> memref<56x16xf32, #tpu.memory_space<vmem>>
        tpu.enqueue_dma source(%dma_start3A_143 : memref<56x16xf32, #tpu.memory_space<vmem>>) target(%dma_start3A_140 : memref<56x16xf32, #tpu.memory_space<vmem_shared>>) target_semaphore(%run_scoped3A : memref<!tpu.dma_semaphore, #tpu.memory_space<semaphore_mem>>)
        %dma_wait3A_144 = arith.constant 0 : i32
        %dma_wait3A_145 = arith.constant 0 : i32
        %dma_wait3A_146 = tpu.memref_slice %arg6[%dma_wait3A_144, %dma_wait3A_145] : memref<100x16xf32, #tpu.memory_space<vmem>> -> memref<56x16xf32, #tpu.memory_space<vmem>>
        %dma_wait3A_147 = arith.constant 0 : i32
        %dma_wait3A_148 = tpu.memref_slice %arg7[%add3A_132, %dma_wait3A_147] : memref<50176x16xf32, #tpu.memory_space<vmem_shared>> -> memref<56x16xf32, #tpu.memory_space<vmem_shared>>
        %dma_wait3A_149 = arith.constant 0 : i32
        %dma_wait3A_150 = tpu.memref_slice %arg7[%add3A_132, %dma_wait3A_149] : memref<50176x16xf32, #tpu.memory_space<vmem_shared>> -> memref<56x16xf32, #tpu.memory_space<vmem_shared>>
        %dma_wait3A_151 = arith.constant 0 : i32
        %dma_wait3A_152 = arith.constant 0 : i32
        %dma_wait3A_153 = tpu.memref_slice %arg6[%dma_wait3A_151, %dma_wait3A_152] : memref<100x16xf32, #tpu.memory_space<vmem>> -> memref<56x16xf32, #tpu.memory_space<vmem>>
        tpu.wait_dma2 semaphore(%run_scoped3A : memref<!tpu.dma_semaphore, #tpu.memory_space<semaphore_mem>>) src(%dma_wait3A_153 : memref<56x16xf32, #tpu.memory_space<vmem>>) dst(%dma_wait3A_150 : memref<56x16xf32, #tpu.memory_space<vmem_shared>>)
        tpu.yield
      }) : () -> ()
      %scan3A_133 = arith.constant 0 : i32
      scf.yield %scan3A_133 : i32
    }
    %scan3A_20 = arith.constant 56 : i32
    %barrier3A = arith.constant 0 : index
    tpu.barrier barrier_id(%barrier3A)
    %mul3A_21 = arith.constant 16 : i32
    %mul3A_22 = arith.muli %arg0, %mul3A_21 : i32
    %add3A = arith.addi %mul3A_22, %arg1 : i32
    %mul3A_23 = arith.constant 500 : i32
    %mul3A_24 = arith.muli %add3A, %mul3A_23 : i32
    %rem3A = arith.constant 0 : i32
    %rem3A_25 = arith.constant 3 : i32
    %rem3A_26 = arith.remsi %rem3A, %rem3A_25 : i32
    %rem3A_27 = arith.constant 0 : i32
    %rem3A_28 = arith.constant 8 : i32
    %rem3A_29 = arith.remsi %rem3A_27, %rem3A_28 : i32
    %add3A_30 = arith.constant 0 : i32
    %add3A_31 = arith.addi %mul3A_24, %add3A_30 : i32
    %dma_start3A = arith.constant 0 : i32
    %dma_start3A_32 = tpu.memref_slice %arg4[%rem3A_29, %dma_start3A] : memref<8x100xi32, #tpu.memory_space<vmem>> -> memref<1x100xi32, #tpu.memory_space<vmem>>
    %dma_start3A_33 = tpu.memref_squeeze %dma_start3A_32 : memref<1x100xi32, #tpu.memory_space<vmem>> -> memref<100xi32, #tpu.memory_space<vmem>>
    %dma_start3A_34 = arith.constant 0 : i32
    %dma_start3A_35 = tpu.memref_slice %arg2[%add3A_31, %dma_start3A_34] : memref<16000x100xi32, #tpu.memory_space<hbm>> -> memref<1x100xi32, #tpu.memory_space<hbm>>
    %dma_start3A_36 = tpu.memref_squeeze %dma_start3A_35 : memref<1x100xi32, #tpu.memory_space<hbm>> -> memref<100xi32, #tpu.memory_space<hbm>>
    %dma_start3A_37 = tpu.memref_slice %arg8[%rem3A_26] : memref<3x!tpu.dma_semaphore, #tpu.memory_space<semaphore_mem>> -> memref<1x!tpu.dma_semaphore, #tpu.memory_space<semaphore_mem>>
    %dma_start3A_38 = tpu.memref_squeeze %dma_start3A_37 : memref<1x!tpu.dma_semaphore, #tpu.memory_space<semaphore_mem>> -> memref<!tpu.dma_semaphore, #tpu.memory_space<semaphore_mem>>
    %dma_start3A_39 = arith.constant 0 : i32
    %dma_start3A_40 = tpu.memref_slice %arg4[%rem3A_29, %dma_start3A_39] : memref<8x100xi32, #tpu.memory_space<vmem>> -> memref<1x100xi32, #tpu.memory_space<vmem>>
    %dma_start3A_41 = tpu.memref_squeeze %dma_start3A_40 : memref<1x100xi32, #tpu.memory_space<vmem>> -> memref<100xi32, #tpu.memory_space<vmem>>
    %dma_start3A_42 = arith.constant 0 : i32
    %dma_start3A_43 = tpu.memref_slice %arg2[%add3A_31, %dma_start3A_42] : memref<16000x100xi32, #tpu.memory_space<hbm>> -> memref<1x100xi32, #tpu.memory_space<hbm>>
    %dma_start3A_44 = tpu.memref_squeeze %dma_start3A_43 : memref<1x100xi32, #tpu.memory_space<hbm>> -> memref<100xi32, #tpu.memory_space<hbm>>
    tpu.enqueue_dma source(%dma_start3A_44 : memref<100xi32, #tpu.memory_space<hbm>>) target(%dma_start3A_41 : memref<100xi32, #tpu.memory_space<vmem>>) target_semaphore(%dma_start3A_38 : memref<!tpu.dma_semaphore, #tpu.memory_space<semaphore_mem>>)
    %rem3A_45 = arith.constant 1 : i32
    %rem3A_46 = arith.constant 3 : i32
    %rem3A_47 = arith.remsi %rem3A_45, %rem3A_46 : i32
    %rem3A_48 = arith.constant 1 : i32
    %rem3A_49 = arith.constant 8 : i32
    %rem3A_50 = arith.remsi %rem3A_48, %rem3A_49 : i32
    %add3A_51 = arith.constant 1 : i32
    %add3A_52 = arith.addi %mul3A_24, %add3A_51 : i32
    %dma_start3A_53 = arith.constant 0 : i32
    %dma_start3A_54 = tpu.memref_slice %arg4[%rem3A_50, %dma_start3A_53] : memref<8x100xi32, #tpu.memory_space<vmem>> -> memref<1x100xi32, #tpu.memory_space<vmem>>
    %dma_start3A_55 = tpu.memref_squeeze %dma_start3A_54 : memref<1x100xi32, #tpu.memory_space<vmem>> -> memref<100xi32, #tpu.memory_space<vmem>>
    %dma_start3A_56 = arith.constant 0 : i32
    %dma_start3A_57 = tpu.memref_slice %arg2[%add3A_52, %dma_start3A_56] : memref<16000x100xi32, #tpu.memory_space<hbm>> -> memref<1x100xi32, #tpu.memory_space<hbm>>
    %dma_start3A_58 = tpu.memref_squeeze %dma_start3A_57 : memref<1x100xi32, #tpu.memory_space<hbm>> -> memref<100xi32, #tpu.memory_space<hbm>>
    %dma_start3A_59 = tpu.memref_slice %arg8[%rem3A_47] : memref<3x!tpu.dma_semaphore, #tpu.memory_space<semaphore_mem>> -> memref<1x!tpu.dma_semaphore, #tpu.memory_space<semaphore_mem>>
    %dma_start3A_60 = tpu.memref_squeeze %dma_start3A_59 : memref<1x!tpu.dma_semaphore, #tpu.memory_space<semaphore_mem>> -> memref<!tpu.dma_semaphore, #tpu.memory_space<semaphore_mem>>
    %dma_start3A_61 = arith.constant 0 : i32
    %dma_start3A_62 = tpu.memref_slice %arg4[%rem3A_50, %dma_start3A_61] : memref<8x100xi32, #tpu.memory_space<vmem>> -> memref<1x100xi32, #tpu.memory_space<vmem>>
    %dma_start3A_63 = tpu.memref_squeeze %dma_start3A_62 : memref<1x100xi32, #tpu.memory_space<vmem>> -> memref<100xi32, #tpu.memory_space<vmem>>
    %dma_start3A_64 = arith.constant 0 : i32
    %dma_start3A_65 = tpu.memref_slice %arg2[%add3A_52, %dma_start3A_64] : memref<16000x100xi32, #tpu.memory_space<hbm>> -> memref<1x100xi32, #tpu.memory_space<hbm>>
    %dma_start3A_66 = tpu.memref_squeeze %dma_start3A_65 : memref<1x100xi32, #tpu.memory_space<hbm>> -> memref<100xi32, #tpu.memory_space<hbm>>
    tpu.enqueue_dma source(%dma_start3A_66 : memref<100xi32, #tpu.memory_space<hbm>>) target(%dma_start3A_63 : memref<100xi32, #tpu.memory_space<vmem>>) target_semaphore(%dma_start3A_60 : memref<!tpu.dma_semaphore, #tpu.memory_space<semaphore_mem>>)
    %rem3A_67 = arith.constant 2 : i32
    %rem3A_68 = arith.constant 3 : i32
    %rem3A_69 = arith.remsi %rem3A_67, %rem3A_68 : i32
    %rem3A_70 = arith.constant 2 : i32
    %rem3A_71 = arith.constant 8 : i32
    %rem3A_72 = arith.remsi %rem3A_70, %rem3A_71 : i32
    %add3A_73 = arith.constant 2 : i32
    %add3A_74 = arith.addi %mul3A_24, %add3A_73 : i32
    %dma_start3A_75 = arith.constant 0 : i32
    %dma_start3A_76 = tpu.memref_slice %arg4[%rem3A_72, %dma_start3A_75] : memref<8x100xi32, #tpu.memory_space<vmem>> -> memref<1x100xi32, #tpu.memory_space<vmem>>
    %dma_start3A_77 = tpu.memref_squeeze %dma_start3A_76 : memref<1x100xi32, #tpu.memory_space<vmem>> -> memref<100xi32, #tpu.memory_space<vmem>>
    %dma_start3A_78 = arith.constant 0 : i32
    %dma_start3A_79 = tpu.memref_slice %arg2[%add3A_74, %dma_start3A_78] : memref<16000x100xi32, #tpu.memory_space<hbm>> -> memref<1x100xi32, #tpu.memory_space<hbm>>
    %dma_start3A_80 = tpu.memref_squeeze %dma_start3A_79 : memref<1x100xi32, #tpu.memory_space<hbm>> -> memref<100xi32, #tpu.memory_space<hbm>>
    %dma_start3A_81 = tpu.memref_slice %arg8[%rem3A_69] : memref<3x!tpu.dma_semaphore, #tpu.memory_space<semaphore_mem>> -> memref<1x!tpu.dma_semaphore, #tpu.memory_space<semaphore_mem>>
    %dma_start3A_82 = tpu.memref_squeeze %dma_start3A_81 : memref<1x!tpu.dma_semaphore, #tpu.memory_space<semaphore_mem>> -> memref<!tpu.dma_semaphore, #tpu.memory_space<semaphore_mem>>
    %dma_start3A_83 = arith.constant 0 : i32
    %dma_start3A_84 = tpu.memref_slice %arg4[%rem3A_72, %dma_start3A_83] : memref<8x100xi32, #tpu.memory_space<vmem>> -> memref<1x100xi32, #tpu.memory_space<vmem>>
    %dma_start3A_85 = tpu.memref_squeeze %dma_start3A_84 : memref<1x100xi32, #tpu.memory_space<vmem>> -> memref<100xi32, #tpu.memory_space<vmem>>
    %dma_start3A_86 = arith.constant 0 : i32
    %dma_start3A_87 = tpu.memref_slice %arg2[%add3A_74, %dma_start3A_86] : memref<16000x100xi32, #tpu.memory_space<hbm>> -> memref<1x100xi32, #tpu.memory_space<hbm>>
    %dma_start3A_88 = tpu.memref_squeeze %dma_start3A_87 : memref<1x100xi32, #tpu.memory_space<hbm>> -> memref<100xi32, #tpu.memory_space<hbm>>
    tpu.enqueue_dma source(%dma_start3A_88 : memref<100xi32, #tpu.memory_space<hbm>>) target(%dma_start3A_85 : memref<100xi32, #tpu.memory_space<vmem>>) target_semaphore(%dma_start3A_82 : memref<!tpu.dma_semaphore, #tpu.memory_space<semaphore_mem>>)
    %scan3A_89 = arith.constant 0 : i32
    %scan3A_90 = arith.constant 0 : i32
    %scan3A_91 = arith.constant 500 : i32
    %scan3A_92 = arith.addi %scan3A_90, %scan3A_91 : i32
    %scan3A_93 = arith.constant 1 : i32
    %scan3A_94 = scf.for %scan3A_128 = %scan3A_90 to %scan3A_92 step %scan3A_93 iter_args(%scan3A_129 = %scan3A_89) -> (i32)  : i32 {
      %rem3A_130 = arith.constant 3 : i32
      %rem3A_131 = arith.remsi %scan3A_128, %rem3A_130 : i32
      %ge3A = arith.constant 3 : i32
      %ge3A_132 = arith.cmpi sge, %scan3A_128, %ge3A : i32
      %convert_element_type3A = arith.extui %ge3A_132 : i1 to i32
      %cond3A = arith.constant 0 : i32
      %cond3A_133 = arith.cmpi ne, %convert_element_type3A, %cond3A : i32
      scf.if %cond3A_133 {
        %dma_wait3A_170 = arith.constant 0 : i32
        %dma_wait3A_171 = arith.constant 0 : i32
        %dma_wait3A_172 = tpu.memref_slice %arg4[%dma_wait3A_170, %dma_wait3A_171] : memref<8x100xi32, #tpu.memory_space<vmem>> -> memref<1x100xi32, #tpu.memory_space<vmem>>
        %dma_wait3A_173 = tpu.memref_squeeze %dma_wait3A_172 : memref<1x100xi32, #tpu.memory_space<vmem>> -> memref<100xi32, #tpu.memory_space<vmem>>
        %dma_wait3A_174 = arith.constant 0 : i32
        %dma_wait3A_175 = arith.constant 0 : i32
        %dma_wait3A_176 = tpu.memref_slice %arg7[%dma_wait3A_174, %dma_wait3A_175] : memref<50176x16xf32, #tpu.memory_space<vmem_shared>> -> memref<50176x16xf32, #tpu.memory_space<vmem_shared>>
        %dma_wait3A_177 = tpu.memref_slice %arg9[%rem3A_131] : memref<3x!tpu.dma_semaphore, #tpu.memory_space<semaphore_mem>> -> memref<1x!tpu.dma_semaphore, #tpu.memory_space<semaphore_mem>>
        %dma_wait3A_178 = tpu.memref_squeeze %dma_wait3A_177 : memref<1x!tpu.dma_semaphore, #tpu.memory_space<semaphore_mem>> -> memref<!tpu.dma_semaphore, #tpu.memory_space<semaphore_mem>>
        tpu.wait_indirect_dma semaphore(%dma_wait3A_178 : memref<!tpu.dma_semaphore, #tpu.memory_space<semaphore_mem>>) src(%arg5 : memref<100x16xf32, #tpu.memory_space<vmem>>) dst(%dma_wait3A_176 : memref<50176x16xf32, #tpu.memory_space<vmem_shared>>)
      } else {
      }
      %rem3A_134 = arith.constant 3 : i32
      %rem3A_135 = arith.remsi %scan3A_128, %rem3A_134 : i32
      %rem3A_136 = arith.constant 8 : i32
      %rem3A_137 = arith.remsi %scan3A_128, %rem3A_136 : i32
      %add3A_138 = arith.addi %mul3A_24, %scan3A_128 : i32
      %dma_wait3A_139 = arith.constant 0 : i32
      %dma_wait3A_140 = tpu.memref_slice %arg4[%rem3A_137, %dma_wait3A_139] : memref<8x100xi32, #tpu.memory_space<vmem>> -> memref<1x100xi32, #tpu.memory_space<vmem>>
      %dma_wait3A_141 = tpu.memref_squeeze %dma_wait3A_140 : memref<1x100xi32, #tpu.memory_space<vmem>> -> memref<100xi32, #tpu.memory_space<vmem>>
      %dma_wait3A_142 = arith.constant 0 : i32
      %dma_wait3A_143 = tpu.memref_slice %arg2[%add3A_138, %dma_wait3A_142] : memref<16000x100xi32, #tpu.memory_space<hbm>> -> memref<1x100xi32, #tpu.memory_space<hbm>>
      %dma_wait3A_144 = tpu.memref_squeeze %dma_wait3A_143 : memref<1x100xi32, #tpu.memory_space<hbm>> -> memref<100xi32, #tpu.memory_space<hbm>>
      %dma_wait3A_145 = tpu.memref_slice %arg8[%rem3A_135] : memref<3x!tpu.dma_semaphore, #tpu.memory_space<semaphore_mem>> -> memref<1x!tpu.dma_semaphore, #tpu.memory_space<semaphore_mem>>
      %dma_wait3A_146 = tpu.memref_squeeze %dma_wait3A_145 : memref<1x!tpu.dma_semaphore, #tpu.memory_space<semaphore_mem>> -> memref<!tpu.dma_semaphore, #tpu.memory_space<semaphore_mem>>
      %dma_wait3A_147 = arith.constant 0 : i32
      %dma_wait3A_148 = tpu.memref_slice %arg4[%rem3A_137, %dma_wait3A_147] : memref<8x100xi32, #tpu.memory_space<vmem>> -> memref<1x100xi32, #tpu.memory_space<vmem>>
      %dma_wait3A_149 = tpu.memref_squeeze %dma_wait3A_148 : memref<1x100xi32, #tpu.memory_space<vmem>> -> memref<100xi32, #tpu.memory_space<vmem>>
      %dma_wait3A_150 = arith.constant 0 : i32
      %dma_wait3A_151 = tpu.memref_slice %arg2[%add3A_138, %dma_wait3A_150] : memref<16000x100xi32, #tpu.memory_space<hbm>> -> memref<1x100xi32, #tpu.memory_space<hbm>>
      %dma_wait3A_152 = tpu.memref_squeeze %dma_wait3A_151 : memref<1x100xi32, #tpu.memory_space<hbm>> -> memref<100xi32, #tpu.memory_space<hbm>>
      tpu.wait_dma2 semaphore(%dma_wait3A_146 : memref<!tpu.dma_semaphore, #tpu.memory_space<semaphore_mem>>) src(%dma_wait3A_152 : memref<100xi32, #tpu.memory_space<hbm>>) dst(%dma_wait3A_149 : memref<100xi32, #tpu.memory_space<vmem>>)
      %rem3A_153 = arith.constant 8 : i32
      %rem3A_154 = arith.remsi %scan3A_128, %rem3A_153 : i32
      %dma_start3A_155 = arith.constant 0 : i32
      %dma_start3A_156 = tpu.memref_slice %arg4[%rem3A_154, %dma_start3A_155] : memref<8x100xi32, #tpu.memory_space<vmem>> -> memref<1x100xi32, #tpu.memory_space<vmem>>
      %dma_start3A_157 = tpu.memref_squeeze %dma_start3A_156 : memref<1x100xi32, #tpu.memory_space<vmem>> -> memref<100xi32, #tpu.memory_space<vmem>>
      %dma_start3A_158 = arith.constant 0 : i32
      %dma_start3A_159 = arith.constant 0 : i32
      %dma_start3A_160 = tpu.memref_slice %arg7[%dma_start3A_158, %dma_start3A_159] : memref<50176x16xf32, #tpu.memory_space<vmem_shared>> -> memref<50176x16xf32, #tpu.memory_space<vmem_shared>>
      %dma_start3A_161 = tpu.memref_slice %arg9[%rem3A_131] : memref<3x!tpu.dma_semaphore, #tpu.memory_space<semaphore_mem>> -> memref<1x!tpu.dma_semaphore, #tpu.memory_space<semaphore_mem>>
      %dma_start3A_162 = tpu.memref_squeeze %dma_start3A_161 : memref<1x!tpu.dma_semaphore, #tpu.memory_space<semaphore_mem>> -> memref<!tpu.dma_semaphore, #tpu.memory_space<semaphore_mem>>
      tpu.enqueue_indirect_dma source(%arg5 : memref<100x16xf32, #tpu.memory_space<vmem>>) target(%dma_start3A_160 : memref<50176x16xf32, #tpu.memory_space<vmem_shared>>) offsets(%dma_start3A_157 : memref<100xi32, #tpu.memory_space<vmem>>) semaphore(%dma_start3A_162 : memref<!tpu.dma_semaphore, #tpu.memory_space<semaphore_mem>>) {add = true}
      %add3A_163 = arith.constant 3 : i32
      %add3A_164 = arith.addi %scan3A_128, %add3A_163 : i32
      %lt3A = arith.constant 500 : i32
      %lt3A_165 = arith.cmpi slt, %add3A_164, %lt3A : i32
      %convert_element_type3A_166 = arith.extui %lt3A_165 : i1 to i32
      %cond3A_167 = arith.constant 0 : i32
      %cond3A_168 = arith.cmpi ne, %convert_element_type3A_166, %cond3A_167 : i32
      scf.if %cond3A_168 {
        %add3A_170 = arith.constant 3 : i32
        %add3A_171 = arith.addi %scan3A_128, %add3A_170 : i32
        %rem3A_172 = arith.constant 3 : i32
        %rem3A_173 = arith.remsi %add3A_171, %rem3A_172 : i32
        %rem3A_174 = arith.constant 8 : i32
        %rem3A_175 = arith.remsi %add3A_171, %rem3A_174 : i32
        %add3A_176 = arith.addi %mul3A_24, %add3A_171 : i32
        %dma_start3A_177 = arith.constant 0 : i32
        %dma_start3A_178 = tpu.memref_slice %arg4[%rem3A_175, %dma_start3A_177] : memref<8x100xi32, #tpu.memory_space<vmem>> -> memref<1x100xi32, #tpu.memory_space<vmem>>
        %dma_start3A_179 = tpu.memref_squeeze %dma_start3A_178 : memref<1x100xi32, #tpu.memory_space<vmem>> -> memref<100xi32, #tpu.memory_space<vmem>>
        %dma_start3A_180 = arith.constant 0 : i32
        %dma_start3A_181 = tpu.memref_slice %arg2[%add3A_176, %dma_start3A_180] : memref<16000x100xi32, #tpu.memory_space<hbm>> -> memref<1x100xi32, #tpu.memory_space<hbm>>
        %dma_start3A_182 = tpu.memref_squeeze %dma_start3A_181 : memref<1x100xi32, #tpu.memory_space<hbm>> -> memref<100xi32, #tpu.memory_space<hbm>>
        %dma_start3A_183 = tpu.memref_slice %arg8[%rem3A_173] : memref<3x!tpu.dma_semaphore, #tpu.memory_space<semaphore_mem>> -> memref<1x!tpu.dma_semaphore, #tpu.memory_space<semaphore_mem>>
        %dma_start3A_184 = tpu.memref_squeeze %dma_start3A_183 : memref<1x!tpu.dma_semaphore, #tpu.memory_space<semaphore_mem>> -> memref<!tpu.dma_semaphore, #tpu.memory_space<semaphore_mem>>
        %dma_start3A_185 = arith.constant 0 : i32
        %dma_start3A_186 = tpu.memref_slice %arg4[%rem3A_175, %dma_start3A_185] : memref<8x100xi32, #tpu.memory_space<vmem>> -> memref<1x100xi32, #tpu.memory_space<vmem>>
        %dma_start3A_187 = tpu.memref_squeeze %dma_start3A_186 : memref<1x100xi32, #tpu.memory_space<vmem>> -> memref<100xi32, #tpu.memory_space<vmem>>
        %dma_start3A_188 = arith.constant 0 : i32
        %dma_start3A_189 = tpu.memref_slice %arg2[%add3A_176, %dma_start3A_188] : memref<16000x100xi32, #tpu.memory_space<hbm>> -> memref<1x100xi32, #tpu.memory_space<hbm>>
        %dma_start3A_190 = tpu.memref_squeeze %dma_start3A_189 : memref<1x100xi32, #tpu.memory_space<hbm>> -> memref<100xi32, #tpu.memory_space<hbm>>
        tpu.enqueue_dma source(%dma_start3A_190 : memref<100xi32, #tpu.memory_space<hbm>>) target(%dma_start3A_187 : memref<100xi32, #tpu.memory_space<vmem>>) target_semaphore(%dma_start3A_184 : memref<!tpu.dma_semaphore, #tpu.memory_space<semaphore_mem>>)
      } else {
      }
      %scan3A_169 = arith.constant 0 : i32
      scf.yield %scan3A_169 : i32
    }
    %scan3A_95 = arith.constant 500 : i32
    %dma_wait3A = arith.constant 0 : i32
    %dma_wait3A_96 = arith.constant 0 : i32
    %dma_wait3A_97 = arith.constant 0 : i32
    %dma_wait3A_98 = tpu.memref_slice %arg4[%dma_wait3A, %dma_wait3A_97] : memref<8x100xi32, #tpu.memory_space<vmem>> -> memref<1x100xi32, #tpu.memory_space<vmem>>
    %dma_wait3A_99 = tpu.memref_squeeze %dma_wait3A_98 : memref<1x100xi32, #tpu.memory_space<vmem>> -> memref<100xi32, #tpu.memory_space<vmem>>
    %dma_wait3A_100 = arith.constant 0 : i32
    %dma_wait3A_101 = arith.constant 0 : i32
    %dma_wait3A_102 = tpu.memref_slice %arg7[%dma_wait3A_100, %dma_wait3A_101] : memref<50176x16xf32, #tpu.memory_space<vmem_shared>> -> memref<50176x16xf32, #tpu.memory_space<vmem_shared>>
    %dma_wait3A_103 = tpu.memref_slice %arg9[%dma_wait3A_96] : memref<3x!tpu.dma_semaphore, #tpu.memory_space<semaphore_mem>> -> memref<1x!tpu.dma_semaphore, #tpu.memory_space<semaphore_mem>>
    %dma_wait3A_104 = tpu.memref_squeeze %dma_wait3A_103 : memref<1x!tpu.dma_semaphore, #tpu.memory_space<semaphore_mem>> -> memref<!tpu.dma_semaphore, #tpu.memory_space<semaphore_mem>>
    tpu.wait_indirect_dma semaphore(%dma_wait3A_104 : memref<!tpu.dma_semaphore, #tpu.memory_space<semaphore_mem>>) src(%arg5 : memref<100x16xf32, #tpu.memory_space<vmem>>) dst(%dma_wait3A_102 : memref<50176x16xf32, #tpu.memory_space<vmem_shared>>)
    %dma_wait3A_105 = arith.constant 0 : i32
    %dma_wait3A_106 = arith.constant 1 : i32
    %dma_wait3A_107 = arith.constant 0 : i32
    %dma_wait3A_108 = tpu.memref_slice %arg4[%dma_wait3A_105, %dma_wait3A_107] : memref<8x100xi32, #tpu.memory_space<vmem>> -> memref<1x100xi32, #tpu.memory_space<vmem>>
    %dma_wait3A_109 = tpu.memref_squeeze %dma_wait3A_108 : memref<1x100xi32, #tpu.memory_space<vmem>> -> memref<100xi32, #tpu.memory_space<vmem>>
    %dma_wait3A_110 = arith.constant 0 : i32
    %dma_wait3A_111 = arith.constant 0 : i32
    %dma_wait3A_112 = tpu.memref_slice %arg7[%dma_wait3A_110, %dma_wait3A_111] : memref<50176x16xf32, #tpu.memory_space<vmem_shared>> -> memref<50176x16xf32, #tpu.memory_space<vmem_shared>>
    %dma_wait3A_113 = tpu.memref_slice %arg9[%dma_wait3A_106] : memref<3x!tpu.dma_semaphore, #tpu.memory_space<semaphore_mem>> -> memref<1x!tpu.dma_semaphore, #tpu.memory_space<semaphore_mem>>
    %dma_wait3A_114 = tpu.memref_squeeze %dma_wait3A_113 : memref<1x!tpu.dma_semaphore, #tpu.memory_space<semaphore_mem>> -> memref<!tpu.dma_semaphore, #tpu.memory_space<semaphore_mem>>
    tpu.wait_indirect_dma semaphore(%dma_wait3A_114 : memref<!tpu.dma_semaphore, #tpu.memory_space<semaphore_mem>>) src(%arg5 : memref<100x16xf32, #tpu.memory_space<vmem>>) dst(%dma_wait3A_112 : memref<50176x16xf32, #tpu.memory_space<vmem_shared>>)
    %dma_wait3A_115 = arith.constant 0 : i32
    %dma_wait3A_116 = arith.constant 2 : i32
    %dma_wait3A_117 = arith.constant 0 : i32
    %dma_wait3A_118 = tpu.memref_slice %arg4[%dma_wait3A_115, %dma_wait3A_117] : memref<8x100xi32, #tpu.memory_space<vmem>> -> memref<1x100xi32, #tpu.memory_space<vmem>>
    %dma_wait3A_119 = tpu.memref_squeeze %dma_wait3A_118 : memref<1x100xi32, #tpu.memory_space<vmem>> -> memref<100xi32, #tpu.memory_space<vmem>>
    %dma_wait3A_120 = arith.constant 0 : i32
    %dma_wait3A_121 = arith.constant 0 : i32
    %dma_wait3A_122 = tpu.memref_slice %arg7[%dma_wait3A_120, %dma_wait3A_121] : memref<50176x16xf32, #tpu.memory_space<vmem_shared>> -> memref<50176x16xf32, #tpu.memory_space<vmem_shared>>
    %dma_wait3A_123 = tpu.memref_slice %arg9[%dma_wait3A_116] : memref<3x!tpu.dma_semaphore, #tpu.memory_space<semaphore_mem>> -> memref<1x!tpu.dma_semaphore, #tpu.memory_space<semaphore_mem>>
    %dma_wait3A_124 = tpu.memref_squeeze %dma_wait3A_123 : memref<1x!tpu.dma_semaphore, #tpu.memory_space<semaphore_mem>> -> memref<!tpu.dma_semaphore, #tpu.memory_space<semaphore_mem>>
    tpu.wait_indirect_dma semaphore(%dma_wait3A_124 : memref<!tpu.dma_semaphore, #tpu.memory_space<semaphore_mem>>) src(%arg5 : memref<100x16xf32, #tpu.memory_space<vmem>>) dst(%dma_wait3A_122 : memref<50176x16xf32, #tpu.memory_space<vmem_shared>>)
    %barrier3A_125 = arith.constant 0 : index
    tpu.barrier barrier_id(%barrier3A_125)
    %mul3A_126 = arith.constant 3136 : i32
    %mul3A_127 = arith.muli %arg1, %mul3A_126 : i32
    "tpu.region"() ({
      %run_scoped3A = tpu.sem_alloc : memref<!tpu.dma_semaphore, #tpu.memory_space<semaphore_mem>>
      %dma_start3A_128 = arith.constant 0 : i32
      %dma_start3A_129 = tpu.memref_slice %arg3[%arg0, %mul3A_127, %dma_start3A_128] : memref<2x50176x16xf32, #tpu.memory_space<hbm>> -> memref<1x3136x16xf32, #tpu.memory_space<hbm>>
      %dma_start3A_130 = tpu.memref_squeeze %dma_start3A_129 : memref<1x3136x16xf32, #tpu.memory_space<hbm>> -> memref<3136x16xf32, #tpu.memory_space<hbm>>
      %dma_start3A_131 = arith.constant 0 : i32
      %dma_start3A_132 = tpu.memref_slice %arg7[%mul3A_127, %dma_start3A_131] : memref<50176x16xf32, #tpu.memory_space<vmem_shared>> -> memref<3136x16xf32, #tpu.memory_space<vmem_shared>>
      tpu.enqueue_dma source(%dma_start3A_132 : memref<3136x16xf32, #tpu.memory_space<vmem_shared>>) target(%dma_start3A_130 : memref<3136x16xf32, #tpu.memory_space<hbm>>) target_semaphore(%run_scoped3A : memref<!tpu.dma_semaphore, #tpu.memory_space<semaphore_mem>>)
      %dma_wait3A_133 = arith.constant 0 : i32
      %dma_wait3A_134 = tpu.memref_slice %arg3[%arg0, %mul3A_127, %dma_wait3A_133] : memref<2x50176x16xf32, #tpu.memory_space<hbm>> -> memref<1x3136x16xf32, #tpu.memory_space<hbm>>
      %dma_wait3A_135 = tpu.memref_squeeze %dma_wait3A_134 : memref<1x3136x16xf32, #tpu.memory_space<hbm>> -> memref<3136x16xf32, #tpu.memory_space<hbm>>
      %dma_wait3A_136 = arith.constant 0 : i32
      %dma_wait3A_137 = tpu.memref_slice %arg7[%mul3A_127, %dma_wait3A_136] : memref<50176x16xf32, #tpu.memory_space<vmem_shared>> -> memref<3136x16xf32, #tpu.memory_space<vmem_shared>>
      tpu.wait_dma2 semaphore(%run_scoped3A : memref<!tpu.dma_semaphore, #tpu.memory_space<semaphore_mem>>) src(%dma_wait3A_137 : memref<3136x16xf32, #tpu.memory_space<vmem_shared>>) dst(%dma_wait3A_135 : memref<3136x16xf32, #tpu.memory_space<hbm>>)
      tpu.yield
    }) : () -> ()
    return
  }
}

module attributes {stable_mosaic.version = 14 : i64} {
  func.func @body(%arg0: i32, %arg1: memref<2000x32xf32, #tpu.memory_space<vmem>>, %arg2: memref<32x32xf32, #tpu.memory_space<vmem>>, %arg3: memref<2000x32xf32, #tpu.memory_space<vmem>>) attributes {dimension_semantics = [#tpu.dimension_semantics<arbitrary>], iteration_bounds = array<i64: 25>, scalar_prefetch = 0 : i64, scratch_operands = 0 : i64, tpu.core_type = #tpu.core_type<tc>, window_params = [{transform_indices = @transform_0, window_bounds = array<i64: 2000, 32>}, {pipeline_mode = #tpu.pipeline_mode<synchronous>, transform_indices = @transform_1, window_bounds = array<i64: 32, 32>}, {transform_indices = @transform_2, window_bounds = array<i64: 2000, 32>}]} {
    %get3A = arith.constant 0 : index
    %get3A_0 = arith.constant 0 : index
    %get3A_1 = vector.load %arg1[%get3A, %get3A_0] : memref<2000x32xf32, #tpu.memory_space<vmem>>, vector<2000x32xf32>
    %get3A_2 = arith.constant 0 : index
    %get3A_3 = arith.constant 0 : index
    %get3A_4 = vector.load %arg2[%get3A_2, %get3A_3] : memref<32x32xf32, #tpu.memory_space<vmem>>, vector<32x32xf32>
    %dot_general3A = arith.constant dense<0.000000e+00> : vector<2000x32xf32>
    %dot_general3A_5 = tpu.matmul %get3A_1, %get3A_4, %dot_general3A {dimension_numbers = #tpu.dot_dimension_numbers<[1], [0], [0], [1], [0, 0, 1, 1], [], []>, transpose_lhs_hint = false} : vector<2000x32xf32>, vector<32x32xf32>, vector<2000x32xf32> -> vector<2000x32xf32>
    %swap3A = arith.constant 0 : index
    %swap3A_6 = arith.constant 0 : index
    %swap3A_7 = vector.load %arg3[%swap3A, %swap3A_6] : memref<2000x32xf32, #tpu.memory_space<vmem>>, vector<2000x32xf32>
    tpu.vector_store %arg3[%swap3A, %swap3A_6], %dot_general3A_5 {strides = array<i32>} : memref<2000x32xf32, #tpu.memory_space<vmem>>, vector<2000x32xf32>,
    return
  }
  func.func @transform_0(%arg0: i32) -> (i32, i32) {
    %c0_i32 = arith.constant 0 : i32
    %c0_i32_0 = arith.constant 0 : i32
    return %arg0, %c0_i32 : i32, i32
  }
  func.func @transform_1(%arg0: i32) -> (i32, i32) {
    %c0_i32 = arith.constant 0 : i32
    %c0_i32_0 = arith.constant 0 : i32
    %c0_i32_1 = arith.constant 0 : i32
    return %c0_i32, %c0_i32_0 : i32, i32
  }
  func.func @transform_2(%arg0: i32) -> (i32, i32) {
    %c0_i32 = arith.constant 0 : i32
    %c0_i32_0 = arith.constant 0 : i32
    return %arg0, %c0_i32 : i32, i32
  }
}

module attributes {stable_mosaic.version = 14 : i64} {
  func.func @body(%arg0: i32, %arg1: memref<8000x38xf32, #tpu.memory_space<vmem>>, %arg2: memref<38x96xf32, #tpu.memory_space<vmem>>, %arg3: memref<1x96xf32, #tpu.memory_space<vmem>>, %arg4: memref<8000x48xi32, #tpu.memory_space<vmem>>) attributes {dimension_semantics = [#tpu.dimension_semantics<arbitrary>], iteration_bounds = array<i64: 200>, scalar_prefetch = 0 : i64, scratch_operands = 0 : i64, tpu.core_type = #tpu.core_type<tc>, window_params = [{transform_indices = @transform_0, window_bounds = array<i64: 8000, 38>}, {pipeline_mode = #tpu.pipeline_mode<synchronous>, transform_indices = @transform_1, window_bounds = array<i64: 38, 96>}, {pipeline_mode = #tpu.pipeline_mode<synchronous>, transform_indices = @transform_2, window_bounds = array<i64: 1, 96>}, {transform_indices = @transform_3, window_bounds = array<i64: 8000, 48>}]} {
    %get3A = arith.constant 0 : index
    %get3A_0 = arith.constant 0 : index
    %get3A_1 = vector.load %arg1[%get3A, %get3A_0] : memref<8000x38xf32, #tpu.memory_space<vmem>>, vector<8000x38xf32>
    %get3A_2 = arith.constant 0 : index
    %get3A_3 = arith.constant 0 : index
    %get3A_4 = vector.load %arg2[%get3A_2, %get3A_3] : memref<38x96xf32, #tpu.memory_space<vmem>>, vector<38x96xf32>
    %dot_general3A = arith.constant dense<0.000000e+00> : vector<8000x96xf32>
    %dot_general3A_5 = tpu.matmul %get3A_1, %get3A_4, %dot_general3A {dimension_numbers = #tpu.dot_dimension_numbers<[1], [0], [0], [1], [0, 0, 1, 1], [], []>, transpose_lhs_hint = false} : vector<8000x38xf32>, vector<38x96xf32>, vector<8000x96xf32> -> vector<8000x96xf32>
    %get3A_6 = arith.constant 0 : index
    %get3A_7 = arith.constant 0 : index
    %get3A_8 = vector.load %arg3[%get3A_6, %get3A_7] : memref<1x96xf32, #tpu.memory_space<vmem>>, vector<1x96xf32>
    %add3A = vector.broadcast %get3A_8 : vector<1x96xf32> to vector<8000x96xf32>
    %add3A_9 = arith.addf %dot_general3A_5, %add3A : vector<8000x96xf32>
    %slice3A = vector.extract_strided_slice %add3A_9 {offsets = [0, 0], sizes = [8000, 16], strides = [1, 1]} : vector<8000x96xf32> to vector<8000x16xf32>
    %slice3A_10 = vector.extract_strided_slice %add3A_9 {offsets = [0, 32], sizes = [8000, 16], strides = [1, 1]} : vector<8000x96xf32> to vector<8000x16xf32>
    %slice3A_11 = vector.extract_strided_slice %add3A_9 {offsets = [0, 64], sizes = [8000, 16], strides = [1, 1]} : vector<8000x96xf32> to vector<8000x16xf32>
    %concatenate3A = tpu.concatenate %slice3A, %slice3A_10, %slice3A_11 in 1 : vector<8000x16xf32>, vector<8000x16xf32>, vector<8000x16xf32> -> vector<8000x48xf32>
    %slice3A_12 = vector.extract_strided_slice %add3A_9 {offsets = [0, 16], sizes = [8000, 16], strides = [1, 1]} : vector<8000x96xf32> to vector<8000x16xf32>
    %slice3A_13 = vector.extract_strided_slice %add3A_9 {offsets = [0, 48], sizes = [8000, 16], strides = [1, 1]} : vector<8000x96xf32> to vector<8000x16xf32>
    %slice3A_14 = vector.extract_strided_slice %add3A_9 {offsets = [0, 80], sizes = [8000, 16], strides = [1, 1]} : vector<8000x96xf32> to vector<8000x16xf32>
    %concatenate3A_15 = tpu.concatenate %slice3A_12, %slice3A_13, %slice3A_14 in 1 : vector<8000x16xf32>, vector<8000x16xf32>, vector<8000x16xf32> -> vector<8000x48xf32>
    %convert_element_type3A = arith.truncf %concatenate3A : vector<8000x48xf32> to vector<8000x48xbf16>
    %bitcast_convert_type3A = tpu.bitcast %convert_element_type3A : vector<8000x48xbf16> -> vector<8000x48xi16>
    %convert_element_type3A_16 = arith.truncf %concatenate3A_15 : vector<8000x48xf32> to vector<8000x48xbf16>
    %bitcast_convert_type3A_17 = tpu.bitcast %convert_element_type3A_16 : vector<8000x48xbf16> -> vector<8000x48xi16>
    %convert_element_type3A_18 = arith.extui %bitcast_convert_type3A : vector<8000x48xi16> to vector<8000x48xi32>
    %convert_element_type3A_19 = arith.extui %bitcast_convert_type3A_17 : vector<8000x48xi16> to vector<8000x48xi32>
    %shift_left3A = arith.constant 16 : i32
    %shift_left3A_20 = vector.broadcast %shift_left3A : i32 to vector<8000x48xi32>
    %shift_left3A_21 = arith.shli %convert_element_type3A_19, %shift_left3A_20 : vector<8000x48xi32>
    %or3A = arith.ori %convert_element_type3A_18, %shift_left3A_21 : vector<8000x48xi32>
    %swap3A = arith.constant 0 : index
    %swap3A_22 = arith.constant 0 : index
    %swap3A_23 = vector.load %arg4[%swap3A, %swap3A_22] : memref<8000x48xi32, #tpu.memory_space<vmem>>, vector<8000x48xi32>
    tpu.vector_store %arg4[%swap3A, %swap3A_22], %or3A {strides = array<i32>} : memref<8000x48xi32, #tpu.memory_space<vmem>>, vector<8000x48xi32>,
    return
  }
  func.func @transform_0(%arg0: i32) -> (i32, i32) {
    %c0_i32 = arith.constant 0 : i32
    %c0_i32_0 = arith.constant 0 : i32
    return %arg0, %c0_i32 : i32, i32
  }
  func.func @transform_1(%arg0: i32) -> (i32, i32) {
    %c0_i32 = arith.constant 0 : i32
    %c0_i32_0 = arith.constant 0 : i32
    %c0_i32_1 = arith.constant 0 : i32
    return %c0_i32, %c0_i32_0 : i32, i32
  }
  func.func @transform_2(%arg0: i32) -> (i32, i32) {
    %c0_i32 = arith.constant 0 : i32
    %c0_i32_0 = arith.constant 0 : i32
    %c0_i32_1 = arith.constant 0 : i32
    return %c0_i32, %c0_i32_0 : i32, i32
  }
  func.func @transform_3(%arg0: i32) -> (i32, i32) {
    %c0_i32 = arith.constant 0 : i32
    %c0_i32_0 = arith.constant 0 : i32
    return %arg0, %c0_i32 : i32, i32
  }
}

module attributes {stable_mosaic.version = 14 : i64} {
  func.func @body(%arg0: i32, %arg1: memref<2x2000x32xf32, #tpu.memory_space<vmem>>, %arg2: memref<2x2000x16xf32, #tpu.memory_space<vmem>>, %arg3: memref<32x32xf32, #tpu.memory_space<vmem>>, %arg4: memref<1x32xf32, #tpu.memory_space<vmem>>, %arg5: memref<32x32xf32, #tpu.memory_space<vmem>>, %arg6: memref<2000x32xf32, #tpu.memory_space<vmem>>) attributes {dimension_semantics = [#tpu.dimension_semantics<arbitrary>], iteration_bounds = array<i64: 25>, scalar_prefetch = 0 : i64, scratch_operands = 0 : i64, tpu.core_type = #tpu.core_type<tc>, window_params = [{transform_indices = @transform_0, window_bounds = array<i64: 2, 2000, 32>}, {transform_indices = @transform_1, window_bounds = array<i64: 2, 2000, 16>}, {pipeline_mode = #tpu.pipeline_mode<synchronous>, transform_indices = @transform_2, window_bounds = array<i64: 32, 32>}, {pipeline_mode = #tpu.pipeline_mode<synchronous>, transform_indices = @transform_3, window_bounds = array<i64: 1, 32>}, {pipeline_mode = #tpu.pipeline_mode<synchronous>, transform_indices = @transform_4, window_bounds = array<i64: 32, 32>}, {transform_indices = @transform_5, window_bounds = array<i64: 2000, 32>}]} {
    %get3A = arith.constant 0 : index
    %get3A_0 = arith.constant 0 : index
    %get3A_1 = arith.constant 0 : index
    %get3A_2 = vector.load %arg1[%get3A, %get3A_0, %get3A_1] : memref<2x2000x32xf32, #tpu.memory_space<vmem>>, vector<1x2000x32xf32>
    %get3A_3 = vector.shape_cast %get3A_2 : vector<1x2000x32xf32> to vector<2000x32xf32>
    %get3A_4 = arith.constant 1 : index
    %get3A_5 = arith.constant 0 : index
    %get3A_6 = arith.constant 0 : index
    %get3A_7 = vector.load %arg1[%get3A_4, %get3A_5, %get3A_6] : memref<2x2000x32xf32, #tpu.memory_space<vmem>>, vector<1x2000x32xf32>
    %get3A_8 = vector.shape_cast %get3A_7 : vector<1x2000x32xf32> to vector<2000x32xf32>
    %add3A = arith.addf %get3A_3, %get3A_8 : vector<2000x32xf32>
    %get3A_9 = arith.constant 0 : index
    %get3A_10 = arith.constant 0 : index
    %get3A_11 = arith.constant 0 : index
    %get3A_12 = vector.load %arg2[%get3A_9, %get3A_10, %get3A_11] : memref<2x2000x16xf32, #tpu.memory_space<vmem>>, vector<1x2000x1xf32>
    %get3A_13 = vector.shape_cast %get3A_12 : vector<1x2000x1xf32> to vector<2000xf32>
    %get3A_14 = arith.constant 1 : index
    %get3A_15 = arith.constant 0 : index
    %get3A_16 = arith.constant 0 : index
    %get3A_17 = vector.load %arg2[%get3A_14, %get3A_15, %get3A_16] : memref<2x2000x16xf32, #tpu.memory_space<vmem>>, vector<1x2000x1xf32>
    %get3A_18 = vector.shape_cast %get3A_17 : vector<1x2000x1xf32> to vector<2000xf32>
    %add3A_19 = arith.addf %get3A_13, %get3A_18 : vector<2000xf32>
    %get3A_20 = arith.constant 0 : index
    %get3A_21 = arith.constant 0 : index
    %get3A_22 = vector.load %arg3[%get3A_20, %get3A_21] : memref<32x32xf32, #tpu.memory_space<vmem>>, vector<32x32xf32>
    %dot_general3A = arith.constant dense<0.000000e+00> : vector<2000x32xf32>
    %dot_general3A_23 = tpu.matmul %add3A, %get3A_22, %dot_general3A {dimension_numbers = #tpu.dot_dimension_numbers<[1], [0], [0], [1], [0, 0, 1, 1], [], []>, transpose_lhs_hint = false} : vector<2000x32xf32>, vector<32x32xf32>, vector<2000x32xf32> -> vector<2000x32xf32>
    %broadcast_in_dim3A = vector.shape_cast %add3A_19 : vector<2000xf32> to vector<2000x1xf32>
    %get3A_24 = arith.constant 0 : index
    %get3A_25 = arith.constant 0 : index
    %get3A_26 = vector.load %arg4[%get3A_24, %get3A_25] : memref<1x32xf32, #tpu.memory_space<vmem>>, vector<1x32xf32>
    %mul3A = vector.broadcast %broadcast_in_dim3A : vector<2000x1xf32> to vector<2000x32xf32>
    %mul3A_27 = vector.broadcast %get3A_26 : vector<1x32xf32> to vector<2000x32xf32>
    %mul3A_28 = arith.mulf %mul3A, %mul3A_27 : vector<2000x32xf32>
    %add3A_29 = arith.addf %dot_general3A_23, %mul3A_28 : vector<2000x32xf32>
    %max3A = arith.constant 1.000000e+00 : f32
    %max3A_30 = vector.broadcast %max3A : f32 to vector<2000xf32>
    %max3A_31 = arith.maximumf %add3A_19, %max3A_30 : vector<2000xf32>
    %broadcast_in_dim3A_32 = vector.shape_cast %max3A_31 : vector<2000xf32> to vector<2000x1xf32>
    %div3A = vector.broadcast %broadcast_in_dim3A_32 : vector<2000x1xf32> to vector<2000x32xf32>
    %div3A_33 = arith.divf %add3A_29, %div3A : vector<2000x32xf32>
    %max3A_34 = arith.constant 0.000000e+00 : f32
    %max3A_35 = vector.broadcast %max3A_34 : f32 to vector<2000x32xf32>
    %max3A_36 = arith.maximumf %div3A_33, %max3A_35 : vector<2000x32xf32>
    %get3A_37 = arith.constant 0 : index
    %get3A_38 = arith.constant 0 : index
    %get3A_39 = vector.load %arg5[%get3A_37, %get3A_38] : memref<32x32xf32, #tpu.memory_space<vmem>>, vector<32x32xf32>
    %dot_general3A_40 = arith.constant dense<0.000000e+00> : vector<2000x32xf32>
    %dot_general3A_41 = tpu.matmul %max3A_36, %get3A_39, %dot_general3A_40 {dimension_numbers = #tpu.dot_dimension_numbers<[1], [0], [0], [1], [0, 0, 1, 1], [], []>, transpose_lhs_hint = false} : vector<2000x32xf32>, vector<32x32xf32>, vector<2000x32xf32> -> vector<2000x32xf32>
    %swap3A = arith.constant 0 : index
    %swap3A_42 = arith.constant 0 : index
    %swap3A_43 = vector.load %arg6[%swap3A, %swap3A_42] : memref<2000x32xf32, #tpu.memory_space<vmem>>, vector<2000x32xf32>
    tpu.vector_store %arg6[%swap3A, %swap3A_42], %dot_general3A_41 {strides = array<i32>} : memref<2000x32xf32, #tpu.memory_space<vmem>>, vector<2000x32xf32>,
    return
  }
  func.func @transform_0(%arg0: i32) -> (i32, i32, i32) {
    %c0_i32 = arith.constant 0 : i32
    %c0_i32_0 = arith.constant 0 : i32
    %c0_i32_1 = arith.constant 0 : i32
    return %c0_i32, %arg0, %c0_i32_0 : i32, i32, i32
  }
  func.func @transform_1(%arg0: i32) -> (i32, i32, i32) {
    %c0_i32 = arith.constant 0 : i32
    %c0_i32_0 = arith.constant 0 : i32
    %c0_i32_1 = arith.constant 0 : i32
    return %c0_i32, %arg0, %c0_i32_0 : i32, i32, i32
  }
  func.func @transform_2(%arg0: i32) -> (i32, i32) {
    %c0_i32 = arith.constant 0 : i32
    %c0_i32_0 = arith.constant 0 : i32
    %c0_i32_1 = arith.constant 0 : i32
    return %c0_i32, %c0_i32_0 : i32, i32
  }
  func.func @transform_3(%arg0: i32) -> (i32, i32) {
    %c0_i32 = arith.constant 0 : i32
    %c0_i32_0 = arith.constant 0 : i32
    %c0_i32_1 = arith.constant 0 : i32
    return %c0_i32, %c0_i32_0 : i32, i32
  }
  func.func @transform_4(%arg0: i32) -> (i32, i32) {
    %c0_i32 = arith.constant 0 : i32
    %c0_i32_0 = arith.constant 0 : i32
    %c0_i32_1 = arith.constant 0 : i32
    return %c0_i32, %c0_i32_0 : i32, i32
  }
  func.func @transform_5(%arg0: i32) -> (i32, i32) {
    %c0_i32 = arith.constant 0 : i32
    %c0_i32_0 = arith.constant 0 : i32
    return %arg0, %c0_i32 : i32, i32
  }
}

module attributes {stable_mosaic.version = 14 : i64} {
  func.func @body(%arg0: i32, %arg1: memref<2x2000x32xf32, #tpu.memory_space<vmem>>, %arg2: memref<2x2000x16xf32, #tpu.memory_space<vmem>>, %arg3: memref<32x32xf32, #tpu.memory_space<vmem>>, %arg4: memref<1x32xf32, #tpu.memory_space<vmem>>, %arg5: memref<2000x32xf32, #tpu.memory_space<vmem>>) attributes {dimension_semantics = [#tpu.dimension_semantics<arbitrary>], iteration_bounds = array<i64: 25>, scalar_prefetch = 0 : i64, scratch_operands = 0 : i64, tpu.core_type = #tpu.core_type<tc>, window_params = [{transform_indices = @transform_0, window_bounds = array<i64: 2, 2000, 32>}, {transform_indices = @transform_1, window_bounds = array<i64: 2, 2000, 16>}, {pipeline_mode = #tpu.pipeline_mode<synchronous>, transform_indices = @transform_2, window_bounds = array<i64: 32, 32>}, {pipeline_mode = #tpu.pipeline_mode<synchronous>, transform_indices = @transform_3, window_bounds = array<i64: 1, 32>}, {transform_indices = @transform_4, window_bounds = array<i64: 2000, 32>}]} {
    %get3A = arith.constant 0 : index
    %get3A_0 = arith.constant 0 : index
    %get3A_1 = arith.constant 0 : index
    %get3A_2 = vector.load %arg1[%get3A, %get3A_0, %get3A_1] : memref<2x2000x32xf32, #tpu.memory_space<vmem>>, vector<1x2000x32xf32>
    %get3A_3 = vector.shape_cast %get3A_2 : vector<1x2000x32xf32> to vector<2000x32xf32>
    %get3A_4 = arith.constant 1 : index
    %get3A_5 = arith.constant 0 : index
    %get3A_6 = arith.constant 0 : index
    %get3A_7 = vector.load %arg1[%get3A_4, %get3A_5, %get3A_6] : memref<2x2000x32xf32, #tpu.memory_space<vmem>>, vector<1x2000x32xf32>
    %get3A_8 = vector.shape_cast %get3A_7 : vector<1x2000x32xf32> to vector<2000x32xf32>
    %add3A = arith.addf %get3A_3, %get3A_8 : vector<2000x32xf32>
    %get3A_9 = arith.constant 0 : index
    %get3A_10 = arith.constant 0 : index
    %get3A_11 = arith.constant 0 : index
    %get3A_12 = vector.load %arg2[%get3A_9, %get3A_10, %get3A_11] : memref<2x2000x16xf32, #tpu.memory_space<vmem>>, vector<1x2000x1xf32>
    %get3A_13 = vector.shape_cast %get3A_12 : vector<1x2000x1xf32> to vector<2000xf32>
    %get3A_14 = arith.constant 1 : index
    %get3A_15 = arith.constant 0 : index
    %get3A_16 = arith.constant 0 : index
    %get3A_17 = vector.load %arg2[%get3A_14, %get3A_15, %get3A_16] : memref<2x2000x16xf32, #tpu.memory_space<vmem>>, vector<1x2000x1xf32>
    %get3A_18 = vector.shape_cast %get3A_17 : vector<1x2000x1xf32> to vector<2000xf32>
    %add3A_19 = arith.addf %get3A_13, %get3A_18 : vector<2000xf32>
    %get3A_20 = arith.constant 0 : index
    %get3A_21 = arith.constant 0 : index
    %get3A_22 = vector.load %arg3[%get3A_20, %get3A_21] : memref<32x32xf32, #tpu.memory_space<vmem>>, vector<32x32xf32>
    %dot_general3A = arith.constant dense<0.000000e+00> : vector<2000x32xf32>
    %dot_general3A_23 = tpu.matmul %add3A, %get3A_22, %dot_general3A {dimension_numbers = #tpu.dot_dimension_numbers<[1], [0], [0], [1], [0, 0, 1, 1], [], []>, transpose_lhs_hint = false} : vector<2000x32xf32>, vector<32x32xf32>, vector<2000x32xf32> -> vector<2000x32xf32>
    %broadcast_in_dim3A = vector.shape_cast %add3A_19 : vector<2000xf32> to vector<2000x1xf32>
    %get3A_24 = arith.constant 0 : index
    %get3A_25 = arith.constant 0 : index
    %get3A_26 = vector.load %arg4[%get3A_24, %get3A_25] : memref<1x32xf32, #tpu.memory_space<vmem>>, vector<1x32xf32>
    %mul3A = vector.broadcast %broadcast_in_dim3A : vector<2000x1xf32> to vector<2000x32xf32>
    %mul3A_27 = vector.broadcast %get3A_26 : vector<1x32xf32> to vector<2000x32xf32>
    %mul3A_28 = arith.mulf %mul3A, %mul3A_27 : vector<2000x32xf32>
    %add3A_29 = arith.addf %dot_general3A_23, %mul3A_28 : vector<2000x32xf32>
    %max3A = arith.constant 1.000000e+00 : f32
    %max3A_30 = vector.broadcast %max3A : f32 to vector<2000xf32>
    %max3A_31 = arith.maximumf %add3A_19, %max3A_30 : vector<2000xf32>
    %broadcast_in_dim3A_32 = vector.shape_cast %max3A_31 : vector<2000xf32> to vector<2000x1xf32>
    %div3A = vector.broadcast %broadcast_in_dim3A_32 : vector<2000x1xf32> to vector<2000x32xf32>
    %div3A_33 = arith.divf %add3A_29, %div3A : vector<2000x32xf32>
    %swap3A = arith.constant 0 : index
    %swap3A_34 = arith.constant 0 : index
    %swap3A_35 = vector.load %arg5[%swap3A, %swap3A_34] : memref<2000x32xf32, #tpu.memory_space<vmem>>, vector<2000x32xf32>
    tpu.vector_store %arg5[%swap3A, %swap3A_34], %div3A_33 {strides = array<i32>} : memref<2000x32xf32, #tpu.memory_space<vmem>>, vector<2000x32xf32>,
    return
  }
  func.func @transform_0(%arg0: i32) -> (i32, i32, i32) {
    %c0_i32 = arith.constant 0 : i32
    %c0_i32_0 = arith.constant 0 : i32
    %c0_i32_1 = arith.constant 0 : i32
    return %c0_i32, %arg0, %c0_i32_0 : i32, i32, i32
  }
  func.func @transform_1(%arg0: i32) -> (i32, i32, i32) {
    %c0_i32 = arith.constant 0 : i32
    %c0_i32_0 = arith.constant 0 : i32
    %c0_i32_1 = arith.constant 0 : i32
    return %c0_i32, %arg0, %c0_i32_0 : i32, i32, i32
  }
  func.func @transform_2(%arg0: i32) -> (i32, i32) {
    %c0_i32 = arith.constant 0 : i32
    %c0_i32_0 = arith.constant 0 : i32
    %c0_i32_1 = arith.constant 0 : i32
    return %c0_i32, %c0_i32_0 : i32, i32
  }
  func.func @transform_3(%arg0: i32) -> (i32, i32) {
    %c0_i32 = arith.constant 0 : i32
    %c0_i32_0 = arith.constant 0 : i32
    %c0_i32_1 = arith.constant 0 : i32
    return %c0_i32, %c0_i32_0 : i32, i32
  }
  func.func @transform_4(%arg0: i32) -> (i32, i32) {
    %c0_i32 = arith.constant 0 : i32
    %c0_i32_0 = arith.constant 0 : i32
    return %arg0, %c0_i32 : i32, i32
  }
}

</mosaic_0001>

<sc_bundles>
// kernel: kernel.11.cloned.1.call-start
scs
__scs_entry_jumppad:
0x0: {  	(pc) =	sbr.rel $0x88, $3  }
0x1: {  	(tag) =	ssettag $0x0;
	lr =	simm.s32 $0x1  }
0x2: {  	[smem:$0x3F92] =	sst lr;
	_ =	strace $0xD0000000  }
0x3: {  	_ = 	snop  }
0x4: {  	_ = 	snop  }
0x5: {  	_ = 	snop  }
0x6: {  	_ = 	snop  }
0x7: {  	_ = 	snop  }
__scs_overlays_trampoline_lowered:
0x8: {  	[smem:$0x3FA1] =	sst s0  }
0x9: {  	[smem:$0x3FA2] =	sst s1  }
0xa: {  	[smem:$0x3FA3] =	sst s2  }
0xb: {  	[smem:$0x3FA4] =	sst s3  }
0xc: {  	[smem:$0x3FA5] =	sst s4  }
0xd: {  	[smem:$0x3FA6] =	sst s5  }
0xe: {  	[smem:$0x3FA7] =	sst s6  }
0xf: {  	[smem:$0x3FA8] =	sst s7  }
0x10: {  	[smem:$0x3FA9] =	sst s8  }
0x11: {  	[smem:$0x3FAA] =	sst s9;
	s0 =	simm.s32 @!p0 $0x0  }
0x12: {  	s1 =	sld [smem:$0x3F90];
	s0 =	simm.s32 @p0 $0x1  }
0x13: {  	[smem:$0x3FAB] =	sst s0;
	s0 =	simm.s32 @!p1 $0x0  }
0x14: {  	s2 =	sld [smem:$0x3F8F];
	s0 =	simm.s32 @p1 $0x1  }
0x15: {  	[smem:$0x3FAC] =	sst s0;
	s0 =	simm.s32 @!p2 $0x0  }
0x16: {  	s3 =	sld [smem:$0x3FDB];
	s0 =	simm.s32 @p2 $0x1  }
0x17: {  	s4 =	simm.s32 $0x1BF5;
	[smem:$0x3FAE] =	sst s0  }
0x18: {  	s0 =	sld [smem:$0x3F91];
	_ =	swait.ge [sflag:s4], $0x0  }
0x19: {  	s7 =	sld [smem:$0x3F92]  }
0x1a: {  	s8 =	sadd.s32 $0xFFFFE003, lr  }
0x1b: {  	s9 =	sadd.s32 $0xFFFFFEF7, lr;
	s5 =	simm.s32 $0xFFFFFFFF;
	p2 =	slt.u32 s8, $0xFFFFF086  }
0x1c: {  	p1 =	slt.u32 s9, $0xF7A;
	s5 =	simm.s32 @!p2 $0x0  }
0x1d: {  	s5 =	simm.s32 @p1 $0x1;
	p0 =	seq.s32 s7, s2  }
0x1e: {  	s7 =	smul.u32 @!p0 $0xF7A, s2;
	p2 =	seq.s32 @!p0 s5, $0x0  }
0x1f: {  	s9 =	smul.u32 $0xF7A, s1;
	s8 =	simm.s32 @!p0 $0x1BF5;
	p2 =	por !p2, p0  }
0x20: {  	[sflag:s8] =	ssyncset.s32 @!p0 $0xFFFFF086;
	s6 =	sadd.s32 @!p0 s3, s7;
	s7 =	simm.s32 @!p0 $0x108  }
0x21: {  	s3 =	sadd.s32 s3, s9;
	s6 =	sadd.s32 @!p0 $0x88, s6;
	s7 =	simm.s32 @p2 $0x1082  }
0x22: {  	[simem:s7], [sflag:s8] =	dma.local @!p0 [hbm:s6], $0xF7A  }
0x23: {  	s9 =	sor.u32 $0xD0000000, s2;
	s6 =	simm.s32 $0x108;
	_ =	swait.ge @!p0 [sflag:s8], $0x0  }
0x24: {  	s3 =	sadd.s32 $0x88, s3;
	s6 =	simm.s32 @!p1 $0x1082;
	[sflag:s4] =	ssyncset.s32 $0xFFFFF086  }
0x25: {  	[simem:s6], [sflag:s4] =	dma.local [hbm:s3], $0xF7A  }
0x26: {  	[smem:$0x3F92] =	sst s1;
	(tag) =	ssettag s2;
	_ =	strace s9  }
0x27: {  	s1 =	sld [smem:$0x3FA2]  }
0x28: {  	s2 =	sld [smem:$0x3FA3]  }
0x29: {  	s4 =	sld [smem:$0x3FA5]  }
0x2a: {  	p0 =	seq.s32 s5, $0x0;
	s5 =	sld [smem:$0x3FA6]  }
0x2b: {  	s6 =	sld [smem:$0x3FA7]  }
0x2c: {  	s7 =	sld [smem:$0x3FA8]  }
0x2d: {  	s3 =	simm.s32 $0x108;
	s8 =	sld [smem:$0x3FA9]  }
0x2e: {  	s3 =	simm.s32 @!p0 $0x1082;
	s9 =	sld [smem:$0x3FAA]  }
0x2f: {  	lr =	sadd.s32 s0, s3;
	s0 =	sld [smem:$0x3FA1]  }
0x30: {  	s3 =	sld [smem:$0x3FA4]  }
0x31: {  	[smem:$0x3FAD] =	sst s10  }
0x32: {  	s10 =	sld [smem:$0x3FAB];
	_ =	sdelay $0x3  }
0x33: {  	p0 =	seq.s32 s10, $0x1;
	s10 =	sld [smem:$0x3FAD];
	_ =	sdelay $0x3  }
0x34: {  	[smem:$0x3FAD] =	sst s10  }
0x35: {  	s10 =	sld [smem:$0x3FAC];
	_ =	sdelay $0x3  }
0x36: {  	p1 =	seq.s32 s10, $0x1;
	s10 =	sld [smem:$0x3FAD];
	_ =	sdelay $0x3  }
0x37: {  	[smem:$0x3FAD] =	sst s10  }
0x38: {  	s10 =	sld [smem:$0x3FAE]  }
0x39: {  	_ = 	snop;
	(pc) =	sbr.ind lr, $3  }
0x3a: {  	_ = 	snop  }
0x3b: {  	_ = 	snop  }
0x3c: {  	p2 =	seq.s32 s10, $0x1;
	s10 =	sld [smem:$0x3FAD]  }
0x3d: {  	_ =	shalt  }
0x3e: {  	_ =	shalt  }
0x3f: {  	_ =	shalt  }
0x40: {  	_ =	shalt  }
0x41: {  	_ =	shalt  }
0x42: {  	_ =	shalt  }
0x43: {  	_ =	shalt  }
0x44: {  	_ =	shalt  }
0x45: {  	_ =	shalt  }
0x46: {  	_ =	shalt  }
0x47: {  	_ =	shalt  }
0x48: {  	_ =	shalt  }
0x49: {  	_ =	shalt  }
0x4a: {  	_ =	shalt  }
0x4b: {  	_ =	shalt  }
0x4c: {  	_ =	shalt  }
0x4d: {  	_ =	shalt  }
0x4e: {  	_ =	shalt  }
0x4f: {  	_ =	shalt  }
0x50: {  	_ =	shalt  }
0x51: {  	_ =	shalt  }
0x52: {  	_ =	shalt  }
0x53: {  	_ =	shalt  }
0x54: {  	_ =	shalt  }
0x55: {  	_ =	shalt  }
0x56: {  	_ =	shalt  }
0x57: {  	_ =	shalt  }
0x58: {  	_ =	shalt  }
0x59: {  	_ =	shalt  }
0x5a: {  	_ =	shalt  }
0x5b: {  	_ =	shalt  }
0x5c: {  	_ =	shalt  }
0x5d: {  	_ =	shalt  }
0x5e: {  	_ =	shalt  }
0x5f: {  	_ =	shalt  }
0x60: {  	_ =	shalt  }
0x61: {  	_ =	shalt  }
0x62: {  	_ =	shalt  }
0x63: {  	_ =	shalt  }
0x64: {  	_ =	shalt  }
0x65: {  	_ =	shalt  }
0x66: {  	_ =	shalt  }
0x67: {  	_ =	shalt  }
0x68: {  	_ =	shalt  }
0x69: {  	_ =	shalt  }
0x6a: {  	_ =	shalt  }
0x6b: {  	_ =	shalt  }
0x6c: {  	_ =	shalt  }
0x6d: {  	_ =	shalt  }
0x6e: {  	_ =	shalt  }
0x6f: {  	_ =	shalt  }
0x70: {  	_ =	shalt  }
0x71: {  	_ =	shalt  }
0x72: {  	_ =	shalt  }
0x73: {  	_ =	shalt  }
0x74: {  	_ =	shalt  }
0x75: {  	_ =	shalt  }
0x76: {  	_ =	shalt  }
0x77: {  	_ =	shalt  }
0x78: {  	_ =	shalt  }
0x79: {  	_ =	shalt  }
0x7a: {  	_ =	shalt  }
0x7b: {  	_ =	shalt  }
0x7c: {  	_ =	shalt  }
0x7d: {  	_ =	shalt  }
0x7e: {  	_ =	shalt  }
0x7f: {  	_ =	shalt  }
0x80: {  	_ =	shalt  }
0x81: {  	_ =	shalt  }
0x82: {  	_ =	shalt  }
0x83: {  	_ =	shalt  }
0x84: {  	_ =	shalt  }
0x85: {  	_ =	shalt  }
0x86: {  	_ =	shalt  }
0x87: {  	_ =	shalt  }
.Lfunc_end0:
.L_simem_size_0:
called_computation_lowered:
.L_overlay_start_0:
0x88: {  	s2 =	sld [smem:$0x3FD9]  }
0x89: {  	s3 =	sld [smem:$0x3FFE];
	_ =	sdelay $0x1  }
0x8a: {  	s1 =	srdreg.scid  }
0x8b: {  	s0 =	sand.u32 $0x1, s1  }
0x8c: {  	s17 =	sshll.u32 s0, $0xA;
	s2 =	sadd.s32 s3, s2  }
0x8d: {  	s2 =	sadd.s32 s2, s17  }
0x8e: {  	[smem:$0x3FB9] =	sst s2  }
0x8f: {  	_ = 	snop  }
0x90: {  	(tm) =	ssettm $0x1  }
0x91: {  	s18 =	sld [smem:$0x3FFB];
	_ =	sdelay $0x3  }
0x92: {  	_ =	strace s18  }
0x93: {  	s2 =	sld [smem:$0x3FFC];
	_ =	sdelay $0x3  }
0x94: {  	_ =	strace s2  }
0x95: {  	s2 =	sld [smem:$0x3FFD];
	_ =	sdelay $0x3  }
0x96: {  	_ =	strace s2  }
0x97: {  	_ =	strace $0x8FFFFFFF  }
0x98: {  	s19 =	sld [smem:$0x3FDB];
	_ =	sdelay $0x1  }
0x99: {  	s20 =	simm.s32 $_scs_section_size  }
0x9a: {  	s4 =	simm.s32 $_size__tile_overlayer_lowered;
	s5 =	simm.s32 $_tile_overlayer_lowered  }
0x9b: {  	s6 =	simm.s32 $0x1BFF;
	s21 =	sshll.u32 s5, $0x1;
	s3 =	sadd.s32 s20, s19  }
0x9c: {  	s22 =	simm.s32 $0x0;
	s4 =	sshll.u32 s4, $0x1;
	s5 =	sadd.s32 s21, s3  }
0x9d: {  	[timem:s22], [sflag:s6] =	dma.local [hbm:s5], s4  }
0x9e: {  	_ =	swait.ge [sflag:s6], s4  }
0x9f: {  	s4 =	ssub.s32 $0x0, s4;
	[sflag:s6] =	ssyncset.done $0x0  }
0xa0: {  	[sflag:s6] =	ssyncadd.s32 s4;
	_ =	sdelay $0x1  }
0xa1: {  	s23 =	simm.s32 $0x1B8B  }
0xa2: {  	_ =	swait.ge [sflag:s23], $0x1  }
0xa3: {  	[sflag:s23] =	ssyncset.done $0x0  }
0xa4: {  	[sflag:s23] =	ssyncadd.s32 $0xFFFFFFFF  }
0xa5: {  	s4 =	sld [smem:$0x0]  }
0xa6: {  	s5 =	sand.u32 $0xFFFFFFFE, s1  }
0xa7: {  	p0 =	sne.s32 s1, s5  }
0xa8: {  	s5 =	sshll.u32 @p0 s5, $0xE  }
0xa9: {  	s5 =	sadd.s32 @p0 $0x11B8D, s5;
	s6 =	sshll.u32 @p0 s4, $0x11  }
0xaa: {  	s5 =	sor.u32 @p0 s6, s5  }
0xab: {  	[sflag:s5] =	ssyncadd.remote.s32 @p0 $0x1;
	_ =	sdelay $0x1  }
0xac: {  	s5 =	simm.s32 @p0 $0x1B8D  }
0xad: {  	_ =	swait.eq @p0 [sflag:s5], $0x1  }
0xae: {  	[sflag:s5] =	ssyncadd.s32 @p0 $0xFFFFFFFF  }
0xaf: {  	s6 =	sshll.u32 @!p0 s1, $0xE  }
0xb0: {  	s6 =	sor.u32 @!p0 $0x4000, s6;
	s5 =	simm.s32 @!p0 $0x1B8D  }
0xb1: {  	s4 =	sshll.u32 @!p0 s4, $0x11;
	s6 =	sadd.s32 @!p0 $0x11B8D, s6;
	_ =	swait.eq @!p0 [sflag:s5], $0x1  }
0xb2: {  	s4 =	sor.u32 @!p0 s4, s6;
	[sflag:s5] =	ssyncadd.s32 @!p0 $0xFFFFFFFF  }
0xb3: {  	s25 =	simm.s32 $0x1B8E;
	s24 =	sld [smem:$0x3FFE];
	[sflag:s4] =	ssyncadd.remote.s32 @!p0 $0x1  }
0xb4: {  	s26 =	simm.s32 $execute0_lowered;
	[smem:$0x3FD2] =	sst s25  }
0xb5: {  	s5 =	sshll.u32 s26, $0x1;
	_ =	strace $0x80000049;
	[dreg:$0x1] =	wrdreg $0xFFFFFFFF  }
0xb6: {  	s28 =	simm.s32 $_size_execute0_lowered;
	s3 =	sadd.s32 s3, s5;
	[dreg:$0x0] =	wrdreg $0x0  }
0xb7: {  	s5 =	sshll.u32 s28, $0x1;
	[dreg:$0x2] =	wrdreg s3  }
0xb8: {  	[dreg:$0x3] =	wrdreg s5  }
0xb9: {  	[dreg:$0x4] =	wrdreg $0xC0  }
0xba: {  	_ =	task [dreg:s22], $0x5FFFF  }
0xbb: {  	[dreg:$0x1] =	wrdreg $0xFFFFFFFF  }
0xbc: {  	[dreg:$0x0] =	wrdreg $0x60  }
0xbd: {  	[dreg:$0x2] =	wrdreg s24  }
0xbe: {  	[dreg:$0x3] =	wrdreg $0xFC00  }
0xbf: {  	[dreg:$0x4] =	wrdreg $0x9  }
0xc0: {  	_ =	task.clear_ibuf [dreg:s22], $0x5FFFF;
	_ =	strace $0x90000049  }
0xc1: {  	s29 =	simm.s32 $0x9;
	_ =	strace $0x8000004B  }
0xc2: {  	_ =	swait.ge [sflag:s29], $0x1  }
0xc3: {  	[sflag:s29] =	ssyncadd.s32 $0xFFFFFFFF  }
0xc4: {  	_ =	strace $0x9000004B  }
0xc5: {  	_ =	sfence  }
0xc6: {  	s30 =	sld [smem:$0x0];
	_ =	sdelay $0x2  }
0xc7: {  	s31 =	sshll.u32 s1, $0xD;
	s1 =	sshrl.u32 s1, $0x2  }
0xc8: {  	s4 =	sand.u32 $0x4000, s31;
	s1 =	sadd.s32 s1, s30  }
0xc9: {  	s0 =	sor.u32 s4, s0;
	s1 =	sshll.u32 s1, $0x11  }
0xca: {  	s0 =	sor.u32 s1, s0  }
0xcb: {  	s0 =	sadd.s32 $0x8F2B, s0  }
0xcc: {  	[sflag:s0] =	ssyncadd.remote.s32 $0x1  }
0xcd: {  	_ =	sfence.sel $0xFFFF  }
0xce: {  	[dreg:$0x0] =	wrdreg $0xFFFFFFFF;
	(pc) =	sbr.abs _section_cstart, $3  }
0xcf: {  	[dreg:$0x1] =	wrdreg $0xFFFFFFFF  }
0xd0: {  	_ =	task.clear_ibuf [dreg:s22], $0x2FFFF;
	_ =	strace $0x9FFFFFFF  }
0xd1: {  	(tm) =	ssettm $0x7FFFFFFF  }
tec
execute0_lowered:
.L_overlay_start_1:
0x0: {  	(tag) =	ssettag $0x1  }
0x1: {  	s0 =	rddreg [dreg:$0x0]  }
0x2: {  	s2 =	rddreg [dreg:$0x1];
	s1 =	srdreg.scid  }
0x3: {  	s12 =	stileid.u32;
	s3 =	simm.s32 $0x0;
	s15 =	simm.s32 $0x64  }
0x4: {  	s16 =	simm.s32 $0x340;
	s17 =	simm.s32 $0x4;
	s8 =	smul.u32 $0xC400, s12  }
0x5: {  	s18 =	simm.s32 $0x5;
	s19 =	simm.s32 $0x6;
	s11 =	smul.u32 $0x31000, s12  }
0x6: {  	s21 =	simm.s32 $0x0;
	s1 =	sand.u32 $0x1, s1;
	s31 =	smul.u32 $0x1964, s12  }
0x7: {  	[smem:$0x7FF] =	sst s3;
	s9 =	sadd.s32 $0x95D000, s0;
	s4 =	smul.u32 $0xC4000, s1  }
0x8: {  	s5 =	sshll.u32 s1, $0x4;
	_ =	strace $0x8000004A;
	s7 =	ssub.s32 $0x2, s1  }
0x9: {  	s1 =	smul.u32 $0x19640, s1;
	s5 =	sor.u32 s12, s5;
	s26 =	sshrl.u32 s7, $0x1  }
0xa: {  	s20 =	sadd.s32 s8, s2;
	s11 =	sshrl.u32 s11, $0x2;
	s6 =	smul.u32 $0x1964, s5  }
0xb: {  	s12 =	simm.s32 $0x7;
	s4 =	sadd.s32 s8, s4;
	s5 =	smul.u32 $0xCB20, s5  }
0xc: {  	s10 =	ssub.s32 s7, s26;
	s1 =	sadd.s32 s1, s9;
	s4 =	sshrl.u32 s4, $0x3  }
0xd: {  	s20 =	sshrl.u32 s20, $0x3;
	s8 =	smax.u32 s10, $0x1;
	s0 =	sadd.s32 s4, s0  }
0xe: {  	s4 =	sadd.s32 s9, s6;
	s28 =	sadd.s32 $0x68, s5;
	s29 =	sshrl.u32 s5, $0x3  }
0xf: {  	s6 =	sshrl.u32 s28, $0x3;
	s30 =	sadd.s32 s9, s29;
	s7 =	sadd.s32 $0x9F1E00, s0  }
0x10: {  	s0 =	sadd.s32 s31, s1;
	s5 =	sadd.s32 s9, s6;
	s6 =	sadd.s32 $0x1A, s30  }
0x11: {  	v0 =	vimm.f32 $1.000000000e+00;
	v1 =	vimm.f32 $0.0e+00;
	s9 =	sadd.s32 s11, s2;
	s10 =	sadd.s32 $0x27, s0;
	s11 =	simm.s32 $0x980  }
.LBB2_1:
0x12: {  	s0 =	simm.s32 $0x40;
	s1 =	simm.s32 $0x0  }
.LBB2_2:
0x13: {  	p0 =	sne.s32 s0, $0x18C0;
	[tilespmem:s1+$0x340] =	vst v0;
	s1 =	smov.u32 s0;
	s0 =	sadd.s32 $0x40, s0  }
.Ltmp0:
0x14: {  	(pc) =	sbr.rel @p0 .LBB2_2-.Ltmp0, $2  }
0x15: {  	_ =	sdelay $0x2  }
0x16: {  	s1 =	sshra.s32 s1, $0x2  }
0x17: {  	[tilespmem:s1+$0x340] =	vst v0;
	s0 =	simm.s32 $0x40;
	s1 =	simm.s32 $0x0  }
.LBB2_4:
0x18: {  	p0 =	sne.s32 s0, $0x18C0;
	[tilespmem:s1+$0x980] =	vst v1;
	s1 =	smov.u32 s0;
	s0 =	sadd.s32 $0x40, s0  }
.Ltmp1:
0x19: {  	(pc) =	sbr.rel @p0 .LBB2_4-.Ltmp1, $2  }
0x1a: {  	_ =	sdelay $0x2  }
0x1b: {  	s1 =	sshra.s32 s1, $0x2  }
0x1c: {  	[tilespmem:s1+$0x980] =	vst v1;
	s0 =	sadd.s32 $0x0, s9  }
0x1d: {  	[spmem:s0] =	stream.linear.scatter [tilespmem:s11], [sflag:$0x7], $0x380, $0x38;
	[tilespmem:$0xD3C0] =	vst v63  }
0x1e: {  	s0 =	simm.s32 $0xE00;
	_ =	swait.ge [sflag:s12], $0x380  }
.LBB2_6:
0x1f: {  	s1 =	sshra.s32 s0, $0x2;
	[sflag:s12] =	ssyncset.done $0x0;
	p0 =	sne.s32 s0, $0x30200  }
.Ltmp2:
0x20: {  	s1 =	sadd.s32 s1, s9;
	[sflag:s12] =	ssyncadd.s32 $0xFFFFFC80;
	(pc) =	sbr.rel @p0 .LBB2_6-.Ltmp2, $3  }
0x21: {  	[spmem:s1] =	stream.linear.scatter [tilespmem:s11], [sflag:$0x7], $0x380, $0x38;
	[tilespmem:$0xD3C0] =	vst v63  }
0x22: {  	s0 =	sadd.s32 $0xE00, s0;
	_ =	sdelay $0x1  }
0x23: {  	_ =	swait.ge [sflag:s12], $0x380  }
0x24: {  	[sflag:s12] =	ssyncset.done $0x0  }
0x25: {  	s0 =	simm.s32 $0x0;
	[sflag:s12] =	ssyncadd.s32 $0xFFFFFC80  }
0x26: {  	s1 =	smul.u32 $0xAAAB, s0;
	[bflag:$0x0] =	sbarrier.arrive $0xFFFF  }
0x27: {  	[tilespmem:s3], [sflag:$0x1] =	stream.linear.gather [hbm4b:s4+s3], $0x68, $0x38;
	[tilespmem:$0xD3C0] =	vst v63  }
0x28: {  	s13 =	simm.s32 $0x68;
	s26 =	simm.s32 $0xD0;
	s1 =	sshrl.u32 s1, $0x11  }
0x29: {  	s24 =	simm.s32 $0x3;
	s22 =	simm.s32 $0x4;
	s1 =	smul.u32 $0x3, s1  }
0x2a: {  	[tilespmem:s13], [sflag:$0x2] =	stream.linear.gather [hbm4b:s5+s3], $0x68, $0x38;
	[tilespmem:$0xD3C0] =	vst v63  }
0x2b: {  	p1 =	por $0x1, $0x1;
	p0 =	por $0x0, $0x0;
	s1 =	ssub.s32 $0x0, s1  }
0x2c: {  	[tilespmem:s26], [sflag:$0x3] =	stream.linear.gather [hbm4b:s6+s3], $0x68, $0x38;
	[tilespmem:$0xD3C0] =	vst v63  }
0x2d: {  	s28 =	sand.u32 @!p0 $0x7, s24;
	s24 =	smul.u32 @!p0 $0xAAAB, s24;
	s1 =	sand.u32 $0xFFFF, s1  }
0x2e: {  	s0 =	sand.u32 $0x7, s0;
	s28 =	smul.u32 @!p0 $0x1A0, s28;
	s25 =	sadd.s32 @!p1 $0x4, s1  }
0x2f: {  	s29 =	simm.s32 $0x1;
	s14 =	smul.u32 $0x1A0, s0;
	_ =	swait.ge @!p1 [sflag:s25], $0x640  }
0x30: {  	s0 =	smul.u32 $0xAAAB, s29;
	s24 =	sshrl.u32 @!p0 s24, $0x11;
	[sflag:s25] =	ssyncset.done @!p1 $0x0  }
0x31: {  	s26 =	sadd.s32 $0x4, s1;
	s1 =	sadd.s32 $0x1, s1;
	[sflag:s25] =	ssyncadd.s32 @!p1 $0xFFFFF9C0  }
0x32: {  	s23 =	simm.s32 $0x5;
	s24 =	smul.u32 @!p0 $0x3, s24;
	_ =	swait.ge [sflag:s1], $0x68  }
0x33: {  	s30 =	sshrl.u32 @!p0 s28, $0x2;
	s31 =	sshrl.u32 s14, $0x2;
	[sflag:s1] =	ssyncset.done $0x0  }
0x34: {  	s28 =	smov.u32 s10;
	[sflag:s1] =	ssyncadd.s32 $0xFFFFFF98;
	s1 =	ssub.s32 @!p0 $0x3, s24  }
0x35: {  	s25 =	smov.u32 s10;
	s24 =	sand.u32 $0x7, s29;
	s1 =	sand.u32 @!p0 $0xFFFF, s1  }
.LBB2_8:
0x36: {  	s0 =	sshrl.u32 s0, $0x11;
	s25 =	sadd.s32 $0xD, s25  }
0x37: {  	s13 =	smov.u32 s22;
	s22 =	smov.u32 s23;
	s23 =	sadd.s32 $0x1, s23  }
0x38: {  	s1 =	sadd.s32 @!p0 $0x1, s1;
	s14 =	simm.s32 @!p0 $0x0;
	s0 =	smul.u32 $0x3, s0  }
0x39: {  	[spmem:s2] =	stream.indirect.scatter.add.f32 [tilespmem:s16], [sflag:s26], $0x10, s31, s15, $0xb8;
	[tilespmem:$0xD3C0] =	vst v63  }
0x3a: {  	p1 =	sne.s32 s23, $0x1F7;
	s0 =	ssub.s32 s29, s0  }
0x3b: {  	[tilespmem:s30], [sflag:s1] =	stream.linear.gather @!p0 [hbm4b:s28+s14], $0x68, $0x38;
	[tilespmem:$0xD3C0] =	vst v63  }
0x3c: {  	p2 =	slt.u32 s29, $0x3;
	s0 =	sand.u32 $0xFFFF, s0;
	s28 =	smov.u32 s25  }
0x3d: {  	p0 =	sgt.u32 s29, $0x1F0;
	s1 =	sadd.s32 @!p2 $0x4, s0;
	s26 =	sadd.s32 $0x4, s0  }
0x3e: {  	s14 =	sand.u32 @!p0 $0x7, s13;
	s29 =	smul.u32 @!p0 $0xAAAB, s13;
	_ =	swait.ge @!p2 [sflag:s1], $0x640  }
0x3f: {  	s31 =	sadd.s32 $0x1, s0;
	s0 =	smul.u32 @!p0 $0x1A0, s14;
	[sflag:s1] =	ssyncset.done @!p2 $0x0  }
.Ltmp3:
0x40: {  	[sflag:s1] =	ssyncadd.s32 @!p2 $0xFFFFF9C0;
	s1 =	sshrl.u32 @!p0 s29, $0x11;
	(pc) =	sbr.rel @p1 .LBB2_8-.Ltmp3, $4  }
0x41: {  	s30 =	sshrl.u32 @!p0 s0, $0x2;
	_ =	swait.ge [sflag:s31], $0x68;
	s1 =	smul.u32 @!p0 $0x3, s1  }
0x42: {  	s14 =	smul.u32 $0x1A0, s24;
	s29 =	sadd.s32 $0xFFFFFFFD, s22;
	[sflag:s31] =	ssyncset.done $0x0  }
0x43: {  	s0 =	smul.u32 $0xAAAB, s29;
	[sflag:s31] =	ssyncadd.s32 $0xFFFFFF98;
	s1 =	ssub.s32 @!p0 s13, s1  }
0x44: {  	s24 =	sand.u32 $0x7, s29;
	s31 =	sshrl.u32 s14, $0x2;
	s1 =	sand.u32 @!p0 $0xFFFF, s1  }
0x45: {  	s0 =	sshrl.u32 s0, $0x11  }
0x46: {  	[spmem:s2] =	stream.indirect.scatter.add.f32 [tilespmem:s16], [sflag:s26], $0x10, s31, s15, $0xb8;
	[tilespmem:$0xD3C0] =	vst v63  }
0x47: {  	s1 =	sadd.s32 @!p0 $0x1, s1;
	s13 =	simm.s32 @!p0 $0x0;
	s0 =	smul.u32 $0x3, s0  }
0x48: {  	[tilespmem:s30], [sflag:s1] =	stream.linear.gather @!p0 [hbm4b:s28+s13], $0x68, $0x38;
	[tilespmem:$0xD3C0] =	vst v63  }
0x49: {  	s0 =	ssub.s32 s29, s0  }
0x4a: {  	p1 =	slt.u32 s29, $0x3;
	p0 =	sgt.u32 s29, $0x1F0;
	s0 =	sand.u32 $0xFFFF, s0  }
0x4b: {  	s13 =	smul.u32 @!p0 $0xAAAB, s22;
	s1 =	sadd.s32 @!p1 $0x4, s0  }
0x4c: {  	s24 =	smul.u32 $0x1A0, s24;
	_ =	swait.ge @!p1 [sflag:s1], $0x640  }
0x4d: {  	s23 =	sadd.s32 $0x4, s0;
	s13 =	sshrl.u32 @!p0 s13, $0x11;
	[sflag:s1] =	ssyncset.done @!p1 $0x0  }
0x4e: {  	s0 =	sadd.s32 $0x1, s0;
	[sflag:s1] =	ssyncadd.s32 @!p1 $0xFFFFF9C0;
	s1 =	smul.u32 @!p0 $0x3, s13  }
0x4f: {  	s14 =	sadd.s32 $0xD, s25;
	s30 =	sshrl.u32 s24, $0x2;
	_ =	swait.ge [sflag:s0], $0x68  }
0x50: {  	s13 =	sand.u32 @!p0 $0x7, s22;
	[sflag:s0] =	ssyncset.done $0x0;
	s1 =	ssub.s32 @!p0 s22, s1  }
0x51: {  	s13 =	smul.u32 @!p0 $0x1A0, s13;
	[sflag:s0] =	ssyncadd.s32 $0xFFFFFF98;
	s1 =	sand.u32 @!p0 $0xFFFF, s1  }
0x52: {  	[spmem:s2] =	stream.indirect.scatter.add.f32 [tilespmem:s16], [sflag:s23], $0x10, s30, s15, $0xb8;
	[tilespmem:$0xD3C0] =	vst v63  }
0x53: {  	s0 =	sshrl.u32 @!p0 s13, $0x2;
	s13 =	simm.s32 @!p0 $0x0;
	s1 =	sadd.s32 @!p0 $0x1, s1  }
0x54: {  	[tilespmem:s0], [sflag:s1] =	stream.linear.gather @!p0 [hbm4b:s14+s13], $0x68, $0x38;
	[tilespmem:$0xD3C0] =	vst v63  }
0x55: {  	_ =	swait.ge [sflag:s17], $0x640  }
0x56: {  	[sflag:s17] =	ssyncset.done $0x0  }
0x57: {  	[sflag:s17] =	ssyncadd.s32 $0xFFFFF9C0  }
0x58: {  	_ =	swait.ge [sflag:s18], $0x640  }
0x59: {  	[sflag:s18] =	ssyncset.done $0x0  }
0x5a: {  	[sflag:s18] =	ssyncadd.s32 $0xFFFFF9C0  }
0x5b: {  	_ =	swait.ge [sflag:s19], $0x640  }
0x5c: {  	s31 =	stileid.u32;
	s21 =	sadd.s32 $0x1, s21;
	[sflag:s19] =	ssyncset.done $0x0  }
0x5d: {  	s0 =	sshll.u32 s31, $0x6;
	p0 =	sne.s32 s21, s8;
	[sflag:s19] =	ssyncadd.s32 $0xFFFFF9C0  }
.Ltmp4:
0x5e: {  	s0 =	sor.u32 $0x1C07, s0;
	[bflag:$0x0] =	sbarrier.arrive $0xFFFF;
	(pc) =	sbr.rel @p0 .LBB2_1-.Ltmp4, $4  }
0x5f: {  	[hbm:s7], [sflag:s0] =	dma.local [spmem:s20], $0x1880  }
0x60: {  	_ =	swait.ge [sflag:s12], $0x1880  }
0x61: {  	[sflag:s12] =	ssyncset.done $0x0  }
0x62: {  	[sflag:s12] =	ssyncadd.s32 $0xFFFFE780  }
0x63: {  	_ =	sfence.sel $0x180000  }
0x64: {  	[bflag:$0x0] =	sbarrier.arrive $0xFFFF  }
0x65: {  	_ =	strace $0x9000004A  }
0x66: {  	s0 =	stileid.u32;
	[bflag:$0x2] =	sbarrier.arrive $0xFFFF  }
0x67: {  	p0 =	sne.s32 s0, $0x0;
	s0 =	rddreg [dreg:$0x2]  }
0x68: {  	s0 =	sadd.s32 @!p0 $0x100000, s0  }
0x69: {  	[sflag:s0] =	ssyncadd.tile.s32 @!p0 $0x1;
	_ =	shalt  }
.Lfunc_end2:
_tile_overlayer_lowered:
.L_overlay_start_2:
0x6a: {  	(tag) =	ssettag $0x2  }
0x6b: {  	s0 =	rddreg [dreg:$0x0];
	s2 =	stileid.u32  }
0x6c: {  	s1 =	rddreg [dreg:$0x1];
	p0 =	sne.s32 s2, $0x0  }
0x6d: {  	s3 =	rddreg [dreg:$0x2];
	[bflag:$0x3] =	sbarrier.arrive $0xFFFF;
	s2 =	simm.s32 @!p0 $0x1C07  }
0x6e: {  	[timem:s3], [sflag:s2] =	dma.local @!p0 [hbm:s0], s1  }
0x6f: {  	s0 =	simm.s32 @!p0 $0x7  }
0x70: {  	_ =	swait.ge @!p0 [sflag:s0], s1  }
0x71: {  	s1 =	ssub.s32 @!p0 $0x0, s1;
	[sflag:s0] =	ssyncset.done @!p0 $0x0  }
0x72: {  	[sflag:s0] =	ssyncadd.s32 @!p0 s1  }
0x73: {  	[bflag:$0x3] =	sbarrier.arrive $0xFFFF  }
0x74: {  	_ =	shalt  }

// kernel: kernel.14.cloned.1.call-start
scs
__scs_entry_jumppad:
0x0: {  	(pc) =	sbr.rel $0x88, $3  }
0x1: {  	(tag) =	ssettag $0x0;
	lr =	simm.s32 $0x1  }
0x2: {  	[smem:$0x3F92] =	sst lr;
	_ =	strace $0xD0000000  }
0x3: {  	_ = 	snop  }
0x4: {  	_ = 	snop  }
0x5: {  	_ = 	snop  }
0x6: {  	_ = 	snop  }
0x7: {  	_ = 	snop  }
__scs_overlays_trampoline_lowered:
0x8: {  	[smem:$0x3FA1] =	sst s0  }
0x9: {  	[smem:$0x3FA2] =	sst s1  }
0xa: {  	[smem:$0x3FA3] =	sst s2  }
0xb: {  	[smem:$0x3FA4] =	sst s3  }
0xc: {  	[smem:$0x3FA5] =	sst s4  }
0xd: {  	[smem:$0x3FA6] =	sst s5  }
0xe: {  	[smem:$0x3FA7] =	sst s6  }
0xf: {  	[smem:$0x3FA8] =	sst s7  }
0x10: {  	[smem:$0x3FA9] =	sst s8  }
0x11: {  	[smem:$0x3FAA] =	sst s9;
	s0 =	simm.s32 @!p0 $0x0  }
0x12: {  	s1 =	sld [smem:$0x3F90];
	s0 =	simm.s32 @p0 $0x1  }
0x13: {  	[smem:$0x3FAB] =	sst s0;
	s0 =	simm.s32 @!p1 $0x0  }
0x14: {  	s2 =	sld [smem:$0x3F8F];
	s0 =	simm.s32 @p1 $0x1  }
0x15: {  	[smem:$0x3FAC] =	sst s0;
	s0 =	simm.s32 @!p2 $0x0  }
0x16: {  	s3 =	sld [smem:$0x3FDB];
	s0 =	simm.s32 @p2 $0x1  }
0x17: {  	s4 =	simm.s32 $0x1BF5;
	[smem:$0x3FAE] =	sst s0  }
0x18: {  	s0 =	sld [smem:$0x3F91];
	_ =	swait.ge [sflag:s4], $0x0  }
0x19: {  	s7 =	sld [smem:$0x3F92]  }
0x1a: {  	s8 =	sadd.s32 $0xFFFFE003, lr  }
0x1b: {  	s9 =	sadd.s32 $0xFFFFFEF7, lr;
	s5 =	simm.s32 $0xFFFFFFFF;
	p2 =	slt.u32 s8, $0xFFFFF086  }
0x1c: {  	p1 =	slt.u32 s9, $0xF7A;
	s5 =	simm.s32 @!p2 $0x0  }
0x1d: {  	s5 =	simm.s32 @p1 $0x1;
	p0 =	seq.s32 s7, s2  }
0x1e: {  	s7 =	smul.u32 @!p0 $0xF7A, s2;
	p2 =	seq.s32 @!p0 s5, $0x0  }
0x1f: {  	s9 =	smul.u32 $0xF7A, s1;
	s8 =	simm.s32 @!p0 $0x1BF5;
	p2 =	por !p2, p0  }
0x20: {  	[sflag:s8] =	ssyncset.s32 @!p0 $0xFFFFF086;
	s6 =	sadd.s32 @!p0 s3, s7;
	s7 =	simm.s32 @!p0 $0x108  }
0x21: {  	s3 =	sadd.s32 s3, s9;
	s6 =	sadd.s32 @!p0 $0x88, s6;
	s7 =	simm.s32 @p2 $0x1082  }
0x22: {  	[simem:s7], [sflag:s8] =	dma.local @!p0 [hbm:s6], $0xF7A  }
0x23: {  	s9 =	sor.u32 $0xD0000000, s2;
	s6 =	simm.s32 $0x108;
	_ =	swait.ge @!p0 [sflag:s8], $0x0  }
0x24: {  	s3 =	sadd.s32 $0x88, s3;
	s6 =	simm.s32 @!p1 $0x1082;
	[sflag:s4] =	ssyncset.s32 $0xFFFFF086  }
0x25: {  	[simem:s6], [sflag:s4] =	dma.local [hbm:s3], $0xF7A  }
0x26: {  	[smem:$0x3F92] =	sst s1;
	(tag) =	ssettag s2;
	_ =	strace s9  }
0x27: {  	s1 =	sld [smem:$0x3FA2]  }
0x28: {  	s2 =	sld [smem:$0x3FA3]  }
0x29: {  	s4 =	sld [smem:$0x3FA5]  }
0x2a: {  	p0 =	seq.s32 s5, $0x0;
	s5 =	sld [smem:$0x3FA6]  }
0x2b: {  	s6 =	sld [smem:$0x3FA7]  }
0x2c: {  	s7 =	sld [smem:$0x3FA8]  }
0x2d: {  	s3 =	simm.s32 $0x108;
	s8 =	sld [smem:$0x3FA9]  }
0x2e: {  	s3 =	simm.s32 @!p0 $0x1082;
	s9 =	sld [smem:$0x3FAA]  }
0x2f: {  	lr =	sadd.s32 s0, s3;
	s0 =	sld [smem:$0x3FA1]  }
0x30: {  	s3 =	sld [smem:$0x3FA4]  }
0x31: {  	[smem:$0x3FAD] =	sst s10  }
0x32: {  	s10 =	sld [smem:$0x3FAB];
	_ =	sdelay $0x3  }
0x33: {  	p0 =	seq.s32 s10, $0x1;
	s10 =	sld [smem:$0x3FAD];
	_ =	sdelay $0x3  }
0x34: {  	[smem:$0x3FAD] =	sst s10  }
0x35: {  	s10 =	sld [smem:$0x3FAC];
	_ =	sdelay $0x3  }
0x36: {  	p1 =	seq.s32 s10, $0x1;
	s10 =	sld [smem:$0x3FAD];
	_ =	sdelay $0x3  }
0x37: {  	[smem:$0x3FAD] =	sst s10  }
0x38: {  	s10 =	sld [smem:$0x3FAE]  }
0x39: {  	_ = 	snop;
	(pc) =	sbr.ind lr, $3  }
0x3a: {  	_ = 	snop  }
0x3b: {  	_ = 	snop  }
0x3c: {  	p2 =	seq.s32 s10, $0x1;
	s10 =	sld [smem:$0x3FAD]  }
0x3d: {  	_ =	shalt  }
0x3e: {  	_ =	shalt  }
0x3f: {  	_ =	shalt  }
0x40: {  	_ =	shalt  }
0x41: {  	_ =	shalt  }
0x42: {  	_ =	shalt  }
0x43: {  	_ =	shalt  }
0x44: {  	_ =	shalt  }
0x45: {  	_ =	shalt  }
0x46: {  	_ =	shalt  }
0x47: {  	_ =	shalt  }
0x48: {  	_ =	shalt  }
0x49: {  	_ =	shalt  }
0x4a: {  	_ =	shalt  }
0x4b: {  	_ =	shalt  }
0x4c: {  	_ =	shalt  }
0x4d: {  	_ =	shalt  }
0x4e: {  	_ =	shalt  }
0x4f: {  	_ =	shalt  }
0x50: {  	_ =	shalt  }
0x51: {  	_ =	shalt  }
0x52: {  	_ =	shalt  }
0x53: {  	_ =	shalt  }
0x54: {  	_ =	shalt  }
0x55: {  	_ =	shalt  }
0x56: {  	_ =	shalt  }
0x57: {  	_ =	shalt  }
0x58: {  	_ =	shalt  }
0x59: {  	_ =	shalt  }
0x5a: {  	_ =	shalt  }
0x5b: {  	_ =	shalt  }
0x5c: {  	_ =	shalt  }
0x5d: {  	_ =	shalt  }
0x5e: {  	_ =	shalt  }
0x5f: {  	_ =	shalt  }
0x60: {  	_ =	shalt  }
0x61: {  	_ =	shalt  }
0x62: {  	_ =	shalt  }
0x63: {  	_ =	shalt  }
0x64: {  	_ =	shalt  }
0x65: {  	_ =	shalt  }
0x66: {  	_ =	shalt  }
0x67: {  	_ =	shalt  }
0x68: {  	_ =	shalt  }
0x69: {  	_ =	shalt  }
0x6a: {  	_ =	shalt  }
0x6b: {  	_ =	shalt  }
0x6c: {  	_ =	shalt  }
0x6d: {  	_ =	shalt  }
0x6e: {  	_ =	shalt  }
0x6f: {  	_ =	shalt  }
0x70: {  	_ =	shalt  }
0x71: {  	_ =	shalt  }
0x72: {  	_ =	shalt  }
0x73: {  	_ =	shalt  }
0x74: {  	_ =	shalt  }
0x75: {  	_ =	shalt  }
0x76: {  	_ =	shalt  }
0x77: {  	_ =	shalt  }
0x78: {  	_ =	shalt  }
0x79: {  	_ =	shalt  }
0x7a: {  	_ =	shalt  }
0x7b: {  	_ =	shalt  }
0x7c: {  	_ =	shalt  }
0x7d: {  	_ =	shalt  }
0x7e: {  	_ =	shalt  }
0x7f: {  	_ =	shalt  }
0x80: {  	_ =	shalt  }
0x81: {  	_ =	shalt  }
0x82: {  	_ =	shalt  }
0x83: {  	_ =	shalt  }
0x84: {  	_ =	shalt  }
0x85: {  	_ =	shalt  }
0x86: {  	_ =	shalt  }
0x87: {  	_ =	shalt  }
.Lfunc_end0:
.L_simem_size_0:
called_computation.1_lowered:
.L_overlay_start_0:
0x88: {  	s2 =	sld [smem:$0x3FD9]  }
0x89: {  	s3 =	sld [smem:$0x3FFE];
	_ =	sdelay $0x1  }
0x8a: {  	s1 =	srdreg.scid  }
0x8b: {  	s0 =	sand.u32 $0x1, s1  }
0x8c: {  	s17 =	sshll.u32 s0, $0xA;
	s2 =	sadd.s32 s3, s2  }
0x8d: {  	s2 =	sadd.s32 s2, s17  }
0x8e: {  	[smem:$0x3FB9] =	sst s2  }
0x8f: {  	_ = 	snop  }
0x90: {  	s2 =	sld [smem:$0x3FD0];
	(tm) =	ssettm $0x1  }
0x91: {  	s18 =	sld [smem:$0x3FFB];
	_ =	sdelay $0x3  }
0x92: {  	_ =	strace s18  }
0x93: {  	s3 =	sld [smem:$0x3FFC];
	_ =	sdelay $0x3  }
0x94: {  	_ =	strace s3  }
0x95: {  	s3 =	sld [smem:$0x3FFD];
	_ =	sdelay $0x3  }
0x96: {  	_ =	strace s3  }
0x97: {  	_ =	strace $0x8FFFFFFF  }
0x98: {  	s19 =	sld [smem:$0x3FDB];
	_ =	sdelay $0x1  }
0x99: {  	s4 =	simm.s32 $_scs_section_size  }
0x9a: {  	s5 =	simm.s32 $_size__tile_overlayer_lowered;
	s6 =	simm.s32 $_tile_overlayer_lowered  }
0x9b: {  	s22 =	simm.s32 $0x1BFF;
	s21 =	sshll.u32 s6, $0x1;
	s3 =	sadd.s32 s4, s19  }
0x9c: {  	s7 =	simm.s32 $0x0;
	s20 =	sshll.u32 s5, $0x1;
	s5 =	sadd.s32 s21, s3  }
0x9d: {  	[timem:s7], [sflag:s22] =	dma.local [hbm:s5], s20  }
0x9e: {  	_ =	swait.ge [sflag:s22], s20  }
0x9f: {  	s4 =	ssub.s32 $0x0, s20;
	[sflag:s22] =	ssyncset.done $0x0  }
0xa0: {  	[sflag:s22] =	ssyncadd.s32 s4;
	_ =	sdelay $0x1  }
0xa1: {  	s23 =	simm.s32 $0x1B8B  }
0xa2: {  	_ =	swait.ge [sflag:s23], $0x1  }
0xa3: {  	[sflag:s23] =	ssyncset.done $0x0  }
0xa4: {  	s25 =	simm.s32 $0x1B8E;
	s24 =	sld [smem:$0x3FFE];
	[sflag:s23] =	ssyncadd.s32 $0xFFFFFFFF  }
0xa5: {  	s26 =	simm.s32 $execute0_lowered;
	[smem:$0x3FD2] =	sst s25  }
0xa6: {  	s5 =	sshll.u32 s26, $0x1;
	_ =	strace $0x80000046;
	[dreg:$0x1] =	wrdreg $0xFFFFFFFF  }
0xa7: {  	s28 =	simm.s32 $_size_execute0_lowered;
	s3 =	sadd.s32 s3, s5;
	[dreg:$0x0] =	wrdreg $0x0  }
0xa8: {  	s5 =	sshll.u32 s28, $0x1;
	[dreg:$0x2] =	wrdreg s3  }
0xa9: {  	[dreg:$0x3] =	wrdreg s5  }
0xaa: {  	[dreg:$0x4] =	wrdreg $0xC0  }
0xab: {  	_ =	task [dreg:s7], $0x5FFFF  }
0xac: {  	[dreg:$0x1] =	wrdreg $0xFFFFFFFF  }
0xad: {  	[dreg:$0x0] =	wrdreg $0x60  }
0xae: {  	[dreg:$0x2] =	wrdreg s2  }
0xaf: {  	[dreg:$0x3] =	wrdreg s24  }
0xb0: {  	[dreg:$0x4] =	wrdreg $0x6EB80  }
0xb1: {  	[dreg:$0x5] =	wrdreg $0xA  }
0xb2: {  	_ =	task.clear_ibuf [dreg:s7], $0x6FFFF;
	_ =	strace $0x90000046  }
0xb3: {  	s29 =	simm.s32 $0xA;
	_ =	strace $0x80000048  }
0xb4: {  	_ =	swait.ge [sflag:s29], $0x1  }
0xb5: {  	[sflag:s29] =	ssyncadd.s32 $0xFFFFFFFF  }
0xb6: {  	_ =	strace $0x90000048  }
0xb7: {  	_ =	sfence  }
0xb8: {  	s30 =	sld [smem:$0x0];
	_ =	sdelay $0x2  }
0xb9: {  	s31 =	sshll.u32 s1, $0xD;
	s1 =	sshrl.u32 s1, $0x2  }
0xba: {  	s3 =	sand.u32 $0x4000, s31;
	s1 =	sadd.s32 s1, s30  }
0xbb: {  	s0 =	sor.u32 s3, s0;
	s1 =	sshll.u32 s1, $0x11  }
0xbc: {  	s0 =	sor.u32 s1, s0  }
0xbd: {  	s0 =	sadd.s32 $0x8F2B, s0  }
0xbe: {  	[sflag:s0] =	ssyncadd.remote.s32 $0x1  }
0xbf: {  	_ =	sfence.sel $0xFFFF  }
0xc0: {  	[dreg:$0x0] =	wrdreg $0xFFFFFFFF;
	(pc) =	sbr.abs _section_cstart, $3  }
0xc1: {  	[dreg:$0x1] =	wrdreg $0xFFFFFFFF  }
0xc2: {  	_ =	task.clear_ibuf [dreg:s7], $0x2FFFF;
	_ =	strace $0x9FFFFFFF  }
0xc3: {  	(tm) =	ssettm $0x7FFFFFFF  }
tec
execute0_lowered:
.L_overlay_start_1:
0x0: {  	(tag) =	ssettag $0x1  }
0x1: {  	s1 =	rddreg [dreg:$0x0]  }
0x2: {  	s0 =	rddreg [dreg:$0x1]  }
0x3: {  	s2 =	rddreg [dreg:$0x2];
	s3 =	srdreg.scid  }
0x4: {  	s4 =	simm.s32 $0x0;
	s15 =	stileid.u32;
	s29 =	simm.s32 $0x1  }
0x5: {  	s30 =	simm.s32 $0x64;
	s31 =	simm.s32 $0x9;
	s3 =	sand.u32 $0x1, s3  }
0x6: {  	[smem:$0x7FF] =	sst s4;
	s9 =	smul.u32 $0x18800, s15;
	s5 =	sadd.s32 $0x2600, s0  }
0x7: {  	s6 =	sadd.s32 $0x92A200, s0;
	s23 =	smul.u32 $0x62000, s15;
	s8 =	sshll.u32 s3, $0x4  }
0x8: {  	s7 =	smul.u32 $0x188000, s3;
	s3 =	ssub.s32 $0x2, s3;
	s11 =	sor.u32 s15, s8  }
0x9: {  	_ =	strace $0x80000047;
	s12 =	sshrl.u32 s3, $0x1;
	s8 =	smul.u32 $0x1F4, s11  }
0xa: {  	s26 =	sadd.s32 s9, s2;
	s28 =	sshrl.u32 s23, $0x2;
	s17 =	smul.u32 $0x1964, s11  }
0xb: {  	s10 =	sadd.s32 s9, s7;
	s7 =	sadd.s32 $0x95D000, s0;
	s14 =	smul.u32 $0xCB20, s11  }
0xc: {  	s3 =	ssub.s32 s3, s12;
	s11 =	smul.u32 $0x493E0, s11;
	s10 =	sshrl.u32 s10, $0x3  }
0xd: {  	s9 =	simm.s32 $0x0;
	s3 =	smax.u32 s3, $0x1;
	s0 =	sadd.s32 s10, s0  }
0xe: {  	s13 =	sor.u32 $0x1, s8;
	s18 =	sadd.s32 s6, s17;
	[dreg:$0xd] =	wrdreg s3  }
0xf: {  	s10 =	sadd.s32 s7, s17;
	s20 =	sshrl.u32 s14, $0x3;
	[dreg:$0x4] =	wrdreg s18  }
0x10: {  	s24 =	sadd.s32 s5, s11;
	s3 =	simm.s32 $0xA;
	[dreg:$0x5] =	wrdreg s10  }
0x11: {  	s10 =	sadd.s32 $0x1A, s20;
	[dreg:$0xa] =	wrdreg s24;
	s0 =	sadd.s32 $0x98FE00, s0  }
0x12: {  	s19 =	smul.u32 $0xD, s13;
	s22 =	sadd.s32 s6, s10;
	[dreg:$0xc] =	wrdreg s0  }
0x13: {  	s13 =	smul.u32 $0x258, s13;
	s10 =	sadd.s32 s7, s10;
	[dreg:$0x8] =	wrdreg s22  }
0x14: {  	s20 =	simm.s32 $0x3CB8;
	s0 =	sshrl.u32 s26, $0x3;
	[dreg:$0x9] =	wrdreg s10  }
0x15: {  	s26 =	simm.s32 $0x2;
	s21 =	sadd.s32 s6, s19;
	[dreg:$0xe] =	wrdreg s0  }
0x16: {  	s12 =	sadd.s32 s7, s19;
	s25 =	sadd.s32 s5, s13;
	[dreg:$0x6] =	wrdreg s21  }
0x17: {  	s19 =	sadd.s32 s28, s2;
	s0 =	simm.s32 $0x10;
	[dreg:$0x7] =	wrdreg s12  }
0x18: {  	v0 =	vimm.f32 $0.0e+00;
	s22 =	simm.s32 $0x30;
	[dreg:$0xb] =	wrdreg s25;
	s21 =	simm.s32 $0xB  }
.LBB2_1:
0x19: {  	s10 =	simm.s32 $0x0  }
.LBB2_2:
0x1a: {  	p0 =	sne.s32 s10, $0x3180  }
.Ltmp0:
0x1b: {  	_ = 	snop;
	(pc) =	sbr.rel @p0 .LBB2_2-.Ltmp0, $4  }
0x1c: {  	_ = 	snop  }
0x1d: {  	s11 =	sshra.s32 s10, $0x2  }
0x1e: {  	[tilespmem:s11+$0x3CB8] =	vst v0  }
0x1f: {  	s10 =	sadd.s32 $0x80, s10;
	[tilespmem:s11+$0x3CC8] =	vst v0  }
0x20: {  	s10 =	sadd.s32 $0x0, s19  }
0x21: {  	[spmem:s10] =	stream.linear.scatter [tilespmem:s20], [sflag:$0xB], $0x700, $0x38;
	[tilespmem:$0x1F6B8] =	vst v63  }
0x22: {  	s10 =	simm.s32 $0x1C00;
	_ =	swait.ge [sflag:s21], $0x700  }
.LBB2_4:
0x23: {  	s11 =	sshra.s32 s10, $0x2;
	[sflag:s21] =	ssyncset.done $0x0;
	p0 =	sne.s32 s10, $0x60400  }
.Ltmp1:
0x24: {  	s11 =	sadd.s32 s11, s19;
	[sflag:s21] =	ssyncadd.s32 $0xFFFFF900;
	(pc) =	sbr.rel @p0 .LBB2_4-.Ltmp1, $3  }
0x25: {  	[spmem:s11] =	stream.linear.scatter [tilespmem:s20], [sflag:$0xB], $0x700, $0x38;
	[tilespmem:$0x1F6B8] =	vst v63  }
0x26: {  	s10 =	sadd.s32 $0x1C00, s10;
	_ =	sdelay $0x1  }
0x27: {  	_ =	swait.ge [sflag:s21], $0x700  }
0x28: {  	[sflag:s21] =	ssyncset.done $0x0  }
0x29: {  	[sflag:s21] =	ssyncadd.s32 $0xFFFFF900  }
0x2a: {  	[bflag:$0x0] =	sbarrier.arrive $0xFFFF  }
0x2b: {  	s10 =	simm.s32 $0x0;
	s11 =	rddreg [dreg:$0x4]  }
0x2c: {  	[tilespmem:s10], [sflag:$0x1] =	stream.linear.gather [hbm4b:s11+s10], $0x68, $0x38;
	[tilespmem:$0x1F6B8] =	vst v63  }
0x2d: {  	s12 =	simm.s32 $0x138;
	s17 =	rddreg [dreg:$0x5]  }
0x2e: {  	[tilespmem:s12], [sflag:$0x1] =	stream.linear.gather [hbm4b:s17+s10], $0x68, $0x38;
	[tilespmem:$0x1F6B8] =	vst v63  }
0x2f: {  	s18 =	rddreg [dreg:$0x6];
	s12 =	simm.s32 $0x68  }
0x30: {  	[tilespmem:s12], [sflag:$0x2] =	stream.linear.gather [hbm4b:s18+s10], $0x68, $0x38;
	[tilespmem:$0x1F6B8] =	vst v63  }
0x31: {  	s13 =	simm.s32 $0x1A0;
	s23 =	rddreg [dreg:$0x7]  }
0x32: {  	[tilespmem:s13], [sflag:$0x2] =	stream.linear.gather [hbm4b:s23+s10], $0x68, $0x38;
	[tilespmem:$0x1F6B8] =	vst v63  }
0x33: {  	s25 =	simm.s32 $0xD0;
	s24 =	rddreg [dreg:$0x8]  }
0x34: {  	[tilespmem:s25], [sflag:$0x3] =	stream.linear.gather [hbm4b:s24+s10], $0x68, $0x38;
	[tilespmem:$0x1F6B8] =	vst v63  }
0x35: {  	s15 =	simm.s32 $0x208;
	s14 =	rddreg [dreg:$0x9]  }
0x36: {  	[tilespmem:s15], [sflag:$0x3] =	stream.linear.gather [hbm4b:s14+s10], $0x68, $0x38;
	[tilespmem:$0x1F6B8] =	vst v63  }
0x37: {  	_ =	swait.ge [sflag:s29], $0x68  }
0x38: {  	[sflag:s29] =	ssyncset.done $0x0  }
0x39: {  	[sflag:s29] =	ssyncadd.s32 $0xFFFFFF98  }
0x3a: {  	_ =	swait.ge [sflag:s29], $0x68  }
0x3b: {  	[sflag:s29] =	ssyncset.done $0x0  }
0x3c: {  	s16 =	simm.s32 $0x478;
	[sflag:s29] =	ssyncadd.s32 $0xFFFFFF98  }
0x3d: {  	[tilespmem:s16], [sflag:$0x4] =	stream.indirect.gather [hbm4b:s1+s30], $0x20, s10, s30, $0xb8;
	[tilespmem:$0x1F6B8] =	vst v63  }
0x3e: {  	s18 =	simm.s32 $0x29F8;
	s17 =	rddreg [dreg:$0xa]  }
0x3f: {  	[tilespmem:s18], [sflag:$0x4] =	stream.strided.gather [hbm4b:s17+s0], $0x640, s22, s0, $0x38;
	[tilespmem:$0x1F6B8] =	vst v63  }
0x40: {  	_ =	swait.ge [sflag:s26], $0x68  }
0x41: {  	[sflag:s26] =	ssyncset.done $0x0  }
0x42: {  	[sflag:s26] =	ssyncadd.s32 $0xFFFFFF98  }
0x43: {  	_ =	swait.ge [sflag:s26], $0x68  }
0x44: {  	s28 =	simm.s32 $0x2A88;
	[sflag:s26] =	ssyncset.done $0x0  }
0x45: {  	s23 =	simm.s32 $0x10F8;
	s13 =	simm.s32 $0x0;
	[sflag:s26] =	ssyncadd.s32 $0xFFFFFF98  }
0x46: {  	[tilespmem:s23], [sflag:$0x5] =	stream.indirect.gather [hbm4b:s1+s30], $0x20, s12, s30, $0xb8;
	[tilespmem:$0x1F6B8] =	vst v63  }
0x47: {  	s25 =	simm.s32 $0x3038;
	s24 =	rddreg [dreg:$0xb];
	s12 =	simm.s32 $0x518  }
0x48: {  	[tilespmem:s25], [sflag:$0x5] =	stream.strided.gather [hbm4b:s24+s0], $0x640, s22, s0, $0x38;
	[tilespmem:$0x1F6B8] =	vst v63  }
.LBB2_6:
0x49: {  	p0 =	slt.u32 s13, $0x4  }
0x4a: {  	p1 =	sgt.u32 @!p0 s13, $0x1F0  }
0x4b: {  	p1 =	por p0, !p1  }
.Ltmp2:
0x4c: {  	s14 =	sand.u32 $0x3, s13;
	(pc) =	sbr.rel @!p1 .LBB2_8-.Ltmp2, $4  }
0x4d: {  	s11 =	sadd.s32 @!p0 $0x7, s14  }
0x4e: {  	_ =	swait.ge @!p0 [sflag:s11], $0xC80  }
0x4f: {  	[sflag:s11] =	ssyncset.done @!p0 $0x0  }
0x50: {  	[sflag:s11] =	ssyncadd.s32 @!p0 $0xFFFFF380  }
0x51: {  	s11 =	sadd.s32 $0x3, s13  }
0x52: {  	s15 =	smul.u32 $0xAAAB, s11;
	_ =	sdelay $0x1  }
0x53: {  	s15 =	sshrl.u32 s15, $0x11  }
0x54: {  	s15 =	smul.u32 $0x3, s15  }
0x55: {  	s16 =	sadd.s32 s8, s11  }
0x56: {  	s16 =	smul.u32 $0xD, s16;
	s15 =	ssub.s32 s11, s15;
	s11 =	sand.u32 $0x7, s11  }
0x57: {  	s15 =	sand.u32 $0xFFFF, s15;
	s11 =	smul.u32 $0x1A0, s11  }
0x58: {  	s17 =	smul.u32 $0x1A0, s15  }
.Ltmp3:
0x59: {  	s18 =	sadd.s32 s6, s16;
	(pc) =	sbr.rel .LBB2_9-.Ltmp3, $4  }
0x5a: {  	s15 =	sadd.s32 $0x1, s15;
	s11 =	sshrl.u32 s11, $0x2;
	s17 =	sshrl.u32 s17, $0x2  }
0x5b: {  	[tilespmem:s17], [sflag:s15] =	stream.linear.gather [hbm4b:s18+s4], $0x68, $0x38;
	[tilespmem:$0x1F6B8] =	vst v63  }
0x5c: {  	s16 =	sadd.s32 s7, s16;
	s11 =	sadd.s32 $0x138, s11  }
0x5d: {  	[tilespmem:s11], [sflag:s15] =	stream.linear.gather [hbm4b:s16+s4], $0x68, $0x38;
	[tilespmem:$0x1F6B8] =	vst v63  }
.LBB2_8:
0x5e: {  	p0 =	sne.s32 s13, $0x1F1  }
.Ltmp4:
0x5f: {  	_ = 	snop;
	(pc) =	sbr.rel @p0 .LBB2_10-.Ltmp4, $1  }
0x60: {  	_ =	sdelay $0x3  }
.LBB2_9:
0x61: {  	s11 =	sadd.s32 $0x2, s13  }
0x62: {  	s15 =	smul.u32 $0xAAAB, s11;
	_ =	sdelay $0x1  }
0x63: {  	s15 =	sshrl.u32 s15, $0x11  }
0x64: {  	s15 =	smul.u32 $0x3, s15;
	_ =	sdelay $0x1  }
0x65: {  	s15 =	ssub.s32 s11, s15  }
0x66: {  	s15 =	sand.u32 $0xFFFF, s15  }
0x67: {  	s11 =	sadd.s32 s8, s11;
	s16 =	sadd.s32 $0x1, s15  }
0x68: {  	s11 =	smul.u32 $0x258, s11;
	_ =	swait.ge [sflag:s16], $0x68  }
0x69: {  	s17 =	smul.u32 $0x1A0, s15;
	[sflag:s16] =	ssyncset.done $0x0  }
0x6a: {  	s18 =	smul.u32 $0x3200, s15;
	[sflag:s16] =	ssyncadd.s32 $0xFFFFFF98  }
0x6b: {  	s25 =	sor.u32 $0x4, s15;
	s15 =	smul.u32 $0x1900, s15;
	_ =	swait.ge [sflag:s16], $0x68  }
0x6c: {  	s17 =	sshrl.u32 s17, $0x2;
	s18 =	sshrl.u32 s18, $0x2;
	[sflag:s16] =	ssyncset.done $0x0  }
0x6d: {  	s15 =	sshrl.u32 s15, $0x2;
	s24 =	sadd.s32 $0x478, s18;
	[sflag:s16] =	ssyncadd.s32 $0xFFFFFF98  }
0x6e: {  	[tilespmem:s24], [sflag:s25] =	stream.indirect.gather [hbm4b:s1+s30], $0x20, s17, s30, $0xb8;
	[tilespmem:$0x1F6B8] =	vst v63  }
0x6f: {  	s11 =	sadd.s32 s5, s11;
	s15 =	sadd.s32 $0x29F8, s15  }
0x70: {  	[tilespmem:s15], [sflag:s25] =	stream.strided.gather [hbm4b:s11+s0], $0x640, s22, s0, $0x38;
	[tilespmem:$0x1F6B8] =	vst v63  }
.LBB2_10:
0x71: {  	s11 =	smul.u32 $0xAAAB, s13;
	_ =	sdelay $0x1  }
0x72: {  	s15 =	smulhi.u32 $0xAAAAAAAB, s13;
	s11 =	sshrl.u32 s11, $0x11  }
0x73: {  	s11 =	smul.u32 $0x3, s11;
	_ =	sdelay $0x1  }
0x74: {  	s15 =	sshrl.u32 s15, $0x1;
	s11 =	ssub.s32 s13, s11  }
0x75: {  	s16 =	smul.u32 $0xFFFFB500, s15;
	s11 =	sand.u32 $0xFFFF, s11  }
0x76: {  	s11 =	sadd.s32 $0x4, s11  }
0x77: {  	s16 =	sshra.s32 s16, $0x2;
	_ =	swait.ge [sflag:s11], $0xC80  }
0x78: {  	v1 =	vmov s16;
	[sflag:s11] =	ssyncset.done $0x0  }
0x79: {  	[sflag:s11] =	ssyncadd.s32 $0xFFFFF380  }
0x7a: {  	s15 =	smul.u32 $0xFFFF6A00, s15;
	_ =	swait.ge [sflag:s11], $0x640  }
0x7b: {  	[sflag:s11] =	ssyncset.done $0x0  }
0x7c: {  	s15 =	sshra.s32 s15, $0x2;
	[sflag:s11] =	ssyncadd.s32 $0xFFFFF9C0  }
0x7d: {  	s23 =	sadd.s32 s15, s12;
	v2 =	vld.idx.msk [tilespmem:v1+s28+$0xFFFFFF70 ss:$0x1], $0xffff  }
0x7e: {  	v3 =	vld [tilespmem:s23+$0xFFFFFF60]  }
0x7f: {  	v4 =	vld [tilespmem:s23+$0xFFFFFF70];
	_ =	sdelay $0x1  }
0x80: {  	s24 =	sand.u32 $0x3, s10  }
0x81: {  	s11 =	smul.u32 $0x3200, s24;
	v5 =	vshll.u32 v2, $0x10  }
0x82: {  	v2 =	vand.u32 $0xFFFF0000, v2;
	v3 =	vadd.f32 v5, v3  }
0x83: {  	s11 =	sshrl.u32 s11, $0x2;
	v2 =	vadd.f32 v2, v4  }
0x84: {  	s15 =	sadd.s32 $0x3D58, s11;
	v3 =	vmax.f32 v3, $0.0e+00  }
0x85: {  	v2 =	vmax.f32 v2, $0.0e+00;
	[tilespmem:s15+$0xFFFFFF60] =	vst v3  }
0x86: {  	[tilespmem:s15+$0xFFFFFF70] =	vst v2  }
0x87: {  	v2 =	vld.idx.msk [tilespmem:v1+s28+$0xFFFFFF80 ss:$0x1], $0xffff  }
0x88: {  	v3 =	vld [tilespmem:s23+$0xFFFFFF80]  }
0x89: {  	v48 =	vld [tilespmem:s23+$0xFFFFFF90];
	_ =	sdelay $0x2  }
0x8a: {  	v49 =	vshll.u32 v2, $0x10  }
0x8b: {  	v2 =	vand.u32 $0xFFFF0000, v2;
	v3 =	vadd.f32 v49, v3  }
0x8c: {  	v2 =	vadd.f32 v2, v48  }
0x8d: {  	v3 =	vmax.f32 v3, $0.0e+00  }
0x8e: {  	v2 =	vmax.f32 v2, $0.0e+00;
	[tilespmem:s15+$0xFFFFFF80] =	vst v3  }
0x8f: {  	[tilespmem:s15+$0xFFFFFF90] =	vst v2  }
0x90: {  	v2 =	vld.idx.msk [tilespmem:v1+s28+$0xFFFFFF90 ss:$0x1], $0xffff  }
0x91: {  	v3 =	vld [tilespmem:s23+$0xFFFFFFA0]  }
0x92: {  	v50 =	vld [tilespmem:s23+$0xFFFFFFB0];
	_ =	sdelay $0x2  }
0x93: {  	v51 =	vshll.u32 v2, $0x10  }
0x94: {  	v2 =	vand.u32 $0xFFFF0000, v2;
	v3 =	vadd.f32 v51, v3  }
0x95: {  	v2 =	vadd.f32 v2, v50  }
0x96: {  	v3 =	vmax.f32 v3, $0.0e+00  }
0x97: {  	v2 =	vmax.f32 v2, $0.0e+00;
	[tilespmem:s15+$0xFFFFFFA0] =	vst v3  }
0x98: {  	[tilespmem:s15+$0xFFFFFFB0] =	vst v2  }
0x99: {  	v2 =	vld.idx.msk [tilespmem:v1+s28+$0xFFFFFFA0 ss:$0x1], $0xffff  }
0x9a: {  	v3 =	vld [tilespmem:s23+$0xFFFFFFC0]  }
0x9b: {  	v52 =	vld [tilespmem:s23+$0xFFFFFFD0];
	_ =	sdelay $0x2  }
0x9c: {  	v53 =	vshll.u32 v2, $0x10  }
0x9d: {  	v2 =	vand.u32 $0xFFFF0000, v2;
	v3 =	vadd.f32 v53, v3  }
0x9e: {  	v2 =	vadd.f32 v2, v52  }
0x9f: {  	v3 =	vmax.f32 v3, $0.0e+00  }
0xa0: {  	v2 =	vmax.f32 v2, $0.0e+00;
	[tilespmem:s15+$0xFFFFFFC0] =	vst v3  }
0xa1: {  	[tilespmem:s15+$0xFFFFFFD0] =	vst v2  }
0xa2: {  	v2 =	vld.idx.msk [tilespmem:v1+s28+$0xFFFFFFB0 ss:$0x1], $0xffff  }
0xa3: {  	v3 =	vld [tilespmem:s23+$0xFFFFFFE0]  }
0xa4: {  	v54 =	vld [tilespmem:s23+$0xFFFFFFF0];
	_ =	sdelay $0x2  }
0xa5: {  	v55 =	vshll.u32 v2, $0x10  }
0xa6: {  	v2 =	vand.u32 $0xFFFF0000, v2;
	v3 =	vadd.f32 v55, v3  }
0xa7: {  	v2 =	vadd.f32 v2, v54  }
0xa8: {  	v3 =	vmax.f32 v3, $0.0e+00  }
0xa9: {  	v2 =	vmax.f32 v2, $0.0e+00;
	[tilespmem:s15+$0xFFFFFFE0] =	vst v3  }
0xaa: {  	[tilespmem:s15+$0xFFFFFFF0] =	vst v2  }
0xab: {  	v2 =	vld.idx.msk [tilespmem:v1+s28+$0xFFFFFFC0 ss:$0x1], $0xffff  }
0xac: {  	v3 =	vld [tilespmem:s23+$0x0]  }
0xad: {  	v56 =	vld [tilespmem:s23+$0x10];
	_ =	sdelay $0x2  }
0xae: {  	v57 =	vshll.u32 v2, $0x10  }
0xaf: {  	v2 =	vand.u32 $0xFFFF0000, v2;
	v3 =	vadd.f32 v57, v3  }
0xb0: {  	v2 =	vadd.f32 v2, v56  }
0xb1: {  	v3 =	vmax.f32 v3, $0.0e+00  }
0xb2: {  	v2 =	vmax.f32 v2, $0.0e+00;
	[tilespmem:s15+$0x0] =	vst v3  }
0xb3: {  	[tilespmem:s15+$0x10] =	vst v2  }
0xb4: {  	v2 =	vld.idx.msk [tilespmem:v1+s28+$0xFFFFFFD0 ss:$0x1], $0xffff  }
0xb5: {  	v3 =	vld [tilespmem:s23+$0x20]  }
0xb6: {  	v58 =	vld [tilespmem:s23+$0x30];
	_ =	sdelay $0x2  }
0xb7: {  	v59 =	vshll.u32 v2, $0x10  }
0xb8: {  	v2 =	vand.u32 $0xFFFF0000, v2;
	v3 =	vadd.f32 v59, v3  }
0xb9: {  	v2 =	vadd.f32 v2, v58  }
0xba: {  	v3 =	vmax.f32 v3, $0.0e+00  }
0xbb: {  	v2 =	vmax.f32 v2, $0.0e+00;
	[tilespmem:s15+$0x20] =	vst v3  }
0xbc: {  	[tilespmem:s15+$0x30] =	vst v2  }
0xbd: {  	v2 =	vld.idx.msk [tilespmem:v1+s28+$0xFFFFFFE0 ss:$0x1], $0xffff  }
0xbe: {  	v3 =	vld [tilespmem:s23+$0x40]  }
0xbf: {  	v60 =	vld [tilespmem:s23+$0x50];
	_ =	sdelay $0x2  }
0xc0: {  	v61 =	vshll.u32 v2, $0x10  }
0xc1: {  	v2 =	vand.u32 $0xFFFF0000, v2;
	v3 =	vadd.f32 v61, v3  }
0xc2: {  	v2 =	vadd.f32 v2, v60  }
0xc3: {  	v3 =	vmax.f32 v3, $0.0e+00  }
0xc4: {  	v2 =	vmax.f32 v2, $0.0e+00;
	[tilespmem:s15+$0x40] =	vst v3  }
0xc5: {  	[tilespmem:s15+$0x50] =	vst v2  }
0xc6: {  	v2 =	vld.idx.msk [tilespmem:v1+s28+$0xFFFFFFF0 ss:$0x1], $0xffff  }
0xc7: {  	v3 =	vld [tilespmem:s23+$0x60]  }
0xc8: {  	v62 =	vld [tilespmem:s23+$0x70];
	_ =	sdelay $0x2  }
0xc9: {  	v63 =	vshll.u32 v2, $0x10  }
0xca: {  	s25 =	smul.u32 $0x3200, s14;
	v2 =	vand.u32 $0xFFFF0000, v2;
	v3 =	vadd.f32 v63, v3  }
0xcb: {  	s17 =	simm.s32 $0x0;
	v2 =	vadd.f32 v2, v62  }
0xcc: {  	s18 =	smov.u32 s23;
	s24 =	smov.u32 s28;
	s11 =	sshrl.u32 s25, $0x2;
	v3 =	vmax.f32 v3, $0.0e+00  }
0xcd: {  	s16 =	sadd.s32 $0x3CB8, s11;
	s25 =	sadd.s32 $0x140, s15;
	s11 =	smov.u32 s28;
	v2 =	vmax.f32 v2, $0.0e+00;
	[tilespmem:s15+$0x60] =	vst v3  }
.LBB2_11:
0xce: {  	s17 =	sadd.s32 $0xA, s17;
	[tilespmem:s15+$0x70] =	vst v2;
	s24 =	sadd.s32 $0xA0, s24;
	s23 =	sadd.s32 $0x140, s23  }
0xcf: {  	p0 =	slt.u32 s17, $0x5A;
	v2 =	vld.idx.msk [tilespmem:v1+s11+$0x0 ss:$0x1], $0xffff;
	s11 =	smov.u32 s24  }
0xd0: {  	v3 =	vld [tilespmem:s18+$0x80]  }
0xd1: {  	v4 =	vld [tilespmem:s18+$0x90];
	s18 =	smov.u32 s23;
	_ =	sdelay $0x3  }
0xd2: {  	v5 =	vshll.u32 v2, $0x10;
	v2 =	vand.u32 $0xFFFF0000, v2  }
0xd3: {  	v3 =	vadd.f32 v5, v3;
	v2 =	vadd.f32 v2, v4;
	_ =	sdelay $0x1  }
0xd4: {  	v3 =	vmax.f32 v3, $0.0e+00;
	v2 =	vmax.f32 v2, $0.0e+00  }
0xd5: {  	[tilespmem:s15+$0x80] =	vst v3  }
0xd6: {  	[tilespmem:s15+$0x90] =	vst v2;
	s15 =	smov.u32 s25  }
0xd7: {  	v2 =	vld.idx.msk [tilespmem:v1+s24+$0xFFFFFF70 ss:$0x1], $0xffff  }
0xd8: {  	v3 =	vld [tilespmem:s23+$0xFFFFFF60]  }
0xd9: {  	v4 =	vld [tilespmem:s23+$0xFFFFFF70];
	_ =	sdelay $0x3  }
0xda: {  	v5 =	vshll.u32 v2, $0x10;
	v2 =	vand.u32 $0xFFFF0000, v2  }
0xdb: {  	v3 =	vadd.f32 v5, v3;
	v2 =	vadd.f32 v2, v4;
	_ =	sdelay $0x1  }
0xdc: {  	v3 =	vmax.f32 v3, $0.0e+00;
	v2 =	vmax.f32 v2, $0.0e+00  }
0xdd: {  	[tilespmem:s25+$0xFFFFFF60] =	vst v3  }
0xde: {  	[tilespmem:s25+$0xFFFFFF70] =	vst v2  }
0xdf: {  	v2 =	vld.idx.msk [tilespmem:v1+s24+$0xFFFFFF80 ss:$0x1], $0xffff  }
0xe0: {  	v3 =	vld [tilespmem:s23+$0xFFFFFF90]  }
0xe1: {  	v4 =	vld [tilespmem:s23+$0xFFFFFF80];
	_ =	sdelay $0x3  }
0xe2: {  	v5 =	vshll.u32 v2, $0x10;
	v2 =	vand.u32 $0xFFFF0000, v2  }
0xe3: {  	v2 =	vadd.f32 v2, v3;
	v4 =	vadd.f32 v5, v4;
	_ =	sdelay $0x1  }
0xe4: {  	v2 =	vmax.f32 v2, $0.0e+00;
	v3 =	vmax.f32 v4, $0.0e+00  }
0xe5: {  	[tilespmem:s25+$0xFFFFFF80] =	vst v3  }
0xe6: {  	[tilespmem:s25+$0xFFFFFF90] =	vst v2  }
0xe7: {  	v2 =	vld.idx.msk [tilespmem:v1+s24+$0xFFFFFF90 ss:$0x1], $0xffff  }
0xe8: {  	v3 =	vld [tilespmem:s23+$0xFFFFFFB0]  }
0xe9: {  	v4 =	vld [tilespmem:s23+$0xFFFFFFA0];
	_ =	sdelay $0x3  }
0xea: {  	v5 =	vshll.u32 v2, $0x10;
	v2 =	vand.u32 $0xFFFF0000, v2  }
0xeb: {  	v2 =	vadd.f32 v2, v3;
	v4 =	vadd.f32 v5, v4;
	_ =	sdelay $0x1  }
0xec: {  	v2 =	vmax.f32 v2, $0.0e+00;
	v3 =	vmax.f32 v4, $0.0e+00  }
0xed: {  	[tilespmem:s25+$0xFFFFFFA0] =	vst v3  }
0xee: {  	[tilespmem:s25+$0xFFFFFFB0] =	vst v2  }
0xef: {  	v2 =	vld.idx.msk [tilespmem:v1+s24+$0xFFFFFFA0 ss:$0x1], $0xffff  }
0xf0: {  	v3 =	vld [tilespmem:s23+$0xFFFFFFC0]  }
0xf1: {  	v4 =	vld [tilespmem:s23+$0xFFFFFFD0];
	_ =	sdelay $0x3  }
0xf2: {  	v5 =	vshll.u32 v2, $0x10;
	v2 =	vand.u32 $0xFFFF0000, v2  }
0xf3: {  	v3 =	vadd.f32 v5, v3;
	v2 =	vadd.f32 v2, v4;
	_ =	sdelay $0x1  }
0xf4: {  	v3 =	vmax.f32 v3, $0.0e+00;
	v2 =	vmax.f32 v2, $0.0e+00  }
0xf5: {  	[tilespmem:s25+$0xFFFFFFC0] =	vst v3  }
0xf6: {  	[tilespmem:s25+$0xFFFFFFD0] =	vst v2  }
0xf7: {  	v2 =	vld.idx.msk [tilespmem:v1+s24+$0xFFFFFFB0 ss:$0x1], $0xffff  }
0xf8: {  	v3 =	vld [tilespmem:s23+$0xFFFFFFF0]  }
0xf9: {  	v4 =	vld [tilespmem:s23+$0xFFFFFFE0];
	_ =	sdelay $0x3  }
0xfa: {  	v5 =	vshll.u32 v2, $0x10;
	v2 =	vand.u32 $0xFFFF0000, v2  }
0xfb: {  	v2 =	vadd.f32 v2, v3;
	v4 =	vadd.f32 v5, v4;
	_ =	sdelay $0x1  }
0xfc: {  	v2 =	vmax.f32 v2, $0.0e+00;
	v3 =	vmax.f32 v4, $0.0e+00  }
0xfd: {  	[tilespmem:s25+$0xFFFFFFE0] =	vst v3  }
0xfe: {  	[tilespmem:s25+$0xFFFFFFF0] =	vst v2  }
0xff: {  	v2 =	vld.idx.msk [tilespmem:v1+s24+$0xFFFFFFC0 ss:$0x1], $0xffff  }
0x100: {  	v3 =	vld [tilespmem:s23+$0x10]  }
0x101: {  	v4 =	vld [tilespmem:s23+$0x0];
	_ =	sdelay $0x3  }
0x102: {  	v5 =	vshll.u32 v2, $0x10;
	v2 =	vand.u32 $0xFFFF0000, v2  }
0x103: {  	v2 =	vadd.f32 v2, v3;
	v4 =	vadd.f32 v5, v4;
	_ =	sdelay $0x1  }
0x104: {  	v2 =	vmax.f32 v2, $0.0e+00;
	v3 =	vmax.f32 v4, $0.0e+00  }
0x105: {  	[tilespmem:s25+$0x0] =	vst v3  }
0x106: {  	[tilespmem:s25+$0x10] =	vst v2  }
0x107: {  	v2 =	vld.idx.msk [tilespmem:v1+s24+$0xFFFFFFD0 ss:$0x1], $0xffff  }
0x108: {  	v3 =	vld [tilespmem:s23+$0x20]  }
0x109: {  	v4 =	vld [tilespmem:s23+$0x30];
	_ =	sdelay $0x3  }
0x10a: {  	v5 =	vshll.u32 v2, $0x10;
	v2 =	vand.u32 $0xFFFF0000, v2  }
0x10b: {  	v3 =	vadd.f32 v5, v3;
	v2 =	vadd.f32 v2, v4;
	_ =	sdelay $0x1  }
0x10c: {  	v3 =	vmax.f32 v3, $0.0e+00;
	v2 =	vmax.f32 v2, $0.0e+00  }
0x10d: {  	[tilespmem:s25+$0x20] =	vst v3  }
0x10e: {  	[tilespmem:s25+$0x30] =	vst v2  }
0x10f: {  	v2 =	vld.idx.msk [tilespmem:v1+s24+$0xFFFFFFE0 ss:$0x1], $0xffff  }
0x110: {  	v3 =	vld [tilespmem:s23+$0x50]  }
0x111: {  	v4 =	vld [tilespmem:s23+$0x40];
	_ =	sdelay $0x3  }
0x112: {  	v5 =	vshll.u32 v2, $0x10;
	v2 =	vand.u32 $0xFFFF0000, v2  }
0x113: {  	v2 =	vadd.f32 v2, v3;
	v4 =	vadd.f32 v5, v4;
	_ =	sdelay $0x1  }
0x114: {  	v2 =	vmax.f32 v2, $0.0e+00;
	v3 =	vmax.f32 v4, $0.0e+00  }
0x115: {  	[tilespmem:s25+$0x40] =	vst v3  }
0x116: {  	[tilespmem:s25+$0x50] =	vst v2  }
0x117: {  	v2 =	vld.idx.msk [tilespmem:v1+s24+$0xFFFFFFF0 ss:$0x1], $0xffff  }
0x118: {  	v3 =	vld [tilespmem:s23+$0x70]  }
0x119: {  	v4 =	vld [tilespmem:s23+$0x60];
	_ =	sdelay $0x3  }
.Ltmp5:
0x11a: {  	v5 =	vshll.u32 v2, $0x10;
	v2 =	vand.u32 $0xFFFF0000, v2;
	(pc) =	sbr.rel @p0 .LBB2_11-.Ltmp5, $3  }
0x11b: {  	v2 =	vadd.f32 v2, v3;
	v4 =	vadd.f32 v5, v4;
	_ =	sdelay $0x1  }
0x11c: {  	v2 =	vmax.f32 v2, $0.0e+00;
	v3 =	vmax.f32 v4, $0.0e+00  }
0x11d: {  	s25 =	sadd.s32 $0x140, s25;
	[tilespmem:s15+$0x60] =	vst v3  }
0x11e: {  	_ =	sdelay $0x2  }
0x11f: {  	[tilespmem:s15+$0x70] =	vst v2  }
0x120: {  	v1 =	vld.idx.msk [tilespmem:v1+s11+$0x0 ss:$0x1], $0xffff  }
0x121: {  	v2 =	vld [tilespmem:s18+$0x80]  }
0x122: {  	v3 =	vld [tilespmem:s18+$0x90];
	_ =	sdelay $0x2  }
0x123: {  	s25 =	sand.u32 $0x7, s13;
	s13 =	sadd.s32 $0x1, s13;
	v4 =	vshll.u32 v1, $0x10  }
0x124: {  	s11 =	smul.u32 $0x1A0, s25;
	p0 =	sne.s32 s13, $0x1F4;
	v1 =	vand.u32 $0xFFFF0000, v1;
	v2 =	vadd.f32 v4, v2  }
.Ltmp6:
0x125: {  	v1 =	vadd.f32 v1, v3;
	(pc) =	sbr.rel @p0 .LBB2_6-.Ltmp6, $4  }
0x126: {  	v2 =	vmax.f32 v2, $0.0e+00  }
0x127: {  	s14 =	sadd.s32 $0x7, s14;
	s28 =	sadd.s32 $0x640, s28;
	s11 =	sshrl.u32 s11, $0x2;
	v1 =	vmax.f32 v1, $0.0e+00;
	[tilespmem:s15+$0x80] =	vst v2  }
0x128: {  	s12 =	sadd.s32 $0xC80, s12;
	s10 =	sadd.s32 $0x1, s10;
	s11 =	sadd.s32 $0x138, s11;
	[tilespmem:s15+$0x90] =	vst v1  }
0x129: {  	[spmem:s2] =	stream.indirect.scatter.add.f32 [tilespmem:s16], [sflag:s14], $0x20, s11, s30, $0xb8;
	[tilespmem:$0x1F6B8] =	vst v63  }
0x12a: {  	s10 =	simm.s32 $0x7  }
0x12b: {  	_ =	swait.ge [sflag:s10], $0xC80  }
0x12c: {  	[sflag:s10] =	ssyncset.done $0x0  }
0x12d: {  	s24 =	simm.s32 $0x8;
	[sflag:s10] =	ssyncadd.s32 $0xFFFFF380  }
0x12e: {  	_ =	swait.ge [sflag:s24], $0xC80  }
0x12f: {  	[sflag:s24] =	ssyncset.done $0x0  }
0x130: {  	[sflag:s24] =	ssyncadd.s32 $0xFFFFF380  }
0x131: {  	_ =	swait.ge [sflag:s31], $0xC80  }
0x132: {  	[sflag:s31] =	ssyncset.done $0x0  }
0x133: {  	[sflag:s31] =	ssyncadd.s32 $0xFFFFF380  }
0x134: {  	_ =	swait.ge [sflag:s3], $0xC80  }
0x135: {  	[sflag:s3] =	ssyncset.done $0x0  }
0x136: {  	[sflag:s3] =	ssyncadd.s32 $0xFFFFF380  }
0x137: {  	s25 =	stileid.u32;
	[bflag:$0x0] =	sbarrier.arrive $0xFFFF  }
0x138: {  	s10 =	sshll.u32 s25, $0x6;
	s11 =	rddreg [dreg:$0xc]  }
0x139: {  	s10 =	sor.u32 $0x1C0B, s10;
	s12 =	rddreg [dreg:$0xe]  }
0x13a: {  	[hbm:s11], [sflag:s10] =	dma.local [spmem:s12], $0x3100  }
0x13b: {  	_ =	swait.ge [sflag:s21], $0x3100  }
0x13c: {  	s9 =	sadd.s32 $0x1, s9;
	s28 =	rddreg [dreg:$0xd]  }
0x13d: {  	p0 =	sne.s32 s9, s28  }
.Ltmp7:
0x13e: {  	_ = 	snop;
	(pc) =	sbr.rel @p0 .LBB2_1-.Ltmp7, $3  }
0x13f: {  	_ =	sdelay $0x1  }
0x140: {  	[sflag:s21] =	ssyncset.done $0x0  }
0x141: {  	[sflag:s21] =	ssyncadd.s32 $0xFFFFCF00  }
0x142: {  	_ =	sfence.sel $0x180000  }
0x143: {  	[bflag:$0x0] =	sbarrier.arrive $0xFFFF  }
0x144: {  	_ =	strace $0x90000047  }
0x145: {  	s0 =	stileid.u32;
	[bflag:$0x2] =	sbarrier.arrive $0xFFFF  }
0x146: {  	p0 =	sne.s32 s0, $0x0;
	s0 =	rddreg [dreg:$0x3]  }
0x147: {  	s0 =	sadd.s32 @!p0 $0x100000, s0  }
0x148: {  	[sflag:s0] =	ssyncadd.tile.s32 @!p0 $0x1;
	_ =	shalt  }
.Lfunc_end2:
_tile_overlayer_lowered:
.L_overlay_start_2:
0x149: {  	(tag) =	ssettag $0x2  }
0x14a: {  	s0 =	rddreg [dreg:$0x0];
	s2 =	stileid.u32  }
0x14b: {  	s1 =	rddreg [dreg:$0x1];
	p0 =	sne.s32 s2, $0x0  }
0x14c: {  	s3 =	rddreg [dreg:$0x2];
	[bflag:$0x3] =	sbarrier.arrive $0xFFFF;
	s2 =	simm.s32 @!p0 $0x1C0B  }
0x14d: {  	[timem:s3], [sflag:s2] =	dma.local @!p0 [hbm:s0], s1  }
0x14e: {  	s0 =	simm.s32 @!p0 $0xB  }
0x14f: {  	_ =	swait.ge @!p0 [sflag:s0], s1  }
0x150: {  	s1 =	ssub.s32 @!p0 $0x0, s1;
	[sflag:s0] =	ssyncset.done @!p0 $0x0  }
0x151: {  	[sflag:s0] =	ssyncadd.s32 @!p0 s1  }
0x152: {  	[bflag:$0x3] =	sbarrier.arrive $0xFFFF  }
0x153: {  	_ =	shalt  }

// kernel: kernel.17.cloned.1.call-start
scs
__scs_entry_jumppad:
0x0: {  	(pc) =	sbr.rel $0x88, $3  }
0x1: {  	(tag) =	ssettag $0x0;
	lr =	simm.s32 $0x1  }
0x2: {  	[smem:$0x3F92] =	sst lr;
	_ =	strace $0xD0000000  }
0x3: {  	_ = 	snop  }
0x4: {  	_ = 	snop  }
0x5: {  	_ = 	snop  }
0x6: {  	_ = 	snop  }
0x7: {  	_ = 	snop  }
__scs_overlays_trampoline_lowered:
0x8: {  	[smem:$0x3FA1] =	sst s0  }
0x9: {  	[smem:$0x3FA2] =	sst s1  }
0xa: {  	[smem:$0x3FA3] =	sst s2  }
0xb: {  	[smem:$0x3FA4] =	sst s3  }
0xc: {  	[smem:$0x3FA5] =	sst s4  }
0xd: {  	[smem:$0x3FA6] =	sst s5  }
0xe: {  	[smem:$0x3FA7] =	sst s6  }
0xf: {  	[smem:$0x3FA8] =	sst s7  }
0x10: {  	[smem:$0x3FA9] =	sst s8  }
0x11: {  	[smem:$0x3FAA] =	sst s9;
	s0 =	simm.s32 @!p0 $0x0  }
0x12: {  	s1 =	sld [smem:$0x3F90];
	s0 =	simm.s32 @p0 $0x1  }
0x13: {  	[smem:$0x3FAB] =	sst s0;
	s0 =	simm.s32 @!p1 $0x0  }
0x14: {  	s2 =	sld [smem:$0x3F8F];
	s0 =	simm.s32 @p1 $0x1  }
0x15: {  	[smem:$0x3FAC] =	sst s0;
	s0 =	simm.s32 @!p2 $0x0  }
0x16: {  	s3 =	sld [smem:$0x3FDB];
	s0 =	simm.s32 @p2 $0x1  }
0x17: {  	s4 =	simm.s32 $0x1BF5;
	[smem:$0x3FAE] =	sst s0  }
0x18: {  	s0 =	sld [smem:$0x3F91];
	_ =	swait.ge [sflag:s4], $0x0  }
0x19: {  	s7 =	sld [smem:$0x3F92]  }
0x1a: {  	s8 =	sadd.s32 $0xFFFFE003, lr  }
0x1b: {  	s9 =	sadd.s32 $0xFFFFFEF7, lr;
	s5 =	simm.s32 $0xFFFFFFFF;
	p2 =	slt.u32 s8, $0xFFFFF086  }
0x1c: {  	p1 =	slt.u32 s9, $0xF7A;
	s5 =	simm.s32 @!p2 $0x0  }
0x1d: {  	s5 =	simm.s32 @p1 $0x1;
	p0 =	seq.s32 s7, s2  }
0x1e: {  	s7 =	smul.u32 @!p0 $0xF7A, s2;
	p2 =	seq.s32 @!p0 s5, $0x0  }
0x1f: {  	s9 =	smul.u32 $0xF7A, s1;
	s8 =	simm.s32 @!p0 $0x1BF5;
	p2 =	por !p2, p0  }
0x20: {  	[sflag:s8] =	ssyncset.s32 @!p0 $0xFFFFF086;
	s6 =	sadd.s32 @!p0 s3, s7;
	s7 =	simm.s32 @!p0 $0x108  }
0x21: {  	s3 =	sadd.s32 s3, s9;
	s6 =	sadd.s32 @!p0 $0x88, s6;
	s7 =	simm.s32 @p2 $0x1082  }
0x22: {  	[simem:s7], [sflag:s8] =	dma.local @!p0 [hbm:s6], $0xF7A  }
0x23: {  	s9 =	sor.u32 $0xD0000000, s2;
	s6 =	simm.s32 $0x108;
	_ =	swait.ge @!p0 [sflag:s8], $0x0  }
0x24: {  	s3 =	sadd.s32 $0x88, s3;
	s6 =	simm.s32 @!p1 $0x1082;
	[sflag:s4] =	ssyncset.s32 $0xFFFFF086  }
0x25: {  	[simem:s6], [sflag:s4] =	dma.local [hbm:s3], $0xF7A  }
0x26: {  	[smem:$0x3F92] =	sst s1;
	(tag) =	ssettag s2;
	_ =	strace s9  }
0x27: {  	s1 =	sld [smem:$0x3FA2]  }
0x28: {  	s2 =	sld [smem:$0x3FA3]  }
0x29: {  	s4 =	sld [smem:$0x3FA5]  }
0x2a: {  	p0 =	seq.s32 s5, $0x0;
	s5 =	sld [smem:$0x3FA6]  }
0x2b: {  	s6 =	sld [smem:$0x3FA7]  }
0x2c: {  	s7 =	sld [smem:$0x3FA8]  }
0x2d: {  	s3 =	simm.s32 $0x108;
	s8 =	sld [smem:$0x3FA9]  }
0x2e: {  	s3 =	simm.s32 @!p0 $0x1082;
	s9 =	sld [smem:$0x3FAA]  }
0x2f: {  	lr =	sadd.s32 s0, s3;
	s0 =	sld [smem:$0x3FA1]  }
0x30: {  	s3 =	sld [smem:$0x3FA4]  }
0x31: {  	[smem:$0x3FAD] =	sst s10  }
0x32: {  	s10 =	sld [smem:$0x3FAB];
	_ =	sdelay $0x3  }
0x33: {  	p0 =	seq.s32 s10, $0x1;
	s10 =	sld [smem:$0x3FAD];
	_ =	sdelay $0x3  }
0x34: {  	[smem:$0x3FAD] =	sst s10  }
0x35: {  	s10 =	sld [smem:$0x3FAC];
	_ =	sdelay $0x3  }
0x36: {  	p1 =	seq.s32 s10, $0x1;
	s10 =	sld [smem:$0x3FAD];
	_ =	sdelay $0x3  }
0x37: {  	[smem:$0x3FAD] =	sst s10  }
0x38: {  	s10 =	sld [smem:$0x3FAE]  }
0x39: {  	_ = 	snop;
	(pc) =	sbr.ind lr, $3  }
0x3a: {  	_ = 	snop  }
0x3b: {  	_ = 	snop  }
0x3c: {  	p2 =	seq.s32 s10, $0x1;
	s10 =	sld [smem:$0x3FAD]  }
0x3d: {  	_ =	shalt  }
0x3e: {  	_ =	shalt  }
0x3f: {  	_ =	shalt  }
0x40: {  	_ =	shalt  }
0x41: {  	_ =	shalt  }
0x42: {  	_ =	shalt  }
0x43: {  	_ =	shalt  }
0x44: {  	_ =	shalt  }
0x45: {  	_ =	shalt  }
0x46: {  	_ =	shalt  }
0x47: {  	_ =	shalt  }
0x48: {  	_ =	shalt  }
0x49: {  	_ =	shalt  }
0x4a: {  	_ =	shalt  }
0x4b: {  	_ =	shalt  }
0x4c: {  	_ =	shalt  }
0x4d: {  	_ =	shalt  }
0x4e: {  	_ =	shalt  }
0x4f: {  	_ =	shalt  }
0x50: {  	_ =	shalt  }
0x51: {  	_ =	shalt  }
0x52: {  	_ =	shalt  }
0x53: {  	_ =	shalt  }
0x54: {  	_ =	shalt  }
0x55: {  	_ =	shalt  }
0x56: {  	_ =	shalt  }
0x57: {  	_ =	shalt  }
0x58: {  	_ =	shalt  }
0x59: {  	_ =	shalt  }
0x5a: {  	_ =	shalt  }
0x5b: {  	_ =	shalt  }
0x5c: {  	_ =	shalt  }
0x5d: {  	_ =	shalt  }
0x5e: {  	_ =	shalt  }
0x5f: {  	_ =	shalt  }
0x60: {  	_ =	shalt  }
0x61: {  	_ =	shalt  }
0x62: {  	_ =	shalt  }
0x63: {  	_ =	shalt  }
0x64: {  	_ =	shalt  }
0x65: {  	_ =	shalt  }
0x66: {  	_ =	shalt  }
0x67: {  	_ =	shalt  }
0x68: {  	_ =	shalt  }
0x69: {  	_ =	shalt  }
0x6a: {  	_ =	shalt  }
0x6b: {  	_ =	shalt  }
0x6c: {  	_ =	shalt  }
0x6d: {  	_ =	shalt  }
0x6e: {  	_ =	shalt  }
0x6f: {  	_ =	shalt  }
0x70: {  	_ =	shalt  }
0x71: {  	_ =	shalt  }
0x72: {  	_ =	shalt  }
0x73: {  	_ =	shalt  }
0x74: {  	_ =	shalt  }
0x75: {  	_ =	shalt  }
0x76: {  	_ =	shalt  }
0x77: {  	_ =	shalt  }
0x78: {  	_ =	shalt  }
0x79: {  	_ =	shalt  }
0x7a: {  	_ =	shalt  }
0x7b: {  	_ =	shalt  }
0x7c: {  	_ =	shalt  }
0x7d: {  	_ =	shalt  }
0x7e: {  	_ =	shalt  }
0x7f: {  	_ =	shalt  }
0x80: {  	_ =	shalt  }
0x81: {  	_ =	shalt  }
0x82: {  	_ =	shalt  }
0x83: {  	_ =	shalt  }
0x84: {  	_ =	shalt  }
0x85: {  	_ =	shalt  }
0x86: {  	_ =	shalt  }
0x87: {  	_ =	shalt  }
.Lfunc_end0:
.L_simem_size_0:
called_computation.2_lowered:
.L_overlay_start_0:
0x88: {  	s2 =	sld [smem:$0x3FD9]  }
0x89: {  	s3 =	sld [smem:$0x3FFE];
	_ =	sdelay $0x1  }
0x8a: {  	s1 =	srdreg.scid  }
0x8b: {  	s0 =	sand.u32 $0x1, s1  }
0x8c: {  	s17 =	sshll.u32 s0, $0xA;
	s2 =	sadd.s32 s3, s2  }
0x8d: {  	s2 =	sadd.s32 s2, s17  }
0x8e: {  	[smem:$0x3FB9] =	sst s2  }
0x8f: {  	_ = 	snop  }
0x90: {  	s2 =	sld [smem:$0x3FD0];
	(tm) =	ssettm $0x1  }
0x91: {  	s18 =	sld [smem:$0x3FFB];
	_ =	sdelay $0x3  }
0x92: {  	_ =	strace s18  }
0x93: {  	s3 =	sld [smem:$0x3FFC];
	_ =	sdelay $0x3  }
0x94: {  	_ =	strace s3  }
0x95: {  	s3 =	sld [smem:$0x3FFD];
	_ =	sdelay $0x3  }
0x96: {  	_ =	strace s3  }
0x97: {  	_ =	strace $0x8FFFFFFF  }
0x98: {  	s19 =	sld [smem:$0x3FDB];
	_ =	sdelay $0x1  }
0x99: {  	s4 =	simm.s32 $_scs_section_size  }
0x9a: {  	s5 =	simm.s32 $_size__tile_overlayer_lowered;
	s6 =	simm.s32 $_tile_overlayer_lowered  }
0x9b: {  	s22 =	simm.s32 $0x1BFF;
	s21 =	sshll.u32 s6, $0x1;
	s3 =	sadd.s32 s4, s19  }
0x9c: {  	s7 =	simm.s32 $0x0;
	s20 =	sshll.u32 s5, $0x1;
	s5 =	sadd.s32 s21, s3  }
0x9d: {  	[timem:s7], [sflag:s22] =	dma.local [hbm:s5], s20  }
0x9e: {  	_ =	swait.ge [sflag:s22], s20  }
0x9f: {  	s4 =	ssub.s32 $0x0, s20;
	[sflag:s22] =	ssyncset.done $0x0  }
0xa0: {  	[sflag:s22] =	ssyncadd.s32 s4;
	_ =	sdelay $0x1  }
0xa1: {  	s23 =	simm.s32 $0x1B8B  }
0xa2: {  	_ =	swait.ge [sflag:s23], $0x1  }
0xa3: {  	[sflag:s23] =	ssyncset.done $0x0  }
0xa4: {  	s25 =	simm.s32 $0x1B8E;
	s24 =	sld [smem:$0x3FFE];
	[sflag:s23] =	ssyncadd.s32 $0xFFFFFFFF  }
0xa5: {  	s26 =	simm.s32 $execute0_lowered;
	[smem:$0x3FD2] =	sst s25  }
0xa6: {  	s5 =	sshll.u32 s26, $0x1;
	_ =	strace $0x8000004C;
	[dreg:$0x1] =	wrdreg $0xFFFFFFFF  }
0xa7: {  	s28 =	simm.s32 $_size_execute0_lowered;
	s3 =	sadd.s32 s3, s5;
	[dreg:$0x0] =	wrdreg $0x0  }
0xa8: {  	s5 =	sshll.u32 s28, $0x1;
	[dreg:$0x2] =	wrdreg s3  }
0xa9: {  	[dreg:$0x3] =	wrdreg s5  }
0xaa: {  	[dreg:$0x4] =	wrdreg $0xC0  }
0xab: {  	_ =	task [dreg:s7], $0x5FFFF  }
0xac: {  	[dreg:$0x1] =	wrdreg $0xFFFFFFFF  }
0xad: {  	[dreg:$0x0] =	wrdreg $0x60  }
0xae: {  	[dreg:$0x2] =	wrdreg s2  }
0xaf: {  	[dreg:$0x3] =	wrdreg s24  }
0xb0: {  	[dreg:$0x4] =	wrdreg $0x6EB80  }
0xb1: {  	[dreg:$0x5] =	wrdreg $0x9  }
0xb2: {  	_ =	task.clear_ibuf [dreg:s7], $0x6FFFF;
	_ =	strace $0x9000004C  }
0xb3: {  	s29 =	simm.s32 $0x9;
	_ =	strace $0x8000004E  }
0xb4: {  	_ =	swait.ge [sflag:s29], $0x1  }
0xb5: {  	[sflag:s29] =	ssyncadd.s32 $0xFFFFFFFF  }
0xb6: {  	_ =	strace $0x9000004E  }
0xb7: {  	_ =	sfence  }
0xb8: {  	s30 =	sld [smem:$0x0];
	_ =	sdelay $0x2  }
0xb9: {  	s31 =	sshll.u32 s1, $0xD;
	s1 =	sshrl.u32 s1, $0x2  }
0xba: {  	s3 =	sand.u32 $0x4000, s31;
	s1 =	sadd.s32 s1, s30  }
0xbb: {  	s0 =	sor.u32 s3, s0;
	s1 =	sshll.u32 s1, $0x11  }
0xbc: {  	s0 =	sor.u32 s1, s0  }
0xbd: {  	s0 =	sadd.s32 $0x8F2B, s0  }
0xbe: {  	[sflag:s0] =	ssyncadd.remote.s32 $0x1  }
0xbf: {  	_ =	sfence.sel $0xFFFF  }
0xc0: {  	[dreg:$0x0] =	wrdreg $0xFFFFFFFF;
	(pc) =	sbr.abs _section_cstart, $3  }
0xc1: {  	[dreg:$0x1] =	wrdreg $0xFFFFFFFF  }
0xc2: {  	_ =	task.clear_ibuf [dreg:s7], $0x2FFFF;
	_ =	strace $0x9FFFFFFF  }
0xc3: {  	(tm) =	ssettm $0x7FFFFFFF  }
tec
execute0_lowered:
.L_overlay_start_1:
0x0: {  	(tag) =	ssettag $0x1  }
0x1: {  	s1 =	rddreg [dreg:$0x0]  }
0x2: {  	s0 =	rddreg [dreg:$0x1]  }
0x3: {  	s2 =	rddreg [dreg:$0x2];
	s3 =	srdreg.scid  }
0x4: {  	s4 =	simm.s32 $0x0;
	s16 =	stileid.u32;
	s29 =	simm.s32 $0x1  }
0x5: {  	s30 =	simm.s32 $0x64;
	s3 =	sand.u32 $0x1, s3;
	s9 =	smul.u32 $0x18800, s16  }
0x6: {  	s31 =	simm.s32 $0x9;
	s24 =	smul.u32 $0x62000, s16;
	s5 =	sshll.u32 s3, $0x4  }
0x7: {  	[smem:$0x7FF] =	sst s4;
	s8 =	smul.u32 $0x188000, s3;
	s10 =	sor.u32 s16, s5  }
0x8: {  	s6 =	sadd.s32 $0x92A200, s0;
	s7 =	sadd.s32 $0x95D000, s0;
	s5 =	smul.u32 $0x1F4, s10  }
0x9: {  	_ =	strace $0x8000004D;
	s3 =	ssub.s32 $0x2, s3;
	s11 =	smul.u32 $0x1964, s10  }
0xa: {  	s14 =	sshrl.u32 s3, $0x1;
	s26 =	sadd.s32 s9, s2;
	s15 =	smul.u32 $0xCB20, s10  }
0xb: {  	s8 =	sadd.s32 s9, s8;
	s3 =	ssub.s32 s3, s14;
	s10 =	smul.u32 $0x493E0, s10  }
0xc: {  	s28 =	sshrl.u32 s26, $0x3;
	s26 =	simm.s32 $0x2;
	s8 =	sshrl.u32 s8, $0x3  }
0xd: {  	s3 =	smax.u32 s3, $0x1;
	[dreg:$0xe] =	wrdreg s28;
	s12 =	sor.u32 $0x1, s5  }
0xe: {  	s8 =	sadd.s32 s8, s0;
	s20 =	sadd.s32 s6, s11;
	[dreg:$0xd] =	wrdreg s3  }
0xf: {  	s11 =	sadd.s32 s7, s11;
	s22 =	sshrl.u32 s15, $0x3;
	[dreg:$0x4] =	wrdreg s20  }
0x10: {  	s3 =	simm.s32 $0xA;
	s13 =	smul.u32 $0xD, s12;
	[dreg:$0x5] =	wrdreg s11  }
0x11: {  	s11 =	sadd.s32 $0x1A, s22;
	s12 =	smul.u32 $0x258, s12;
	s8 =	sadd.s32 $0x98FE00, s8  }
0x12: {  	s20 =	simm.s32 $0x3CB8;
	s23 =	sadd.s32 s6, s11;
	[dreg:$0xc] =	wrdreg s8  }
0x13: {  	s22 =	simm.s32 $0x30;
	s11 =	sadd.s32 s7, s11;
	[dreg:$0x8] =	wrdreg s23  }
0x14: {  	s21 =	sadd.s32 s6, s13;
	s13 =	sadd.s32 s7, s13;
	[dreg:$0x9] =	wrdreg s11  }
0x15: {  	s8 =	simm.s32 $0x0;
	[dreg:$0x7] =	wrdreg s13;
	s13 =	sadd.s32 $0x2602, s0  }
0x16: {  	[dreg:$0x6] =	wrdreg s21;
	s0 =	sshrl.u32 s24, $0x2;
	s10 =	sadd.s32 s10, s13  }
0x17: {  	s21 =	simm.s32 $0xB;
	s25 =	sadd.s32 s12, s13;
	[dreg:$0xa] =	wrdreg s10  }
0x18: {  	v0 =	vimm.f32 $0.0e+00;
	s19 =	sadd.s32 s0, s2;
	s0 =	simm.s32 $0x10;
	[dreg:$0xb] =	wrdreg s25  }
.LBB2_1:
0x19: {  	s9 =	simm.s32 $0x0  }
.LBB2_2:
0x1a: {  	p0 =	sne.s32 s9, $0x3180  }
.Ltmp0:
0x1b: {  	_ = 	snop;
	(pc) =	sbr.rel @p0 .LBB2_2-.Ltmp0, $4  }
0x1c: {  	_ = 	snop  }
0x1d: {  	s10 =	sshra.s32 s9, $0x2  }
0x1e: {  	[tilespmem:s10+$0x3CB8] =	vst v0  }
0x1f: {  	s9 =	sadd.s32 $0x80, s9;
	[tilespmem:s10+$0x3CC8] =	vst v0  }
0x20: {  	s9 =	sadd.s32 $0x0, s19  }
0x21: {  	[spmem:s9] =	stream.linear.scatter [tilespmem:s20], [sflag:$0xB], $0x700, $0x38;
	[tilespmem:$0x1F6B8] =	vst v63  }
0x22: {  	s9 =	simm.s32 $0x1C00;
	_ =	swait.ge [sflag:s21], $0x700  }
.LBB2_4:
0x23: {  	s10 =	sshra.s32 s9, $0x2;
	[sflag:s21] =	ssyncset.done $0x0;
	p0 =	sne.s32 s9, $0x60400  }
.Ltmp1:
0x24: {  	s10 =	sadd.s32 s10, s19;
	[sflag:s21] =	ssyncadd.s32 $0xFFFFF900;
	(pc) =	sbr.rel @p0 .LBB2_4-.Ltmp1, $3  }
0x25: {  	[spmem:s10] =	stream.linear.scatter [tilespmem:s20], [sflag:$0xB], $0x700, $0x38;
	[tilespmem:$0x1F6B8] =	vst v63  }
0x26: {  	s9 =	sadd.s32 $0x1C00, s9;
	_ =	sdelay $0x1  }
0x27: {  	_ =	swait.ge [sflag:s21], $0x700  }
0x28: {  	[sflag:s21] =	ssyncset.done $0x0  }
0x29: {  	[sflag:s21] =	ssyncadd.s32 $0xFFFFF900  }
0x2a: {  	[bflag:$0x0] =	sbarrier.arrive $0xFFFF  }
0x2b: {  	s9 =	simm.s32 $0x0;
	s10 =	rddreg [dreg:$0x4]  }
0x2c: {  	[tilespmem:s9], [sflag:$0x1] =	stream.linear.gather [hbm4b:s10+s9], $0x68, $0x38;
	[tilespmem:$0x1F6B8] =	vst v63  }
0x2d: {  	s11 =	simm.s32 $0x138;
	s17 =	rddreg [dreg:$0x5]  }
0x2e: {  	[tilespmem:s11], [sflag:$0x1] =	stream.linear.gather [hbm4b:s17+s9], $0x68, $0x38;
	[tilespmem:$0x1F6B8] =	vst v63  }
0x2f: {  	s18 =	rddreg [dreg:$0x6];
	s11 =	simm.s32 $0x68  }
0x30: {  	[tilespmem:s11], [sflag:$0x2] =	stream.linear.gather [hbm4b:s18+s9], $0x68, $0x38;
	[tilespmem:$0x1F6B8] =	vst v63  }
0x31: {  	s12 =	simm.s32 $0x1A0;
	s23 =	rddreg [dreg:$0x7]  }
0x32: {  	[tilespmem:s12], [sflag:$0x2] =	stream.linear.gather [hbm4b:s23+s9], $0x68, $0x38;
	[tilespmem:$0x1F6B8] =	vst v63  }
0x33: {  	s25 =	simm.s32 $0xD0;
	s24 =	rddreg [dreg:$0x8]  }
0x34: {  	[tilespmem:s25], [sflag:$0x3] =	stream.linear.gather [hbm4b:s24+s9], $0x68, $0x38;
	[tilespmem:$0x1F6B8] =	vst v63  }
0x35: {  	s15 =	simm.s32 $0x208;
	s14 =	rddreg [dreg:$0x9]  }
0x36: {  	[tilespmem:s15], [sflag:$0x3] =	stream.linear.gather [hbm4b:s14+s9], $0x68, $0x38;
	[tilespmem:$0x1F6B8] =	vst v63  }
0x37: {  	_ =	swait.ge [sflag:s29], $0x68  }
0x38: {  	[sflag:s29] =	ssyncset.done $0x0  }
0x39: {  	[sflag:s29] =	ssyncadd.s32 $0xFFFFFF98  }
0x3a: {  	_ =	swait.ge [sflag:s29], $0x68  }
0x3b: {  	[sflag:s29] =	ssyncset.done $0x0  }
0x3c: {  	s16 =	simm.s32 $0x478;
	[sflag:s29] =	ssyncadd.s32 $0xFFFFFF98  }
0x3d: {  	[tilespmem:s16], [sflag:$0x4] =	stream.indirect.gather [hbm4b:s1+s30], $0x20, s9, s30, $0xb8;
	[tilespmem:$0x1F6B8] =	vst v63  }
0x3e: {  	s18 =	simm.s32 $0x29F8;
	s17 =	rddreg [dreg:$0xa]  }
0x3f: {  	[tilespmem:s18], [sflag:$0x4] =	stream.strided.gather [hbm4b:s17+s0], $0x640, s22, s0, $0x38;
	[tilespmem:$0x1F6B8] =	vst v63  }
0x40: {  	_ =	swait.ge [sflag:s26], $0x68  }
0x41: {  	[sflag:s26] =	ssyncset.done $0x0  }
0x42: {  	[sflag:s26] =	ssyncadd.s32 $0xFFFFFF98  }
0x43: {  	_ =	swait.ge [sflag:s26], $0x68  }
0x44: {  	s28 =	simm.s32 $0x2A88;
	[sflag:s26] =	ssyncset.done $0x0  }
0x45: {  	s23 =	simm.s32 $0x10F8;
	s12 =	simm.s32 $0x0;
	[sflag:s26] =	ssyncadd.s32 $0xFFFFFF98  }
0x46: {  	[tilespmem:s23], [sflag:$0x5] =	stream.indirect.gather [hbm4b:s1+s30], $0x20, s11, s30, $0xb8;
	[tilespmem:$0x1F6B8] =	vst v63  }
0x47: {  	s25 =	simm.s32 $0x3038;
	s24 =	rddreg [dreg:$0xb];
	s11 =	simm.s32 $0x518  }
0x48: {  	[tilespmem:s25], [sflag:$0x5] =	stream.strided.gather [hbm4b:s24+s0], $0x640, s22, s0, $0x38;
	[tilespmem:$0x1F6B8] =	vst v63  }
.LBB2_6:
0x49: {  	p0 =	slt.u32 s12, $0x4  }
0x4a: {  	p1 =	sgt.u32 @!p0 s12, $0x1F0  }
0x4b: {  	p1 =	por p0, !p1  }
.Ltmp2:
0x4c: {  	s14 =	sand.u32 $0x3, s12;
	(pc) =	sbr.rel @!p1 .LBB2_8-.Ltmp2, $4  }
0x4d: {  	s10 =	sadd.s32 @!p0 $0x7, s14  }
0x4e: {  	_ =	swait.ge @!p0 [sflag:s10], $0xC80  }
0x4f: {  	[sflag:s10] =	ssyncset.done @!p0 $0x0  }
0x50: {  	[sflag:s10] =	ssyncadd.s32 @!p0 $0xFFFFF380  }
0x51: {  	s10 =	sadd.s32 $0x3, s12  }
0x52: {  	s15 =	smul.u32 $0xAAAB, s10;
	_ =	sdelay $0x1  }
0x53: {  	s15 =	sshrl.u32 s15, $0x11  }
0x54: {  	s15 =	smul.u32 $0x3, s15  }
0x55: {  	s16 =	sadd.s32 s5, s10  }
0x56: {  	s16 =	smul.u32 $0xD, s16;
	s15 =	ssub.s32 s10, s15;
	s10 =	sand.u32 $0x7, s10  }
0x57: {  	s15 =	sand.u32 $0xFFFF, s15;
	s10 =	smul.u32 $0x1A0, s10  }
0x58: {  	s17 =	smul.u32 $0x1A0, s15  }
.Ltmp3:
0x59: {  	s18 =	sadd.s32 s6, s16;
	(pc) =	sbr.rel .LBB2_9-.Ltmp3, $4  }
0x5a: {  	s15 =	sadd.s32 $0x1, s15;
	s10 =	sshrl.u32 s10, $0x2;
	s17 =	sshrl.u32 s17, $0x2  }
0x5b: {  	[tilespmem:s17], [sflag:s15] =	stream.linear.gather [hbm4b:s18+s4], $0x68, $0x38;
	[tilespmem:$0x1F6B8] =	vst v63  }
0x5c: {  	s16 =	sadd.s32 s7, s16;
	s10 =	sadd.s32 $0x138, s10  }
0x5d: {  	[tilespmem:s10], [sflag:s15] =	stream.linear.gather [hbm4b:s16+s4], $0x68, $0x38;
	[tilespmem:$0x1F6B8] =	vst v63  }
.LBB2_8:
0x5e: {  	p0 =	sne.s32 s12, $0x1F1  }
.Ltmp4:
0x5f: {  	_ = 	snop;
	(pc) =	sbr.rel @p0 .LBB2_10-.Ltmp4, $1  }
0x60: {  	_ =	sdelay $0x3  }
.LBB2_9:
0x61: {  	s10 =	sadd.s32 $0x2, s12  }
0x62: {  	s15 =	smul.u32 $0xAAAB, s10;
	_ =	sdelay $0x1  }
0x63: {  	s15 =	sshrl.u32 s15, $0x11  }
0x64: {  	s15 =	smul.u32 $0x3, s15;
	_ =	sdelay $0x1  }
0x65: {  	s15 =	ssub.s32 s10, s15  }
0x66: {  	s15 =	sand.u32 $0xFFFF, s15  }
0x67: {  	s10 =	sadd.s32 s5, s10;
	s16 =	sadd.s32 $0x1, s15  }
0x68: {  	s10 =	smul.u32 $0x258, s10;
	_ =	swait.ge [sflag:s16], $0x68  }
0x69: {  	s17 =	smul.u32 $0x1A0, s15;
	[sflag:s16] =	ssyncset.done $0x0  }
0x6a: {  	s18 =	smul.u32 $0x3200, s15;
	[sflag:s16] =	ssyncadd.s32 $0xFFFFFF98  }
0x6b: {  	s25 =	sor.u32 $0x4, s15;
	s15 =	smul.u32 $0x1900, s15;
	_ =	swait.ge [sflag:s16], $0x68  }
0x6c: {  	s17 =	sshrl.u32 s17, $0x2;
	s18 =	sshrl.u32 s18, $0x2;
	[sflag:s16] =	ssyncset.done $0x0  }
0x6d: {  	s15 =	sshrl.u32 s15, $0x2;
	s24 =	sadd.s32 $0x478, s18;
	[sflag:s16] =	ssyncadd.s32 $0xFFFFFF98  }
0x6e: {  	[tilespmem:s24], [sflag:s25] =	stream.indirect.gather [hbm4b:s1+s30], $0x20, s17, s30, $0xb8;
	[tilespmem:$0x1F6B8] =	vst v63  }
0x6f: {  	s10 =	sadd.s32 s10, s13;
	s15 =	sadd.s32 $0x29F8, s15  }
0x70: {  	[tilespmem:s15], [sflag:s25] =	stream.strided.gather [hbm4b:s10+s0], $0x640, s22, s0, $0x38;
	[tilespmem:$0x1F6B8] =	vst v63  }
.LBB2_10:
0x71: {  	s10 =	smul.u32 $0xAAAB, s12;
	_ =	sdelay $0x1  }
0x72: {  	s15 =	smulhi.u32 $0xAAAAAAAB, s12;
	s10 =	sshrl.u32 s10, $0x11  }
0x73: {  	s10 =	smul.u32 $0x3, s10;
	_ =	sdelay $0x1  }
0x74: {  	s15 =	sshrl.u32 s15, $0x1;
	s10 =	ssub.s32 s12, s10  }
0x75: {  	s16 =	smul.u32 $0xFFFFB500, s15;
	s10 =	sand.u32 $0xFFFF, s10  }
0x76: {  	s10 =	sadd.s32 $0x4, s10  }
0x77: {  	s16 =	sshra.s32 s16, $0x2;
	_ =	swait.ge [sflag:s10], $0xC80  }
0x78: {  	v1 =	vmov s16;
	[sflag:s10] =	ssyncset.done $0x0  }
0x79: {  	[sflag:s10] =	ssyncadd.s32 $0xFFFFF380  }
0x7a: {  	s15 =	smul.u32 $0xFFFF6A00, s15;
	_ =	swait.ge [sflag:s10], $0x640  }
0x7b: {  	[sflag:s10] =	ssyncset.done $0x0  }
0x7c: {  	s15 =	sshra.s32 s15, $0x2;
	[sflag:s10] =	ssyncadd.s32 $0xFFFFF9C0  }
0x7d: {  	s23 =	sadd.s32 s15, s11;
	v2 =	vld.idx.msk [tilespmem:v1+s28+$0xFFFFFF70 ss:$0x1], $0xffff  }
0x7e: {  	v3 =	vld [tilespmem:s23+$0xFFFFFF60]  }
0x7f: {  	v4 =	vld [tilespmem:s23+$0xFFFFFF70];
	_ =	sdelay $0x1  }
0x80: {  	s24 =	sand.u32 $0x3, s9  }
0x81: {  	s10 =	smul.u32 $0x3200, s24;
	v5 =	vshll.u32 v2, $0x10  }
0x82: {  	v2 =	vand.u32 $0xFFFF0000, v2;
	v3 =	vadd.f32 v5, v3  }
0x83: {  	s10 =	sshrl.u32 s10, $0x2;
	v2 =	vadd.f32 v2, v4  }
0x84: {  	s15 =	sadd.s32 $0x3D58, s10;
	v3 =	vmax.f32 v3, $0.0e+00  }
0x85: {  	v2 =	vmax.f32 v2, $0.0e+00;
	[tilespmem:s15+$0xFFFFFF60] =	vst v3  }
0x86: {  	[tilespmem:s15+$0xFFFFFF70] =	vst v2  }
0x87: {  	v2 =	vld.idx.msk [tilespmem:v1+s28+$0xFFFFFF80 ss:$0x1], $0xffff  }
0x88: {  	v3 =	vld [tilespmem:s23+$0xFFFFFF80]  }
0x89: {  	v48 =	vld [tilespmem:s23+$0xFFFFFF90];
	_ =	sdelay $0x2  }
0x8a: {  	v49 =	vshll.u32 v2, $0x10  }
0x8b: {  	v2 =	vand.u32 $0xFFFF0000, v2;
	v3 =	vadd.f32 v49, v3  }
0x8c: {  	v2 =	vadd.f32 v2, v48  }
0x8d: {  	v3 =	vmax.f32 v3, $0.0e+00  }
0x8e: {  	v2 =	vmax.f32 v2, $0.0e+00;
	[tilespmem:s15+$0xFFFFFF80] =	vst v3  }
0x8f: {  	[tilespmem:s15+$0xFFFFFF90] =	vst v2  }
0x90: {  	v2 =	vld.idx.msk [tilespmem:v1+s28+$0xFFFFFF90 ss:$0x1], $0xffff  }
0x91: {  	v3 =	vld [tilespmem:s23+$0xFFFFFFA0]  }
0x92: {  	v50 =	vld [tilespmem:s23+$0xFFFFFFB0];
	_ =	sdelay $0x2  }
0x93: {  	v51 =	vshll.u32 v2, $0x10  }
0x94: {  	v2 =	vand.u32 $0xFFFF0000, v2;
	v3 =	vadd.f32 v51, v3  }
0x95: {  	v2 =	vadd.f32 v2, v50  }
0x96: {  	v3 =	vmax.f32 v3, $0.0e+00  }
0x97: {  	v2 =	vmax.f32 v2, $0.0e+00;
	[tilespmem:s15+$0xFFFFFFA0] =	vst v3  }
0x98: {  	[tilespmem:s15+$0xFFFFFFB0] =	vst v2  }
0x99: {  	v2 =	vld.idx.msk [tilespmem:v1+s28+$0xFFFFFFA0 ss:$0x1], $0xffff  }
0x9a: {  	v3 =	vld [tilespmem:s23+$0xFFFFFFC0]  }
0x9b: {  	v52 =	vld [tilespmem:s23+$0xFFFFFFD0];
	_ =	sdelay $0x2  }
0x9c: {  	v53 =	vshll.u32 v2, $0x10  }
0x9d: {  	v2 =	vand.u32 $0xFFFF0000, v2;
	v3 =	vadd.f32 v53, v3  }
0x9e: {  	v2 =	vadd.f32 v2, v52  }
0x9f: {  	v3 =	vmax.f32 v3, $0.0e+00  }
0xa0: {  	v2 =	vmax.f32 v2, $0.0e+00;
	[tilespmem:s15+$0xFFFFFFC0] =	vst v3  }
0xa1: {  	[tilespmem:s15+$0xFFFFFFD0] =	vst v2  }
0xa2: {  	v2 =	vld.idx.msk [tilespmem:v1+s28+$0xFFFFFFB0 ss:$0x1], $0xffff  }
0xa3: {  	v3 =	vld [tilespmem:s23+$0xFFFFFFE0]  }
0xa4: {  	v54 =	vld [tilespmem:s23+$0xFFFFFFF0];
	_ =	sdelay $0x2  }
0xa5: {  	v55 =	vshll.u32 v2, $0x10  }
0xa6: {  	v2 =	vand.u32 $0xFFFF0000, v2;
	v3 =	vadd.f32 v55, v3  }
0xa7: {  	v2 =	vadd.f32 v2, v54  }
0xa8: {  	v3 =	vmax.f32 v3, $0.0e+00  }
0xa9: {  	v2 =	vmax.f32 v2, $0.0e+00;
	[tilespmem:s15+$0xFFFFFFE0] =	vst v3  }
0xaa: {  	[tilespmem:s15+$0xFFFFFFF0] =	vst v2  }
0xab: {  	v2 =	vld.idx.msk [tilespmem:v1+s28+$0xFFFFFFC0 ss:$0x1], $0xffff  }
0xac: {  	v3 =	vld [tilespmem:s23+$0x0]  }
0xad: {  	v56 =	vld [tilespmem:s23+$0x10];
	_ =	sdelay $0x2  }
0xae: {  	v57 =	vshll.u32 v2, $0x10  }
0xaf: {  	v2 =	vand.u32 $0xFFFF0000, v2;
	v3 =	vadd.f32 v57, v3  }
0xb0: {  	v2 =	vadd.f32 v2, v56  }
0xb1: {  	v3 =	vmax.f32 v3, $0.0e+00  }
0xb2: {  	v2 =	vmax.f32 v2, $0.0e+00;
	[tilespmem:s15+$0x0] =	vst v3  }
0xb3: {  	[tilespmem:s15+$0x10] =	vst v2  }
0xb4: {  	v2 =	vld.idx.msk [tilespmem:v1+s28+$0xFFFFFFD0 ss:$0x1], $0xffff  }
0xb5: {  	v3 =	vld [tilespmem:s23+$0x20]  }
0xb6: {  	v58 =	vld [tilespmem:s23+$0x30];
	_ =	sdelay $0x2  }
0xb7: {  	v59 =	vshll.u32 v2, $0x10  }
0xb8: {  	v2 =	vand.u32 $0xFFFF0000, v2;
	v3 =	vadd.f32 v59, v3  }
0xb9: {  	v2 =	vadd.f32 v2, v58  }
0xba: {  	v3 =	vmax.f32 v3, $0.0e+00  }
0xbb: {  	v2 =	vmax.f32 v2, $0.0e+00;
	[tilespmem:s15+$0x20] =	vst v3  }
0xbc: {  	[tilespmem:s15+$0x30] =	vst v2  }
0xbd: {  	v2 =	vld.idx.msk [tilespmem:v1+s28+$0xFFFFFFE0 ss:$0x1], $0xffff  }
0xbe: {  	v3 =	vld [tilespmem:s23+$0x40]  }
0xbf: {  	v60 =	vld [tilespmem:s23+$0x50];
	_ =	sdelay $0x2  }
0xc0: {  	v61 =	vshll.u32 v2, $0x10  }
0xc1: {  	v2 =	vand.u32 $0xFFFF0000, v2;
	v3 =	vadd.f32 v61, v3  }
0xc2: {  	v2 =	vadd.f32 v2, v60  }
0xc3: {  	v3 =	vmax.f32 v3, $0.0e+00  }
0xc4: {  	v2 =	vmax.f32 v2, $0.0e+00;
	[tilespmem:s15+$0x40] =	vst v3  }
0xc5: {  	[tilespmem:s15+$0x50] =	vst v2  }
0xc6: {  	v2 =	vld.idx.msk [tilespmem:v1+s28+$0xFFFFFFF0 ss:$0x1], $0xffff  }
0xc7: {  	v3 =	vld [tilespmem:s23+$0x60]  }
0xc8: {  	v62 =	vld [tilespmem:s23+$0x70];
	_ =	sdelay $0x2  }
0xc9: {  	v63 =	vshll.u32 v2, $0x10  }
0xca: {  	s25 =	smul.u32 $0x3200, s14;
	v2 =	vand.u32 $0xFFFF0000, v2;
	v3 =	vadd.f32 v63, v3  }
0xcb: {  	s17 =	simm.s32 $0x0;
	v2 =	vadd.f32 v2, v62  }
0xcc: {  	s18 =	smov.u32 s23;
	s24 =	smov.u32 s28;
	s10 =	sshrl.u32 s25, $0x2;
	v3 =	vmax.f32 v3, $0.0e+00  }
0xcd: {  	s16 =	sadd.s32 $0x3CB8, s10;
	s25 =	sadd.s32 $0x140, s15;
	s10 =	smov.u32 s28;
	v2 =	vmax.f32 v2, $0.0e+00;
	[tilespmem:s15+$0x60] =	vst v3  }
.LBB2_11:
0xce: {  	s17 =	sadd.s32 $0xA, s17;
	[tilespmem:s15+$0x70] =	vst v2;
	s24 =	sadd.s32 $0xA0, s24;
	s23 =	sadd.s32 $0x140, s23  }
0xcf: {  	p0 =	slt.u32 s17, $0x5A;
	v2 =	vld.idx.msk [tilespmem:v1+s10+$0x0 ss:$0x1], $0xffff;
	s10 =	smov.u32 s24  }
0xd0: {  	v3 =	vld [tilespmem:s18+$0x80]  }
0xd1: {  	v4 =	vld [tilespmem:s18+$0x90];
	s18 =	smov.u32 s23;
	_ =	sdelay $0x3  }
0xd2: {  	v5 =	vshll.u32 v2, $0x10;
	v2 =	vand.u32 $0xFFFF0000, v2  }
0xd3: {  	v3 =	vadd.f32 v5, v3;
	v2 =	vadd.f32 v2, v4;
	_ =	sdelay $0x1  }
0xd4: {  	v3 =	vmax.f32 v3, $0.0e+00;
	v2 =	vmax.f32 v2, $0.0e+00  }
0xd5: {  	[tilespmem:s15+$0x80] =	vst v3  }
0xd6: {  	[tilespmem:s15+$0x90] =	vst v2;
	s15 =	smov.u32 s25  }
0xd7: {  	v2 =	vld.idx.msk [tilespmem:v1+s24+$0xFFFFFF70 ss:$0x1], $0xffff  }
0xd8: {  	v3 =	vld [tilespmem:s23+$0xFFFFFF60]  }
0xd9: {  	v4 =	vld [tilespmem:s23+$0xFFFFFF70];
	_ =	sdelay $0x3  }
0xda: {  	v5 =	vshll.u32 v2, $0x10;
	v2 =	vand.u32 $0xFFFF0000, v2  }
0xdb: {  	v3 =	vadd.f32 v5, v3;
	v2 =	vadd.f32 v2, v4;
	_ =	sdelay $0x1  }
0xdc: {  	v3 =	vmax.f32 v3, $0.0e+00;
	v2 =	vmax.f32 v2, $0.0e+00  }
0xdd: {  	[tilespmem:s25+$0xFFFFFF60] =	vst v3  }
0xde: {  	[tilespmem:s25+$0xFFFFFF70] =	vst v2  }
0xdf: {  	v2 =	vld.idx.msk [tilespmem:v1+s24+$0xFFFFFF80 ss:$0x1], $0xffff  }
0xe0: {  	v3 =	vld [tilespmem:s23+$0xFFFFFF90]  }
0xe1: {  	v4 =	vld [tilespmem:s23+$0xFFFFFF80];
	_ =	sdelay $0x3  }
0xe2: {  	v5 =	vshll.u32 v2, $0x10;
	v2 =	vand.u32 $0xFFFF0000, v2  }
0xe3: {  	v2 =	vadd.f32 v2, v3;
	v4 =	vadd.f32 v5, v4;
	_ =	sdelay $0x1  }
0xe4: {  	v2 =	vmax.f32 v2, $0.0e+00;
	v3 =	vmax.f32 v4, $0.0e+00  }
0xe5: {  	[tilespmem:s25+$0xFFFFFF80] =	vst v3  }
0xe6: {  	[tilespmem:s25+$0xFFFFFF90] =	vst v2  }
0xe7: {  	v2 =	vld.idx.msk [tilespmem:v1+s24+$0xFFFFFF90 ss:$0x1], $0xffff  }
0xe8: {  	v3 =	vld [tilespmem:s23+$0xFFFFFFB0]  }
0xe9: {  	v4 =	vld [tilespmem:s23+$0xFFFFFFA0];
	_ =	sdelay $0x3  }
0xea: {  	v5 =	vshll.u32 v2, $0x10;
	v2 =	vand.u32 $0xFFFF0000, v2  }
0xeb: {  	v2 =	vadd.f32 v2, v3;
	v4 =	vadd.f32 v5, v4;
	_ =	sdelay $0x1  }
0xec: {  	v2 =	vmax.f32 v2, $0.0e+00;
	v3 =	vmax.f32 v4, $0.0e+00  }
0xed: {  	[tilespmem:s25+$0xFFFFFFA0] =	vst v3  }
0xee: {  	[tilespmem:s25+$0xFFFFFFB0] =	vst v2  }
0xef: {  	v2 =	vld.idx.msk [tilespmem:v1+s24+$0xFFFFFFA0 ss:$0x1], $0xffff  }
0xf0: {  	v3 =	vld [tilespmem:s23+$0xFFFFFFC0]  }
0xf1: {  	v4 =	vld [tilespmem:s23+$0xFFFFFFD0];
	_ =	sdelay $0x3  }
0xf2: {  	v5 =	vshll.u32 v2, $0x10;
	v2 =	vand.u32 $0xFFFF0000, v2  }
0xf3: {  	v3 =	vadd.f32 v5, v3;
	v2 =	vadd.f32 v2, v4;
	_ =	sdelay $0x1  }
0xf4: {  	v3 =	vmax.f32 v3, $0.0e+00;
	v2 =	vmax.f32 v2, $0.0e+00  }
0xf5: {  	[tilespmem:s25+$0xFFFFFFC0] =	vst v3  }
0xf6: {  	[tilespmem:s25+$0xFFFFFFD0] =	vst v2  }
0xf7: {  	v2 =	vld.idx.msk [tilespmem:v1+s24+$0xFFFFFFB0 ss:$0x1], $0xffff  }
0xf8: {  	v3 =	vld [tilespmem:s23+$0xFFFFFFF0]  }
0xf9: {  	v4 =	vld [tilespmem:s23+$0xFFFFFFE0];
	_ =	sdelay $0x3  }
0xfa: {  	v5 =	vshll.u32 v2, $0x10;
	v2 =	vand.u32 $0xFFFF0000, v2  }
0xfb: {  	v2 =	vadd.f32 v2, v3;
	v4 =	vadd.f32 v5, v4;
	_ =	sdelay $0x1  }
0xfc: {  	v2 =	vmax.f32 v2, $0.0e+00;
	v3 =	vmax.f32 v4, $0.0e+00  }
0xfd: {  	[tilespmem:s25+$0xFFFFFFE0] =	vst v3  }
0xfe: {  	[tilespmem:s25+$0xFFFFFFF0] =	vst v2  }
0xff: {  	v2 =	vld.idx.msk [tilespmem:v1+s24+$0xFFFFFFC0 ss:$0x1], $0xffff  }
0x100: {  	v3 =	vld [tilespmem:s23+$0x10]  }
0x101: {  	v4 =	vld [tilespmem:s23+$0x0];
	_ =	sdelay $0x3  }
0x102: {  	v5 =	vshll.u32 v2, $0x10;
	v2 =	vand.u32 $0xFFFF0000, v2  }
0x103: {  	v2 =	vadd.f32 v2, v3;
	v4 =	vadd.f32 v5, v4;
	_ =	sdelay $0x1  }
0x104: {  	v2 =	vmax.f32 v2, $0.0e+00;
	v3 =	vmax.f32 v4, $0.0e+00  }
0x105: {  	[tilespmem:s25+$0x0] =	vst v3  }
0x106: {  	[tilespmem:s25+$0x10] =	vst v2  }
0x107: {  	v2 =	vld.idx.msk [tilespmem:v1+s24+$0xFFFFFFD0 ss:$0x1], $0xffff  }
0x108: {  	v3 =	vld [tilespmem:s23+$0x20]  }
0x109: {  	v4 =	vld [tilespmem:s23+$0x30];
	_ =	sdelay $0x3  }
0x10a: {  	v5 =	vshll.u32 v2, $0x10;
	v2 =	vand.u32 $0xFFFF0000, v2  }
0x10b: {  	v3 =	vadd.f32 v5, v3;
	v2 =	vadd.f32 v2, v4;
	_ =	sdelay $0x1  }
0x10c: {  	v3 =	vmax.f32 v3, $0.0e+00;
	v2 =	vmax.f32 v2, $0.0e+00  }
0x10d: {  	[tilespmem:s25+$0x20] =	vst v3  }
0x10e: {  	[tilespmem:s25+$0x30] =	vst v2  }
0x10f: {  	v2 =	vld.idx.msk [tilespmem:v1+s24+$0xFFFFFFE0 ss:$0x1], $0xffff  }
0x110: {  	v3 =	vld [tilespmem:s23+$0x50]  }
0x111: {  	v4 =	vld [tilespmem:s23+$0x40];
	_ =	sdelay $0x3  }
0x112: {  	v5 =	vshll.u32 v2, $0x10;
	v2 =	vand.u32 $0xFFFF0000, v2  }
0x113: {  	v2 =	vadd.f32 v2, v3;
	v4 =	vadd.f32 v5, v4;
	_ =	sdelay $0x1  }
0x114: {  	v2 =	vmax.f32 v2, $0.0e+00;
	v3 =	vmax.f32 v4, $0.0e+00  }
0x115: {  	[tilespmem:s25+$0x40] =	vst v3  }
0x116: {  	[tilespmem:s25+$0x50] =	vst v2  }
0x117: {  	v2 =	vld.idx.msk [tilespmem:v1+s24+$0xFFFFFFF0 ss:$0x1], $0xffff  }
0x118: {  	v3 =	vld [tilespmem:s23+$0x70]  }
0x119: {  	v4 =	vld [tilespmem:s23+$0x60];
	_ =	sdelay $0x3  }
.Ltmp5:
0x11a: {  	v5 =	vshll.u32 v2, $0x10;
	v2 =	vand.u32 $0xFFFF0000, v2;
	(pc) =	sbr.rel @p0 .LBB2_11-.Ltmp5, $3  }
0x11b: {  	v2 =	vadd.f32 v2, v3;
	v4 =	vadd.f32 v5, v4;
	_ =	sdelay $0x1  }
0x11c: {  	v2 =	vmax.f32 v2, $0.0e+00;
	v3 =	vmax.f32 v4, $0.0e+00  }
0x11d: {  	s25 =	sadd.s32 $0x140, s25;
	[tilespmem:s15+$0x60] =	vst v3  }
0x11e: {  	_ =	sdelay $0x2  }
0x11f: {  	[tilespmem:s15+$0x70] =	vst v2  }
0x120: {  	v1 =	vld.idx.msk [tilespmem:v1+s10+$0x0 ss:$0x1], $0xffff  }
0x121: {  	v2 =	vld [tilespmem:s18+$0x80]  }
0x122: {  	v3 =	vld [tilespmem:s18+$0x90];
	_ =	sdelay $0x2  }
0x123: {  	s25 =	sand.u32 $0x7, s12;
	s12 =	sadd.s32 $0x1, s12;
	v4 =	vshll.u32 v1, $0x10  }
0x124: {  	s10 =	smul.u32 $0x1A0, s25;
	p0 =	sne.s32 s12, $0x1F4;
	v1 =	vand.u32 $0xFFFF0000, v1;
	v2 =	vadd.f32 v4, v2  }
.Ltmp6:
0x125: {  	v1 =	vadd.f32 v1, v3;
	(pc) =	sbr.rel @p0 .LBB2_6-.Ltmp6, $4  }
0x126: {  	v2 =	vmax.f32 v2, $0.0e+00  }
0x127: {  	s14 =	sadd.s32 $0x7, s14;
	s28 =	sadd.s32 $0x640, s28;
	s10 =	sshrl.u32 s10, $0x2;
	v1 =	vmax.f32 v1, $0.0e+00;
	[tilespmem:s15+$0x80] =	vst v2  }
0x128: {  	s11 =	sadd.s32 $0xC80, s11;
	s9 =	sadd.s32 $0x1, s9;
	s10 =	sadd.s32 $0x138, s10;
	[tilespmem:s15+$0x90] =	vst v1  }
0x129: {  	[spmem:s2] =	stream.indirect.scatter.add.f32 [tilespmem:s16], [sflag:s14], $0x20, s10, s30, $0xb8;
	[tilespmem:$0x1F6B8] =	vst v63  }
0x12a: {  	s9 =	simm.s32 $0x7  }
0x12b: {  	_ =	swait.ge [sflag:s9], $0xC80  }
0x12c: {  	[sflag:s9] =	ssyncset.done $0x0  }
0x12d: {  	s24 =	simm.s32 $0x8;
	[sflag:s9] =	ssyncadd.s32 $0xFFFFF380  }
0x12e: {  	_ =	swait.ge [sflag:s24], $0xC80  }
0x12f: {  	[sflag:s24] =	ssyncset.done $0x0  }
0x130: {  	[sflag:s24] =	ssyncadd.s32 $0xFFFFF380  }
0x131: {  	_ =	swait.ge [sflag:s31], $0xC80  }
0x132: {  	[sflag:s31] =	ssyncset.done $0x0  }
0x133: {  	[sflag:s31] =	ssyncadd.s32 $0xFFFFF380  }
0x134: {  	_ =	swait.ge [sflag:s3], $0xC80  }
0x135: {  	[sflag:s3] =	ssyncset.done $0x0  }
0x136: {  	[sflag:s3] =	ssyncadd.s32 $0xFFFFF380  }
0x137: {  	s25 =	stileid.u32;
	[bflag:$0x0] =	sbarrier.arrive $0xFFFF  }
0x138: {  	s9 =	sshll.u32 s25, $0x6;
	s10 =	rddreg [dreg:$0xc]  }
0x139: {  	s9 =	sor.u32 $0x1C0B, s9;
	s11 =	rddreg [dreg:$0xe]  }
0x13a: {  	[hbm:s10], [sflag:s9] =	dma.local [spmem:s11], $0x3100  }
0x13b: {  	_ =	swait.ge [sflag:s21], $0x3100  }
0x13c: {  	s8 =	sadd.s32 $0x1, s8;
	s28 =	rddreg [dreg:$0xd]  }
0x13d: {  	p0 =	sne.s32 s8, s28  }
.Ltmp7:
0x13e: {  	_ = 	snop;
	(pc) =	sbr.rel @p0 .LBB2_1-.Ltmp7, $3  }
0x13f: {  	_ =	sdelay $0x1  }
0x140: {  	[sflag:s21] =	ssyncset.done $0x0  }
0x141: {  	[sflag:s21] =	ssyncadd.s32 $0xFFFFCF00  }
0x142: {  	_ =	sfence.sel $0x180000  }
0x143: {  	[bflag:$0x0] =	sbarrier.arrive $0xFFFF  }
0x144: {  	_ =	strace $0x9000004D  }
0x145: {  	s0 =	stileid.u32;
	[bflag:$0x2] =	sbarrier.arrive $0xFFFF  }
0x146: {  	p0 =	sne.s32 s0, $0x0;
	s0 =	rddreg [dreg:$0x3]  }
0x147: {  	s0 =	sadd.s32 @!p0 $0x100000, s0  }
0x148: {  	[sflag:s0] =	ssyncadd.tile.s32 @!p0 $0x1;
	_ =	shalt  }
.Lfunc_end2:
_tile_overlayer_lowered:
.L_overlay_start_2:
0x149: {  	(tag) =	ssettag $0x2  }
0x14a: {  	s0 =	rddreg [dreg:$0x0];
	s2 =	stileid.u32  }
0x14b: {  	s1 =	rddreg [dreg:$0x1];
	p0 =	sne.s32 s2, $0x0  }
0x14c: {  	s3 =	rddreg [dreg:$0x2];
	[bflag:$0x3] =	sbarrier.arrive $0xFFFF;
	s2 =	simm.s32 @!p0 $0x1C0B  }
0x14d: {  	[timem:s3], [sflag:s2] =	dma.local @!p0 [hbm:s0], s1  }
0x14e: {  	s0 =	simm.s32 @!p0 $0xB  }
0x14f: {  	_ =	swait.ge @!p0 [sflag:s0], s1  }
0x150: {  	s1 =	ssub.s32 @!p0 $0x0, s1;
	[sflag:s0] =	ssyncset.done @!p0 $0x0  }
0x151: {  	[sflag:s0] =	ssyncadd.s32 @!p0 s1  }
0x152: {  	[bflag:$0x3] =	sbarrier.arrive $0xFFFF  }
0x153: {  	_ =	shalt  }

// kernel: kernel.20.cloned.1.call-start
scs
__scs_entry_jumppad:
0x0: {  	(pc) =	sbr.rel $0x88, $3  }
0x1: {  	(tag) =	ssettag $0x0;
	lr =	simm.s32 $0x1  }
0x2: {  	[smem:$0x3F92] =	sst lr;
	_ =	strace $0xD0000000  }
0x3: {  	_ = 	snop  }
0x4: {  	_ = 	snop  }
0x5: {  	_ = 	snop  }
0x6: {  	_ = 	snop  }
0x7: {  	_ = 	snop  }
__scs_overlays_trampoline_lowered:
0x8: {  	[smem:$0x3FA1] =	sst s0  }
0x9: {  	[smem:$0x3FA2] =	sst s1  }
0xa: {  	[smem:$0x3FA3] =	sst s2  }
0xb: {  	[smem:$0x3FA4] =	sst s3  }
0xc: {  	[smem:$0x3FA5] =	sst s4  }
0xd: {  	[smem:$0x3FA6] =	sst s5  }
0xe: {  	[smem:$0x3FA7] =	sst s6  }
0xf: {  	[smem:$0x3FA8] =	sst s7  }
0x10: {  	[smem:$0x3FA9] =	sst s8  }
0x11: {  	[smem:$0x3FAA] =	sst s9;
	s0 =	simm.s32 @!p0 $0x0  }
0x12: {  	s1 =	sld [smem:$0x3F90];
	s0 =	simm.s32 @p0 $0x1  }
0x13: {  	[smem:$0x3FAB] =	sst s0;
	s0 =	simm.s32 @!p1 $0x0  }
0x14: {  	s2 =	sld [smem:$0x3F8F];
	s0 =	simm.s32 @p1 $0x1  }
0x15: {  	[smem:$0x3FAC] =	sst s0;
	s0 =	simm.s32 @!p2 $0x0  }
0x16: {  	s3 =	sld [smem:$0x3FDB];
	s0 =	simm.s32 @p2 $0x1  }
0x17: {  	s4 =	simm.s32 $0x1BF5;
	[smem:$0x3FAE] =	sst s0  }
0x18: {  	s0 =	sld [smem:$0x3F91];
	_ =	swait.ge [sflag:s4], $0x0  }
0x19: {  	s7 =	sld [smem:$0x3F92]  }
0x1a: {  	s8 =	sadd.s32 $0xFFFFE003, lr  }
0x1b: {  	s9 =	sadd.s32 $0xFFFFFEF7, lr;
	s5 =	simm.s32 $0xFFFFFFFF;
	p2 =	slt.u32 s8, $0xFFFFF086  }
0x1c: {  	p1 =	slt.u32 s9, $0xF7A;
	s5 =	simm.s32 @!p2 $0x0  }
0x1d: {  	s5 =	simm.s32 @p1 $0x1;
	p0 =	seq.s32 s7, s2  }
0x1e: {  	s7 =	smul.u32 @!p0 $0xF7A, s2;
	p2 =	seq.s32 @!p0 s5, $0x0  }
0x1f: {  	s9 =	smul.u32 $0xF7A, s1;
	s8 =	simm.s32 @!p0 $0x1BF5;
	p2 =	por !p2, p0  }
0x20: {  	[sflag:s8] =	ssyncset.s32 @!p0 $0xFFFFF086;
	s6 =	sadd.s32 @!p0 s3, s7;
	s7 =	simm.s32 @!p0 $0x108  }
0x21: {  	s3 =	sadd.s32 s3, s9;
	s6 =	sadd.s32 @!p0 $0x88, s6;
	s7 =	simm.s32 @p2 $0x1082  }
0x22: {  	[simem:s7], [sflag:s8] =	dma.local @!p0 [hbm:s6], $0xF7A  }
0x23: {  	s9 =	sor.u32 $0xD0000000, s2;
	s6 =	simm.s32 $0x108;
	_ =	swait.ge @!p0 [sflag:s8], $0x0  }
0x24: {  	s3 =	sadd.s32 $0x88, s3;
	s6 =	simm.s32 @!p1 $0x1082;
	[sflag:s4] =	ssyncset.s32 $0xFFFFF086  }
0x25: {  	[simem:s6], [sflag:s4] =	dma.local [hbm:s3], $0xF7A  }
0x26: {  	[smem:$0x3F92] =	sst s1;
	(tag) =	ssettag s2;
	_ =	strace s9  }
0x27: {  	s1 =	sld [smem:$0x3FA2]  }
0x28: {  	s2 =	sld [smem:$0x3FA3]  }
0x29: {  	s4 =	sld [smem:$0x3FA5]  }
0x2a: {  	p0 =	seq.s32 s5, $0x0;
	s5 =	sld [smem:$0x3FA6]  }
0x2b: {  	s6 =	sld [smem:$0x3FA7]  }
0x2c: {  	s7 =	sld [smem:$0x3FA8]  }
0x2d: {  	s3 =	simm.s32 $0x108;
	s8 =	sld [smem:$0x3FA9]  }
0x2e: {  	s3 =	simm.s32 @!p0 $0x1082;
	s9 =	sld [smem:$0x3FAA]  }
0x2f: {  	lr =	sadd.s32 s0, s3;
	s0 =	sld [smem:$0x3FA1]  }
0x30: {  	s3 =	sld [smem:$0x3FA4]  }
0x31: {  	[smem:$0x3FAD] =	sst s10  }
0x32: {  	s10 =	sld [smem:$0x3FAB];
	_ =	sdelay $0x3  }
0x33: {  	p0 =	seq.s32 s10, $0x1;
	s10 =	sld [smem:$0x3FAD];
	_ =	sdelay $0x3  }
0x34: {  	[smem:$0x3FAD] =	sst s10  }
0x35: {  	s10 =	sld [smem:$0x3FAC];
	_ =	sdelay $0x3  }
0x36: {  	p1 =	seq.s32 s10, $0x1;
	s10 =	sld [smem:$0x3FAD];
	_ =	sdelay $0x3  }
0x37: {  	[smem:$0x3FAD] =	sst s10  }
0x38: {  	s10 =	sld [smem:$0x3FAE]  }
0x39: {  	_ = 	snop;
	(pc) =	sbr.ind lr, $3  }
0x3a: {  	_ = 	snop  }
0x3b: {  	_ = 	snop  }
0x3c: {  	p2 =	seq.s32 s10, $0x1;
	s10 =	sld [smem:$0x3FAD]  }
0x3d: {  	_ =	shalt  }
0x3e: {  	_ =	shalt  }
0x3f: {  	_ =	shalt  }
0x40: {  	_ =	shalt  }
0x41: {  	_ =	shalt  }
0x42: {  	_ =	shalt  }
0x43: {  	_ =	shalt  }
0x44: {  	_ =	shalt  }
0x45: {  	_ =	shalt  }
0x46: {  	_ =	shalt  }
0x47: {  	_ =	shalt  }
0x48: {  	_ =	shalt  }
0x49: {  	_ =	shalt  }
0x4a: {  	_ =	shalt  }
0x4b: {  	_ =	shalt  }
0x4c: {  	_ =	shalt  }
0x4d: {  	_ =	shalt  }
0x4e: {  	_ =	shalt  }
0x4f: {  	_ =	shalt  }
0x50: {  	_ =	shalt  }
0x51: {  	_ =	shalt  }
0x52: {  	_ =	shalt  }
0x53: {  	_ =	shalt  }
0x54: {  	_ =	shalt  }
0x55: {  	_ =	shalt  }
0x56: {  	_ =	shalt  }
0x57: {  	_ =	shalt  }
0x58: {  	_ =	shalt  }
0x59: {  	_ =	shalt  }
0x5a: {  	_ =	shalt  }
0x5b: {  	_ =	shalt  }
0x5c: {  	_ =	shalt  }
0x5d: {  	_ =	shalt  }
0x5e: {  	_ =	shalt  }
0x5f: {  	_ =	shalt  }
0x60: {  	_ =	shalt  }
0x61: {  	_ =	shalt  }
0x62: {  	_ =	shalt  }
0x63: {  	_ =	shalt  }
0x64: {  	_ =	shalt  }
0x65: {  	_ =	shalt  }
0x66: {  	_ =	shalt  }
0x67: {  	_ =	shalt  }
0x68: {  	_ =	shalt  }
0x69: {  	_ =	shalt  }
0x6a: {  	_ =	shalt  }
0x6b: {  	_ =	shalt  }
0x6c: {  	_ =	shalt  }
0x6d: {  	_ =	shalt  }
0x6e: {  	_ =	shalt  }
0x6f: {  	_ =	shalt  }
0x70: {  	_ =	shalt  }
0x71: {  	_ =	shalt  }
0x72: {  	_ =	shalt  }
0x73: {  	_ =	shalt  }
0x74: {  	_ =	shalt  }
0x75: {  	_ =	shalt  }
0x76: {  	_ =	shalt  }
0x77: {  	_ =	shalt  }
0x78: {  	_ =	shalt  }
0x79: {  	_ =	shalt  }
0x7a: {  	_ =	shalt  }
0x7b: {  	_ =	shalt  }
0x7c: {  	_ =	shalt  }
0x7d: {  	_ =	shalt  }
0x7e: {  	_ =	shalt  }
0x7f: {  	_ =	shalt  }
0x80: {  	_ =	shalt  }
0x81: {  	_ =	shalt  }
0x82: {  	_ =	shalt  }
0x83: {  	_ =	shalt  }
0x84: {  	_ =	shalt  }
0x85: {  	_ =	shalt  }
0x86: {  	_ =	shalt  }
0x87: {  	_ =	shalt  }
.Lfunc_end0:
.L_simem_size_0:
called_computation.3_lowered:
.L_overlay_start_0:
0x88: {  	s2 =	sld [smem:$0x3FD9]  }
0x89: {  	s3 =	sld [smem:$0x3FFE];
	_ =	sdelay $0x1  }
0x8a: {  	s1 =	srdreg.scid  }
0x8b: {  	s0 =	sand.u32 $0x1, s1  }
0x8c: {  	s17 =	sshll.u32 s0, $0xA;
	s2 =	sadd.s32 s3, s2  }
0x8d: {  	s2 =	sadd.s32 s2, s17  }
0x8e: {  	[smem:$0x3FB9] =	sst s2  }
0x8f: {  	_ = 	snop  }
0x90: {  	s2 =	sld [smem:$0x3FD0];
	(tm) =	ssettm $0x1  }
0x91: {  	s18 =	sld [smem:$0x3FFB];
	_ =	sdelay $0x3  }
0x92: {  	_ =	strace s18  }
0x93: {  	s3 =	sld [smem:$0x3FFC];
	_ =	sdelay $0x3  }
0x94: {  	_ =	strace s3  }
0x95: {  	s3 =	sld [smem:$0x3FFD];
	_ =	sdelay $0x3  }
0x96: {  	_ =	strace s3  }
0x97: {  	_ =	strace $0x8FFFFFFF  }
0x98: {  	s19 =	sld [smem:$0x3FDB];
	_ =	sdelay $0x1  }
0x99: {  	s4 =	simm.s32 $_scs_section_size  }
0x9a: {  	s5 =	simm.s32 $_size__tile_overlayer_lowered;
	s6 =	simm.s32 $_tile_overlayer_lowered  }
0x9b: {  	s22 =	simm.s32 $0x1BFF;
	s21 =	sshll.u32 s6, $0x1;
	s3 =	sadd.s32 s4, s19  }
0x9c: {  	s7 =	simm.s32 $0x0;
	s20 =	sshll.u32 s5, $0x1;
	s5 =	sadd.s32 s21, s3  }
0x9d: {  	[timem:s7], [sflag:s22] =	dma.local [hbm:s5], s20  }
0x9e: {  	_ =	swait.ge [sflag:s22], s20  }
0x9f: {  	s4 =	ssub.s32 $0x0, s20;
	[sflag:s22] =	ssyncset.done $0x0  }
0xa0: {  	[sflag:s22] =	ssyncadd.s32 s4;
	_ =	sdelay $0x1  }
0xa1: {  	s23 =	simm.s32 $0x1B8B  }
0xa2: {  	_ =	swait.ge [sflag:s23], $0x1  }
0xa3: {  	[sflag:s23] =	ssyncset.done $0x0  }
0xa4: {  	s25 =	simm.s32 $0x1B8E;
	s24 =	sld [smem:$0x3FFE];
	[sflag:s23] =	ssyncadd.s32 $0xFFFFFFFF  }
0xa5: {  	s26 =	simm.s32 $execute0_lowered;
	[smem:$0x3FD2] =	sst s25  }
0xa6: {  	s5 =	sshll.u32 s26, $0x1;
	_ =	strace $0x8000004F;
	[dreg:$0x1] =	wrdreg $0xFFFFFFFF  }
0xa7: {  	s28 =	simm.s32 $_size_execute0_lowered;
	s3 =	sadd.s32 s3, s5;
	[dreg:$0x0] =	wrdreg $0x0  }
0xa8: {  	s5 =	sshll.u32 s28, $0x1;
	[dreg:$0x2] =	wrdreg s3  }
0xa9: {  	[dreg:$0x3] =	wrdreg s5  }
0xaa: {  	[dreg:$0x4] =	wrdreg $0xC0  }
0xab: {  	_ =	task [dreg:s7], $0x5FFFF  }
0xac: {  	[dreg:$0x1] =	wrdreg $0xFFFFFFFF  }
0xad: {  	[dreg:$0x0] =	wrdreg $0x60  }
0xae: {  	[dreg:$0x2] =	wrdreg s2  }
0xaf: {  	[dreg:$0x3] =	wrdreg s24  }
0xb0: {  	[dreg:$0x4] =	wrdreg $0x6EB80  }
0xb1: {  	[dreg:$0x5] =	wrdreg $0x9  }
0xb2: {  	_ =	task.clear_ibuf [dreg:s7], $0x6FFFF;
	_ =	strace $0x9000004F  }
0xb3: {  	s29 =	simm.s32 $0x9;
	_ =	strace $0x80000051  }
0xb4: {  	_ =	swait.ge [sflag:s29], $0x1  }
0xb5: {  	[sflag:s29] =	ssyncadd.s32 $0xFFFFFFFF  }
0xb6: {  	_ =	strace $0x90000051  }
0xb7: {  	_ =	sfence  }
0xb8: {  	s30 =	sld [smem:$0x0];
	_ =	sdelay $0x2  }
0xb9: {  	s31 =	sshll.u32 s1, $0xD;
	s1 =	sshrl.u32 s1, $0x2  }
0xba: {  	s3 =	sand.u32 $0x4000, s31;
	s1 =	sadd.s32 s1, s30  }
0xbb: {  	s0 =	sor.u32 s3, s0;
	s1 =	sshll.u32 s1, $0x11  }
0xbc: {  	s0 =	sor.u32 s1, s0  }
0xbd: {  	s0 =	sadd.s32 $0x8F2B, s0  }
0xbe: {  	[sflag:s0] =	ssyncadd.remote.s32 $0x1  }
0xbf: {  	_ =	sfence.sel $0xFFFF  }
0xc0: {  	[dreg:$0x0] =	wrdreg $0xFFFFFFFF;
	(pc) =	sbr.abs _section_cstart, $3  }
0xc1: {  	[dreg:$0x1] =	wrdreg $0xFFFFFFFF  }
0xc2: {  	_ =	task.clear_ibuf [dreg:s7], $0x2FFFF;
	_ =	strace $0x9FFFFFFF  }
0xc3: {  	(tm) =	ssettm $0x7FFFFFFF  }
tec
execute0_lowered:
.L_overlay_start_1:
0x0: {  	(tag) =	ssettag $0x1  }
0x1: {  	s1 =	rddreg [dreg:$0x0]  }
0x2: {  	s0 =	rddreg [dreg:$0x1]  }
0x3: {  	s2 =	rddreg [dreg:$0x2];
	s3 =	srdreg.scid  }
0x4: {  	s4 =	simm.s32 $0x0;
	s16 =	stileid.u32;
	s29 =	simm.s32 $0x1  }
0x5: {  	s30 =	simm.s32 $0x64;
	s3 =	sand.u32 $0x1, s3;
	s9 =	smul.u32 $0x18800, s16  }
0x6: {  	s31 =	simm.s32 $0x9;
	s24 =	smul.u32 $0x62000, s16;
	s5 =	sshll.u32 s3, $0x4  }
0x7: {  	[smem:$0x7FF] =	sst s4;
	s8 =	smul.u32 $0x188000, s3;
	s10 =	sor.u32 s16, s5  }
0x8: {  	s6 =	sadd.s32 $0x92A200, s0;
	s7 =	sadd.s32 $0x95D000, s0;
	s5 =	smul.u32 $0x1F4, s10  }
0x9: {  	_ =	strace $0x80000050;
	s3 =	ssub.s32 $0x2, s3;
	s11 =	smul.u32 $0x1964, s10  }
0xa: {  	s14 =	sshrl.u32 s3, $0x1;
	s26 =	sadd.s32 s9, s2;
	s15 =	smul.u32 $0xCB20, s10  }
0xb: {  	s8 =	sadd.s32 s9, s8;
	s3 =	ssub.s32 s3, s14;
	s10 =	smul.u32 $0x493E0, s10  }
0xc: {  	s28 =	sshrl.u32 s26, $0x3;
	s26 =	simm.s32 $0x2;
	s8 =	sshrl.u32 s8, $0x3  }
0xd: {  	s3 =	smax.u32 s3, $0x1;
	[dreg:$0xe] =	wrdreg s28;
	s12 =	sor.u32 $0x1, s5  }
0xe: {  	s8 =	sadd.s32 s8, s0;
	s20 =	sadd.s32 s6, s11;
	[dreg:$0xd] =	wrdreg s3  }
0xf: {  	s11 =	sadd.s32 s7, s11;
	s22 =	sshrl.u32 s15, $0x3;
	[dreg:$0x4] =	wrdreg s20  }
0x10: {  	s3 =	simm.s32 $0xA;
	s13 =	smul.u32 $0xD, s12;
	[dreg:$0x5] =	wrdreg s11  }
0x11: {  	s11 =	sadd.s32 $0x1A, s22;
	s12 =	smul.u32 $0x258, s12;
	s8 =	sadd.s32 $0x98FE00, s8  }
0x12: {  	s20 =	simm.s32 $0x3CB8;
	s23 =	sadd.s32 s6, s11;
	[dreg:$0xc] =	wrdreg s8  }
0x13: {  	s22 =	simm.s32 $0x30;
	s11 =	sadd.s32 s7, s11;
	[dreg:$0x8] =	wrdreg s23  }
0x14: {  	s21 =	sadd.s32 s6, s13;
	s13 =	sadd.s32 s7, s13;
	[dreg:$0x9] =	wrdreg s11  }
0x15: {  	s8 =	simm.s32 $0x0;
	[dreg:$0x7] =	wrdreg s13;
	s13 =	sadd.s32 $0x2604, s0  }
0x16: {  	[dreg:$0x6] =	wrdreg s21;
	s0 =	sshrl.u32 s24, $0x2;
	s10 =	sadd.s32 s10, s13  }
0x17: {  	s21 =	simm.s32 $0xB;
	s25 =	sadd.s32 s12, s13;
	[dreg:$0xa] =	wrdreg s10  }
0x18: {  	v0 =	vimm.f32 $0.0e+00;
	s19 =	sadd.s32 s0, s2;
	s0 =	simm.s32 $0x10;
	[dreg:$0xb] =	wrdreg s25  }
.LBB2_1:
0x19: {  	s9 =	simm.s32 $0x0  }
.LBB2_2:
0x1a: {  	p0 =	sne.s32 s9, $0x3180  }
.Ltmp0:
0x1b: {  	_ = 	snop;
	(pc) =	sbr.rel @p0 .LBB2_2-.Ltmp0, $4  }
0x1c: {  	_ = 	snop  }
0x1d: {  	s10 =	sshra.s32 s9, $0x2  }
0x1e: {  	[tilespmem:s10+$0x3CB8] =	vst v0  }
0x1f: {  	s9 =	sadd.s32 $0x80, s9;
	[tilespmem:s10+$0x3CC8] =	vst v0  }
0x20: {  	s9 =	sadd.s32 $0x0, s19  }
0x21: {  	[spmem:s9] =	stream.linear.scatter [tilespmem:s20], [sflag:$0xB], $0x700, $0x38;
	[tilespmem:$0x1F6B8] =	vst v63  }
0x22: {  	s9 =	simm.s32 $0x1C00;
	_ =	swait.ge [sflag:s21], $0x700  }
.LBB2_4:
0x23: {  	s10 =	sshra.s32 s9, $0x2;
	[sflag:s21] =	ssyncset.done $0x0;
	p0 =	sne.s32 s9, $0x60400  }
.Ltmp1:
0x24: {  	s10 =	sadd.s32 s10, s19;
	[sflag:s21] =	ssyncadd.s32 $0xFFFFF900;
	(pc) =	sbr.rel @p0 .LBB2_4-.Ltmp1, $3  }
0x25: {  	[spmem:s10] =	stream.linear.scatter [tilespmem:s20], [sflag:$0xB], $0x700, $0x38;
	[tilespmem:$0x1F6B8] =	vst v63  }
0x26: {  	s9 =	sadd.s32 $0x1C00, s9;
	_ =	sdelay $0x1  }
0x27: {  	_ =	swait.ge [sflag:s21], $0x700  }
0x28: {  	[sflag:s21] =	ssyncset.done $0x0  }
0x29: {  	[sflag:s21] =	ssyncadd.s32 $0xFFFFF900  }
0x2a: {  	[bflag:$0x0] =	sbarrier.arrive $0xFFFF  }
0x2b: {  	s9 =	simm.s32 $0x0;
	s10 =	rddreg [dreg:$0x4]  }
0x2c: {  	[tilespmem:s9], [sflag:$0x1] =	stream.linear.gather [hbm4b:s10+s9], $0x68, $0x38;
	[tilespmem:$0x1F6B8] =	vst v63  }
0x2d: {  	s11 =	simm.s32 $0x138;
	s17 =	rddreg [dreg:$0x5]  }
0x2e: {  	[tilespmem:s11], [sflag:$0x1] =	stream.linear.gather [hbm4b:s17+s9], $0x68, $0x38;
	[tilespmem:$0x1F6B8] =	vst v63  }
0x2f: {  	s18 =	rddreg [dreg:$0x6];
	s11 =	simm.s32 $0x68  }
0x30: {  	[tilespmem:s11], [sflag:$0x2] =	stream.linear.gather [hbm4b:s18+s9], $0x68, $0x38;
	[tilespmem:$0x1F6B8] =	vst v63  }
0x31: {  	s12 =	simm.s32 $0x1A0;
	s23 =	rddreg [dreg:$0x7]  }
0x32: {  	[tilespmem:s12], [sflag:$0x2] =	stream.linear.gather [hbm4b:s23+s9], $0x68, $0x38;
	[tilespmem:$0x1F6B8] =	vst v63  }
0x33: {  	s25 =	simm.s32 $0xD0;
	s24 =	rddreg [dreg:$0x8]  }
0x34: {  	[tilespmem:s25], [sflag:$0x3] =	stream.linear.gather [hbm4b:s24+s9], $0x68, $0x38;
	[tilespmem:$0x1F6B8] =	vst v63  }
0x35: {  	s15 =	simm.s32 $0x208;
	s14 =	rddreg [dreg:$0x9]  }
0x36: {  	[tilespmem:s15], [sflag:$0x3] =	stream.linear.gather [hbm4b:s14+s9], $0x68, $0x38;
	[tilespmem:$0x1F6B8] =	vst v63  }
0x37: {  	_ =	swait.ge [sflag:s29], $0x68  }
0x38: {  	[sflag:s29] =	ssyncset.done $0x0  }
0x39: {  	[sflag:s29] =	ssyncadd.s32 $0xFFFFFF98  }
0x3a: {  	_ =	swait.ge [sflag:s29], $0x68  }
0x3b: {  	[sflag:s29] =	ssyncset.done $0x0  }
0x3c: {  	s16 =	simm.s32 $0x478;
	[sflag:s29] =	ssyncadd.s32 $0xFFFFFF98  }
0x3d: {  	[tilespmem:s16], [sflag:$0x4] =	stream.indirect.gather [hbm4b:s1+s30], $0x20, s9, s30, $0xb8;
	[tilespmem:$0x1F6B8] =	vst v63  }
0x3e: {  	s18 =	simm.s32 $0x29F8;
	s17 =	rddreg [dreg:$0xa]  }
0x3f: {  	[tilespmem:s18], [sflag:$0x4] =	stream.strided.gather [hbm4b:s17+s0], $0x640, s22, s0, $0x38;
	[tilespmem:$0x1F6B8] =	vst v63  }
0x40: {  	_ =	swait.ge [sflag:s26], $0x68  }
0x41: {  	[sflag:s26] =	ssyncset.done $0x0  }
0x42: {  	[sflag:s26] =	ssyncadd.s32 $0xFFFFFF98  }
0x43: {  	_ =	swait.ge [sflag:s26], $0x68  }
0x44: {  	s28 =	simm.s32 $0x2A88;
	[sflag:s26] =	ssyncset.done $0x0  }
0x45: {  	s23 =	simm.s32 $0x10F8;
	s12 =	simm.s32 $0x0;
	[sflag:s26] =	ssyncadd.s32 $0xFFFFFF98  }
0x46: {  	[tilespmem:s23], [sflag:$0x5] =	stream.indirect.gather [hbm4b:s1+s30], $0x20, s11, s30, $0xb8;
	[tilespmem:$0x1F6B8] =	vst v63  }
0x47: {  	s25 =	simm.s32 $0x3038;
	s24 =	rddreg [dreg:$0xb];
	s11 =	simm.s32 $0x518  }
0x48: {  	[tilespmem:s25], [sflag:$0x5] =	stream.strided.gather [hbm4b:s24+s0], $0x640, s22, s0, $0x38;
	[tilespmem:$0x1F6B8] =	vst v63  }
.LBB2_6:
0x49: {  	p0 =	slt.u32 s12, $0x4  }
0x4a: {  	p1 =	sgt.u32 @!p0 s12, $0x1F0  }
0x4b: {  	p1 =	por p0, !p1  }
.Ltmp2:
0x4c: {  	s14 =	sand.u32 $0x3, s12;
	(pc) =	sbr.rel @!p1 .LBB2_8-.Ltmp2, $4  }
0x4d: {  	s10 =	sadd.s32 @!p0 $0x7, s14  }
0x4e: {  	_ =	swait.ge @!p0 [sflag:s10], $0xC80  }
0x4f: {  	[sflag:s10] =	ssyncset.done @!p0 $0x0  }
0x50: {  	[sflag:s10] =	ssyncadd.s32 @!p0 $0xFFFFF380  }
0x51: {  	s10 =	sadd.s32 $0x3, s12  }
0x52: {  	s15 =	smul.u32 $0xAAAB, s10;
	_ =	sdelay $0x1  }
0x53: {  	s15 =	sshrl.u32 s15, $0x11  }
0x54: {  	s15 =	smul.u32 $0x3, s15  }
0x55: {  	s16 =	sadd.s32 s5, s10  }
0x56: {  	s16 =	smul.u32 $0xD, s16;
	s15 =	ssub.s32 s10, s15;
	s10 =	sand.u32 $0x7, s10  }
0x57: {  	s15 =	sand.u32 $0xFFFF, s15;
	s10 =	smul.u32 $0x1A0, s10  }
0x58: {  	s17 =	smul.u32 $0x1A0, s15  }
.Ltmp3:
0x59: {  	s18 =	sadd.s32 s6, s16;
	(pc) =	sbr.rel .LBB2_9-.Ltmp3, $4  }
0x5a: {  	s15 =	sadd.s32 $0x1, s15;
	s10 =	sshrl.u32 s10, $0x2;
	s17 =	sshrl.u32 s17, $0x2  }
0x5b: {  	[tilespmem:s17], [sflag:s15] =	stream.linear.gather [hbm4b:s18+s4], $0x68, $0x38;
	[tilespmem:$0x1F6B8] =	vst v63  }
0x5c: {  	s16 =	sadd.s32 s7, s16;
	s10 =	sadd.s32 $0x138, s10  }
0x5d: {  	[tilespmem:s10], [sflag:s15] =	stream.linear.gather [hbm4b:s16+s4], $0x68, $0x38;
	[tilespmem:$0x1F6B8] =	vst v63  }
.LBB2_8:
0x5e: {  	p0 =	sne.s32 s12, $0x1F1  }
.Ltmp4:
0x5f: {  	_ = 	snop;
	(pc) =	sbr.rel @p0 .LBB2_10-.Ltmp4, $1  }
0x60: {  	_ =	sdelay $0x3  }
.LBB2_9:
0x61: {  	s10 =	sadd.s32 $0x2, s12  }
0x62: {  	s15 =	smul.u32 $0xAAAB, s10;
	_ =	sdelay $0x1  }
0x63: {  	s15 =	sshrl.u32 s15, $0x11  }
0x64: {  	s15 =	smul.u32 $0x3, s15;
	_ =	sdelay $0x1  }
0x65: {  	s15 =	ssub.s32 s10, s15  }
0x66: {  	s15 =	sand.u32 $0xFFFF, s15  }
0x67: {  	s10 =	sadd.s32 s5, s10;
	s16 =	sadd.s32 $0x1, s15  }
0x68: {  	s10 =	smul.u32 $0x258, s10;
	_ =	swait.ge [sflag:s16], $0x68  }
0x69: {  	s17 =	smul.u32 $0x1A0, s15;
	[sflag:s16] =	ssyncset.done $0x0  }
0x6a: {  	s18 =	smul.u32 $0x3200, s15;
	[sflag:s16] =	ssyncadd.s32 $0xFFFFFF98  }
0x6b: {  	s25 =	sor.u32 $0x4, s15;
	s15 =	smul.u32 $0x1900, s15;
	_ =	swait.ge [sflag:s16], $0x68  }
0x6c: {  	s17 =	sshrl.u32 s17, $0x2;
	s18 =	sshrl.u32 s18, $0x2;
	[sflag:s16] =	ssyncset.done $0x0  }
0x6d: {  	s15 =	sshrl.u32 s15, $0x2;
	s24 =	sadd.s32 $0x478, s18;
	[sflag:s16] =	ssyncadd.s32 $0xFFFFFF98  }
0x6e: {  	[tilespmem:s24], [sflag:s25] =	stream.indirect.gather [hbm4b:s1+s30], $0x20, s17, s30, $0xb8;
	[tilespmem:$0x1F6B8] =	vst v63  }
0x6f: {  	s10 =	sadd.s32 s10, s13;
	s15 =	sadd.s32 $0x29F8, s15  }
0x70: {  	[tilespmem:s15], [sflag:s25] =	stream.strided.gather [hbm4b:s10+s0], $0x640, s22, s0, $0x38;
	[tilespmem:$0x1F6B8] =	vst v63  }
.LBB2_10:
0x71: {  	s10 =	smul.u32 $0xAAAB, s12;
	_ =	sdelay $0x1  }
0x72: {  	s15 =	smulhi.u32 $0xAAAAAAAB, s12;
	s10 =	sshrl.u32 s10, $0x11  }
0x73: {  	s10 =	smul.u32 $0x3, s10;
	_ =	sdelay $0x1  }
0x74: {  	s15 =	sshrl.u32 s15, $0x1;
	s10 =	ssub.s32 s12, s10  }
0x75: {  	s16 =	smul.u32 $0xFFFFB500, s15;
	s10 =	sand.u32 $0xFFFF, s10  }
0x76: {  	s10 =	sadd.s32 $0x4, s10  }
0x77: {  	s16 =	sshra.s32 s16, $0x2;
	_ =	swait.ge [sflag:s10], $0xC80  }
0x78: {  	v1 =	vmov s16;
	[sflag:s10] =	ssyncset.done $0x0  }
0x79: {  	[sflag:s10] =	ssyncadd.s32 $0xFFFFF380  }
0x7a: {  	s15 =	smul.u32 $0xFFFF6A00, s15;
	_ =	swait.ge [sflag:s10], $0x640  }
0x7b: {  	[sflag:s10] =	ssyncset.done $0x0  }
0x7c: {  	s15 =	sshra.s32 s15, $0x2;
	[sflag:s10] =	ssyncadd.s32 $0xFFFFF9C0  }
0x7d: {  	s23 =	sadd.s32 s15, s11;
	v2 =	vld.idx.msk [tilespmem:v1+s28+$0xFFFFFF70 ss:$0x1], $0xffff  }
0x7e: {  	v3 =	vld [tilespmem:s23+$0xFFFFFF60]  }
0x7f: {  	v4 =	vld [tilespmem:s23+$0xFFFFFF70];
	_ =	sdelay $0x1  }
0x80: {  	s24 =	sand.u32 $0x3, s9  }
0x81: {  	s10 =	smul.u32 $0x3200, s24;
	v5 =	vshll.u32 v2, $0x10  }
0x82: {  	v2 =	vand.u32 $0xFFFF0000, v2;
	v3 =	vadd.f32 v5, v3  }
0x83: {  	s10 =	sshrl.u32 s10, $0x2;
	v2 =	vadd.f32 v2, v4  }
0x84: {  	s15 =	sadd.s32 $0x3D58, s10;
	v3 =	vmax.f32 v3, $0.0e+00  }
0x85: {  	v2 =	vmax.f32 v2, $0.0e+00;
	[tilespmem:s15+$0xFFFFFF60] =	vst v3  }
0x86: {  	[tilespmem:s15+$0xFFFFFF70] =	vst v2  }
0x87: {  	v2 =	vld.idx.msk [tilespmem:v1+s28+$0xFFFFFF80 ss:$0x1], $0xffff  }
0x88: {  	v3 =	vld [tilespmem:s23+$0xFFFFFF80]  }
0x89: {  	v48 =	vld [tilespmem:s23+$0xFFFFFF90];
	_ =	sdelay $0x2  }
0x8a: {  	v49 =	vshll.u32 v2, $0x10  }
0x8b: {  	v2 =	vand.u32 $0xFFFF0000, v2;
	v3 =	vadd.f32 v49, v3  }
0x8c: {  	v2 =	vadd.f32 v2, v48  }
0x8d: {  	v3 =	vmax.f32 v3, $0.0e+00  }
0x8e: {  	v2 =	vmax.f32 v2, $0.0e+00;
	[tilespmem:s15+$0xFFFFFF80] =	vst v3  }
0x8f: {  	[tilespmem:s15+$0xFFFFFF90] =	vst v2  }
0x90: {  	v2 =	vld.idx.msk [tilespmem:v1+s28+$0xFFFFFF90 ss:$0x1], $0xffff  }
0x91: {  	v3 =	vld [tilespmem:s23+$0xFFFFFFA0]  }
0x92: {  	v50 =	vld [tilespmem:s23+$0xFFFFFFB0];
	_ =	sdelay $0x2  }
0x93: {  	v51 =	vshll.u32 v2, $0x10  }
0x94: {  	v2 =	vand.u32 $0xFFFF0000, v2;
	v3 =	vadd.f32 v51, v3  }
0x95: {  	v2 =	vadd.f32 v2, v50  }
0x96: {  	v3 =	vmax.f32 v3, $0.0e+00  }
0x97: {  	v2 =	vmax.f32 v2, $0.0e+00;
	[tilespmem:s15+$0xFFFFFFA0] =	vst v3  }
0x98: {  	[tilespmem:s15+$0xFFFFFFB0] =	vst v2  }
0x99: {  	v2 =	vld.idx.msk [tilespmem:v1+s28+$0xFFFFFFA0 ss:$0x1], $0xffff  }
0x9a: {  	v3 =	vld [tilespmem:s23+$0xFFFFFFC0]  }
0x9b: {  	v52 =	vld [tilespmem:s23+$0xFFFFFFD0];
	_ =	sdelay $0x2  }
0x9c: {  	v53 =	vshll.u32 v2, $0x10  }
0x9d: {  	v2 =	vand.u32 $0xFFFF0000, v2;
	v3 =	vadd.f32 v53, v3  }
0x9e: {  	v2 =	vadd.f32 v2, v52  }
0x9f: {  	v3 =	vmax.f32 v3, $0.0e+00  }
0xa0: {  	v2 =	vmax.f32 v2, $0.0e+00;
	[tilespmem:s15+$0xFFFFFFC0] =	vst v3  }
0xa1: {  	[tilespmem:s15+$0xFFFFFFD0] =	vst v2  }
0xa2: {  	v2 =	vld.idx.msk [tilespmem:v1+s28+$0xFFFFFFB0 ss:$0x1], $0xffff  }
0xa3: {  	v3 =	vld [tilespmem:s23+$0xFFFFFFE0]  }
0xa4: {  	v54 =	vld [tilespmem:s23+$0xFFFFFFF0];
	_ =	sdelay $0x2  }
0xa5: {  	v55 =	vshll.u32 v2, $0x10  }
0xa6: {  	v2 =	vand.u32 $0xFFFF0000, v2;
	v3 =	vadd.f32 v55, v3  }
0xa7: {  	v2 =	vadd.f32 v2, v54  }
0xa8: {  	v3 =	vmax.f32 v3, $0.0e+00  }
0xa9: {  	v2 =	vmax.f32 v2, $0.0e+00;
	[tilespmem:s15+$0xFFFFFFE0] =	vst v3  }
0xaa: {  	[tilespmem:s15+$0xFFFFFFF0] =	vst v2  }
0xab: {  	v2 =	vld.idx.msk [tilespmem:v1+s28+$0xFFFFFFC0 ss:$0x1], $0xffff  }
0xac: {  	v3 =	vld [tilespmem:s23+$0x0]  }
0xad: {  	v56 =	vld [tilespmem:s23+$0x10];
	_ =	sdelay $0x2  }
0xae: {  	v57 =	vshll.u32 v2, $0x10  }
0xaf: {  	v2 =	vand.u32 $0xFFFF0000, v2;
	v3 =	vadd.f32 v57, v3  }
0xb0: {  	v2 =	vadd.f32 v2, v56  }
0xb1: {  	v3 =	vmax.f32 v3, $0.0e+00  }
0xb2: {  	v2 =	vmax.f32 v2, $0.0e+00;
	[tilespmem:s15+$0x0] =	vst v3  }
0xb3: {  	[tilespmem:s15+$0x10] =	vst v2  }
0xb4: {  	v2 =	vld.idx.msk [tilespmem:v1+s28+$0xFFFFFFD0 ss:$0x1], $0xffff  }
0xb5: {  	v3 =	vld [tilespmem:s23+$0x20]  }
0xb6: {  	v58 =	vld [tilespmem:s23+$0x30];
	_ =	sdelay $0x2  }
0xb7: {  	v59 =	vshll.u32 v2, $0x10  }
0xb8: {  	v2 =	vand.u32 $0xFFFF0000, v2;
	v3 =	vadd.f32 v59, v3  }
0xb9: {  	v2 =	vadd.f32 v2, v58  }
0xba: {  	v3 =	vmax.f32 v3, $0.0e+00  }
0xbb: {  	v2 =	vmax.f32 v2, $0.0e+00;
	[tilespmem:s15+$0x20] =	vst v3  }
0xbc: {  	[tilespmem:s15+$0x30] =	vst v2  }
0xbd: {  	v2 =	vld.idx.msk [tilespmem:v1+s28+$0xFFFFFFE0 ss:$0x1], $0xffff  }
0xbe: {  	v3 =	vld [tilespmem:s23+$0x40]  }
0xbf: {  	v60 =	vld [tilespmem:s23+$0x50];
	_ =	sdelay $0x2  }
0xc0: {  	v61 =	vshll.u32 v2, $0x10  }
0xc1: {  	v2 =	vand.u32 $0xFFFF0000, v2;
	v3 =	vadd.f32 v61, v3  }
0xc2: {  	v2 =	vadd.f32 v2, v60  }
0xc3: {  	v3 =	vmax.f32 v3, $0.0e+00  }
0xc4: {  	v2 =	vmax.f32 v2, $0.0e+00;
	[tilespmem:s15+$0x40] =	vst v3  }
0xc5: {  	[tilespmem:s15+$0x50] =	vst v2  }
0xc6: {  	v2 =	vld.idx.msk [tilespmem:v1+s28+$0xFFFFFFF0 ss:$0x1], $0xffff  }
0xc7: {  	v3 =	vld [tilespmem:s23+$0x60]  }
0xc8: {  	v62 =	vld [tilespmem:s23+$0x70];
	_ =	sdelay $0x2  }
0xc9: {  	v63 =	vshll.u32 v2, $0x10  }
0xca: {  	s25 =	smul.u32 $0x3200, s14;
	v2 =	vand.u32 $0xFFFF0000, v2;
	v3 =	vadd.f32 v63, v3  }
0xcb: {  	s17 =	simm.s32 $0x0;
	v2 =	vadd.f32 v2, v62  }
0xcc: {  	s18 =	smov.u32 s23;
	s24 =	smov.u32 s28;
	s10 =	sshrl.u32 s25, $0x2;
	v3 =	vmax.f32 v3, $0.0e+00  }
0xcd: {  	s16 =	sadd.s32 $0x3CB8, s10;
	s25 =	sadd.s32 $0x140, s15;
	s10 =	smov.u32 s28;
	v2 =	vmax.f32 v2, $0.0e+00;
	[tilespmem:s15+$0x60] =	vst v3  }
.LBB2_11:
0xce: {  	s17 =	sadd.s32 $0xA, s17;
	[tilespmem:s15+$0x70] =	vst v2;
	s24 =	sadd.s32 $0xA0, s24;
	s23 =	sadd.s32 $0x140, s23  }
0xcf: {  	p0 =	slt.u32 s17, $0x5A;
	v2 =	vld.idx.msk [tilespmem:v1+s10+$0x0 ss:$0x1], $0xffff;
	s10 =	smov.u32 s24  }
0xd0: {  	v3 =	vld [tilespmem:s18+$0x80]  }
0xd1: {  	v4 =	vld [tilespmem:s18+$0x90];
	s18 =	smov.u32 s23;
	_ =	sdelay $0x3  }
0xd2: {  	v5 =	vshll.u32 v2, $0x10;
	v2 =	vand.u32 $0xFFFF0000, v2  }
0xd3: {  	v3 =	vadd.f32 v5, v3;
	v2 =	vadd.f32 v2, v4;
	_ =	sdelay $0x1  }
0xd4: {  	v3 =	vmax.f32 v3, $0.0e+00;
	v2 =	vmax.f32 v2, $0.0e+00  }
0xd5: {  	[tilespmem:s15+$0x80] =	vst v3  }
0xd6: {  	[tilespmem:s15+$0x90] =	vst v2;
	s15 =	smov.u32 s25  }
0xd7: {  	v2 =	vld.idx.msk [tilespmem:v1+s24+$0xFFFFFF70 ss:$0x1], $0xffff  }
0xd8: {  	v3 =	vld [tilespmem:s23+$0xFFFFFF60]  }
0xd9: {  	v4 =	vld [tilespmem:s23+$0xFFFFFF70];
	_ =	sdelay $0x3  }
0xda: {  	v5 =	vshll.u32 v2, $0x10;
	v2 =	vand.u32 $0xFFFF0000, v2  }
0xdb: {  	v3 =	vadd.f32 v5, v3;
	v2 =	vadd.f32 v2, v4;
	_ =	sdelay $0x1  }
0xdc: {  	v3 =	vmax.f32 v3, $0.0e+00;
	v2 =	vmax.f32 v2, $0.0e+00  }
0xdd: {  	[tilespmem:s25+$0xFFFFFF60] =	vst v3  }
0xde: {  	[tilespmem:s25+$0xFFFFFF70] =	vst v2  }
0xdf: {  	v2 =	vld.idx.msk [tilespmem:v1+s24+$0xFFFFFF80 ss:$0x1], $0xffff  }
0xe0: {  	v3 =	vld [tilespmem:s23+$0xFFFFFF90]  }
0xe1: {  	v4 =	vld [tilespmem:s23+$0xFFFFFF80];
	_ =	sdelay $0x3  }
0xe2: {  	v5 =	vshll.u32 v2, $0x10;
	v2 =	vand.u32 $0xFFFF0000, v2  }
0xe3: {  	v2 =	vadd.f32 v2, v3;
	v4 =	vadd.f32 v5, v4;
	_ =	sdelay $0x1  }
0xe4: {  	v2 =	vmax.f32 v2, $0.0e+00;
	v3 =	vmax.f32 v4, $0.0e+00  }
0xe5: {  	[tilespmem:s25+$0xFFFFFF80] =	vst v3  }
0xe6: {  	[tilespmem:s25+$0xFFFFFF90] =	vst v2  }
0xe7: {  	v2 =	vld.idx.msk [tilespmem:v1+s24+$0xFFFFFF90 ss:$0x1], $0xffff  }
0xe8: {  	v3 =	vld [tilespmem:s23+$0xFFFFFFB0]  }
0xe9: {  	v4 =	vld [tilespmem:s23+$0xFFFFFFA0];
	_ =	sdelay $0x3  }
0xea: {  	v5 =	vshll.u32 v2, $0x10;
	v2 =	vand.u32 $0xFFFF0000, v2  }
0xeb: {  	v2 =	vadd.f32 v2, v3;
	v4 =	vadd.f32 v5, v4;
	_ =	sdelay $0x1  }
0xec: {  	v2 =	vmax.f32 v2, $0.0e+00;
	v3 =	vmax.f32 v4, $0.0e+00  }
0xed: {  	[tilespmem:s25+$0xFFFFFFA0] =	vst v3  }
0xee: {  	[tilespmem:s25+$0xFFFFFFB0] =	vst v2  }
0xef: {  	v2 =	vld.idx.msk [tilespmem:v1+s24+$0xFFFFFFA0 ss:$0x1], $0xffff  }
0xf0: {  	v3 =	vld [tilespmem:s23+$0xFFFFFFC0]  }
0xf1: {  	v4 =	vld [tilespmem:s23+$0xFFFFFFD0];
	_ =	sdelay $0x3  }
0xf2: {  	v5 =	vshll.u32 v2, $0x10;
	v2 =	vand.u32 $0xFFFF0000, v2  }
0xf3: {  	v3 =	vadd.f32 v5, v3;
	v2 =	vadd.f32 v2, v4;
	_ =	sdelay $0x1  }
0xf4: {  	v3 =	vmax.f32 v3, $0.0e+00;
	v2 =	vmax.f32 v2, $0.0e+00  }
0xf5: {  	[tilespmem:s25+$0xFFFFFFC0] =	vst v3  }
0xf6: {  	[tilespmem:s25+$0xFFFFFFD0] =	vst v2  }
0xf7: {  	v2 =	vld.idx.msk [tilespmem:v1+s24+$0xFFFFFFB0 ss:$0x1], $0xffff  }
0xf8: {  	v3 =	vld [tilespmem:s23+$0xFFFFFFF0]  }
0xf9: {  	v4 =	vld [tilespmem:s23+$0xFFFFFFE0];
	_ =	sdelay $0x3  }
0xfa: {  	v5 =	vshll.u32 v2, $0x10;
	v2 =	vand.u32 $0xFFFF0000, v2  }
0xfb: {  	v2 =	vadd.f32 v2, v3;
	v4 =	vadd.f32 v5, v4;
	_ =	sdelay $0x1  }
0xfc: {  	v2 =	vmax.f32 v2, $0.0e+00;
	v3 =	vmax.f32 v4, $0.0e+00  }
0xfd: {  	[tilespmem:s25+$0xFFFFFFE0] =	vst v3  }
0xfe: {  	[tilespmem:s25+$0xFFFFFFF0] =	vst v2  }
0xff: {  	v2 =	vld.idx.msk [tilespmem:v1+s24+$0xFFFFFFC0 ss:$0x1], $0xffff  }
0x100: {  	v3 =	vld [tilespmem:s23+$0x10]  }
0x101: {  	v4 =	vld [tilespmem:s23+$0x0];
	_ =	sdelay $0x3  }
0x102: {  	v5 =	vshll.u32 v2, $0x10;
	v2 =	vand.u32 $0xFFFF0000, v2  }
0x103: {  	v2 =	vadd.f32 v2, v3;
	v4 =	vadd.f32 v5, v4;
	_ =	sdelay $0x1  }
0x104: {  	v2 =	vmax.f32 v2, $0.0e+00;
	v3 =	vmax.f32 v4, $0.0e+00  }
0x105: {  	[tilespmem:s25+$0x0] =	vst v3  }
0x106: {  	[tilespmem:s25+$0x10] =	vst v2  }
0x107: {  	v2 =	vld.idx.msk [tilespmem:v1+s24+$0xFFFFFFD0 ss:$0x1], $0xffff  }
0x108: {  	v3 =	vld [tilespmem:s23+$0x20]  }
0x109: {  	v4 =	vld [tilespmem:s23+$0x30];
	_ =	sdelay $0x3  }
0x10a: {  	v5 =	vshll.u32 v2, $0x10;
	v2 =	vand.u32 $0xFFFF0000, v2  }
0x10b: {  	v3 =	vadd.f32 v5, v3;
	v2 =	vadd.f32 v2, v4;
	_ =	sdelay $0x1  }
0x10c: {  	v3 =	vmax.f32 v3, $0.0e+00;
	v2 =	vmax.f32 v2, $0.0e+00  }
0x10d: {  	[tilespmem:s25+$0x20] =	vst v3  }
0x10e: {  	[tilespmem:s25+$0x30] =	vst v2  }
0x10f: {  	v2 =	vld.idx.msk [tilespmem:v1+s24+$0xFFFFFFE0 ss:$0x1], $0xffff  }
0x110: {  	v3 =	vld [tilespmem:s23+$0x50]  }
0x111: {  	v4 =	vld [tilespmem:s23+$0x40];
	_ =	sdelay $0x3  }
0x112: {  	v5 =	vshll.u32 v2, $0x10;
	v2 =	vand.u32 $0xFFFF0000, v2  }
0x113: {  	v2 =	vadd.f32 v2, v3;
	v4 =	vadd.f32 v5, v4;
	_ =	sdelay $0x1  }
0x114: {  	v2 =	vmax.f32 v2, $0.0e+00;
	v3 =	vmax.f32 v4, $0.0e+00  }
0x115: {  	[tilespmem:s25+$0x40] =	vst v3  }
0x116: {  	[tilespmem:s25+$0x50] =	vst v2  }
0x117: {  	v2 =	vld.idx.msk [tilespmem:v1+s24+$0xFFFFFFF0 ss:$0x1], $0xffff  }
0x118: {  	v3 =	vld [tilespmem:s23+$0x70]  }
0x119: {  	v4 =	vld [tilespmem:s23+$0x60];
	_ =	sdelay $0x3  }
.Ltmp5:
0x11a: {  	v5 =	vshll.u32 v2, $0x10;
	v2 =	vand.u32 $0xFFFF0000, v2;
	(pc) =	sbr.rel @p0 .LBB2_11-.Ltmp5, $3  }
0x11b: {  	v2 =	vadd.f32 v2, v3;
	v4 =	vadd.f32 v5, v4;
	_ =	sdelay $0x1  }
0x11c: {  	v2 =	vmax.f32 v2, $0.0e+00;
	v3 =	vmax.f32 v4, $0.0e+00  }
0x11d: {  	s25 =	sadd.s32 $0x140, s25;
	[tilespmem:s15+$0x60] =	vst v3  }
0x11e: {  	_ =	sdelay $0x2  }
0x11f: {  	[tilespmem:s15+$0x70] =	vst v2  }
0x120: {  	v1 =	vld.idx.msk [tilespmem:v1+s10+$0x0 ss:$0x1], $0xffff  }
0x121: {  	v2 =	vld [tilespmem:s18+$0x80]  }
0x122: {  	v3 =	vld [tilespmem:s18+$0x90];
	_ =	sdelay $0x2  }
0x123: {  	s25 =	sand.u32 $0x7, s12;
	s12 =	sadd.s32 $0x1, s12;
	v4 =	vshll.u32 v1, $0x10  }
0x124: {  	s10 =	smul.u32 $0x1A0, s25;
	p0 =	sne.s32 s12, $0x1F4;
	v1 =	vand.u32 $0xFFFF0000, v1;
	v2 =	vadd.f32 v4, v2  }
.Ltmp6:
0x125: {  	v1 =	vadd.f32 v1, v3;
	(pc) =	sbr.rel @p0 .LBB2_6-.Ltmp6, $4  }
0x126: {  	v2 =	vmax.f32 v2, $0.0e+00  }
0x127: {  	s14 =	sadd.s32 $0x7, s14;
	s28 =	sadd.s32 $0x640, s28;
	s10 =	sshrl.u32 s10, $0x2;
	v1 =	vmax.f32 v1, $0.0e+00;
	[tilespmem:s15+$0x80] =	vst v2  }
0x128: {  	s11 =	sadd.s32 $0xC80, s11;
	s9 =	sadd.s32 $0x1, s9;
	s10 =	sadd.s32 $0x138, s10;
	[tilespmem:s15+$0x90] =	vst v1  }
0x129: {  	[spmem:s2] =	stream.indirect.scatter.add.f32 [tilespmem:s16], [sflag:s14], $0x20, s10, s30, $0xb8;
	[tilespmem:$0x1F6B8] =	vst v63  }
0x12a: {  	s9 =	simm.s32 $0x7  }
0x12b: {  	_ =	swait.ge [sflag:s9], $0xC80  }
0x12c: {  	[sflag:s9] =	ssyncset.done $0x0  }
0x12d: {  	s24 =	simm.s32 $0x8;
	[sflag:s9] =	ssyncadd.s32 $0xFFFFF380  }
0x12e: {  	_ =	swait.ge [sflag:s24], $0xC80  }
0x12f: {  	[sflag:s24] =	ssyncset.done $0x0  }
0x130: {  	[sflag:s24] =	ssyncadd.s32 $0xFFFFF380  }
0x131: {  	_ =	swait.ge [sflag:s31], $0xC80  }
0x132: {  	[sflag:s31] =	ssyncset.done $0x0  }
0x133: {  	[sflag:s31] =	ssyncadd.s32 $0xFFFFF380  }
0x134: {  	_ =	swait.ge [sflag:s3], $0xC80  }
0x135: {  	[sflag:s3] =	ssyncset.done $0x0  }
0x136: {  	[sflag:s3] =	ssyncadd.s32 $0xFFFFF380  }
0x137: {  	s25 =	stileid.u32;
	[bflag:$0x0] =	sbarrier.arrive $0xFFFF  }
0x138: {  	s9 =	sshll.u32 s25, $0x6;
	s10 =	rddreg [dreg:$0xc]  }
0x139: {  	s9 =	sor.u32 $0x1C0B, s9;
	s11 =	rddreg [dreg:$0xe]  }
0x13a: {  	[hbm:s10], [sflag:s9] =	dma.local [spmem:s11], $0x3100  }
0x13b: {  	_ =	swait.ge [sflag:s21], $0x3100  }
0x13c: {  	s8 =	sadd.s32 $0x1, s8;
	s28 =	rddreg [dreg:$0xd]  }
0x13d: {  	p0 =	sne.s32 s8, s28  }
.Ltmp7:
0x13e: {  	_ = 	snop;
	(pc) =	sbr.rel @p0 .LBB2_1-.Ltmp7, $3  }
0x13f: {  	_ =	sdelay $0x1  }
0x140: {  	[sflag:s21] =	ssyncset.done $0x0  }
0x141: {  	[sflag:s21] =	ssyncadd.s32 $0xFFFFCF00  }
0x142: {  	_ =	sfence.sel $0x180000  }
0x143: {  	[bflag:$0x0] =	sbarrier.arrive $0xFFFF  }
0x144: {  	_ =	strace $0x90000050  }
0x145: {  	s0 =	stileid.u32;
	[bflag:$0x2] =	sbarrier.arrive $0xFFFF  }
0x146: {  	p0 =	sne.s32 s0, $0x0;
	s0 =	rddreg [dreg:$0x3]  }
0x147: {  	s0 =	sadd.s32 @!p0 $0x100000, s0  }
0x148: {  	[sflag:s0] =	ssyncadd.tile.s32 @!p0 $0x1;
	_ =	shalt  }
.Lfunc_end2:
_tile_overlayer_lowered:
.L_overlay_start_2:
0x149: {  	(tag) =	ssettag $0x2  }
0x14a: {  	s0 =	rddreg [dreg:$0x0];
	s2 =	stileid.u32  }
0x14b: {  	s1 =	rddreg [dreg:$0x1];
	p0 =	sne.s32 s2, $0x0  }
0x14c: {  	s3 =	rddreg [dreg:$0x2];
	[bflag:$0x3] =	sbarrier.arrive $0xFFFF;
	s2 =	simm.s32 @!p0 $0x1C0B  }
0x14d: {  	[timem:s3], [sflag:s2] =	dma.local @!p0 [hbm:s0], s1  }
0x14e: {  	s0 =	simm.s32 @!p0 $0xB  }
0x14f: {  	_ =	swait.ge @!p0 [sflag:s0], s1  }
0x150: {  	s1 =	ssub.s32 @!p0 $0x0, s1;
	[sflag:s0] =	ssyncset.done @!p0 $0x0  }
0x151: {  	[sflag:s0] =	ssyncadd.s32 @!p0 s1  }
0x152: {  	[bflag:$0x3] =	sbarrier.arrive $0xFFFF  }
0x153: {  	_ =	shalt  }

</sc_bundles>
